<compile_context>
chip_gen: v7x
topology: tpu7x:2x2x1
jax: 0.10.2.dev20260603
libtpu: 0.0.44.dev20260713+nightly
codegen_flags: <defaults>
</compile_context>

<pallas_src>
import functools
import jax
import jax.numpy as jnp
from jax import lax
from jax.experimental import pallas as pl
from jax.experimental.pallas import tpu as pltpu
from jax.experimental.pallas import tpu_sc as plsc

N = 10000
E = 320000
DF = 128
DE = 16
H = 128
TD = 16
B = 1024
NNEG = 5

NC = 2
NS = 16
NW = NC * NS
C = 128
NCH = 80
GRP = 8
NGRP = NCH // GRP
EPW = NCH * C
EPAD = NW * EPW
NP = 10240
RPT = NP // NS
ZR = 128

_mesh = plsc.VectorSubcoreMesh(
    core_axis_name="c", subcore_axis_name="s", num_cores=NC, num_subcores=NS)


def _fill_vmem(buf, rows, width, val):
  def body(r, carry):
    for q in range(width // 16):
      buf[r, pl.ds(q * 16, 16)] = jnp.full((16,), val, jnp.float32)
    return carry
  lax.fori_loop(0, rows, body, 0)


def _worker_id():
  return lax.axis_index("c") * NS + lax.axis_index("s")


def _zero_stripes(subcore, zsrc, acc):
  for t in range(RPT // ZR):
    pltpu.sync_copy(zsrc, acc.at[pl.ds(subcore * RPT + t * ZR, ZR)])


def _stage_flat(v2d, j, flat):
  for q in range(C // 16):
    flat[pl.ds(q * 16, 16)] = v2d[j, pl.ds(q * 16, 16)]


@functools.partial(
    pl.kernel,
    out_type=jax.ShapeDtypeStruct((NC, NP, DF), jnp.float32),
    mesh=_mesh,
    scratch_types=[
        pltpu.VMEM((GRP, C), jnp.int32),
        pltpu.VMEM((GRP, C), jnp.int32),
        pltpu.VMEM((C,), jnp.int32),
        pltpu.VMEM((C,), jnp.int32),
        pltpu.VMEM((C, DF), jnp.float32),
        pltpu.VMEM((C, DF), jnp.float32),
        pltpu.SemaphoreType.DMA,
        pltpu.SemaphoreType.DMA,
        pltpu.VMEM_SHARED((NP, DF), jnp.float32),
    ],
)
def _sc_sums_nf(nf_hbm, src_hbm, dst_hbm, onf_hbm,
                idxs_v, idxd_v, fa_v, fb_v, ra_v, rb_v, sa, sb, acc_nf):
  c = lax.axis_index("c")
  s = lax.axis_index("s")
  wid = c * NS + s
  _fill_vmem(ra_v, ZR, DF, 0.0)
  _zero_stripes(s, ra_v, acc_nf)
  plsc.subcore_barrier()

  def group(t, carry):
    pltpu.sync_copy(src_hbm.at[pl.ds(wid * NCH + t * GRP, GRP)], idxs_v)
    pltpu.sync_copy(dst_hbm.at[pl.ds(wid * NCH + t * GRP, GRP)], idxd_v)

    def pair(k, c2):
      j0 = 2 * k
      _stage_flat(idxd_v, j0, fa_v)
      pltpu.sync_copy(nf_hbm.at[idxs_v.at[j0]], ra_v)
      ca = pltpu.async_copy(ra_v, acc_nf.at[fa_v], sa, add=True)
      _stage_flat(idxd_v, j0 + 1, fb_v)
      pltpu.sync_copy(nf_hbm.at[idxs_v.at[j0 + 1]], rb_v)
      cb = pltpu.async_copy(rb_v, acc_nf.at[fb_v], sb, add=True)
      ca.wait()
      cb.wait()
      return c2
    lax.fori_loop(0, GRP // 2, pair, 0)
    return carry
  lax.fori_loop(0, NGRP, group, 0)
  plsc.subcore_barrier()

  stripe = pl.ds(s * RPT, RPT)
  pltpu.sync_copy(acc_nf.at[stripe], onf_hbm.at[c].at[stripe])


@functools.partial(
    pl.kernel,
    out_type=jax.ShapeDtypeStruct((NC, NP, H), jnp.float32),
    mesh=_mesh,
    scratch_types=[
        pltpu.VMEM((GRP, C), jnp.int32),
        pltpu.VMEM((C,), jnp.int32),
        pltpu.VMEM((C, DE), jnp.float32),
        pltpu.VMEM((C, H), jnp.float32),
        pltpu.VMEM_SHARED((NP, H), jnp.float32),
    ],
)
def _sc_sums_ef(ef_hbm, dst_hbm, oefc_hbm,
                idxd_v, fd_v, ef_v, combo_v, acc):
  c = lax.axis_index("c")
  s = lax.axis_index("s")
  wid = c * NS + s
  _fill_vmem(combo_v, ZR, H, 0.0)
  _zero_stripes(s, combo_v, acc)
  def setones(r, carry):
    combo_v[r, pl.ds(16, 16)] = jnp.full((16,), 1.0, jnp.float32)
    return carry
  lax.fori_loop(0, C, setones, 0)
  plsc.subcore_barrier()

  def group(t, carry):
    pltpu.sync_copy(dst_hbm.at[pl.ds(wid * NCH + t * GRP, GRP)], idxd_v)

    def sub(j, c2):
      cidx = t * GRP + j
      _stage_flat(idxd_v, j, fd_v)
      pltpu.sync_copy(ef_hbm.at[pl.ds(wid * EPW + cidx * C, C)], ef_v)
      def cprow(r, cc):
        combo_v[r, pl.ds(0, 16)] = ef_v[r, pl.ds(0, 16)]
        return cc
      lax.fori_loop(0, C, cprow, 0)
      pltpu.sync_copy(combo_v, acc.at[fd_v], add=True)
      return c2
    lax.fori_loop(0, GRP, sub, 0)
    return carry
  lax.fori_loop(0, NGRP, group, 0)
  plsc.subcore_barrier()

  stripe = pl.ds(s * RPT, RPT)
  pltpu.sync_copy(acc.at[stripe], oefc_hbm.at[c].at[stripe])


@functools.partial(
    pl.kernel,
    out_type=jax.ShapeDtypeStruct((NC, NP, H), jnp.float32),
    mesh=_mesh,
    scratch_types=[
        pltpu.VMEM((GRP, C), jnp.int32),
        pltpu.VMEM((C,), jnp.int32),
        pltpu.VMEM((C,), jnp.int32),
        pltpu.VMEM((C, H), jnp.float32),
        pltpu.SemaphoreType.DMA,
        pltpu.SemaphoreType.DMA,
        pltpu.VMEM_SHARED((NP, H), jnp.float32),
    ],
)
def _sc_cnt(idx_hbm, ocnt_hbm, idx_v, fa_v, fb_v, ones_v, sa, sb, acc):
  c = lax.axis_index("c")
  s = lax.axis_index("s")
  wid = c * NS + s
  _fill_vmem(ones_v, ZR, H, 0.0)
  _zero_stripes(s, ones_v, acc)
  _fill_vmem(ones_v, ZR, H, 1.0)
  plsc.subcore_barrier()

  def group(t, carry):
    pltpu.sync_copy(idx_hbm.at[pl.ds(wid * NCH + t * GRP, GRP)], idx_v)

    def pair(k, c2):
      j0 = 2 * k
      _stage_flat(idx_v, j0, fa_v)
      d1 = pltpu.async_copy(ones_v, acc.at[fa_v], sa, add=True)
      _stage_flat(idx_v, j0 + 1, fb_v)
      d2 = pltpu.async_copy(ones_v, acc.at[fb_v], sb, add=True)
      d1.wait()
      d2.wait()
      return c2
    lax.fori_loop(0, GRP // 2, pair, 0)
    return carry
  lax.fori_loop(0, NGRP, group, 0)
  plsc.subcore_barrier()

  stripe = pl.ds(s * RPT, RPT)
  pltpu.sync_copy(acc.at[stripe], ocnt_hbm.at[c].at[stripe])


@functools.partial(
    pl.kernel,
    out_type=(
        jax.ShapeDtypeStruct((EPAD, H), jnp.float32),
        jax.ShapeDtypeStruct((EPAD, H), jnp.float32),
        jax.ShapeDtypeStruct((NC, NP, H), jnp.float32),
    ),
    mesh=_mesh,
    scratch_types=[
        pltpu.VMEM((GRP, C), jnp.int32),
        pltpu.VMEM((GRP, C), jnp.int32),
        pltpu.VMEM((C,), jnp.int32),
        pltpu.VMEM((C, H), jnp.float32),
        pltpu.VMEM((C, H), jnp.float32),
        pltpu.SemaphoreType.DMA,
        pltpu.SemaphoreType.DMA,
        pltpu.VMEM_SHARED((NP, H), jnp.float32),
    ],
)
def _sc_layer1(g1_hbm, ef1_hbm, src_hbm, dst_hbm,
               s1_hbm, d1_hbm, oagg_hbm,
               idxs_v, idxd_v, fd_v, work_v, ef_v, sg, se, acc):
  c = lax.axis_index("c")
  s = lax.axis_index("s")
  wid = c * NS + s
  _fill_vmem(work_v, ZR, H, 0.0)
  _zero_stripes(s, work_v, acc)
  plsc.subcore_barrier()

  def relu_add(r, rc):
    for q in range(H // 16):
      sl = pl.ds(q * 16, 16)
      work_v[r, sl] = jnp.maximum(work_v[r, sl] + ef_v[r, sl], 0.0)
    return rc

  def group(t, carry):
    pltpu.sync_copy(src_hbm.at[pl.ds(wid * NCH + t * GRP, GRP)], idxs_v)
    pltpu.sync_copy(dst_hbm.at[pl.ds(wid * NCH + t * GRP, GRP)], idxd_v)

    def sub(j, c2):
      cidx = t * GRP + j
      erow = pl.ds(wid * EPW + cidx * C, C)
      _stage_flat(idxd_v, j, fd_v)
      d1c = pltpu.async_copy(g1_hbm.at[idxs_v.at[j]], work_v, sg)
      d2c = pltpu.async_copy(ef1_hbm.at[erow], ef_v, se)
      d1c.wait()
      d2c.wait()
      lax.fori_loop(0, C, relu_add, 0)
      d3c = pltpu.async_copy(work_v, s1_hbm.at[erow], sg)
      d4c = pltpu.async_copy(work_v, acc.at[fd_v], se, add=True)
      d3c.wait()
      d4c.wait()
      pltpu.sync_copy(g1_hbm.at[idxd_v.at[j]], work_v)
      lax.fori_loop(0, C, relu_add, 0)
      pltpu.sync_copy(work_v, d1_hbm.at[erow])
      return c2
    lax.fori_loop(0, GRP, sub, 0)
    return carry
  lax.fori_loop(0, NGRP, group, 0)
  plsc.subcore_barrier()

  stripe = pl.ds(s * RPT, RPT)
  pltpu.sync_copy(acc.at[stripe], oagg_hbm.at[c].at[stripe])


@functools.partial(
    pl.kernel,
    out_type=jax.ShapeDtypeStruct((NC, NP, H), jnp.float32),
    mesh=_mesh,
    scratch_types=[
        pltpu.VMEM((GRP, C), jnp.int32),
        pltpu.VMEM((C,), jnp.int32),
        pltpu.VMEM((C, H), jnp.float32),
        pltpu.VMEM((C, H), jnp.float32),
        pltpu.SemaphoreType.DMA,
        pltpu.SemaphoreType.DMA,
        pltpu.VMEM_SHARED((NP, H), jnp.float32),
    ],
)
def _sc_seg(y_hbm, g2_hbm, idx_hbm, osum_hbm,
            idx_v, fidx_v, work_v, y_v, sg, se, acc):
  c = lax.axis_index("c")
  s = lax.axis_index("s")
  wid = c * NS + s
  _fill_vmem(work_v, ZR, H, 0.0)
  _zero_stripes(s, work_v, acc)
  plsc.subcore_barrier()

  def relu_add(r, rc):
    for q in range(H // 16):
      sl = pl.ds(q * 16, 16)
      work_v[r, sl] = jnp.maximum(work_v[r, sl] + y_v[r, sl], 0.0)
    return rc

  def group(t, carry):
    pltpu.sync_copy(idx_hbm.at[pl.ds(wid * NCH + t * GRP, GRP)], idx_v)

    def sub(j, c2):
      cidx = t * GRP + j
      _stage_flat(idx_v, j, fidx_v)
      d1c = pltpu.async_copy(g2_hbm.at[idx_v.at[j]], work_v, sg)
      d2c = pltpu.async_copy(
          y_hbm.at[pl.ds(wid * EPW + cidx * C, C)], y_v, se)
      d1c.wait()
      d2c.wait()
      lax.fori_loop(0, C, relu_add, 0)
      pltpu.sync_copy(work_v, acc.at[fidx_v], add=True)
      return c2
    lax.fori_loop(0, GRP, sub, 0)
    return carry
  lax.fori_loop(0, NGRP, group, 0)
  plsc.subcore_barrier()

  stripe = pl.ds(s * RPT, RPT)
  pltpu.sync_copy(acc.at[stripe], osum_hbm.at[c].at[stripe])


BPW = B // NW
GPW = (B * NNEG) // NW

@functools.partial(
    pl.kernel,
    out_type=(
        jax.ShapeDtypeStruct((B,), jnp.float32),
        jax.ShapeDtypeStruct((B,), jnp.float32),
        jax.ShapeDtypeStruct((B,), jnp.float32),
        jax.ShapeDtypeStruct((B * NNEG,), jnp.float32),
    ),
    mesh=_mesh,
    scratch_types=[
        pltpu.VMEM((BPW,), jnp.int32),
        pltpu.VMEM((BPW,), jnp.int32),
        pltpu.VMEM((BPW,), jnp.int32),
        pltpu.VMEM((BPW,), jnp.float32),
        pltpu.VMEM((BPW,), jnp.float32),
        pltpu.VMEM((BPW,), jnp.float32),
        pltpu.VMEM((GPW,), jnp.int32),
        pltpu.VMEM((GPW,), jnp.float32),
    ],
)
def _sc_batch(src_hbm, dst_hbm, ts_hbm, be_hbm, neg_hbm,
              us_hbm, ud_hbm,
              ous_hbm, oud_hbm, ot_hbm, oneg_hbm,
              be_v, bs_v, bd_v,
              bus_v, bud_v, bt_v, nidx_v, nud_v):
  c = lax.axis_index("c")
  s = lax.axis_index("s")
  wid = c * NS + s
  pltpu.sync_copy(be_hbm.at[pl.ds(wid * BPW, BPW)], be_v)
  pltpu.sync_copy(neg_hbm.at[pl.ds(wid * GPW, GPW)], nidx_v)

  pltpu.sync_copy(src_hbm.at[be_v], bs_v)
  pltpu.sync_copy(dst_hbm.at[be_v], bd_v)
  pltpu.sync_copy(ts_hbm.at[be_v], bt_v)
  pltpu.sync_copy(us_hbm.at[bs_v], bus_v)
  pltpu.sync_copy(ud_hbm.at[bd_v], bud_v)
  pltpu.sync_copy(ud_hbm.at[nidx_v.at[pl.ds(0, GPW // 2)]],
                  nud_v.at[pl.ds(0, GPW // 2)])
  pltpu.sync_copy(ud_hbm.at[nidx_v.at[pl.ds(GPW // 2, GPW // 2)]],
                  nud_v.at[pl.ds(GPW // 2, GPW // 2)])

  pltpu.sync_copy(bus_v, ous_hbm.at[pl.ds(wid * BPW, BPW)])
  pltpu.sync_copy(bud_v, oud_hbm.at[pl.ds(wid * BPW, BPW)])
  pltpu.sync_copy(bt_v, ot_hbm.at[pl.ds(wid * BPW, BPW)])
  pltpu.sync_copy(nud_v, oneg_hbm.at[pl.ds(wid * GPW, GPW)])


NBLK = 1000
EBLK = 4096
MBLK = 2048


def _tc_g1_body(nf, snf, sefc, wsa, wna, wnb, b1, og1, ocd):
  cd = jnp.maximum(sefc[0, :, 16] + sefc[1, :, 16], 1.0)
  inv = (1.0 / cd)[:, None]
  agg_nf = (snf[0] + snf[1]) * inv
  agg_ef = (sefc[0, :, 0:16] + sefc[1, :, 0:16]) * inv
  g1 = jnp.dot(nf[...], wsa[...], preferred_element_type=jnp.float32)
  g1 += jnp.dot(agg_nf, wna[...], preferred_element_type=jnp.float32)
  g1 += jnp.dot(agg_ef, wnb[...], preferred_element_type=jnp.float32)
  og1[...] = g1 + b1[...]
  ocd[0, 0, :] = cd


def _tc_ef1_body(ef, w, out):
  out[...] = jnp.dot(ef[...], w[...], preferred_element_type=jnp.float32)


def _tc_g2_body(sagg, cd, wn2, b2, out):
  agg = (sagg[0] + sagg[1]) * (1.0 / jnp.maximum(cd[0, 0, :], 1.0))[:, None]
  out[...] = jnp.dot(agg, wn2[...], preferred_element_type=jnp.float32) + b2[...]


def _tc_mm2_body(s1, d1, w, oys, oyd):
  oys[...] = jnp.dot(s1[...], w[...], preferred_element_type=jnp.float32)
  oyd[...] = jnp.dot(d1[...], w[...], preferred_element_type=jnp.float32)


def _tc_u_body(uss, uds, scs, cd, w1, w2, ous, oud):
  cs = jnp.maximum(scs[0, :, 0] + scs[1, :, 0], 1.0)
  us = jnp.dot(uss[0] + uss[1], w1[...], preferred_element_type=jnp.float32)
  ud = jnp.dot(uds[0] + uds[1], w2[...], preferred_element_type=jnp.float32)
  ous[0, 0, :] = us[:, 0] / cs
  oud[0, 0, :] = ud[:, 0] / jnp.maximum(cd[0, 0, :], 1.0)


def _softplus(x):
  return jnp.maximum(x, 0.0) + jnp.log1p(jnp.exp(-jnp.abs(x)))


def _tc_loss_body(usb, udb, tb, udneg, freq, w3, bp, out):
  te = jnp.cos(tb[...][:, None] * freq[...])
  tw = jnp.dot(te, w3[...], preferred_element_type=jnp.float32)[:, 0]
  base = usb[...] + tw + bp[0, 0]
  pos = base + udb[...]
  neg = base[None, :] + udneg[...]
  loss = jnp.mean(_softplus(-pos)) + jnp.mean(_softplus(neg))
  out[...] = jnp.broadcast_to(loss, (1, 1))


def kernel(nfeat, efeat, timestamps, W_self1, W_neigh1, b1, W_self2,
           W_neigh2, b2, freq, W_pred, b_pred, edge_index, batch_eids,
           neg_dst):
  f32 = jnp.float32
  src = edge_index[0]
  dst = edge_index[1]
  pad_i = jnp.full((EPAD - E,), N, jnp.int32)
  src_p = jnp.concatenate([src, pad_i]).reshape(NW * NCH, C)
  dst_p = jnp.concatenate([dst, pad_i]).reshape(NW * NCH, C)
  nf_p = jnp.concatenate([nfeat, jnp.zeros((NP - N, DF), f32)])
  ef_p = jnp.concatenate([efeat, jnp.zeros((EPAD - E, DE), f32)])

  snf = _sc_sums_nf(nf_p, src_p, dst_p)
  sefc = _sc_sums_ef(ef_p, dst_p)
  scs = _sc_cnt(src_p)

  g1, cdeg = pl.pallas_call(
      _tc_g1_body,
      grid=(N // NBLK,),
      in_specs=[
          pl.BlockSpec((NBLK, DF), lambda i: (i, 0)),
          pl.BlockSpec((NC, NBLK, DF), lambda i: (0, i, 0)),
          pl.BlockSpec((NC, NBLK, H), lambda i: (0, i, 0)),
          pl.BlockSpec((DF, H), lambda i: (0, 0)),
          pl.BlockSpec((DF, H), lambda i: (0, 0)),
          pl.BlockSpec((DE, H), lambda i: (0, 0)),
          pl.BlockSpec((1, H), lambda i: (0, 0)),
      ],
      out_specs=[
          pl.BlockSpec((NBLK, H), lambda i: (i, 0)),
          pl.BlockSpec((1, 1, NBLK), lambda i: (i, 0, 0)),
      ],
      out_shape=[
          jax.ShapeDtypeStruct((N, H), f32),
          jax.ShapeDtypeStruct((N // NBLK, 1, NBLK), f32),
      ],
  )(nfeat, snf, sefc, W_self1[:DF], W_neigh1[:DF], W_neigh1[DF:],
    b1.reshape(1, H))
  g1_p = jnp.concatenate([g1, jnp.zeros((NP - N, H), f32)])

  ef1 = pl.pallas_call(
      _tc_ef1_body,
      grid=(EPAD // EBLK,),
      in_specs=[
          pl.BlockSpec((EBLK, DE), lambda i: (i, 0)),
          pl.BlockSpec((DE, H), lambda i: (0, 0)),
      ],
      out_specs=pl.BlockSpec((EBLK, H), lambda i: (i, 0)),
      out_shape=jax.ShapeDtypeStruct((EPAD, H), f32),
  )(ef_p, W_self1[DF:])

  s1, d1, sagg2 = _sc_layer1(g1_p, ef1, src_p, dst_p)

  g2 = pl.pallas_call(
      _tc_g2_body,
      grid=(N // NBLK,),
      in_specs=[
          pl.BlockSpec((NC, NBLK, H), lambda i: (0, i, 0)),
          pl.BlockSpec((1, 1, NBLK), lambda i: (i, 0, 0)),
          pl.BlockSpec((H, H), lambda i: (0, 0)),
          pl.BlockSpec((1, H), lambda i: (0, 0)),
      ],
      out_specs=pl.BlockSpec((NBLK, H), lambda i: (i, 0)),
      out_shape=jax.ShapeDtypeStruct((N, H), f32),
  )(sagg2, cdeg, W_neigh2, b2.reshape(1, H))
  g2_p = jnp.concatenate([g2, jnp.zeros((NP - N, H), f32)])

  ys, yd = pl.pallas_call(
      _tc_mm2_body,
      grid=(EPAD // MBLK,),
      in_specs=[
          pl.BlockSpec((MBLK, H), lambda i: (i, 0)),
          pl.BlockSpec((MBLK, H), lambda i: (i, 0)),
          pl.BlockSpec((H, H), lambda i: (0, 0)),
      ],
      out_specs=[
          pl.BlockSpec((MBLK, H), lambda i: (i, 0)),
          pl.BlockSpec((MBLK, H), lambda i: (i, 0)),
      ],
      out_shape=[
          jax.ShapeDtypeStruct((EPAD, H), f32),
          jax.ShapeDtypeStruct((EPAD, H), f32),
      ],
  )(s1, d1, W_self2)

  uss = _sc_seg(ys, g2_p, src_p)
  uds = _sc_seg(yd, g2_p, dst_p)

  u_s, u_d = pl.pallas_call(
      _tc_u_body,
      grid=(N // NBLK,),
      in_specs=[
          pl.BlockSpec((NC, NBLK, H), lambda i: (0, i, 0)),
          pl.BlockSpec((NC, NBLK, H), lambda i: (0, i, 0)),
          pl.BlockSpec((NC, NBLK, H), lambda i: (0, i, 0)),
          pl.BlockSpec((1, 1, NBLK), lambda i: (i, 0, 0)),
          pl.BlockSpec((H, 1), lambda i: (0, 0)),
          pl.BlockSpec((H, 1), lambda i: (0, 0)),
      ],
      out_specs=[
          pl.BlockSpec((1, 1, NBLK), lambda i: (i, 0, 0)),
          pl.BlockSpec((1, 1, NBLK), lambda i: (i, 0, 0)),
      ],
      out_shape=[
          jax.ShapeDtypeStruct((N // NBLK, 1, NBLK), f32),
          jax.ShapeDtypeStruct((N // NBLK, 1, NBLK), f32),
      ],
  )(uss, uds, scs, cdeg, W_pred[:H], W_pred[H:2 * H])

  usb, udb, tb, udneg = _sc_batch(src, dst, timestamps, batch_eids, neg_dst,
                                  u_s.reshape(N), u_d.reshape(N))

  loss = pl.pallas_call(
      _tc_loss_body,
      in_specs=[
          pl.BlockSpec((B,), lambda: (0,)),
          pl.BlockSpec((B,), lambda: (0,)),
          pl.BlockSpec((B,), lambda: (0,)),
          pl.BlockSpec((NNEG, B), lambda: (0, 0)),
          pl.BlockSpec((1, TD), lambda: (0, 0)),
          pl.BlockSpec((TD, 1), lambda: (0, 0)),
          pl.BlockSpec((1, 1), lambda: (0, 0)),
      ],
      out_specs=pl.BlockSpec((1, 1), lambda: (0, 0)),
      out_shape=jax.ShapeDtypeStruct((1, 1), f32),
  )(usb, udb, tb, udneg.reshape(NNEG, B), freq.reshape(1, TD),
    W_pred[2 * H:], b_pred.reshape(1, 1))

  return loss.reshape(())

# --- scband reference (transcript-rebuilt; emitter-appended) ---
"""Pipeline reference for scband-temporal-link-trainer-55422257988250 (READ-ONLY COPY).

The authoritative reference and input builder live on the scoring server;
editing this copy changes nothing except your own understanding.
"""

import jax, jax.numpy as jnp
import numpy as np

N = 10000; E = 320000; DF = 128; DE = 16; H = 128; TD = 16; B = 1024; NNEG = 5

def _seg_mean(data, ids, n):
    s = jax.ops.segment_sum(data, ids, num_segments=n)
    c = jax.ops.segment_sum(jnp.ones((data.shape[0],), dtype=data.dtype), ids, num_segments=n)
    return s / jnp.maximum(c, 1.0)[:, None]

def setup_inputs(seed: int = 0):
    key = jax.random.key(seed)
    ks = jax.random.split(key, 16)
    din = DF + DE
    inp = {}
    inp['nfeat'] = jax.random.normal(ks[0], (N, DF), dtype=jnp.float32)
    inp['efeat'] = jax.random.normal(ks[1], (E, DE), dtype=jnp.float32)
    inp['timestamps'] = jax.random.uniform(ks[2], (E,), dtype=jnp.float32)
    inp['W_self1'] = jax.random.normal(ks[3], (din, H), dtype=jnp.float32) / np.sqrt(din)
    inp['W_neigh1'] = jax.random.normal(ks[4], (din, H), dtype=jnp.float32) / np.sqrt(din)
    inp['b1'] = jnp.zeros((H,), dtype=jnp.float32)
    inp['W_self2'] = jax.random.normal(ks[5], (H, H), dtype=jnp.float32) / np.sqrt(H)
    inp['W_neigh2'] = jax.random.normal(ks[6], (H, H), dtype=jnp.float32) / np.sqrt(H)
    inp['b2'] = jnp.zeros((H,), dtype=jnp.float32)
    inp['freq'] = jax.random.normal(ks[7], (TD,), dtype=jnp.float32)
    inp['W_pred'] = jax.random.normal(ks[8], (2 * H + TD, 1), dtype=jnp.float32) / np.sqrt(2 * H + TD)
    inp['b_pred'] = jnp.zeros((1,), dtype=jnp.float32)
    inp['edge_index'] = jax.random.randint(ks[9], (2, E), 0, N, dtype=jnp.int32)
    inp['batch_eids'] = jax.random.randint(ks[10], (B,), 0, E, dtype=jnp.int32)
    inp['neg_dst'] = jax.random.randint(ks[11], (B * NNEG,), 0, N, dtype=jnp.int32)
    return inp

def reference(nfeat, efeat, timestamps, W_self1, W_neigh1, b1, W_self2, W_neigh2, b2, freq, W_pred, b_pred, edge_index, batch_eids, neg_dst):
    src = edge_index[0]
    dst = edge_index[1]
    n = nfeat.shape[0]
    # combine_feats: per-edge concat of endpoint node feats with edge feats
    src_f = jnp.concatenate([jnp.take(nfeat, src, axis=0), efeat], axis=1)
    dst_f = jnp.concatenate([jnp.take(nfeat, dst, axis=0), efeat], axis=1)
    def sage(sf, df, Ws, Wn, b):
        # TSAGEConv mean aggregation: scatter-mean of src edge-feats onto dst nodes, gather back
        agg = _seg_mean(sf, dst, n)
        ns = jax.nn.relu(sf @ Ws + jnp.take(agg, src, axis=0) @ Wn + b)
        nd = jax.nn.relu(df @ Ws + jnp.take(agg, dst, axis=0) @ Wn + b)
        return ns, nd
    s1, d1 = sage(src_f, dst_f, W_self1, W_neigh1, b1)
    s2, d2 = sage(s1, d1, W_self2, W_neigh2, b2)
    # node-level temporal embeddings (LatestNodeInteractionFinder surrogate: segment-mean over incident edges)
    node_src = _seg_mean(s2, src, n)
    node_dst = _seg_mean(d2, dst, n)
    bsrc = jnp.take(src, batch_eids)
    bdst = jnp.take(dst, batch_eids)
    t = jnp.take(timestamps, batch_eids)
    te = jnp.cos(t[:, None] * freq[None, :])
    pos_in = jnp.concatenate([jnp.take(node_src, bsrc, axis=0), jnp.take(node_dst, bdst, axis=0), te], axis=1)
    pos_logits = (pos_in @ W_pred + b_pred)[:, 0]
    # negative sampling: src repeated n_neg times, random dst nodes
    src_rep = jnp.tile(bsrc, NNEG)
    t_rep = jnp.tile(t, NNEG)
    te_neg = jnp.cos(t_rep[:, None] * freq[None, :])
    neg_in = jnp.concatenate([jnp.take(node_src, src_rep, axis=0), jnp.take(node_dst, neg_dst, axis=0), te_neg], axis=1)
    neg_logits = (neg_in @ W_pred + b_pred)[:, 0]
    # BCEWithLogitsLoss(pos, ones) + BCEWithLogitsLoss(neg, zeros)
    loss = jnp.mean(jax.nn.softplus(-pos_logits)) + jnp.mean(jax.nn.softplus(neg_logits))
    return loss

if __name__ == "__main__":
    import jax
    _d = setup_inputs()
    print(jax.jit(kernel)(*tuple(_d.values())))

</pallas_src>

<mosaic_0001>
#map = affine_map<(d0, d1) -> (0, 0)>
#map1 = affine_map<(d0, d1) -> (0, 0, 0)>
module attributes {stable_mosaic.version = 14 : i64} {
  func.func @_sc_layer1(%arg0: i32, %arg1: i32, %arg2: memref<10240x128xf32, #tpu.memory_space<hbm>>, %arg3: memref<327680x128xf32, #tpu.memory_space<hbm>>, %arg4: memref<2560x128xi32, #tpu.memory_space<hbm>>, %arg5: memref<2560x128xi32, #tpu.memory_space<hbm>>, %arg6: memref<327680x128xf32, #tpu.memory_space<hbm>>, %arg7: memref<327680x128xf32, #tpu.memory_space<hbm>>, %arg8: memref<2x10240x128xf32, #tpu.memory_space<hbm>>, %arg9: memref<8x128xi32, #tpu.memory_space<vmem>>, %arg10: memref<8x128xi32, #tpu.memory_space<vmem>>, %arg11: memref<128xi32, #tpu.memory_space<vmem>>, %arg12: memref<128x128xf32, #tpu.memory_space<vmem>>, %arg13: memref<128x128xf32, #tpu.memory_space<vmem>>, %arg14: memref<!tpu.dma_semaphore, #tpu.memory_space<semaphore_mem>>, %arg15: memref<!tpu.dma_semaphore, #tpu.memory_space<semaphore_mem>>, %arg16: memref<10240x128xf32, #tpu.memory_space<vmem_shared>>) attributes {dimension_semantics = [#tpu.dimension_semantics<core_parallel>, #tpu.dimension_semantics<subcore_parallel>], iteration_bounds = array<i64: 2, 16>, scalar_prefetch = 0 : i64, scratch_operands = 8 : i64, tpu.core_type = #tpu.core_type<sc_vector_subcore>, window_params = [{transform_indices = #map}, {transform_indices = #map}, {transform_indices = #map}, {transform_indices = #map}, {transform_indices = #map}, {transform_indices = #map}, {transform_indices = #map1}]} {
    %mul3A = arith.constant 16 : i32
    %mul3A_0 = arith.muli %arg0, %mul3A : i32
    %add3A = arith.addi %mul3A_0, %arg1 : i32
    %scan3A = arith.constant 0 : i32
    %scan3A_1 = arith.constant 0 : i32
    %scan3A_2 = arith.constant 128 : i32
    %scan3A_3 = arith.addi %scan3A_1, %scan3A_2 : i32
    %scan3A_4 = arith.constant 1 : i32
    scf.for %scan3A_35 = %scan3A_1 to %scan3A_3 step %scan3A_4  : i32 {
      %broadcast_in_dim3A = arith.constant 0.000000e+00 : f32
      %broadcast_in_dim3A_36 = vector.broadcast %broadcast_in_dim3A : f32 to vector<16xf32>
      %swap3A = arith.index_cast %scan3A_35 : i32 to index
      %swap3A_37 = arith.constant 0 : index
      %swap3A_38 = tpu.vector_load %arg12[%swap3A, %swap3A_37] {strides = array<i32>} : memref<128x128xf32, #tpu.memory_space<vmem>>, vector<1x16xf32>,
      %swap3A_39 = vector.shape_cast %swap3A_38 : vector<1x16xf32> to vector<16xf32>
      %swap3A_40 = vector.shape_cast %broadcast_in_dim3A_36 : vector<16xf32> to vector<1x16xf32>
      tpu.vector_store %arg12[%swap3A, %swap3A_37], %swap3A_40 {strides = array<i32>} : memref<128x128xf32, #tpu.memory_space<vmem>>, vector<1x16xf32>,
      %broadcast_in_dim3A_41 = arith.constant 0.000000e+00 : f32
      %broadcast_in_dim3A_42 = vector.broadcast %broadcast_in_dim3A_41 : f32 to vector<16xf32>
      %swap3A_43 = arith.index_cast %scan3A_35 : i32 to index
      %swap3A_44 = arith.constant 16 : index
      %swap3A_45 = tpu.vector_load %arg12[%swap3A_43, %swap3A_44] {strides = array<i32>} : memref<128x128xf32, #tpu.memory_space<vmem>>, vector<1x16xf32>,
      %swap3A_46 = vector.shape_cast %swap3A_45 : vector<1x16xf32> to vector<16xf32>
      %swap3A_47 = vector.shape_cast %broadcast_in_dim3A_42 : vector<16xf32> to vector<1x16xf32>
      tpu.vector_store %arg12[%swap3A_43, %swap3A_44], %swap3A_47 {strides = array<i32>} : memref<128x128xf32, #tpu.memory_space<vmem>>, vector<1x16xf32>,
      %broadcast_in_dim3A_48 = arith.constant 0.000000e+00 : f32
      %broadcast_in_dim3A_49 = vector.broadcast %broadcast_in_dim3A_48 : f32 to vector<16xf32>
      %swap3A_50 = arith.index_cast %scan3A_35 : i32 to index
      %swap3A_51 = arith.constant 32 : index
      %swap3A_52 = tpu.vector_load %arg12[%swap3A_50, %swap3A_51] {strides = array<i32>} : memref<128x128xf32, #tpu.memory_space<vmem>>, vector<1x16xf32>,
      %swap3A_53 = vector.shape_cast %swap3A_52 : vector<1x16xf32> to vector<16xf32>
      %swap3A_54 = vector.shape_cast %broadcast_in_dim3A_49 : vector<16xf32> to vector<1x16xf32>
      tpu.vector_store %arg12[%swap3A_50, %swap3A_51], %swap3A_54 {strides = array<i32>} : memref<128x128xf32, #tpu.memory_space<vmem>>, vector<1x16xf32>,
      %broadcast_in_dim3A_55 = arith.constant 0.000000e+00 : f32
      %broadcast_in_dim3A_56 = vector.broadcast %broadcast_in_dim3A_55 : f32 to vector<16xf32>
      %swap3A_57 = arith.index_cast %scan3A_35 : i32 to index
      %swap3A_58 = arith.constant 48 : index
      %swap3A_59 = tpu.vector_load %arg12[%swap3A_57, %swap3A_58] {strides = array<i32>} : memref<128x128xf32, #tpu.memory_space<vmem>>, vector<1x16xf32>,
      %swap3A_60 = vector.shape_cast %swap3A_59 : vector<1x16xf32> to vector<16xf32>
      %swap3A_61 = vector.shape_cast %broadcast_in_dim3A_56 : vector<16xf32> to vector<1x16xf32>
      tpu.vector_store %arg12[%swap3A_57, %swap3A_58], %swap3A_61 {strides = array<i32>} : memref<128x128xf32, #tpu.memory_space<vmem>>, vector<1x16xf32>,
      %broadcast_in_dim3A_62 = arith.constant 0.000000e+00 : f32
      %broadcast_in_dim3A_63 = vector.broadcast %broadcast_in_dim3A_62 : f32 to vector<16xf32>
      %swap3A_64 = arith.index_cast %scan3A_35 : i32 to index
      %swap3A_65 = arith.constant 64 : index
      %swap3A_66 = tpu.vector_load %arg12[%swap3A_64, %swap3A_65] {strides = array<i32>} : memref<128x128xf32, #tpu.memory_space<vmem>>, vector<1x16xf32>,
      %swap3A_67 = vector.shape_cast %swap3A_66 : vector<1x16xf32> to vector<16xf32>
      %swap3A_68 = vector.shape_cast %broadcast_in_dim3A_63 : vector<16xf32> to vector<1x16xf32>
      tpu.vector_store %arg12[%swap3A_64, %swap3A_65], %swap3A_68 {strides = array<i32>} : memref<128x128xf32, #tpu.memory_space<vmem>>, vector<1x16xf32>,
      %broadcast_in_dim3A_69 = arith.constant 0.000000e+00 : f32
      %broadcast_in_dim3A_70 = vector.broadcast %broadcast_in_dim3A_69 : f32 to vector<16xf32>
      %swap3A_71 = arith.index_cast %scan3A_35 : i32 to index
      %swap3A_72 = arith.constant 80 : index
      %swap3A_73 = tpu.vector_load %arg12[%swap3A_71, %swap3A_72] {strides = array<i32>} : memref<128x128xf32, #tpu.memory_space<vmem>>, vector<1x16xf32>,
      %swap3A_74 = vector.shape_cast %swap3A_73 : vector<1x16xf32> to vector<16xf32>
      %swap3A_75 = vector.shape_cast %broadcast_in_dim3A_70 : vector<16xf32> to vector<1x16xf32>
      tpu.vector_store %arg12[%swap3A_71, %swap3A_72], %swap3A_75 {strides = array<i32>} : memref<128x128xf32, #tpu.memory_space<vmem>>, vector<1x16xf32>,
      %broadcast_in_dim3A_76 = arith.constant 0.000000e+00 : f32
      %broadcast_in_dim3A_77 = vector.broadcast %broadcast_in_dim3A_76 : f32 to vector<16xf32>
      %swap3A_78 = arith.index_cast %scan3A_35 : i32 to index
      %swap3A_79 = arith.constant 96 : index
      %swap3A_80 = tpu.vector_load %arg12[%swap3A_78, %swap3A_79] {strides = array<i32>} : memref<128x128xf32, #tpu.memory_space<vmem>>, vector<1x16xf32>,
      %swap3A_81 = vector.shape_cast %swap3A_80 : vector<1x16xf32> to vector<16xf32>
      %swap3A_82 = vector.shape_cast %broadcast_in_dim3A_77 : vector<16xf32> to vector<1x16xf32>
      tpu.vector_store %arg12[%swap3A_78, %swap3A_79], %swap3A_82 {strides = array<i32>} : memref<128x128xf32, #tpu.memory_space<vmem>>, vector<1x16xf32>,
      %broadcast_in_dim3A_83 = arith.constant 0.000000e+00 : f32
      %broadcast_in_dim3A_84 = vector.broadcast %broadcast_in_dim3A_83 : f32 to vector<16xf32>
      %swap3A_85 = arith.index_cast %scan3A_35 : i32 to index
      %swap3A_86 = arith.constant 112 : index
      %swap3A_87 = tpu.vector_load %arg12[%swap3A_85, %swap3A_86] {strides = array<i32>} : memref<128x128xf32, #tpu.memory_space<vmem>>, vector<1x16xf32>,
      %swap3A_88 = vector.shape_cast %swap3A_87 : vector<1x16xf32> to vector<16xf32>
      %swap3A_89 = vector.shape_cast %broadcast_in_dim3A_84 : vector<16xf32> to vector<1x16xf32>
      tpu.vector_store %arg12[%swap3A_85, %swap3A_86], %swap3A_89 {strides = array<i32>} : memref<128x128xf32, #tpu.memory_space<vmem>>, vector<1x16xf32>,
    }
    %scan3A_5 = arith.constant 128 : i32
    %mul3A_6 = arith.constant 640 : i32
    %mul3A_7 = arith.muli %arg1, %mul3A_6 : i32
    %add3A_8 = arith.constant 0 : i32
    %add3A_9 = arith.addi %mul3A_7, %add3A_8 : i32
    "tpu.region"() ({
      %run_scoped3A = tpu.sem_alloc : memref<!tpu.dma_semaphore, #tpu.memory_space<semaphore_mem>>
      %dma_start3A = arith.constant 0 : i32
      %dma_start3A_35 = tpu.memref_slice %arg16[%add3A_9, %dma_start3A] : memref<10240x128xf32, #tpu.memory_space<vmem_shared>> -> memref<128x128xf32, #tpu.memory_space<vmem_shared>>
      %dma_start3A_36 = arith.constant 0 : i32
      %dma_start3A_37 = tpu.memref_slice %arg16[%add3A_9, %dma_start3A_36] : memref<10240x128xf32, #tpu.memory_space<vmem_shared>> -> memref<128x128xf32, #tpu.memory_space<vmem_shared>>
      tpu.enqueue_dma source(%arg12 : memref<128x128xf32, #tpu.memory_space<vmem>>) target(%dma_start3A_37 : memref<128x128xf32, #tpu.memory_space<vmem_shared>>) target_semaphore(%run_scoped3A : memref<!tpu.dma_semaphore, #tpu.memory_space<semaphore_mem>>)
      %dma_wait3A = arith.constant 0 : i32
      %dma_wait3A_38 = tpu.memref_slice %arg16[%add3A_9, %dma_wait3A] : memref<10240x128xf32, #tpu.memory_space<vmem_shared>> -> memref<128x128xf32, #tpu.memory_space<vmem_shared>>
      %dma_wait3A_39 = arith.constant 0 : i32
      %dma_wait3A_40 = tpu.memref_slice %arg16[%add3A_9, %dma_wait3A_39] : memref<10240x128xf32, #tpu.memory_space<vmem_shared>> -> memref<128x128xf32, #tpu.memory_space<vmem_shared>>
      tpu.wait_dma2 semaphore(%run_scoped3A : memref<!tpu.dma_semaphore, #tpu.memory_space<semaphore_mem>>) src(%arg12 : memref<128x128xf32, #tpu.memory_space<vmem>>) dst(%dma_wait3A_40 : memref<128x128xf32, #tpu.memory_space<vmem_shared>>)
      tpu.yield
    }) : () -> ()
    %mul3A_10 = arith.constant 640 : i32
    %mul3A_11 = arith.muli %arg1, %mul3A_10 : i32
    %add3A_12 = arith.constant 128 : i32
    %add3A_13 = arith.addi %mul3A_11, %add3A_12 : i32
    "tpu.region"() ({
      %run_scoped3A = tpu.sem_alloc : memref<!tpu.dma_semaphore, #tpu.memory_space<semaphore_mem>>
      %dma_start3A = arith.constant 0 : i32
      %dma_start3A_35 = tpu.memref_slice %arg16[%add3A_13, %dma_start3A] : memref<10240x128xf32, #tpu.memory_space<vmem_shared>> -> memref<128x128xf32, #tpu.memory_space<vmem_shared>>
      %dma_start3A_36 = arith.constant 0 : i32
      %dma_start3A_37 = tpu.memref_slice %arg16[%add3A_13, %dma_start3A_36] : memref<10240x128xf32, #tpu.memory_space<vmem_shared>> -> memref<128x128xf32, #tpu.memory_space<vmem_shared>>
      tpu.enqueue_dma source(%arg12 : memref<128x128xf32, #tpu.memory_space<vmem>>) target(%dma_start3A_37 : memref<128x128xf32, #tpu.memory_space<vmem_shared>>) target_semaphore(%run_scoped3A : memref<!tpu.dma_semaphore, #tpu.memory_space<semaphore_mem>>)
      %dma_wait3A = arith.constant 0 : i32
      %dma_wait3A_38 = tpu.memref_slice %arg16[%add3A_13, %dma_wait3A] : memref<10240x128xf32, #tpu.memory_space<vmem_shared>> -> memref<128x128xf32, #tpu.memory_space<vmem_shared>>
      %dma_wait3A_39 = arith.constant 0 : i32
      %dma_wait3A_40 = tpu.memref_slice %arg16[%add3A_13, %dma_wait3A_39] : memref<10240x128xf32, #tpu.memory_space<vmem_shared>> -> memref<128x128xf32, #tpu.memory_space<vmem_shared>>
      tpu.wait_dma2 semaphore(%run_scoped3A : memref<!tpu.dma_semaphore, #tpu.memory_space<semaphore_mem>>) src(%arg12 : memref<128x128xf32, #tpu.memory_space<vmem>>) dst(%dma_wait3A_40 : memref<128x128xf32, #tpu.memory_space<vmem_shared>>)
      tpu.yield
    }) : () -> ()
    %mul3A_14 = arith.constant 640 : i32
    %mul3A_15 = arith.muli %arg1, %mul3A_14 : i32
    %add3A_16 = arith.constant 256 : i32
    %add3A_17 = arith.addi %mul3A_15, %add3A_16 : i32
    "tpu.region"() ({
      %run_scoped3A = tpu.sem_alloc : memref<!tpu.dma_semaphore, #tpu.memory_space<semaphore_mem>>
      %dma_start3A = arith.constant 0 : i32
      %dma_start3A_35 = tpu.memref_slice %arg16[%add3A_17, %dma_start3A] : memref<10240x128xf32, #tpu.memory_space<vmem_shared>> -> memref<128x128xf32, #tpu.memory_space<vmem_shared>>
      %dma_start3A_36 = arith.constant 0 : i32
      %dma_start3A_37 = tpu.memref_slice %arg16[%add3A_17, %dma_start3A_36] : memref<10240x128xf32, #tpu.memory_space<vmem_shared>> -> memref<128x128xf32, #tpu.memory_space<vmem_shared>>
      tpu.enqueue_dma source(%arg12 : memref<128x128xf32, #tpu.memory_space<vmem>>) target(%dma_start3A_37 : memref<128x128xf32, #tpu.memory_space<vmem_shared>>) target_semaphore(%run_scoped3A : memref<!tpu.dma_semaphore, #tpu.memory_space<semaphore_mem>>)
      %dma_wait3A = arith.constant 0 : i32
      %dma_wait3A_38 = tpu.memref_slice %arg16[%add3A_17, %dma_wait3A] : memref<10240x128xf32, #tpu.memory_space<vmem_shared>> -> memref<128x128xf32, #tpu.memory_space<vmem_shared>>
      %dma_wait3A_39 = arith.constant 0 : i32
      %dma_wait3A_40 = tpu.memref_slice %arg16[%add3A_17, %dma_wait3A_39] : memref<10240x128xf32, #tpu.memory_space<vmem_shared>> -> memref<128x128xf32, #tpu.memory_space<vmem_shared>>
      tpu.wait_dma2 semaphore(%run_scoped3A : memref<!tpu.dma_semaphore, #tpu.memory_space<semaphore_mem>>) src(%arg12 : memref<128x128xf32, #tpu.memory_space<vmem>>) dst(%dma_wait3A_40 : memref<128x128xf32, #tpu.memory_space<vmem_shared>>)
      tpu.yield
    }) : () -> ()
    %mul3A_18 = arith.constant 640 : i32
    %mul3A_19 = arith.muli %arg1, %mul3A_18 : i32
    %add3A_20 = arith.constant 384 : i32
    %add3A_21 = arith.addi %mul3A_19, %add3A_20 : i32
    "tpu.region"() ({
      %run_scoped3A = tpu.sem_alloc : memref<!tpu.dma_semaphore, #tpu.memory_space<semaphore_mem>>
      %dma_start3A = arith.constant 0 : i32
      %dma_start3A_35 = tpu.memref_slice %arg16[%add3A_21, %dma_start3A] : memref<10240x128xf32, #tpu.memory_space<vmem_shared>> -> memref<128x128xf32, #tpu.memory_space<vmem_shared>>
      %dma_start3A_36 = arith.constant 0 : i32
      %dma_start3A_37 = tpu.memref_slice %arg16[%add3A_21, %dma_start3A_36] : memref<10240x128xf32, #tpu.memory_space<vmem_shared>> -> memref<128x128xf32, #tpu.memory_space<vmem_shared>>
      tpu.enqueue_dma source(%arg12 : memref<128x128xf32, #tpu.memory_space<vmem>>) target(%dma_start3A_37 : memref<128x128xf32, #tpu.memory_space<vmem_shared>>) target_semaphore(%run_scoped3A : memref<!tpu.dma_semaphore, #tpu.memory_space<semaphore_mem>>)
      %dma_wait3A = arith.constant 0 : i32
      %dma_wait3A_38 = tpu.memref_slice %arg16[%add3A_21, %dma_wait3A] : memref<10240x128xf32, #tpu.memory_space<vmem_shared>> -> memref<128x128xf32, #tpu.memory_space<vmem_shared>>
      %dma_wait3A_39 = arith.constant 0 : i32
      %dma_wait3A_40 = tpu.memref_slice %arg16[%add3A_21, %dma_wait3A_39] : memref<10240x128xf32, #tpu.memory_space<vmem_shared>> -> memref<128x128xf32, #tpu.memory_space<vmem_shared>>
      tpu.wait_dma2 semaphore(%run_scoped3A : memref<!tpu.dma_semaphore, #tpu.memory_space<semaphore_mem>>) src(%arg12 : memref<128x128xf32, #tpu.memory_space<vmem>>) dst(%dma_wait3A_40 : memref<128x128xf32, #tpu.memory_space<vmem_shared>>)
      tpu.yield
    }) : () -> ()
    %mul3A_22 = arith.constant 640 : i32
    %mul3A_23 = arith.muli %arg1, %mul3A_22 : i32
    %add3A_24 = arith.constant 512 : i32
    %add3A_25 = arith.addi %mul3A_23, %add3A_24 : i32
    "tpu.region"() ({
      %run_scoped3A = tpu.sem_alloc : memref<!tpu.dma_semaphore, #tpu.memory_space<semaphore_mem>>
      %dma_start3A = arith.constant 0 : i32
      %dma_start3A_35 = tpu.memref_slice %arg16[%add3A_25, %dma_start3A] : memref<10240x128xf32, #tpu.memory_space<vmem_shared>> -> memref<128x128xf32, #tpu.memory_space<vmem_shared>>
      %dma_start3A_36 = arith.constant 0 : i32
      %dma_start3A_37 = tpu.memref_slice %arg16[%add3A_25, %dma_start3A_36] : memref<10240x128xf32, #tpu.memory_space<vmem_shared>> -> memref<128x128xf32, #tpu.memory_space<vmem_shared>>
      tpu.enqueue_dma source(%arg12 : memref<128x128xf32, #tpu.memory_space<vmem>>) target(%dma_start3A_37 : memref<128x128xf32, #tpu.memory_space<vmem_shared>>) target_semaphore(%run_scoped3A : memref<!tpu.dma_semaphore, #tpu.memory_space<semaphore_mem>>)
      %dma_wait3A = arith.constant 0 : i32
      %dma_wait3A_38 = tpu.memref_slice %arg16[%add3A_25, %dma_wait3A] : memref<10240x128xf32, #tpu.memory_space<vmem_shared>> -> memref<128x128xf32, #tpu.memory_space<vmem_shared>>
      %dma_wait3A_39 = arith.constant 0 : i32
      %dma_wait3A_40 = tpu.memref_slice %arg16[%add3A_25, %dma_wait3A_39] : memref<10240x128xf32, #tpu.memory_space<vmem_shared>> -> memref<128x128xf32, #tpu.memory_space<vmem_shared>>
      tpu.wait_dma2 semaphore(%run_scoped3A : memref<!tpu.dma_semaphore, #tpu.memory_space<semaphore_mem>>) src(%arg12 : memref<128x128xf32, #tpu.memory_space<vmem>>) dst(%dma_wait3A_40 : memref<128x128xf32, #tpu.memory_space<vmem_shared>>)
      tpu.yield
    }) : () -> ()
    %barrier3A = arith.constant 0 : index
    tpu.barrier barrier_id(%barrier3A)
    %scan3A_26 = arith.constant 0 : i32
    %scan3A_27 = arith.constant 0 : i32
    %scan3A_28 = arith.constant 10 : i32
    %scan3A_29 = arith.addi %scan3A_27, %scan3A_28 : i32
    %scan3A_30 = arith.constant 1 : i32
    scf.for %scan3A_35 = %scan3A_27 to %scan3A_29 step %scan3A_30  : i32 {
      %mul3A_36 = arith.constant 80 : i32
      %mul3A_37 = arith.muli %add3A, %mul3A_36 : i32
      %mul3A_38 = arith.constant 8 : i32
      %mul3A_39 = arith.muli %scan3A_35, %mul3A_38 : i32
      %add3A_40 = arith.addi %mul3A_37, %mul3A_39 : i32
      "tpu.region"() ({
        %run_scoped3A = tpu.sem_alloc : memref<!tpu.dma_semaphore, #tpu.memory_space<semaphore_mem>>
        %dma_start3A = arith.constant 0 : i32
        %dma_start3A_52 = tpu.memref_slice %arg4[%add3A_40, %dma_start3A] : memref<2560x128xi32, #tpu.memory_space<hbm>> -> memref<8x128xi32, #tpu.memory_space<hbm>>
        %dma_start3A_53 = arith.constant 0 : i32
        %dma_start3A_54 = tpu.memref_slice %arg4[%add3A_40, %dma_start3A_53] : memref<2560x128xi32, #tpu.memory_space<hbm>> -> memref<8x128xi32, #tpu.memory_space<hbm>>
        tpu.enqueue_dma source(%dma_start3A_54 : memref<8x128xi32, #tpu.memory_space<hbm>>) target(%arg9 : memref<8x128xi32, #tpu.memory_space<vmem>>) target_semaphore(%run_scoped3A : memref<!tpu.dma_semaphore, #tpu.memory_space<semaphore_mem>>)
        %dma_wait3A = arith.constant 0 : i32
        %dma_wait3A_55 = tpu.memref_slice %arg4[%add3A_40, %dma_wait3A] : memref<2560x128xi32, #tpu.memory_space<hbm>> -> memref<8x128xi32, #tpu.memory_space<hbm>>
        %dma_wait3A_56 = arith.constant 0 : i32
        %dma_wait3A_57 = tpu.memref_slice %arg4[%add3A_40, %dma_wait3A_56] : memref<2560x128xi32, #tpu.memory_space<hbm>> -> memref<8x128xi32, #tpu.memory_space<hbm>>
        tpu.wait_dma2 semaphore(%run_scoped3A : memref<!tpu.dma_semaphore, #tpu.memory_space<semaphore_mem>>) src(%dma_wait3A_57 : memref<8x128xi32, #tpu.memory_space<hbm>>) dst(%arg9 : memref<8x128xi32, #tpu.memory_space<vmem>>)
        tpu.yield
      }) : () -> ()
      %mul3A_41 = arith.constant 80 : i32
      %mul3A_42 = arith.muli %add3A, %mul3A_41 : i32
      %mul3A_43 = arith.constant 8 : i32
      %mul3A_44 = arith.muli %scan3A_35, %mul3A_43 : i32
      %add3A_45 = arith.addi %mul3A_42, %mul3A_44 : i32
      "tpu.region"() ({
        %run_scoped3A = tpu.sem_alloc : memref<!tpu.dma_semaphore, #tpu.memory_space<semaphore_mem>>
        %dma_start3A = arith.constant 0 : i32
        %dma_start3A_52 = tpu.memref_slice %arg5[%add3A_45, %dma_start3A] : memref<2560x128xi32, #tpu.memory_space<hbm>> -> memref<8x128xi32, #tpu.memory_space<hbm>>
        %dma_start3A_53 = arith.constant 0 : i32
        %dma_start3A_54 = tpu.memref_slice %arg5[%add3A_45, %dma_start3A_53] : memref<2560x128xi32, #tpu.memory_space<hbm>> -> memref<8x128xi32, #tpu.memory_space<hbm>>
        tpu.enqueue_dma source(%dma_start3A_54 : memref<8x128xi32, #tpu.memory_space<hbm>>) target(%arg10 : memref<8x128xi32, #tpu.memory_space<vmem>>) target_semaphore(%run_scoped3A : memref<!tpu.dma_semaphore, #tpu.memory_space<semaphore_mem>>)
        %dma_wait3A = arith.constant 0 : i32
        %dma_wait3A_55 = tpu.memref_slice %arg5[%add3A_45, %dma_wait3A] : memref<2560x128xi32, #tpu.memory_space<hbm>> -> memref<8x128xi32, #tpu.memory_space<hbm>>
        %dma_wait3A_56 = arith.constant 0 : i32
        %dma_wait3A_57 = tpu.memref_slice %arg5[%add3A_45, %dma_wait3A_56] : memref<2560x128xi32, #tpu.memory_space<hbm>> -> memref<8x128xi32, #tpu.memory_space<hbm>>
        tpu.wait_dma2 semaphore(%run_scoped3A : memref<!tpu.dma_semaphore, #tpu.memory_space<semaphore_mem>>) src(%dma_wait3A_57 : memref<8x128xi32, #tpu.memory_space<hbm>>) dst(%arg10 : memref<8x128xi32, #tpu.memory_space<vmem>>)
        tpu.yield
      }) : () -> ()
      %scan3A_46 = arith.constant 0 : i32
      %scan3A_47 = arith.constant 0 : i32
      %scan3A_48 = arith.constant 8 : i32
      %scan3A_49 = arith.addi %scan3A_47, %scan3A_48 : i32
      %scan3A_50 = arith.constant 1 : i32
      scf.for %scan3A_52 = %scan3A_47 to %scan3A_49 step %scan3A_50  : i32 {
        %mul3A_53 = arith.constant 8 : i32
        %mul3A_54 = arith.muli %scan3A_35, %mul3A_53 : i32
        %add3A_55 = arith.addi %mul3A_54, %scan3A_52 : i32
        %mul3A_56 = arith.constant 10240 : i32
        %mul3A_57 = arith.muli %add3A, %mul3A_56 : i32
        %mul3A_58 = arith.constant 128 : i32
        %mul3A_59 = arith.muli %add3A_55, %mul3A_58 : i32
        %add3A_60 = arith.addi %mul3A_57, %mul3A_59 : i32
        %get3A = arith.index_cast %scan3A_52 : i32 to index
        %get3A_61 = arith.constant 0 : index
        %get3A_62 = tpu.vector_load %arg10[%get3A, %get3A_61] {strides = array<i32>} : memref<8x128xi32, #tpu.memory_space<vmem>>, vector<1x16xi32>,
        %get3A_63 = vector.shape_cast %get3A_62 : vector<1x16xi32> to vector<16xi32>
        %swap3A = arith.constant 0 : index
        %swap3A_64 = tpu.vector_load %arg11[%swap3A] {strides = array<i32>} : memref<128xi32, #tpu.memory_space<vmem>>, vector<16xi32>,
        %swap3A_65 = vector.shape_cast %swap3A_64 : vector<16xi32> to vector<16xi32>
        %swap3A_66 = vector.shape_cast %get3A_63 : vector<16xi32> to vector<16xi32>
        tpu.vector_store %arg11[%swap3A], %swap3A_66 {strides = array<i32>} : memref<128xi32, #tpu.memory_space<vmem>>, vector<16xi32>,
        %get3A_67 = arith.index_cast %scan3A_52 : i32 to index
        %get3A_68 = arith.constant 16 : index
        %get3A_69 = tpu.vector_load %arg10[%get3A_67, %get3A_68] {strides = array<i32>} : memref<8x128xi32, #tpu.memory_space<vmem>>, vector<1x16xi32>,
        %get3A_70 = vector.shape_cast %get3A_69 : vector<1x16xi32> to vector<16xi32>
        %swap3A_71 = arith.constant 16 : index
        %swap3A_72 = tpu.vector_load %arg11[%swap3A_71] {strides = array<i32>} : memref<128xi32, #tpu.memory_space<vmem>>, vector<16xi32>,
        %swap3A_73 = vector.shape_cast %swap3A_72 : vector<16xi32> to vector<16xi32>
        %swap3A_74 = vector.shape_cast %get3A_70 : vector<16xi32> to vector<16xi32>
        tpu.vector_store %arg11[%swap3A_71], %swap3A_74 {strides = array<i32>} : memref<128xi32, #tpu.memory_space<vmem>>, vector<16xi32>,
        %get3A_75 = arith.index_cast %scan3A_52 : i32 to index
        %get3A_76 = arith.constant 32 : index
        %get3A_77 = tpu.vector_load %arg10[%get3A_75, %get3A_76] {strides = array<i32>} : memref<8x128xi32, #tpu.memory_space<vmem>>, vector<1x16xi32>,
        %get3A_78 = vector.shape_cast %get3A_77 : vector<1x16xi32> to vector<16xi32>
        %swap3A_79 = arith.constant 32 : index
        %swap3A_80 = tpu.vector_load %arg11[%swap3A_79] {strides = array<i32>} : memref<128xi32, #tpu.memory_space<vmem>>, vector<16xi32>,
        %swap3A_81 = vector.shape_cast %swap3A_80 : vector<16xi32> to vector<16xi32>
        %swap3A_82 = vector.shape_cast %get3A_78 : vector<16xi32> to vector<16xi32>
        tpu.vector_store %arg11[%swap3A_79], %swap3A_82 {strides = array<i32>} : memref<128xi32, #tpu.memory_space<vmem>>, vector<16xi32>,
        %get3A_83 = arith.index_cast %scan3A_52 : i32 to index
        %get3A_84 = arith.constant 48 : index
        %get3A_85 = tpu.vector_load %arg10[%get3A_83, %get3A_84] {strides = array<i32>} : memref<8x128xi32, #tpu.memory_space<vmem>>, vector<1x16xi32>,
        %get3A_86 = vector.shape_cast %get3A_85 : vector<1x16xi32> to vector<16xi32>
        %swap3A_87 = arith.constant 48 : index
        %swap3A_88 = tpu.vector_load %arg11[%swap3A_87] {strides = array<i32>} : memref<128xi32, #tpu.memory_space<vmem>>, vector<16xi32>,
        %swap3A_89 = vector.shape_cast %swap3A_88 : vector<16xi32> to vector<16xi32>
        %swap3A_90 = vector.shape_cast %get3A_86 : vector<16xi32> to vector<16xi32>
        tpu.vector_store %arg11[%swap3A_87], %swap3A_90 {strides = array<i32>} : memref<128xi32, #tpu.memory_space<vmem>>, vector<16xi32>,
        %get3A_91 = arith.index_cast %scan3A_52 : i32 to index
        %get3A_92 = arith.constant 64 : index
        %get3A_93 = tpu.vector_load %arg10[%get3A_91, %get3A_92] {strides = array<i32>} : memref<8x128xi32, #tpu.memory_space<vmem>>, vector<1x16xi32>,
        %get3A_94 = vector.shape_cast %get3A_93 : vector<1x16xi32> to vector<16xi32>
        %swap3A_95 = arith.constant 64 : index
        %swap3A_96 = tpu.vector_load %arg11[%swap3A_95] {strides = array<i32>} : memref<128xi32, #tpu.memory_space<vmem>>, vector<16xi32>,
        %swap3A_97 = vector.shape_cast %swap3A_96 : vector<16xi32> to vector<16xi32>
        %swap3A_98 = vector.shape_cast %get3A_94 : vector<16xi32> to vector<16xi32>
        tpu.vector_store %arg11[%swap3A_95], %swap3A_98 {strides = array<i32>} : memref<128xi32, #tpu.memory_space<vmem>>, vector<16xi32>,
        %get3A_99 = arith.index_cast %scan3A_52 : i32 to index
        %get3A_100 = arith.constant 80 : index
        %get3A_101 = tpu.vector_load %arg10[%get3A_99, %get3A_100] {strides = array<i32>} : memref<8x128xi32, #tpu.memory_space<vmem>>, vector<1x16xi32>,
        %get3A_102 = vector.shape_cast %get3A_101 : vector<1x16xi32> to vector<16xi32>
        %swap3A_103 = arith.constant 80 : index
        %swap3A_104 = tpu.vector_load %arg11[%swap3A_103] {strides = array<i32>} : memref<128xi32, #tpu.memory_space<vmem>>, vector<16xi32>,
        %swap3A_105 = vector.shape_cast %swap3A_104 : vector<16xi32> to vector<16xi32>
        %swap3A_106 = vector.shape_cast %get3A_102 : vector<16xi32> to vector<16xi32>
        tpu.vector_store %arg11[%swap3A_103], %swap3A_106 {strides = array<i32>} : memref<128xi32, #tpu.memory_space<vmem>>, vector<16xi32>,
        %get3A_107 = arith.index_cast %scan3A_52 : i32 to index
        %get3A_108 = arith.constant 96 : index
        %get3A_109 = tpu.vector_load %arg10[%get3A_107, %get3A_108] {strides = array<i32>} : memref<8x128xi32, #tpu.memory_space<vmem>>, vector<1x16xi32>,
        %get3A_110 = vector.shape_cast %get3A_109 : vector<1x16xi32> to vector<16xi32>
        %swap3A_111 = arith.constant 96 : index
        %swap3A_112 = tpu.vector_load %arg11[%swap3A_111] {strides = array<i32>} : memref<128xi32, #tpu.memory_space<vmem>>, vector<16xi32>,
        %swap3A_113 = vector.shape_cast %swap3A_112 : vector<16xi32> to vector<16xi32>
        %swap3A_114 = vector.shape_cast %get3A_110 : vector<16xi32> to vector<16xi32>
        tpu.vector_store %arg11[%swap3A_111], %swap3A_114 {strides = array<i32>} : memref<128xi32, #tpu.memory_space<vmem>>, vector<16xi32>,
        %get3A_115 = arith.index_cast %scan3A_52 : i32 to index
        %get3A_116 = arith.constant 112 : index
        %get3A_117 = tpu.vector_load %arg10[%get3A_115, %get3A_116] {strides = array<i32>} : memref<8x128xi32, #tpu.memory_space<vmem>>, vector<1x16xi32>,
        %get3A_118 = vector.shape_cast %get3A_117 : vector<1x16xi32> to vector<16xi32>
        %swap3A_119 = arith.constant 112 : index
        %swap3A_120 = tpu.vector_load %arg11[%swap3A_119] {strides = array<i32>} : memref<128xi32, #tpu.memory_space<vmem>>, vector<16xi32>,
        %swap3A_121 = vector.shape_cast %swap3A_120 : vector<16xi32> to vector<16xi32>
        %swap3A_122 = vector.shape_cast %get3A_118 : vector<16xi32> to vector<16xi32>
        tpu.vector_store %arg11[%swap3A_119], %swap3A_122 {strides = array<i32>} : memref<128xi32, #tpu.memory_space<vmem>>, vector<16xi32>,
        %dma_start3A = arith.constant 0 : i32
        %dma_start3A_123 = tpu.memref_slice %arg9[%scan3A_52, %dma_start3A] : memref<8x128xi32, #tpu.memory_space<vmem>> -> memref<1x128xi32, #tpu.memory_space<vmem>>
        %dma_start3A_124 = tpu.memref_squeeze %dma_start3A_123 : memref<1x128xi32, #tpu.memory_space<vmem>> -> memref<128xi32, #tpu.memory_space<vmem>>
        %dma_start3A_125 = arith.constant 0 : i32
        %dma_start3A_126 = arith.constant 0 : i32
        %dma_start3A_127 = tpu.memref_slice %arg2[%dma_start3A_125, %dma_start3A_126] : memref<10240x128xf32, #tpu.memory_space<hbm>> -> memref<10240x128xf32, #tpu.memory_space<hbm>>
        tpu.enqueue_indirect_dma source(%dma_start3A_127 : memref<10240x128xf32, #tpu.memory_space<hbm>>) target(%arg12 : memref<128x128xf32, #tpu.memory_space<vmem>>) offsets(%dma_start3A_124 : memref<128xi32, #tpu.memory_space<vmem>>) semaphore(%arg14 : memref<!tpu.dma_semaphore, #tpu.memory_space<semaphore_mem>>)
        %dma_start3A_128 = arith.constant 0 : i32
        %dma_start3A_129 = tpu.memref_slice %arg3[%add3A_60, %dma_start3A_128] : memref<327680x128xf32, #tpu.memory_space<hbm>> -> memref<128x128xf32, #tpu.memory_space<hbm>>
        %dma_start3A_130 = arith.constant 0 : i32
        %dma_start3A_131 = tpu.memref_slice %arg3[%add3A_60, %dma_start3A_130] : memref<327680x128xf32, #tpu.memory_space<hbm>> -> memref<128x128xf32, #tpu.memory_space<hbm>>
        tpu.enqueue_dma source(%dma_start3A_131 : memref<128x128xf32, #tpu.memory_space<hbm>>) target(%arg13 : memref<128x128xf32, #tpu.memory_space<vmem>>) target_semaphore(%arg15 : memref<!tpu.dma_semaphore, #tpu.memory_space<semaphore_mem>>)
        %dma_wait3A = arith.constant 0 : i32
        %dma_wait3A_132 = tpu.memref_slice %arg9[%scan3A_52, %dma_wait3A] : memref<8x128xi32, #tpu.memory_space<vmem>> -> memref<1x128xi32, #tpu.memory_space<vmem>>
        %dma_wait3A_133 = tpu.memref_squeeze %dma_wait3A_132 : memref<1x128xi32, #tpu.memory_space<vmem>> -> memref<128xi32, #tpu.memory_space<vmem>>
        %dma_wait3A_134 = arith.constant 0 : i32
        %dma_wait3A_135 = arith.constant 0 : i32
        %dma_wait3A_136 = tpu.memref_slice %arg2[%dma_wait3A_134, %dma_wait3A_135] : memref<10240x128xf32, #tpu.memory_space<hbm>> -> memref<10240x128xf32, #tpu.memory_space<hbm>>
        tpu.wait_indirect_dma semaphore(%arg14 : memref<!tpu.dma_semaphore, #tpu.memory_space<semaphore_mem>>) src(%dma_wait3A_136 : memref<10240x128xf32, #tpu.memory_space<hbm>>) dst(%arg12 : memref<128x128xf32, #tpu.memory_space<vmem>>)
        %dma_wait3A_137 = arith.constant 0 : i32
        %dma_wait3A_138 = tpu.memref_slice %arg3[%add3A_60, %dma_wait3A_137] : memref<327680x128xf32, #tpu.memory_space<hbm>> -> memref<128x128xf32, #tpu.memory_space<hbm>>
        %dma_wait3A_139 = arith.constant 0 : i32
        %dma_wait3A_140 = tpu.memref_slice %arg3[%add3A_60, %dma_wait3A_139] : memref<327680x128xf32, #tpu.memory_space<hbm>> -> memref<128x128xf32, #tpu.memory_space<hbm>>
        tpu.wait_dma2 semaphore(%arg15 : memref<!tpu.dma_semaphore, #tpu.memory_space<semaphore_mem>>) src(%dma_wait3A_140 : memref<128x128xf32, #tpu.memory_space<hbm>>) dst(%arg13 : memref<128x128xf32, #tpu.memory_space<vmem>>)
        %scan3A_141 = arith.constant 0 : i32
        %scan3A_142 = arith.constant 0 : i32
        %scan3A_143 = arith.constant 128 : i32
        %scan3A_144 = arith.addi %scan3A_142, %scan3A_143 : i32
        %scan3A_145 = arith.constant 1 : i32
        scf.for %scan3A_167 = %scan3A_142 to %scan3A_144 step %scan3A_145  : i32 {
          %get3A_168 = arith.index_cast %scan3A_167 : i32 to index
          %get3A_169 = arith.constant 0 : index
          %get3A_170 = tpu.vector_load %arg12[%get3A_168, %get3A_169] {strides = array<i32>} : memref<128x128xf32, #tpu.memory_space<vmem>>, vector<1x16xf32>,
          %get3A_171 = vector.shape_cast %get3A_170 : vector<1x16xf32> to vector<16xf32>
          %get3A_172 = arith.index_cast %scan3A_167 : i32 to index
          %get3A_173 = arith.constant 0 : index
          %get3A_174 = tpu.vector_load %arg13[%get3A_172, %get3A_173] {strides = array<i32>} : memref<128x128xf32, #tpu.memory_space<vmem>>, vector<1x16xf32>,
          %get3A_175 = vector.shape_cast %get3A_174 : vector<1x16xf32> to vector<16xf32>
          %add3A_176 = arith.addf %get3A_171, %get3A_175 : vector<16xf32>
          %max3A = arith.constant 0.000000e+00 : f32
          %max3A_177 = vector.broadcast %max3A : f32 to vector<16xf32>
          %max3A_178 = arith.maximumf %add3A_176, %max3A_177 : vector<16xf32>
          %swap3A_179 = arith.index_cast %scan3A_167 : i32 to index
          %swap3A_180 = arith.constant 0 : index
          %swap3A_181 = tpu.vector_load %arg12[%swap3A_179, %swap3A_180] {strides = array<i32>} : memref<128x128xf32, #tpu.memory_space<vmem>>, vector<1x16xf32>,
          %swap3A_182 = vector.shape_cast %swap3A_181 : vector<1x16xf32> to vector<16xf32>
          %swap3A_183 = vector.shape_cast %max3A_178 : vector<16xf32> to vector<1x16xf32>
          tpu.vector_store %arg12[%swap3A_179, %swap3A_180], %swap3A_183 {strides = array<i32>} : memref<128x128xf32, #tpu.memory_space<vmem>>, vector<1x16xf32>,
          %get3A_184 = arith.index_cast %scan3A_167 : i32 to index
          %get3A_185 = arith.constant 16 : index
          %get3A_186 = tpu.vector_load %arg12[%get3A_184, %get3A_185] {strides = array<i32>} : memref<128x128xf32, #tpu.memory_space<vmem>>, vector<1x16xf32>,
          %get3A_187 = vector.shape_cast %get3A_186 : vector<1x16xf32> to vector<16xf32>
          %get3A_188 = arith.index_cast %scan3A_167 : i32 to index
          %get3A_189 = arith.constant 16 : index
          %get3A_190 = tpu.vector_load %arg13[%get3A_188, %get3A_189] {strides = array<i32>} : memref<128x128xf32, #tpu.memory_space<vmem>>, vector<1x16xf32>,
          %get3A_191 = vector.shape_cast %get3A_190 : vector<1x16xf32> to vector<16xf32>
          %add3A_192 = arith.addf %get3A_187, %get3A_191 : vector<16xf32>
          %max3A_193 = arith.constant 0.000000e+00 : f32
          %max3A_194 = vector.broadcast %max3A_193 : f32 to vector<16xf32>
          %max3A_195 = arith.maximumf %add3A_192, %max3A_194 : vector<16xf32>
          %swap3A_196 = arith.index_cast %scan3A_167 : i32 to index
          %swap3A_197 = arith.constant 16 : index
          %swap3A_198 = tpu.vector_load %arg12[%swap3A_196, %swap3A_197] {strides = array<i32>} : memref<128x128xf32, #tpu.memory_space<vmem>>, vector<1x16xf32>,
          %swap3A_199 = vector.shape_cast %swap3A_198 : vector<1x16xf32> to vector<16xf32>
          %swap3A_200 = vector.shape_cast %max3A_195 : vector<16xf32> to vector<1x16xf32>
          tpu.vector_store %arg12[%swap3A_196, %swap3A_197], %swap3A_200 {strides = array<i32>} : memref<128x128xf32, #tpu.memory_space<vmem>>, vector<1x16xf32>,
          %get3A_201 = arith.index_cast %scan3A_167 : i32 to index
          %get3A_202 = arith.constant 32 : index
          %get3A_203 = tpu.vector_load %arg12[%get3A_201, %get3A_202] {strides = array<i32>} : memref<128x128xf32, #tpu.memory_space<vmem>>, vector<1x16xf32>,
          %get3A_204 = vector.shape_cast %get3A_203 : vector<1x16xf32> to vector<16xf32>
          %get3A_205 = arith.index_cast %scan3A_167 : i32 to index
          %get3A_206 = arith.constant 32 : index
          %get3A_207 = tpu.vector_load %arg13[%get3A_205, %get3A_206] {strides = array<i32>} : memref<128x128xf32, #tpu.memory_space<vmem>>, vector<1x16xf32>,
          %get3A_208 = vector.shape_cast %get3A_207 : vector<1x16xf32> to vector<16xf32>
          %add3A_209 = arith.addf %get3A_204, %get3A_208 : vector<16xf32>
          %max3A_210 = arith.constant 0.000000e+00 : f32
          %max3A_211 = vector.broadcast %max3A_210 : f32 to vector<16xf32>
          %max3A_212 = arith.maximumf %add3A_209, %max3A_211 : vector<16xf32>
          %swap3A_213 = arith.index_cast %scan3A_167 : i32 to index
          %swap3A_214 = arith.constant 32 : index
          %swap3A_215 = tpu.vector_load %arg12[%swap3A_213, %swap3A_214] {strides = array<i32>} : memref<128x128xf32, #tpu.memory_space<vmem>>, vector<1x16xf32>,
          %swap3A_216 = vector.shape_cast %swap3A_215 : vector<1x16xf32> to vector<16xf32>
          %swap3A_217 = vector.shape_cast %max3A_212 : vector<16xf32> to vector<1x16xf32>
          tpu.vector_store %arg12[%swap3A_213, %swap3A_214], %swap3A_217 {strides = array<i32>} : memref<128x128xf32, #tpu.memory_space<vmem>>, vector<1x16xf32>,
          %get3A_218 = arith.index_cast %scan3A_167 : i32 to index
          %get3A_219 = arith.constant 48 : index
          %get3A_220 = tpu.vector_load %arg12[%get3A_218, %get3A_219] {strides = array<i32>} : memref<128x128xf32, #tpu.memory_space<vmem>>, vector<1x16xf32>,
          %get3A_221 = vector.shape_cast %get3A_220 : vector<1x16xf32> to vector<16xf32>
          %get3A_222 = arith.index_cast %scan3A_167 : i32 to index
          %get3A_223 = arith.constant 48 : index
          %get3A_224 = tpu.vector_load %arg13[%get3A_222, %get3A_223] {strides = array<i32>} : memref<128x128xf32, #tpu.memory_space<vmem>>, vector<1x16xf32>,
          %get3A_225 = vector.shape_cast %get3A_224 : vector<1x16xf32> to vector<16xf32>
          %add3A_226 = arith.addf %get3A_221, %get3A_225 : vector<16xf32>
          %max3A_227 = arith.constant 0.000000e+00 : f32
          %max3A_228 = vector.broadcast %max3A_227 : f32 to vector<16xf32>
          %max3A_229 = arith.maximumf %add3A_226, %max3A_228 : vector<16xf32>
          %swap3A_230 = arith.index_cast %scan3A_167 : i32 to index
          %swap3A_231 = arith.constant 48 : index
          %swap3A_232 = tpu.vector_load %arg12[%swap3A_230, %swap3A_231] {strides = array<i32>} : memref<128x128xf32, #tpu.memory_space<vmem>>, vector<1x16xf32>,
          %swap3A_233 = vector.shape_cast %swap3A_232 : vector<1x16xf32> to vector<16xf32>
          %swap3A_234 = vector.shape_cast %max3A_229 : vector<16xf32> to vector<1x16xf32>
          tpu.vector_store %arg12[%swap3A_230, %swap3A_231], %swap3A_234 {strides = array<i32>} : memref<128x128xf32, #tpu.memory_space<vmem>>, vector<1x16xf32>,
          %get3A_235 = arith.index_cast %scan3A_167 : i32 to index
          %get3A_236 = arith.constant 64 : index
          %get3A_237 = tpu.vector_load %arg12[%get3A_235, %get3A_236] {strides = array<i32>} : memref<128x128xf32, #tpu.memory_space<vmem>>, vector<1x16xf32>,
          %get3A_238 = vector.shape_cast %get3A_237 : vector<1x16xf32> to vector<16xf32>
          %get3A_239 = arith.index_cast %scan3A_167 : i32 to index
          %get3A_240 = arith.constant 64 : index
          %get3A_241 = tpu.vector_load %arg13[%get3A_239, %get3A_240] {strides = array<i32>} : memref<128x128xf32, #tpu.memory_space<vmem>>, vector<1x16xf32>,
          %get3A_242 = vector.shape_cast %get3A_241 : vector<1x16xf32> to vector<16xf32>
          %add3A_243 = arith.addf %get3A_238, %get3A_242 : vector<16xf32>
          %max3A_244 = arith.constant 0.000000e+00 : f32
          %max3A_245 = vector.broadcast %max3A_244 : f32 to vector<16xf32>
          %max3A_246 = arith.maximumf %add3A_243, %max3A_245 : vector<16xf32>
          %swap3A_247 = arith.index_cast %scan3A_167 : i32 to index
          %swap3A_248 = arith.constant 64 : index
          %swap3A_249 = tpu.vector_load %arg12[%swap3A_247, %swap3A_248] {strides = array<i32>} : memref<128x128xf32, #tpu.memory_space<vmem>>, vector<1x16xf32>,
          %swap3A_250 = vector.shape_cast %swap3A_249 : vector<1x16xf32> to vector<16xf32>
          %swap3A_251 = vector.shape_cast %max3A_246 : vector<16xf32> to vector<1x16xf32>
          tpu.vector_store %arg12[%swap3A_247, %swap3A_248], %swap3A_251 {strides = array<i32>} : memref<128x128xf32, #tpu.memory_space<vmem>>, vector<1x16xf32>,
          %get3A_252 = arith.index_cast %scan3A_167 : i32 to index
          %get3A_253 = arith.constant 80 : index
          %get3A_254 = tpu.vector_load %arg12[%get3A_252, %get3A_253] {strides = array<i32>} : memref<128x128xf32, #tpu.memory_space<vmem>>, vector<1x16xf32>,
          %get3A_255 = vector.shape_cast %get3A_254 : vector<1x16xf32> to vector<16xf32>
          %get3A_256 = arith.index_cast %scan3A_167 : i32 to index
          %get3A_257 = arith.constant 80 : index
          %get3A_258 = tpu.vector_load %arg13[%get3A_256, %get3A_257] {strides = array<i32>} : memref<128x128xf32, #tpu.memory_space<vmem>>, vector<1x16xf32>,
          %get3A_259 = vector.shape_cast %get3A_258 : vector<1x16xf32> to vector<16xf32>
          %add3A_260 = arith.addf %get3A_255, %get3A_259 : vector<16xf32>
          %max3A_261 = arith.constant 0.000000e+00 : f32
          %max3A_262 = vector.broadcast %max3A_261 : f32 to vector<16xf32>
          %max3A_263 = arith.maximumf %add3A_260, %max3A_262 : vector<16xf32>
          %swap3A_264 = arith.index_cast %scan3A_167 : i32 to index
          %swap3A_265 = arith.constant 80 : index
          %swap3A_266 = tpu.vector_load %arg12[%swap3A_264, %swap3A_265] {strides = array<i32>} : memref<128x128xf32, #tpu.memory_space<vmem>>, vector<1x16xf32>,
          %swap3A_267 = vector.shape_cast %swap3A_266 : vector<1x16xf32> to vector<16xf32>
          %swap3A_268 = vector.shape_cast %max3A_263 : vector<16xf32> to vector<1x16xf32>
          tpu.vector_store %arg12[%swap3A_264, %swap3A_265], %swap3A_268 {strides = array<i32>} : memref<128x128xf32, #tpu.memory_space<vmem>>, vector<1x16xf32>,
          %get3A_269 = arith.index_cast %scan3A_167 : i32 to index
          %get3A_270 = arith.constant 96 : index
          %get3A_271 = tpu.vector_load %arg12[%get3A_269, %get3A_270] {strides = array<i32>} : memref<128x128xf32, #tpu.memory_space<vmem>>, vector<1x16xf32>,
          %get3A_272 = vector.shape_cast %get3A_271 : vector<1x16xf32> to vector<16xf32>
          %get3A_273 = arith.index_cast %scan3A_167 : i32 to index
          %get3A_274 = arith.constant 96 : index
          %get3A_275 = tpu.vector_load %arg13[%get3A_273, %get3A_274] {strides = array<i32>} : memref<128x128xf32, #tpu.memory_space<vmem>>, vector<1x16xf32>,
          %get3A_276 = vector.shape_cast %get3A_275 : vector<1x16xf32> to vector<16xf32>
          %add3A_277 = arith.addf %get3A_272, %get3A_276 : vector<16xf32>
          %max3A_278 = arith.constant 0.000000e+00 : f32
          %max3A_279 = vector.broadcast %max3A_278 : f32 to vector<16xf32>
          %max3A_280 = arith.maximumf %add3A_277, %max3A_279 : vector<16xf32>
          %swap3A_281 = arith.index_cast %scan3A_167 : i32 to index
          %swap3A_282 = arith.constant 96 : index
          %swap3A_283 = tpu.vector_load %arg12[%swap3A_281, %swap3A_282] {strides = array<i32>} : memref<128x128xf32, #tpu.memory_space<vmem>>, vector<1x16xf32>,
          %swap3A_284 = vector.shape_cast %swap3A_283 : vector<1x16xf32> to vector<16xf32>
          %swap3A_285 = vector.shape_cast %max3A_280 : vector<16xf32> to vector<1x16xf32>
          tpu.vector_store %arg12[%swap3A_281, %swap3A_282], %swap3A_285 {strides = array<i32>} : memref<128x128xf32, #tpu.memory_space<vmem>>, vector<1x16xf32>,
          %get3A_286 = arith.index_cast %scan3A_167 : i32 to index
          %get3A_287 = arith.constant 112 : index
          %get3A_288 = tpu.vector_load %arg12[%get3A_286, %get3A_287] {strides = array<i32>} : memref<128x128xf32, #tpu.memory_space<vmem>>, vector<1x16xf32>,
          %get3A_289 = vector.shape_cast %get3A_288 : vector<1x16xf32> to vector<16xf32>
          %get3A_290 = arith.index_cast %scan3A_167 : i32 to index
          %get3A_291 = arith.constant 112 : index
          %get3A_292 = tpu.vector_load %arg13[%get3A_290, %get3A_291] {strides = array<i32>} : memref<128x128xf32, #tpu.memory_space<vmem>>, vector<1x16xf32>,
          %get3A_293 = vector.shape_cast %get3A_292 : vector<1x16xf32> to vector<16xf32>
          %add3A_294 = arith.addf %get3A_289, %get3A_293 : vector<16xf32>
          %max3A_295 = arith.constant 0.000000e+00 : f32
          %max3A_296 = vector.broadcast %max3A_295 : f32 to vector<16xf32>
          %max3A_297 = arith.maximumf %add3A_294, %max3A_296 : vector<16xf32>
          %swap3A_298 = arith.index_cast %scan3A_167 : i32 to index
          %swap3A_299 = arith.constant 112 : index
          %swap3A_300 = tpu.vector_load %arg12[%swap3A_298, %swap3A_299] {strides = array<i32>} : memref<128x128xf32, #tpu.memory_space<vmem>>, vector<1x16xf32>,
          %swap3A_301 = vector.shape_cast %swap3A_300 : vector<1x16xf32> to vector<16xf32>
          %swap3A_302 = vector.shape_cast %max3A_297 : vector<16xf32> to vector<1x16xf32>
          tpu.vector_store %arg12[%swap3A_298, %swap3A_299], %swap3A_302 {strides = array<i32>} : memref<128x128xf32, #tpu.memory_space<vmem>>, vector<1x16xf32>,
        }
        %scan3A_146 = arith.constant 128 : i32
        %dma_start3A_147 = arith.constant 0 : i32
        %dma_start3A_148 = tpu.memref_slice %arg6[%add3A_60, %dma_start3A_147] : memref<327680x128xf32, #tpu.memory_space<hbm>> -> memref<128x128xf32, #tpu.memory_space<hbm>>
        %dma_start3A_149 = arith.constant 0 : i32
        %dma_start3A_150 = tpu.memref_slice %arg6[%add3A_60, %dma_start3A_149] : memref<327680x128xf32, #tpu.memory_space<hbm>> -> memref<128x128xf32, #tpu.memory_space<hbm>>
        tpu.enqueue_dma source(%arg12 : memref<128x128xf32, #tpu.memory_space<vmem>>) target(%dma_start3A_150 : memref<128x128xf32, #tpu.memory_space<hbm>>) target_semaphore(%arg14 : memref<!tpu.dma_semaphore, #tpu.memory_space<semaphore_mem>>)
        %dma_start3A_151 = arith.constant 0 : i32
        %dma_start3A_152 = arith.constant 0 : i32
        %dma_start3A_153 = tpu.memref_slice %arg16[%dma_start3A_151, %dma_start3A_152] : memref<10240x128xf32, #tpu.memory_space<vmem_shared>> -> memref<10240x128xf32, #tpu.memory_space<vmem_shared>>
        tpu.enqueue_indirect_dma source(%arg12 : memref<128x128xf32, #tpu.memory_space<vmem>>) target(%dma_start3A_153 : memref<10240x128xf32, #tpu.memory_space<vmem_shared>>) offsets(%arg11 : memref<128xi32, #tpu.memory_space<vmem>>) semaphore(%arg15 : memref<!tpu.dma_semaphore, #tpu.memory_space<semaphore_mem>>) {add = true}
        %dma_wait3A_154 = arith.constant 0 : i32
        %dma_wait3A_155 = tpu.memref_slice %arg6[%add3A_60, %dma_wait3A_154] : memref<327680x128xf32, #tpu.memory_space<hbm>> -> memref<128x128xf32, #tpu.memory_space<hbm>>
        %dma_wait3A_156 = arith.constant 0 : i32
        %dma_wait3A_157 = tpu.memref_slice %arg6[%add3A_60, %dma_wait3A_156] : memref<327680x128xf32, #tpu.memory_space<hbm>> -> memref<128x128xf32, #tpu.memory_space<hbm>>
        tpu.wait_dma2 semaphore(%arg14 : memref<!tpu.dma_semaphore, #tpu.memory_space<semaphore_mem>>) src(%arg12 : memref<128x128xf32, #tpu.memory_space<vmem>>) dst(%dma_wait3A_157 : memref<128x128xf32, #tpu.memory_space<hbm>>)
        %dma_wait3A_158 = arith.constant 0 : i32
        %dma_wait3A_159 = arith.constant 0 : i32
        %dma_wait3A_160 = tpu.memref_slice %arg16[%dma_wait3A_158, %dma_wait3A_159] : memref<10240x128xf32, #tpu.memory_space<vmem_shared>> -> memref<10240x128xf32, #tpu.memory_space<vmem_shared>>
        tpu.wait_indirect_dma semaphore(%arg15 : memref<!tpu.dma_semaphore, #tpu.memory_space<semaphore_mem>>) src(%arg12 : memref<128x128xf32, #tpu.memory_space<vmem>>) dst(%dma_wait3A_160 : memref<10240x128xf32, #tpu.memory_space<vmem_shared>>)
        "tpu.region"() ({
          %run_scoped3A = tpu.sem_alloc : memref<!tpu.dma_semaphore, #tpu.memory_space<semaphore_mem>>
          %dma_start3A_167 = arith.constant 0 : i32
          %dma_start3A_168 = tpu.memref_slice %arg10[%scan3A_52, %dma_start3A_167] : memref<8x128xi32, #tpu.memory_space<vmem>> -> memref<1x128xi32, #tpu.memory_space<vmem>>
          %dma_start3A_169 = tpu.memref_squeeze %dma_start3A_168 : memref<1x128xi32, #tpu.memory_space<vmem>> -> memref<128xi32, #tpu.memory_space<vmem>>
          %dma_start3A_170 = arith.constant 0 : i32
          %dma_start3A_171 = arith.constant 0 : i32
          %dma_start3A_172 = tpu.memref_slice %arg2[%dma_start3A_170, %dma_start3A_171] : memref<10240x128xf32, #tpu.memory_space<hbm>> -> memref<10240x128xf32, #tpu.memory_space<hbm>>
          tpu.enqueue_indirect_dma source(%dma_start3A_172 : memref<10240x128xf32, #tpu.memory_space<hbm>>) target(%arg12 : memref<128x128xf32, #tpu.memory_space<vmem>>) offsets(%dma_start3A_169 : memref<128xi32, #tpu.memory_space<vmem>>) semaphore(%run_scoped3A : memref<!tpu.dma_semaphore, #tpu.memory_space<semaphore_mem>>)
          %dma_wait3A_173 = arith.constant 0 : i32
          %dma_wait3A_174 = tpu.memref_slice %arg10[%scan3A_52, %dma_wait3A_173] : memref<8x128xi32, #tpu.memory_space<vmem>> -> memref<1x128xi32, #tpu.memory_space<vmem>>
          %dma_wait3A_175 = tpu.memref_squeeze %dma_wait3A_174 : memref<1x128xi32, #tpu.memory_space<vmem>> -> memref<128xi32, #tpu.memory_space<vmem>>
          %dma_wait3A_176 = arith.constant 0 : i32
          %dma_wait3A_177 = arith.constant 0 : i32
          %dma_wait3A_178 = tpu.memref_slice %arg2[%dma_wait3A_176, %dma_wait3A_177] : memref<10240x128xf32, #tpu.memory_space<hbm>> -> memref<10240x128xf32, #tpu.memory_space<hbm>>
          tpu.wait_indirect_dma semaphore(%run_scoped3A : memref<!tpu.dma_semaphore, #tpu.memory_space<semaphore_mem>>) src(%dma_wait3A_178 : memref<10240x128xf32, #tpu.memory_space<hbm>>) dst(%arg12 : memref<128x128xf32, #tpu.memory_space<vmem>>)
          tpu.yield
        }) : () -> ()
        %scan3A_161 = arith.constant 0 : i32
        %scan3A_162 = arith.constant 0 : i32
        %scan3A_163 = arith.constant 128 : i32
        %scan3A_164 = arith.addi %scan3A_162, %scan3A_163 : i32
        %scan3A_165 = arith.constant 1 : i32
        scf.for %scan3A_167 = %scan3A_162 to %scan3A_164 step %scan3A_165  : i32 {
          %get3A_168 = arith.index_cast %scan3A_167 : i32 to index
          %get3A_169 = arith.constant 0 : index
          %get3A_170 = tpu.vector_load %arg12[%get3A_168, %get3A_169] {strides = array<i32>} : memref<128x128xf32, #tpu.memory_space<vmem>>, vector<1x16xf32>,
          %get3A_171 = vector.shape_cast %get3A_170 : vector<1x16xf32> to vector<16xf32>
          %get3A_172 = arith.index_cast %scan3A_167 : i32 to index
          %get3A_173 = arith.constant 0 : index
          %get3A_174 = tpu.vector_load %arg13[%get3A_172, %get3A_173] {strides = array<i32>} : memref<128x128xf32, #tpu.memory_space<vmem>>, vector<1x16xf32>,
          %get3A_175 = vector.shape_cast %get3A_174 : vector<1x16xf32> to vector<16xf32>
          %add3A_176 = arith.addf %get3A_171, %get3A_175 : vector<16xf32>
          %max3A = arith.constant 0.000000e+00 : f32
          %max3A_177 = vector.broadcast %max3A : f32 to vector<16xf32>
          %max3A_178 = arith.maximumf %add3A_176, %max3A_177 : vector<16xf32>
          %swap3A_179 = arith.index_cast %scan3A_167 : i32 to index
          %swap3A_180 = arith.constant 0 : index
          %swap3A_181 = tpu.vector_load %arg12[%swap3A_179, %swap3A_180] {strides = array<i32>} : memref<128x128xf32, #tpu.memory_space<vmem>>, vector<1x16xf32>,
          %swap3A_182 = vector.shape_cast %swap3A_181 : vector<1x16xf32> to vector<16xf32>
          %swap3A_183 = vector.shape_cast %max3A_178 : vector<16xf32> to vector<1x16xf32>
          tpu.vector_store %arg12[%swap3A_179, %swap3A_180], %swap3A_183 {strides = array<i32>} : memref<128x128xf32, #tpu.memory_space<vmem>>, vector<1x16xf32>,
          %get3A_184 = arith.index_cast %scan3A_167 : i32 to index
          %get3A_185 = arith.constant 16 : index
          %get3A_186 = tpu.vector_load %arg12[%get3A_184, %get3A_185] {strides = array<i32>} : memref<128x128xf32, #tpu.memory_space<vmem>>, vector<1x16xf32>,
          %get3A_187 = vector.shape_cast %get3A_186 : vector<1x16xf32> to vector<16xf32>
          %get3A_188 = arith.index_cast %scan3A_167 : i32 to index
          %get3A_189 = arith.constant 16 : index
          %get3A_190 = tpu.vector_load %arg13[%get3A_188, %get3A_189] {strides = array<i32>} : memref<128x128xf32, #tpu.memory_space<vmem>>, vector<1x16xf32>,
          %get3A_191 = vector.shape_cast %get3A_190 : vector<1x16xf32> to vector<16xf32>
          %add3A_192 = arith.addf %get3A_187, %get3A_191 : vector<16xf32>
          %max3A_193 = arith.constant 0.000000e+00 : f32
          %max3A_194 = vector.broadcast %max3A_193 : f32 to vector<16xf32>
          %max3A_195 = arith.maximumf %add3A_192, %max3A_194 : vector<16xf32>
          %swap3A_196 = arith.index_cast %scan3A_167 : i32 to index
          %swap3A_197 = arith.constant 16 : index
          %swap3A_198 = tpu.vector_load %arg12[%swap3A_196, %swap3A_197] {strides = array<i32>} : memref<128x128xf32, #tpu.memory_space<vmem>>, vector<1x16xf32>,
          %swap3A_199 = vector.shape_cast %swap3A_198 : vector<1x16xf32> to vector<16xf32>
          %swap3A_200 = vector.shape_cast %max3A_195 : vector<16xf32> to vector<1x16xf32>
          tpu.vector_store %arg12[%swap3A_196, %swap3A_197], %swap3A_200 {strides = array<i32>} : memref<128x128xf32, #tpu.memory_space<vmem>>, vector<1x16xf32>,
          %get3A_201 = arith.index_cast %scan3A_167 : i32 to index
          %get3A_202 = arith.constant 32 : index
          %get3A_203 = tpu.vector_load %arg12[%get3A_201, %get3A_202] {strides = array<i32>} : memref<128x128xf32, #tpu.memory_space<vmem>>, vector<1x16xf32>,
          %get3A_204 = vector.shape_cast %get3A_203 : vector<1x16xf32> to vector<16xf32>
          %get3A_205 = arith.index_cast %scan3A_167 : i32 to index
          %get3A_206 = arith.constant 32 : index
          %get3A_207 = tpu.vector_load %arg13[%get3A_205, %get3A_206] {strides = array<i32>} : memref<128x128xf32, #tpu.memory_space<vmem>>, vector<1x16xf32>,
          %get3A_208 = vector.shape_cast %get3A_207 : vector<1x16xf32> to vector<16xf32>
          %add3A_209 = arith.addf %get3A_204, %get3A_208 : vector<16xf32>
          %max3A_210 = arith.constant 0.000000e+00 : f32
          %max3A_211 = vector.broadcast %max3A_210 : f32 to vector<16xf32>
          %max3A_212 = arith.maximumf %add3A_209, %max3A_211 : vector<16xf32>
          %swap3A_213 = arith.index_cast %scan3A_167 : i32 to index
          %swap3A_214 = arith.constant 32 : index
          %swap3A_215 = tpu.vector_load %arg12[%swap3A_213, %swap3A_214] {strides = array<i32>} : memref<128x128xf32, #tpu.memory_space<vmem>>, vector<1x16xf32>,
          %swap3A_216 = vector.shape_cast %swap3A_215 : vector<1x16xf32> to vector<16xf32>
          %swap3A_217 = vector.shape_cast %max3A_212 : vector<16xf32> to vector<1x16xf32>
          tpu.vector_store %arg12[%swap3A_213, %swap3A_214], %swap3A_217 {strides = array<i32>} : memref<128x128xf32, #tpu.memory_space<vmem>>, vector<1x16xf32>,
          %get3A_218 = arith.index_cast %scan3A_167 : i32 to index
          %get3A_219 = arith.constant 48 : index
          %get3A_220 = tpu.vector_load %arg12[%get3A_218, %get3A_219] {strides = array<i32>} : memref<128x128xf32, #tpu.memory_space<vmem>>, vector<1x16xf32>,
          %get3A_221 = vector.shape_cast %get3A_220 : vector<1x16xf32> to vector<16xf32>
          %get3A_222 = arith.index_cast %scan3A_167 : i32 to index
          %get3A_223 = arith.constant 48 : index
          %get3A_224 = tpu.vector_load %arg13[%get3A_222, %get3A_223] {strides = array<i32>} : memref<128x128xf32, #tpu.memory_space<vmem>>, vector<1x16xf32>,
          %get3A_225 = vector.shape_cast %get3A_224 : vector<1x16xf32> to vector<16xf32>
          %add3A_226 = arith.addf %get3A_221, %get3A_225 : vector<16xf32>
          %max3A_227 = arith.constant 0.000000e+00 : f32
          %max3A_228 = vector.broadcast %max3A_227 : f32 to vector<16xf32>
          %max3A_229 = arith.maximumf %add3A_226, %max3A_228 : vector<16xf32>
          %swap3A_230 = arith.index_cast %scan3A_167 : i32 to index
          %swap3A_231 = arith.constant 48 : index
          %swap3A_232 = tpu.vector_load %arg12[%swap3A_230, %swap3A_231] {strides = array<i32>} : memref<128x128xf32, #tpu.memory_space<vmem>>, vector<1x16xf32>,
          %swap3A_233 = vector.shape_cast %swap3A_232 : vector<1x16xf32> to vector<16xf32>
          %swap3A_234 = vector.shape_cast %max3A_229 : vector<16xf32> to vector<1x16xf32>
          tpu.vector_store %arg12[%swap3A_230, %swap3A_231], %swap3A_234 {strides = array<i32>} : memref<128x128xf32, #tpu.memory_space<vmem>>, vector<1x16xf32>,
          %get3A_235 = arith.index_cast %scan3A_167 : i32 to index
          %get3A_236 = arith.constant 64 : index
          %get3A_237 = tpu.vector_load %arg12[%get3A_235, %get3A_236] {strides = array<i32>} : memref<128x128xf32, #tpu.memory_space<vmem>>, vector<1x16xf32>,
          %get3A_238 = vector.shape_cast %get3A_237 : vector<1x16xf32> to vector<16xf32>
          %get3A_239 = arith.index_cast %scan3A_167 : i32 to index
          %get3A_240 = arith.constant 64 : index
          %get3A_241 = tpu.vector_load %arg13[%get3A_239, %get3A_240] {strides = array<i32>} : memref<128x128xf32, #tpu.memory_space<vmem>>, vector<1x16xf32>,
          %get3A_242 = vector.shape_cast %get3A_241 : vector<1x16xf32> to vector<16xf32>
          %add3A_243 = arith.addf %get3A_238, %get3A_242 : vector<16xf32>
          %max3A_244 = arith.constant 0.000000e+00 : f32
          %max3A_245 = vector.broadcast %max3A_244 : f32 to vector<16xf32>
          %max3A_246 = arith.maximumf %add3A_243, %max3A_245 : vector<16xf32>
          %swap3A_247 = arith.index_cast %scan3A_167 : i32 to index
          %swap3A_248 = arith.constant 64 : index
          %swap3A_249 = tpu.vector_load %arg12[%swap3A_247, %swap3A_248] {strides = array<i32>} : memref<128x128xf32, #tpu.memory_space<vmem>>, vector<1x16xf32>,
          %swap3A_250 = vector.shape_cast %swap3A_249 : vector<1x16xf32> to vector<16xf32>
          %swap3A_251 = vector.shape_cast %max3A_246 : vector<16xf32> to vector<1x16xf32>
          tpu.vector_store %arg12[%swap3A_247, %swap3A_248], %swap3A_251 {strides = array<i32>} : memref<128x128xf32, #tpu.memory_space<vmem>>, vector<1x16xf32>,
          %get3A_252 = arith.index_cast %scan3A_167 : i32 to index
          %get3A_253 = arith.constant 80 : index
          %get3A_254 = tpu.vector_load %arg12[%get3A_252, %get3A_253] {strides = array<i32>} : memref<128x128xf32, #tpu.memory_space<vmem>>, vector<1x16xf32>,
          %get3A_255 = vector.shape_cast %get3A_254 : vector<1x16xf32> to vector<16xf32>
          %get3A_256 = arith.index_cast %scan3A_167 : i32 to index
          %get3A_257 = arith.constant 80 : index
          %get3A_258 = tpu.vector_load %arg13[%get3A_256, %get3A_257] {strides = array<i32>} : memref<128x128xf32, #tpu.memory_space<vmem>>, vector<1x16xf32>,
          %get3A_259 = vector.shape_cast %get3A_258 : vector<1x16xf32> to vector<16xf32>
          %add3A_260 = arith.addf %get3A_255, %get3A_259 : vector<16xf32>
          %max3A_261 = arith.constant 0.000000e+00 : f32
          %max3A_262 = vector.broadcast %max3A_261 : f32 to vector<16xf32>
          %max3A_263 = arith.maximumf %add3A_260, %max3A_262 : vector<16xf32>
          %swap3A_264 = arith.index_cast %scan3A_167 : i32 to index
          %swap3A_265 = arith.constant 80 : index
          %swap3A_266 = tpu.vector_load %arg12[%swap3A_264, %swap3A_265] {strides = array<i32>} : memref<128x128xf32, #tpu.memory_space<vmem>>, vector<1x16xf32>,
          %swap3A_267 = vector.shape_cast %swap3A_266 : vector<1x16xf32> to vector<16xf32>
          %swap3A_268 = vector.shape_cast %max3A_263 : vector<16xf32> to vector<1x16xf32>
          tpu.vector_store %arg12[%swap3A_264, %swap3A_265], %swap3A_268 {strides = array<i32>} : memref<128x128xf32, #tpu.memory_space<vmem>>, vector<1x16xf32>,
          %get3A_269 = arith.index_cast %scan3A_167 : i32 to index
          %get3A_270 = arith.constant 96 : index
          %get3A_271 = tpu.vector_load %arg12[%get3A_269, %get3A_270] {strides = array<i32>} : memref<128x128xf32, #tpu.memory_space<vmem>>, vector<1x16xf32>,
          %get3A_272 = vector.shape_cast %get3A_271 : vector<1x16xf32> to vector<16xf32>
          %get3A_273 = arith.index_cast %scan3A_167 : i32 to index
          %get3A_274 = arith.constant 96 : index
          %get3A_275 = tpu.vector_load %arg13[%get3A_273, %get3A_274] {strides = array<i32>} : memref<128x128xf32, #tpu.memory_space<vmem>>, vector<1x16xf32>,
          %get3A_276 = vector.shape_cast %get3A_275 : vector<1x16xf32> to vector<16xf32>
          %add3A_277 = arith.addf %get3A_272, %get3A_276 : vector<16xf32>
          %max3A_278 = arith.constant 0.000000e+00 : f32
          %max3A_279 = vector.broadcast %max3A_278 : f32 to vector<16xf32>
          %max3A_280 = arith.maximumf %add3A_277, %max3A_279 : vector<16xf32>
          %swap3A_281 = arith.index_cast %scan3A_167 : i32 to index
          %swap3A_282 = arith.constant 96 : index
          %swap3A_283 = tpu.vector_load %arg12[%swap3A_281, %swap3A_282] {strides = array<i32>} : memref<128x128xf32, #tpu.memory_space<vmem>>, vector<1x16xf32>,
          %swap3A_284 = vector.shape_cast %swap3A_283 : vector<1x16xf32> to vector<16xf32>
          %swap3A_285 = vector.shape_cast %max3A_280 : vector<16xf32> to vector<1x16xf32>
          tpu.vector_store %arg12[%swap3A_281, %swap3A_282], %swap3A_285 {strides = array<i32>} : memref<128x128xf32, #tpu.memory_space<vmem>>, vector<1x16xf32>,
          %get3A_286 = arith.index_cast %scan3A_167 : i32 to index
          %get3A_287 = arith.constant 112 : index
          %get3A_288 = tpu.vector_load %arg12[%get3A_286, %get3A_287] {strides = array<i32>} : memref<128x128xf32, #tpu.memory_space<vmem>>, vector<1x16xf32>,
          %get3A_289 = vector.shape_cast %get3A_288 : vector<1x16xf32> to vector<16xf32>
          %get3A_290 = arith.index_cast %scan3A_167 : i32 to index
          %get3A_291 = arith.constant 112 : index
          %get3A_292 = tpu.vector_load %arg13[%get3A_290, %get3A_291] {strides = array<i32>} : memref<128x128xf32, #tpu.memory_space<vmem>>, vector<1x16xf32>,
          %get3A_293 = vector.shape_cast %get3A_292 : vector<1x16xf32> to vector<16xf32>
          %add3A_294 = arith.addf %get3A_289, %get3A_293 : vector<16xf32>
          %max3A_295 = arith.constant 0.000000e+00 : f32
          %max3A_296 = vector.broadcast %max3A_295 : f32 to vector<16xf32>
          %max3A_297 = arith.maximumf %add3A_294, %max3A_296 : vector<16xf32>
          %swap3A_298 = arith.index_cast %scan3A_167 : i32 to index
          %swap3A_299 = arith.constant 112 : index
          %swap3A_300 = tpu.vector_load %arg12[%swap3A_298, %swap3A_299] {strides = array<i32>} : memref<128x128xf32, #tpu.memory_space<vmem>>, vector<1x16xf32>,
          %swap3A_301 = vector.shape_cast %swap3A_300 : vector<1x16xf32> to vector<16xf32>
          %swap3A_302 = vector.shape_cast %max3A_297 : vector<16xf32> to vector<1x16xf32>
          tpu.vector_store %arg12[%swap3A_298, %swap3A_299], %swap3A_302 {strides = array<i32>} : memref<128x128xf32, #tpu.memory_space<vmem>>, vector<1x16xf32>,
        }
        %scan3A_166 = arith.constant 128 : i32
        "tpu.region"() ({
          %run_scoped3A = tpu.sem_alloc : memref<!tpu.dma_semaphore, #tpu.memory_space<semaphore_mem>>
          %dma_start3A_167 = arith.constant 0 : i32
          %dma_start3A_168 = tpu.memref_slice %arg7[%add3A_60, %dma_start3A_167] : memref<327680x128xf32, #tpu.memory_space<hbm>> -> memref<128x128xf32, #tpu.memory_space<hbm>>
          %dma_start3A_169 = arith.constant 0 : i32
          %dma_start3A_170 = tpu.memref_slice %arg7[%add3A_60, %dma_start3A_169] : memref<327680x128xf32, #tpu.memory_space<hbm>> -> memref<128x128xf32, #tpu.memory_space<hbm>>
          tpu.enqueue_dma source(%arg12 : memref<128x128xf32, #tpu.memory_space<vmem>>) target(%dma_start3A_170 : memref<128x128xf32, #tpu.memory_space<hbm>>) target_semaphore(%run_scoped3A : memref<!tpu.dma_semaphore, #tpu.memory_space<semaphore_mem>>)
          %dma_wait3A_171 = arith.constant 0 : i32
          %dma_wait3A_172 = tpu.memref_slice %arg7[%add3A_60, %dma_wait3A_171] : memref<327680x128xf32, #tpu.memory_space<hbm>> -> memref<128x128xf32, #tpu.memory_space<hbm>>
          %dma_wait3A_173 = arith.constant 0 : i32
          %dma_wait3A_174 = tpu.memref_slice %arg7[%add3A_60, %dma_wait3A_173] : memref<327680x128xf32, #tpu.memory_space<hbm>> -> memref<128x128xf32, #tpu.memory_space<hbm>>
          tpu.wait_dma2 semaphore(%run_scoped3A : memref<!tpu.dma_semaphore, #tpu.memory_space<semaphore_mem>>) src(%arg12 : memref<128x128xf32, #tpu.memory_space<vmem>>) dst(%dma_wait3A_174 : memref<128x128xf32, #tpu.memory_space<hbm>>)
          tpu.yield
        }) : () -> ()
      }
      %scan3A_51 = arith.constant 8 : i32
    }
    %scan3A_31 = arith.constant 10 : i32
    %barrier3A_32 = arith.constant 0 : index
    tpu.barrier barrier_id(%barrier3A_32)
    %mul3A_33 = arith.constant 640 : i32
    %mul3A_34 = arith.muli %arg1, %mul3A_33 : i32
    "tpu.region"() ({
      %run_scoped3A = tpu.sem_alloc : memref<!tpu.dma_semaphore, #tpu.memory_space<semaphore_mem>>
      %dma_start3A = arith.constant 0 : i32
      %dma_start3A_35 = arith.constant 0 : i32
      %dma_start3A_36 = tpu.memref_slice %arg8[%arg0, %dma_start3A, %dma_start3A_35] : memref<2x10240x128xf32, #tpu.memory_space<hbm>> -> memref<1x10240x128xf32, #tpu.memory_space<hbm>>
      %dma_start3A_37 = tpu.memref_squeeze %dma_start3A_36 : memref<1x10240x128xf32, #tpu.memory_space<hbm>> -> memref<10240x128xf32, #tpu.memory_space<hbm>>
      %dma_start3A_38 = arith.constant 0 : i32
      %dma_start3A_39 = tpu.memref_slice %dma_start3A_37[%mul3A_34, %dma_start3A_38] : memref<10240x128xf32, #tpu.memory_space<hbm>> -> memref<640x128xf32, #tpu.memory_space<hbm>>
      %dma_start3A_40 = arith.constant 0 : i32
      %dma_start3A_41 = tpu.memref_slice %arg16[%mul3A_34, %dma_start3A_40] : memref<10240x128xf32, #tpu.memory_space<vmem_shared>> -> memref<640x128xf32, #tpu.memory_space<vmem_shared>>
      tpu.enqueue_dma source(%dma_start3A_41 : memref<640x128xf32, #tpu.memory_space<vmem_shared>>) target(%dma_start3A_39 : memref<640x128xf32, #tpu.memory_space<hbm>>) target_semaphore(%run_scoped3A : memref<!tpu.dma_semaphore, #tpu.memory_space<semaphore_mem>>)
      %dma_wait3A = arith.constant 0 : i32
      %dma_wait3A_42 = arith.constant 0 : i32
      %dma_wait3A_43 = tpu.memref_slice %arg8[%arg0, %dma_wait3A, %dma_wait3A_42] : memref<2x10240x128xf32, #tpu.memory_space<hbm>> -> memref<1x10240x128xf32, #tpu.memory_space<hbm>>
      %dma_wait3A_44 = tpu.memref_squeeze %dma_wait3A_43 : memref<1x10240x128xf32, #tpu.memory_space<hbm>> -> memref<10240x128xf32, #tpu.memory_space<hbm>>
      %dma_wait3A_45 = arith.constant 0 : i32
      %dma_wait3A_46 = tpu.memref_slice %dma_wait3A_44[%mul3A_34, %dma_wait3A_45] : memref<10240x128xf32, #tpu.memory_space<hbm>> -> memref<640x128xf32, #tpu.memory_space<hbm>>
      %dma_wait3A_47 = arith.constant 0 : i32
      %dma_wait3A_48 = tpu.memref_slice %arg16[%mul3A_34, %dma_wait3A_47] : memref<10240x128xf32, #tpu.memory_space<vmem_shared>> -> memref<640x128xf32, #tpu.memory_space<vmem_shared>>
      tpu.wait_dma2 semaphore(%run_scoped3A : memref<!tpu.dma_semaphore, #tpu.memory_space<semaphore_mem>>) src(%dma_wait3A_48 : memref<640x128xf32, #tpu.memory_space<vmem_shared>>) dst(%dma_wait3A_46 : memref<640x128xf32, #tpu.memory_space<hbm>>)
      tpu.yield
    }) : () -> ()
    return
  }
}

#map = affine_map<(d0, d1) -> (0, 0)>
#map1 = affine_map<(d0, d1) -> (0, 0, 0)>
module attributes {stable_mosaic.version = 14 : i64} {
  func.func @_sc_sums_nf(%arg0: i32, %arg1: i32, %arg2: memref<10240x128xf32, #tpu.memory_space<hbm>>, %arg3: memref<2560x128xi32, #tpu.memory_space<hbm>>, %arg4: memref<2560x128xi32, #tpu.memory_space<hbm>>, %arg5: memref<2x10240x128xf32, #tpu.memory_space<hbm>>, %arg6: memref<8x128xi32, #tpu.memory_space<vmem>>, %arg7: memref<8x128xi32, #tpu.memory_space<vmem>>, %arg8: memref<128xi32, #tpu.memory_space<vmem>>, %arg9: memref<128xi32, #tpu.memory_space<vmem>>, %arg10: memref<128x128xf32, #tpu.memory_space<vmem>>, %arg11: memref<128x128xf32, #tpu.memory_space<vmem>>, %arg12: memref<!tpu.dma_semaphore, #tpu.memory_space<semaphore_mem>>, %arg13: memref<!tpu.dma_semaphore, #tpu.memory_space<semaphore_mem>>, %arg14: memref<10240x128xf32, #tpu.memory_space<vmem_shared>>) attributes {dimension_semantics = [#tpu.dimension_semantics<core_parallel>, #tpu.dimension_semantics<subcore_parallel>], iteration_bounds = array<i64: 2, 16>, scalar_prefetch = 0 : i64, scratch_operands = 9 : i64, tpu.core_type = #tpu.core_type<sc_vector_subcore>, window_params = [{transform_indices = #map}, {transform_indices = #map}, {transform_indices = #map}, {transform_indices = #map1}]} {
    %mul3A = arith.constant 16 : i32
    %mul3A_0 = arith.muli %arg0, %mul3A : i32
    %add3A = arith.addi %mul3A_0, %arg1 : i32
    %scan3A = arith.constant 0 : i32
    %scan3A_1 = arith.constant 0 : i32
    %scan3A_2 = arith.constant 128 : i32
    %scan3A_3 = arith.addi %scan3A_1, %scan3A_2 : i32
    %scan3A_4 = arith.constant 1 : i32
    scf.for %scan3A_35 = %scan3A_1 to %scan3A_3 step %scan3A_4  : i32 {
      %broadcast_in_dim3A = arith.constant 0.000000e+00 : f32
      %broadcast_in_dim3A_36 = vector.broadcast %broadcast_in_dim3A : f32 to vector<16xf32>
      %swap3A = arith.index_cast %scan3A_35 : i32 to index
      %swap3A_37 = arith.constant 0 : index
      %swap3A_38 = tpu.vector_load %arg10[%swap3A, %swap3A_37] {strides = array<i32>} : memref<128x128xf32, #tpu.memory_space<vmem>>, vector<1x16xf32>,
      %swap3A_39 = vector.shape_cast %swap3A_38 : vector<1x16xf32> to vector<16xf32>
      %swap3A_40 = vector.shape_cast %broadcast_in_dim3A_36 : vector<16xf32> to vector<1x16xf32>
      tpu.vector_store %arg10[%swap3A, %swap3A_37], %swap3A_40 {strides = array<i32>} : memref<128x128xf32, #tpu.memory_space<vmem>>, vector<1x16xf32>,
      %broadcast_in_dim3A_41 = arith.constant 0.000000e+00 : f32
      %broadcast_in_dim3A_42 = vector.broadcast %broadcast_in_dim3A_41 : f32 to vector<16xf32>
      %swap3A_43 = arith.index_cast %scan3A_35 : i32 to index
      %swap3A_44 = arith.constant 16 : index
      %swap3A_45 = tpu.vector_load %arg10[%swap3A_43, %swap3A_44] {strides = array<i32>} : memref<128x128xf32, #tpu.memory_space<vmem>>, vector<1x16xf32>,
      %swap3A_46 = vector.shape_cast %swap3A_45 : vector<1x16xf32> to vector<16xf32>
      %swap3A_47 = vector.shape_cast %broadcast_in_dim3A_42 : vector<16xf32> to vector<1x16xf32>
      tpu.vector_store %arg10[%swap3A_43, %swap3A_44], %swap3A_47 {strides = array<i32>} : memref<128x128xf32, #tpu.memory_space<vmem>>, vector<1x16xf32>,
      %broadcast_in_dim3A_48 = arith.constant 0.000000e+00 : f32
      %broadcast_in_dim3A_49 = vector.broadcast %broadcast_in_dim3A_48 : f32 to vector<16xf32>
      %swap3A_50 = arith.index_cast %scan3A_35 : i32 to index
      %swap3A_51 = arith.constant 32 : index
      %swap3A_52 = tpu.vector_load %arg10[%swap3A_50, %swap3A_51] {strides = array<i32>} : memref<128x128xf32, #tpu.memory_space<vmem>>, vector<1x16xf32>,
      %swap3A_53 = vector.shape_cast %swap3A_52 : vector<1x16xf32> to vector<16xf32>
      %swap3A_54 = vector.shape_cast %broadcast_in_dim3A_49 : vector<16xf32> to vector<1x16xf32>
      tpu.vector_store %arg10[%swap3A_50, %swap3A_51], %swap3A_54 {strides = array<i32>} : memref<128x128xf32, #tpu.memory_space<vmem>>, vector<1x16xf32>,
      %broadcast_in_dim3A_55 = arith.constant 0.000000e+00 : f32
      %broadcast_in_dim3A_56 = vector.broadcast %broadcast_in_dim3A_55 : f32 to vector<16xf32>
      %swap3A_57 = arith.index_cast %scan3A_35 : i32 to index
      %swap3A_58 = arith.constant 48 : index
      %swap3A_59 = tpu.vector_load %arg10[%swap3A_57, %swap3A_58] {strides = array<i32>} : memref<128x128xf32, #tpu.memory_space<vmem>>, vector<1x16xf32>,
      %swap3A_60 = vector.shape_cast %swap3A_59 : vector<1x16xf32> to vector<16xf32>
      %swap3A_61 = vector.shape_cast %broadcast_in_dim3A_56 : vector<16xf32> to vector<1x16xf32>
      tpu.vector_store %arg10[%swap3A_57, %swap3A_58], %swap3A_61 {strides = array<i32>} : memref<128x128xf32, #tpu.memory_space<vmem>>, vector<1x16xf32>,
      %broadcast_in_dim3A_62 = arith.constant 0.000000e+00 : f32
      %broadcast_in_dim3A_63 = vector.broadcast %broadcast_in_dim3A_62 : f32 to vector<16xf32>
      %swap3A_64 = arith.index_cast %scan3A_35 : i32 to index
      %swap3A_65 = arith.constant 64 : index
      %swap3A_66 = tpu.vector_load %arg10[%swap3A_64, %swap3A_65] {strides = array<i32>} : memref<128x128xf32, #tpu.memory_space<vmem>>, vector<1x16xf32>,
      %swap3A_67 = vector.shape_cast %swap3A_66 : vector<1x16xf32> to vector<16xf32>
      %swap3A_68 = vector.shape_cast %broadcast_in_dim3A_63 : vector<16xf32> to vector<1x16xf32>
      tpu.vector_store %arg10[%swap3A_64, %swap3A_65], %swap3A_68 {strides = array<i32>} : memref<128x128xf32, #tpu.memory_space<vmem>>, vector<1x16xf32>,
      %broadcast_in_dim3A_69 = arith.constant 0.000000e+00 : f32
      %broadcast_in_dim3A_70 = vector.broadcast %broadcast_in_dim3A_69 : f32 to vector<16xf32>
      %swap3A_71 = arith.index_cast %scan3A_35 : i32 to index
      %swap3A_72 = arith.constant 80 : index
      %swap3A_73 = tpu.vector_load %arg10[%swap3A_71, %swap3A_72] {strides = array<i32>} : memref<128x128xf32, #tpu.memory_space<vmem>>, vector<1x16xf32>,
      %swap3A_74 = vector.shape_cast %swap3A_73 : vector<1x16xf32> to vector<16xf32>
      %swap3A_75 = vector.shape_cast %broadcast_in_dim3A_70 : vector<16xf32> to vector<1x16xf32>
      tpu.vector_store %arg10[%swap3A_71, %swap3A_72], %swap3A_75 {strides = array<i32>} : memref<128x128xf32, #tpu.memory_space<vmem>>, vector<1x16xf32>,
      %broadcast_in_dim3A_76 = arith.constant 0.000000e+00 : f32
      %broadcast_in_dim3A_77 = vector.broadcast %broadcast_in_dim3A_76 : f32 to vector<16xf32>
      %swap3A_78 = arith.index_cast %scan3A_35 : i32 to index
      %swap3A_79 = arith.constant 96 : index
      %swap3A_80 = tpu.vector_load %arg10[%swap3A_78, %swap3A_79] {strides = array<i32>} : memref<128x128xf32, #tpu.memory_space<vmem>>, vector<1x16xf32>,
      %swap3A_81 = vector.shape_cast %swap3A_80 : vector<1x16xf32> to vector<16xf32>
      %swap3A_82 = vector.shape_cast %broadcast_in_dim3A_77 : vector<16xf32> to vector<1x16xf32>
      tpu.vector_store %arg10[%swap3A_78, %swap3A_79], %swap3A_82 {strides = array<i32>} : memref<128x128xf32, #tpu.memory_space<vmem>>, vector<1x16xf32>,
      %broadcast_in_dim3A_83 = arith.constant 0.000000e+00 : f32
      %broadcast_in_dim3A_84 = vector.broadcast %broadcast_in_dim3A_83 : f32 to vector<16xf32>
      %swap3A_85 = arith.index_cast %scan3A_35 : i32 to index
      %swap3A_86 = arith.constant 112 : index
      %swap3A_87 = tpu.vector_load %arg10[%swap3A_85, %swap3A_86] {strides = array<i32>} : memref<128x128xf32, #tpu.memory_space<vmem>>, vector<1x16xf32>,
      %swap3A_88 = vector.shape_cast %swap3A_87 : vector<1x16xf32> to vector<16xf32>
      %swap3A_89 = vector.shape_cast %broadcast_in_dim3A_84 : vector<16xf32> to vector<1x16xf32>
      tpu.vector_store %arg10[%swap3A_85, %swap3A_86], %swap3A_89 {strides = array<i32>} : memref<128x128xf32, #tpu.memory_space<vmem>>, vector<1x16xf32>,
    }
    %scan3A_5 = arith.constant 128 : i32
    %mul3A_6 = arith.constant 640 : i32
    %mul3A_7 = arith.muli %arg1, %mul3A_6 : i32
    %add3A_8 = arith.constant 0 : i32
    %add3A_9 = arith.addi %mul3A_7, %add3A_8 : i32
    "tpu.region"() ({
      %run_scoped3A = tpu.sem_alloc : memref<!tpu.dma_semaphore, #tpu.memory_space<semaphore_mem>>
      %dma_start3A = arith.constant 0 : i32
      %dma_start3A_35 = tpu.memref_slice %arg14[%add3A_9, %dma_start3A] : memref<10240x128xf32, #tpu.memory_space<vmem_shared>> -> memref<128x128xf32, #tpu.memory_space<vmem_shared>>
      %dma_start3A_36 = arith.constant 0 : i32
      %dma_start3A_37 = tpu.memref_slice %arg14[%add3A_9, %dma_start3A_36] : memref<10240x128xf32, #tpu.memory_space<vmem_shared>> -> memref<128x128xf32, #tpu.memory_space<vmem_shared>>
      tpu.enqueue_dma source(%arg10 : memref<128x128xf32, #tpu.memory_space<vmem>>) target(%dma_start3A_37 : memref<128x128xf32, #tpu.memory_space<vmem_shared>>) target_semaphore(%run_scoped3A : memref<!tpu.dma_semaphore, #tpu.memory_space<semaphore_mem>>)
      %dma_wait3A = arith.constant 0 : i32
      %dma_wait3A_38 = tpu.memref_slice %arg14[%add3A_9, %dma_wait3A] : memref<10240x128xf32, #tpu.memory_space<vmem_shared>> -> memref<128x128xf32, #tpu.memory_space<vmem_shared>>
      %dma_wait3A_39 = arith.constant 0 : i32
      %dma_wait3A_40 = tpu.memref_slice %arg14[%add3A_9, %dma_wait3A_39] : memref<10240x128xf32, #tpu.memory_space<vmem_shared>> -> memref<128x128xf32, #tpu.memory_space<vmem_shared>>
      tpu.wait_dma2 semaphore(%run_scoped3A : memref<!tpu.dma_semaphore, #tpu.memory_space<semaphore_mem>>) src(%arg10 : memref<128x128xf32, #tpu.memory_space<vmem>>) dst(%dma_wait3A_40 : memref<128x128xf32, #tpu.memory_space<vmem_shared>>)
      tpu.yield
    }) : () -> ()
    %mul3A_10 = arith.constant 640 : i32
    %mul3A_11 = arith.muli %arg1, %mul3A_10 : i32
    %add3A_12 = arith.constant 128 : i32
    %add3A_13 = arith.addi %mul3A_11, %add3A_12 : i32
    "tpu.region"() ({
      %run_scoped3A = tpu.sem_alloc : memref<!tpu.dma_semaphore, #tpu.memory_space<semaphore_mem>>
      %dma_start3A = arith.constant 0 : i32
      %dma_start3A_35 = tpu.memref_slice %arg14[%add3A_13, %dma_start3A] : memref<10240x128xf32, #tpu.memory_space<vmem_shared>> -> memref<128x128xf32, #tpu.memory_space<vmem_shared>>
      %dma_start3A_36 = arith.constant 0 : i32
      %dma_start3A_37 = tpu.memref_slice %arg14[%add3A_13, %dma_start3A_36] : memref<10240x128xf32, #tpu.memory_space<vmem_shared>> -> memref<128x128xf32, #tpu.memory_space<vmem_shared>>
      tpu.enqueue_dma source(%arg10 : memref<128x128xf32, #tpu.memory_space<vmem>>) target(%dma_start3A_37 : memref<128x128xf32, #tpu.memory_space<vmem_shared>>) target_semaphore(%run_scoped3A : memref<!tpu.dma_semaphore, #tpu.memory_space<semaphore_mem>>)
      %dma_wait3A = arith.constant 0 : i32
      %dma_wait3A_38 = tpu.memref_slice %arg14[%add3A_13, %dma_wait3A] : memref<10240x128xf32, #tpu.memory_space<vmem_shared>> -> memref<128x128xf32, #tpu.memory_space<vmem_shared>>
      %dma_wait3A_39 = arith.constant 0 : i32
      %dma_wait3A_40 = tpu.memref_slice %arg14[%add3A_13, %dma_wait3A_39] : memref<10240x128xf32, #tpu.memory_space<vmem_shared>> -> memref<128x128xf32, #tpu.memory_space<vmem_shared>>
      tpu.wait_dma2 semaphore(%run_scoped3A : memref<!tpu.dma_semaphore, #tpu.memory_space<semaphore_mem>>) src(%arg10 : memref<128x128xf32, #tpu.memory_space<vmem>>) dst(%dma_wait3A_40 : memref<128x128xf32, #tpu.memory_space<vmem_shared>>)
      tpu.yield
    }) : () -> ()
    %mul3A_14 = arith.constant 640 : i32
    %mul3A_15 = arith.muli %arg1, %mul3A_14 : i32
    %add3A_16 = arith.constant 256 : i32
    %add3A_17 = arith.addi %mul3A_15, %add3A_16 : i32
    "tpu.region"() ({
      %run_scoped3A = tpu.sem_alloc : memref<!tpu.dma_semaphore, #tpu.memory_space<semaphore_mem>>
      %dma_start3A = arith.constant 0 : i32
      %dma_start3A_35 = tpu.memref_slice %arg14[%add3A_17, %dma_start3A] : memref<10240x128xf32, #tpu.memory_space<vmem_shared>> -> memref<128x128xf32, #tpu.memory_space<vmem_shared>>
      %dma_start3A_36 = arith.constant 0 : i32
      %dma_start3A_37 = tpu.memref_slice %arg14[%add3A_17, %dma_start3A_36] : memref<10240x128xf32, #tpu.memory_space<vmem_shared>> -> memref<128x128xf32, #tpu.memory_space<vmem_shared>>
      tpu.enqueue_dma source(%arg10 : memref<128x128xf32, #tpu.memory_space<vmem>>) target(%dma_start3A_37 : memref<128x128xf32, #tpu.memory_space<vmem_shared>>) target_semaphore(%run_scoped3A : memref<!tpu.dma_semaphore, #tpu.memory_space<semaphore_mem>>)
      %dma_wait3A = arith.constant 0 : i32
      %dma_wait3A_38 = tpu.memref_slice %arg14[%add3A_17, %dma_wait3A] : memref<10240x128xf32, #tpu.memory_space<vmem_shared>> -> memref<128x128xf32, #tpu.memory_space<vmem_shared>>
      %dma_wait3A_39 = arith.constant 0 : i32
      %dma_wait3A_40 = tpu.memref_slice %arg14[%add3A_17, %dma_wait3A_39] : memref<10240x128xf32, #tpu.memory_space<vmem_shared>> -> memref<128x128xf32, #tpu.memory_space<vmem_shared>>
      tpu.wait_dma2 semaphore(%run_scoped3A : memref<!tpu.dma_semaphore, #tpu.memory_space<semaphore_mem>>) src(%arg10 : memref<128x128xf32, #tpu.memory_space<vmem>>) dst(%dma_wait3A_40 : memref<128x128xf32, #tpu.memory_space<vmem_shared>>)
      tpu.yield
    }) : () -> ()
    %mul3A_18 = arith.constant 640 : i32
    %mul3A_19 = arith.muli %arg1, %mul3A_18 : i32
    %add3A_20 = arith.constant 384 : i32
    %add3A_21 = arith.addi %mul3A_19, %add3A_20 : i32
    "tpu.region"() ({
      %run_scoped3A = tpu.sem_alloc : memref<!tpu.dma_semaphore, #tpu.memory_space<semaphore_mem>>
      %dma_start3A = arith.constant 0 : i32
      %dma_start3A_35 = tpu.memref_slice %arg14[%add3A_21, %dma_start3A] : memref<10240x128xf32, #tpu.memory_space<vmem_shared>> -> memref<128x128xf32, #tpu.memory_space<vmem_shared>>
      %dma_start3A_36 = arith.constant 0 : i32
      %dma_start3A_37 = tpu.memref_slice %arg14[%add3A_21, %dma_start3A_36] : memref<10240x128xf32, #tpu.memory_space<vmem_shared>> -> memref<128x128xf32, #tpu.memory_space<vmem_shared>>
      tpu.enqueue_dma source(%arg10 : memref<128x128xf32, #tpu.memory_space<vmem>>) target(%dma_start3A_37 : memref<128x128xf32, #tpu.memory_space<vmem_shared>>) target_semaphore(%run_scoped3A : memref<!tpu.dma_semaphore, #tpu.memory_space<semaphore_mem>>)
      %dma_wait3A = arith.constant 0 : i32
      %dma_wait3A_38 = tpu.memref_slice %arg14[%add3A_21, %dma_wait3A] : memref<10240x128xf32, #tpu.memory_space<vmem_shared>> -> memref<128x128xf32, #tpu.memory_space<vmem_shared>>
      %dma_wait3A_39 = arith.constant 0 : i32
      %dma_wait3A_40 = tpu.memref_slice %arg14[%add3A_21, %dma_wait3A_39] : memref<10240x128xf32, #tpu.memory_space<vmem_shared>> -> memref<128x128xf32, #tpu.memory_space<vmem_shared>>
      tpu.wait_dma2 semaphore(%run_scoped3A : memref<!tpu.dma_semaphore, #tpu.memory_space<semaphore_mem>>) src(%arg10 : memref<128x128xf32, #tpu.memory_space<vmem>>) dst(%dma_wait3A_40 : memref<128x128xf32, #tpu.memory_space<vmem_shared>>)
      tpu.yield
    }) : () -> ()
    %mul3A_22 = arith.constant 640 : i32
    %mul3A_23 = arith.muli %arg1, %mul3A_22 : i32
    %add3A_24 = arith.constant 512 : i32
    %add3A_25 = arith.addi %mul3A_23, %add3A_24 : i32
    "tpu.region"() ({
      %run_scoped3A = tpu.sem_alloc : memref<!tpu.dma_semaphore, #tpu.memory_space<semaphore_mem>>
      %dma_start3A = arith.constant 0 : i32
      %dma_start3A_35 = tpu.memref_slice %arg14[%add3A_25, %dma_start3A] : memref<10240x128xf32, #tpu.memory_space<vmem_shared>> -> memref<128x128xf32, #tpu.memory_space<vmem_shared>>
      %dma_start3A_36 = arith.constant 0 : i32
      %dma_start3A_37 = tpu.memref_slice %arg14[%add3A_25, %dma_start3A_36] : memref<10240x128xf32, #tpu.memory_space<vmem_shared>> -> memref<128x128xf32, #tpu.memory_space<vmem_shared>>
      tpu.enqueue_dma source(%arg10 : memref<128x128xf32, #tpu.memory_space<vmem>>) target(%dma_start3A_37 : memref<128x128xf32, #tpu.memory_space<vmem_shared>>) target_semaphore(%run_scoped3A : memref<!tpu.dma_semaphore, #tpu.memory_space<semaphore_mem>>)
      %dma_wait3A = arith.constant 0 : i32
      %dma_wait3A_38 = tpu.memref_slice %arg14[%add3A_25, %dma_wait3A] : memref<10240x128xf32, #tpu.memory_space<vmem_shared>> -> memref<128x128xf32, #tpu.memory_space<vmem_shared>>
      %dma_wait3A_39 = arith.constant 0 : i32
      %dma_wait3A_40 = tpu.memref_slice %arg14[%add3A_25, %dma_wait3A_39] : memref<10240x128xf32, #tpu.memory_space<vmem_shared>> -> memref<128x128xf32, #tpu.memory_space<vmem_shared>>
      tpu.wait_dma2 semaphore(%run_scoped3A : memref<!tpu.dma_semaphore, #tpu.memory_space<semaphore_mem>>) src(%arg10 : memref<128x128xf32, #tpu.memory_space<vmem>>) dst(%dma_wait3A_40 : memref<128x128xf32, #tpu.memory_space<vmem_shared>>)
      tpu.yield
    }) : () -> ()
    %barrier3A = arith.constant 0 : index
    tpu.barrier barrier_id(%barrier3A)
    %scan3A_26 = arith.constant 0 : i32
    %scan3A_27 = arith.constant 0 : i32
    %scan3A_28 = arith.constant 10 : i32
    %scan3A_29 = arith.addi %scan3A_27, %scan3A_28 : i32
    %scan3A_30 = arith.constant 1 : i32
    scf.for %scan3A_35 = %scan3A_27 to %scan3A_29 step %scan3A_30  : i32 {
      %mul3A_36 = arith.constant 80 : i32
      %mul3A_37 = arith.muli %add3A, %mul3A_36 : i32
      %mul3A_38 = arith.constant 8 : i32
      %mul3A_39 = arith.muli %scan3A_35, %mul3A_38 : i32
      %add3A_40 = arith.addi %mul3A_37, %mul3A_39 : i32
      "tpu.region"() ({
        %run_scoped3A = tpu.sem_alloc : memref<!tpu.dma_semaphore, #tpu.memory_space<semaphore_mem>>
        %dma_start3A = arith.constant 0 : i32
        %dma_start3A_52 = tpu.memref_slice %arg3[%add3A_40, %dma_start3A] : memref<2560x128xi32, #tpu.memory_space<hbm>> -> memref<8x128xi32, #tpu.memory_space<hbm>>
        %dma_start3A_53 = arith.constant 0 : i32
        %dma_start3A_54 = tpu.memref_slice %arg3[%add3A_40, %dma_start3A_53] : memref<2560x128xi32, #tpu.memory_space<hbm>> -> memref<8x128xi32, #tpu.memory_space<hbm>>
        tpu.enqueue_dma source(%dma_start3A_54 : memref<8x128xi32, #tpu.memory_space<hbm>>) target(%arg6 : memref<8x128xi32, #tpu.memory_space<vmem>>) target_semaphore(%run_scoped3A : memref<!tpu.dma_semaphore, #tpu.memory_space<semaphore_mem>>)
        %dma_wait3A = arith.constant 0 : i32
        %dma_wait3A_55 = tpu.memref_slice %arg3[%add3A_40, %dma_wait3A] : memref<2560x128xi32, #tpu.memory_space<hbm>> -> memref<8x128xi32, #tpu.memory_space<hbm>>
        %dma_wait3A_56 = arith.constant 0 : i32
        %dma_wait3A_57 = tpu.memref_slice %arg3[%add3A_40, %dma_wait3A_56] : memref<2560x128xi32, #tpu.memory_space<hbm>> -> memref<8x128xi32, #tpu.memory_space<hbm>>
        tpu.wait_dma2 semaphore(%run_scoped3A : memref<!tpu.dma_semaphore, #tpu.memory_space<semaphore_mem>>) src(%dma_wait3A_57 : memref<8x128xi32, #tpu.memory_space<hbm>>) dst(%arg6 : memref<8x128xi32, #tpu.memory_space<vmem>>)
        tpu.yield
      }) : () -> ()
      %mul3A_41 = arith.constant 80 : i32
      %mul3A_42 = arith.muli %add3A, %mul3A_41 : i32
      %mul3A_43 = arith.constant 8 : i32
      %mul3A_44 = arith.muli %scan3A_35, %mul3A_43 : i32
      %add3A_45 = arith.addi %mul3A_42, %mul3A_44 : i32
      "tpu.region"() ({
        %run_scoped3A = tpu.sem_alloc : memref<!tpu.dma_semaphore, #tpu.memory_space<semaphore_mem>>
        %dma_start3A = arith.constant 0 : i32
        %dma_start3A_52 = tpu.memref_slice %arg4[%add3A_45, %dma_start3A] : memref<2560x128xi32, #tpu.memory_space<hbm>> -> memref<8x128xi32, #tpu.memory_space<hbm>>
        %dma_start3A_53 = arith.constant 0 : i32
        %dma_start3A_54 = tpu.memref_slice %arg4[%add3A_45, %dma_start3A_53] : memref<2560x128xi32, #tpu.memory_space<hbm>> -> memref<8x128xi32, #tpu.memory_space<hbm>>
        tpu.enqueue_dma source(%dma_start3A_54 : memref<8x128xi32, #tpu.memory_space<hbm>>) target(%arg7 : memref<8x128xi32, #tpu.memory_space<vmem>>) target_semaphore(%run_scoped3A : memref<!tpu.dma_semaphore, #tpu.memory_space<semaphore_mem>>)
        %dma_wait3A = arith.constant 0 : i32
        %dma_wait3A_55 = tpu.memref_slice %arg4[%add3A_45, %dma_wait3A] : memref<2560x128xi32, #tpu.memory_space<hbm>> -> memref<8x128xi32, #tpu.memory_space<hbm>>
        %dma_wait3A_56 = arith.constant 0 : i32
        %dma_wait3A_57 = tpu.memref_slice %arg4[%add3A_45, %dma_wait3A_56] : memref<2560x128xi32, #tpu.memory_space<hbm>> -> memref<8x128xi32, #tpu.memory_space<hbm>>
        tpu.wait_dma2 semaphore(%run_scoped3A : memref<!tpu.dma_semaphore, #tpu.memory_space<semaphore_mem>>) src(%dma_wait3A_57 : memref<8x128xi32, #tpu.memory_space<hbm>>) dst(%arg7 : memref<8x128xi32, #tpu.memory_space<vmem>>)
        tpu.yield
      }) : () -> ()
      %scan3A_46 = arith.constant 0 : i32
      %scan3A_47 = arith.constant 0 : i32
      %scan3A_48 = arith.constant 4 : i32
      %scan3A_49 = arith.addi %scan3A_47, %scan3A_48 : i32
      %scan3A_50 = arith.constant 1 : i32
      scf.for %scan3A_52 = %scan3A_47 to %scan3A_49 step %scan3A_50  : i32 {
        %mul3A_53 = arith.constant 2 : i32
        %mul3A_54 = arith.muli %mul3A_53, %scan3A_52 : i32
        %get3A = arith.index_cast %mul3A_54 : i32 to index
        %get3A_55 = arith.constant 0 : index
        %get3A_56 = tpu.vector_load %arg7[%get3A, %get3A_55] {strides = array<i32>} : memref<8x128xi32, #tpu.memory_space<vmem>>, vector<1x16xi32>,
        %get3A_57 = vector.shape_cast %get3A_56 : vector<1x16xi32> to vector<16xi32>
        %swap3A = arith.constant 0 : index
        %swap3A_58 = tpu.vector_load %arg8[%swap3A] {strides = array<i32>} : memref<128xi32, #tpu.memory_space<vmem>>, vector<16xi32>,
        %swap3A_59 = vector.shape_cast %swap3A_58 : vector<16xi32> to vector<16xi32>
        %swap3A_60 = vector.shape_cast %get3A_57 : vector<16xi32> to vector<16xi32>
        tpu.vector_store %arg8[%swap3A], %swap3A_60 {strides = array<i32>} : memref<128xi32, #tpu.memory_space<vmem>>, vector<16xi32>,
        %get3A_61 = arith.index_cast %mul3A_54 : i32 to index
        %get3A_62 = arith.constant 16 : index
        %get3A_63 = tpu.vector_load %arg7[%get3A_61, %get3A_62] {strides = array<i32>} : memref<8x128xi32, #tpu.memory_space<vmem>>, vector<1x16xi32>,
        %get3A_64 = vector.shape_cast %get3A_63 : vector<1x16xi32> to vector<16xi32>
        %swap3A_65 = arith.constant 16 : index
        %swap3A_66 = tpu.vector_load %arg8[%swap3A_65] {strides = array<i32>} : memref<128xi32, #tpu.memory_space<vmem>>, vector<16xi32>,
        %swap3A_67 = vector.shape_cast %swap3A_66 : vector<16xi32> to vector<16xi32>
        %swap3A_68 = vector.shape_cast %get3A_64 : vector<16xi32> to vector<16xi32>
        tpu.vector_store %arg8[%swap3A_65], %swap3A_68 {strides = array<i32>} : memref<128xi32, #tpu.memory_space<vmem>>, vector<16xi32>,
        %get3A_69 = arith.index_cast %mul3A_54 : i32 to index
        %get3A_70 = arith.constant 32 : index
        %get3A_71 = tpu.vector_load %arg7[%get3A_69, %get3A_70] {strides = array<i32>} : memref<8x128xi32, #tpu.memory_space<vmem>>, vector<1x16xi32>,
        %get3A_72 = vector.shape_cast %get3A_71 : vector<1x16xi32> to vector<16xi32>
        %swap3A_73 = arith.constant 32 : index
        %swap3A_74 = tpu.vector_load %arg8[%swap3A_73] {strides = array<i32>} : memref<128xi32, #tpu.memory_space<vmem>>, vector<16xi32>,
        %swap3A_75 = vector.shape_cast %swap3A_74 : vector<16xi32> to vector<16xi32>
        %swap3A_76 = vector.shape_cast %get3A_72 : vector<16xi32> to vector<16xi32>
        tpu.vector_store %arg8[%swap3A_73], %swap3A_76 {strides = array<i32>} : memref<128xi32, #tpu.memory_space<vmem>>, vector<16xi32>,
        %get3A_77 = arith.index_cast %mul3A_54 : i32 to index
        %get3A_78 = arith.constant 48 : index
        %get3A_79 = tpu.vector_load %arg7[%get3A_77, %get3A_78] {strides = array<i32>} : memref<8x128xi32, #tpu.memory_space<vmem>>, vector<1x16xi32>,
        %get3A_80 = vector.shape_cast %get3A_79 : vector<1x16xi32> to vector<16xi32>
        %swap3A_81 = arith.constant 48 : index
        %swap3A_82 = tpu.vector_load %arg8[%swap3A_81] {strides = array<i32>} : memref<128xi32, #tpu.memory_space<vmem>>, vector<16xi32>,
        %swap3A_83 = vector.shape_cast %swap3A_82 : vector<16xi32> to vector<16xi32>
        %swap3A_84 = vector.shape_cast %get3A_80 : vector<16xi32> to vector<16xi32>
        tpu.vector_store %arg8[%swap3A_81], %swap3A_84 {strides = array<i32>} : memref<128xi32, #tpu.memory_space<vmem>>, vector<16xi32>,
        %get3A_85 = arith.index_cast %mul3A_54 : i32 to index
        %get3A_86 = arith.constant 64 : index
        %get3A_87 = tpu.vector_load %arg7[%get3A_85, %get3A_86] {strides = array<i32>} : memref<8x128xi32, #tpu.memory_space<vmem>>, vector<1x16xi32>,
        %get3A_88 = vector.shape_cast %get3A_87 : vector<1x16xi32> to vector<16xi32>
        %swap3A_89 = arith.constant 64 : index
        %swap3A_90 = tpu.vector_load %arg8[%swap3A_89] {strides = array<i32>} : memref<128xi32, #tpu.memory_space<vmem>>, vector<16xi32>,
        %swap3A_91 = vector.shape_cast %swap3A_90 : vector<16xi32> to vector<16xi32>
        %swap3A_92 = vector.shape_cast %get3A_88 : vector<16xi32> to vector<16xi32>
        tpu.vector_store %arg8[%swap3A_89], %swap3A_92 {strides = array<i32>} : memref<128xi32, #tpu.memory_space<vmem>>, vector<16xi32>,
        %get3A_93 = arith.index_cast %mul3A_54 : i32 to index
        %get3A_94 = arith.constant 80 : index
        %get3A_95 = tpu.vector_load %arg7[%get3A_93, %get3A_94] {strides = array<i32>} : memref<8x128xi32, #tpu.memory_space<vmem>>, vector<1x16xi32>,
        %get3A_96 = vector.shape_cast %get3A_95 : vector<1x16xi32> to vector<16xi32>
        %swap3A_97 = arith.constant 80 : index
        %swap3A_98 = tpu.vector_load %arg8[%swap3A_97] {strides = array<i32>} : memref<128xi32, #tpu.memory_space<vmem>>, vector<16xi32>,
        %swap3A_99 = vector.shape_cast %swap3A_98 : vector<16xi32> to vector<16xi32>
        %swap3A_100 = vector.shape_cast %get3A_96 : vector<16xi32> to vector<16xi32>
        tpu.vector_store %arg8[%swap3A_97], %swap3A_100 {strides = array<i32>} : memref<128xi32, #tpu.memory_space<vmem>>, vector<16xi32>,
        %get3A_101 = arith.index_cast %mul3A_54 : i32 to index
        %get3A_102 = arith.constant 96 : index
        %get3A_103 = tpu.vector_load %arg7[%get3A_101, %get3A_102] {strides = array<i32>} : memref<8x128xi32, #tpu.memory_space<vmem>>, vector<1x16xi32>,
        %get3A_104 = vector.shape_cast %get3A_103 : vector<1x16xi32> to vector<16xi32>
        %swap3A_105 = arith.constant 96 : index
        %swap3A_106 = tpu.vector_load %arg8[%swap3A_105] {strides = array<i32>} : memref<128xi32, #tpu.memory_space<vmem>>, vector<16xi32>,
        %swap3A_107 = vector.shape_cast %swap3A_106 : vector<16xi32> to vector<16xi32>
        %swap3A_108 = vector.shape_cast %get3A_104 : vector<16xi32> to vector<16xi32>
        tpu.vector_store %arg8[%swap3A_105], %swap3A_108 {strides = array<i32>} : memref<128xi32, #tpu.memory_space<vmem>>, vector<16xi32>,
        %get3A_109 = arith.index_cast %mul3A_54 : i32 to index
        %get3A_110 = arith.constant 112 : index
        %get3A_111 = tpu.vector_load %arg7[%get3A_109, %get3A_110] {strides = array<i32>} : memref<8x128xi32, #tpu.memory_space<vmem>>, vector<1x16xi32>,
        %get3A_112 = vector.shape_cast %get3A_111 : vector<1x16xi32> to vector<16xi32>
        %swap3A_113 = arith.constant 112 : index
        %swap3A_114 = tpu.vector_load %arg8[%swap3A_113] {strides = array<i32>} : memref<128xi32, #tpu.memory_space<vmem>>, vector<16xi32>,
        %swap3A_115 = vector.shape_cast %swap3A_114 : vector<16xi32> to vector<16xi32>
        %swap3A_116 = vector.shape_cast %get3A_112 : vector<16xi32> to vector<16xi32>
        tpu.vector_store %arg8[%swap3A_113], %swap3A_116 {strides = array<i32>} : memref<128xi32, #tpu.memory_space<vmem>>, vector<16xi32>,
        "tpu.region"() ({
          %run_scoped3A = tpu.sem_alloc : memref<!tpu.dma_semaphore, #tpu.memory_space<semaphore_mem>>
          %dma_start3A_195 = arith.constant 0 : i32
          %dma_start3A_196 = tpu.memref_slice %arg6[%mul3A_54, %dma_start3A_195] : memref<8x128xi32, #tpu.memory_space<vmem>> -> memref<1x128xi32, #tpu.memory_space<vmem>>
          %dma_start3A_197 = tpu.memref_squeeze %dma_start3A_196 : memref<1x128xi32, #tpu.memory_space<vmem>> -> memref<128xi32, #tpu.memory_space<vmem>>
          %dma_start3A_198 = arith.constant 0 : i32
          %dma_start3A_199 = arith.constant 0 : i32
          %dma_start3A_200 = tpu.memref_slice %arg2[%dma_start3A_198, %dma_start3A_199] : memref<10240x128xf32, #tpu.memory_space<hbm>> -> memref<10240x128xf32, #tpu.memory_space<hbm>>
          tpu.enqueue_indirect_dma source(%dma_start3A_200 : memref<10240x128xf32, #tpu.memory_space<hbm>>) target(%arg10 : memref<128x128xf32, #tpu.memory_space<vmem>>) offsets(%dma_start3A_197 : memref<128xi32, #tpu.memory_space<vmem>>) semaphore(%run_scoped3A : memref<!tpu.dma_semaphore, #tpu.memory_space<semaphore_mem>>)
          %dma_wait3A_201 = arith.constant 0 : i32
          %dma_wait3A_202 = tpu.memref_slice %arg6[%mul3A_54, %dma_wait3A_201] : memref<8x128xi32, #tpu.memory_space<vmem>> -> memref<1x128xi32, #tpu.memory_space<vmem>>
          %dma_wait3A_203 = tpu.memref_squeeze %dma_wait3A_202 : memref<1x128xi32, #tpu.memory_space<vmem>> -> memref<128xi32, #tpu.memory_space<vmem>>
          %dma_wait3A_204 = arith.constant 0 : i32
          %dma_wait3A_205 = arith.constant 0 : i32
          %dma_wait3A_206 = tpu.memref_slice %arg2[%dma_wait3A_204, %dma_wait3A_205] : memref<10240x128xf32, #tpu.memory_space<hbm>> -> memref<10240x128xf32, #tpu.memory_space<hbm>>
          tpu.wait_indirect_dma semaphore(%run_scoped3A : memref<!tpu.dma_semaphore, #tpu.memory_space<semaphore_mem>>) src(%dma_wait3A_206 : memref<10240x128xf32, #tpu.memory_space<hbm>>) dst(%arg10 : memref<128x128xf32, #tpu.memory_space<vmem>>)
          tpu.yield
        }) : () -> ()
        %dma_start3A = arith.constant 0 : i32
        %dma_start3A_117 = arith.constant 0 : i32
        %dma_start3A_118 = tpu.memref_slice %arg14[%dma_start3A, %dma_start3A_117] : memref<10240x128xf32, #tpu.memory_space<vmem_shared>> -> memref<10240x128xf32, #tpu.memory_space<vmem_shared>>
        tpu.enqueue_indirect_dma source(%arg10 : memref<128x128xf32, #tpu.memory_space<vmem>>) target(%dma_start3A_118 : memref<10240x128xf32, #tpu.memory_space<vmem_shared>>) offsets(%arg8 : memref<128xi32, #tpu.memory_space<vmem>>) semaphore(%arg12 : memref<!tpu.dma_semaphore, #tpu.memory_space<semaphore_mem>>) {add = true}
        %add3A_119 = arith.constant 1 : i32
        %add3A_120 = arith.addi %mul3A_54, %add3A_119 : i32
        %get3A_121 = arith.index_cast %add3A_120 : i32 to index
        %get3A_122 = arith.constant 0 : index
        %get3A_123 = tpu.vector_load %arg7[%get3A_121, %get3A_122] {strides = array<i32>} : memref<8x128xi32, #tpu.memory_space<vmem>>, vector<1x16xi32>,
        %get3A_124 = vector.shape_cast %get3A_123 : vector<1x16xi32> to vector<16xi32>
        %swap3A_125 = arith.constant 0 : index
        %swap3A_126 = tpu.vector_load %arg9[%swap3A_125] {strides = array<i32>} : memref<128xi32, #tpu.memory_space<vmem>>, vector<16xi32>,
        %swap3A_127 = vector.shape_cast %swap3A_126 : vector<16xi32> to vector<16xi32>
        %swap3A_128 = vector.shape_cast %get3A_124 : vector<16xi32> to vector<16xi32>
        tpu.vector_store %arg9[%swap3A_125], %swap3A_128 {strides = array<i32>} : memref<128xi32, #tpu.memory_space<vmem>>, vector<16xi32>,
        %get3A_129 = arith.index_cast %add3A_120 : i32 to index
        %get3A_130 = arith.constant 16 : index
        %get3A_131 = tpu.vector_load %arg7[%get3A_129, %get3A_130] {strides = array<i32>} : memref<8x128xi32, #tpu.memory_space<vmem>>, vector<1x16xi32>,
        %get3A_132 = vector.shape_cast %get3A_131 : vector<1x16xi32> to vector<16xi32>
        %swap3A_133 = arith.constant 16 : index
        %swap3A_134 = tpu.vector_load %arg9[%swap3A_133] {strides = array<i32>} : memref<128xi32, #tpu.memory_space<vmem>>, vector<16xi32>,
        %swap3A_135 = vector.shape_cast %swap3A_134 : vector<16xi32> to vector<16xi32>
        %swap3A_136 = vector.shape_cast %get3A_132 : vector<16xi32> to vector<16xi32>
        tpu.vector_store %arg9[%swap3A_133], %swap3A_136 {strides = array<i32>} : memref<128xi32, #tpu.memory_space<vmem>>, vector<16xi32>,
        %get3A_137 = arith.index_cast %add3A_120 : i32 to index
        %get3A_138 = arith.constant 32 : index
        %get3A_139 = tpu.vector_load %arg7[%get3A_137, %get3A_138] {strides = array<i32>} : memref<8x128xi32, #tpu.memory_space<vmem>>, vector<1x16xi32>,
        %get3A_140 = vector.shape_cast %get3A_139 : vector<1x16xi32> to vector<16xi32>
        %swap3A_141 = arith.constant 32 : index
        %swap3A_142 = tpu.vector_load %arg9[%swap3A_141] {strides = array<i32>} : memref<128xi32, #tpu.memory_space<vmem>>, vector<16xi32>,
        %swap3A_143 = vector.shape_cast %swap3A_142 : vector<16xi32> to vector<16xi32>
        %swap3A_144 = vector.shape_cast %get3A_140 : vector<16xi32> to vector<16xi32>
        tpu.vector_store %arg9[%swap3A_141], %swap3A_144 {strides = array<i32>} : memref<128xi32, #tpu.memory_space<vmem>>, vector<16xi32>,
        %get3A_145 = arith.index_cast %add3A_120 : i32 to index
        %get3A_146 = arith.constant 48 : index
        %get3A_147 = tpu.vector_load %arg7[%get3A_145, %get3A_146] {strides = array<i32>} : memref<8x128xi32, #tpu.memory_space<vmem>>, vector<1x16xi32>,
        %get3A_148 = vector.shape_cast %get3A_147 : vector<1x16xi32> to vector<16xi32>
        %swap3A_149 = arith.constant 48 : index
        %swap3A_150 = tpu.vector_load %arg9[%swap3A_149] {strides = array<i32>} : memref<128xi32, #tpu.memory_space<vmem>>, vector<16xi32>,
        %swap3A_151 = vector.shape_cast %swap3A_150 : vector<16xi32> to vector<16xi32>
        %swap3A_152 = vector.shape_cast %get3A_148 : vector<16xi32> to vector<16xi32>
        tpu.vector_store %arg9[%swap3A_149], %swap3A_152 {strides = array<i32>} : memref<128xi32, #tpu.memory_space<vmem>>, vector<16xi32>,
        %get3A_153 = arith.index_cast %add3A_120 : i32 to index
        %get3A_154 = arith.constant 64 : index
        %get3A_155 = tpu.vector_load %arg7[%get3A_153, %get3A_154] {strides = array<i32>} : memref<8x128xi32, #tpu.memory_space<vmem>>, vector<1x16xi32>,
        %get3A_156 = vector.shape_cast %get3A_155 : vector<1x16xi32> to vector<16xi32>
        %swap3A_157 = arith.constant 64 : index
        %swap3A_158 = tpu.vector_load %arg9[%swap3A_157] {strides = array<i32>} : memref<128xi32, #tpu.memory_space<vmem>>, vector<16xi32>,
        %swap3A_159 = vector.shape_cast %swap3A_158 : vector<16xi32> to vector<16xi32>
        %swap3A_160 = vector.shape_cast %get3A_156 : vector<16xi32> to vector<16xi32>
        tpu.vector_store %arg9[%swap3A_157], %swap3A_160 {strides = array<i32>} : memref<128xi32, #tpu.memory_space<vmem>>, vector<16xi32>,
        %get3A_161 = arith.index_cast %add3A_120 : i32 to index
        %get3A_162 = arith.constant 80 : index
        %get3A_163 = tpu.vector_load %arg7[%get3A_161, %get3A_162] {strides = array<i32>} : memref<8x128xi32, #tpu.memory_space<vmem>>, vector<1x16xi32>,
        %get3A_164 = vector.shape_cast %get3A_163 : vector<1x16xi32> to vector<16xi32>
        %swap3A_165 = arith.constant 80 : index
        %swap3A_166 = tpu.vector_load %arg9[%swap3A_165] {strides = array<i32>} : memref<128xi32, #tpu.memory_space<vmem>>, vector<16xi32>,
        %swap3A_167 = vector.shape_cast %swap3A_166 : vector<16xi32> to vector<16xi32>
        %swap3A_168 = vector.shape_cast %get3A_164 : vector<16xi32> to vector<16xi32>
        tpu.vector_store %arg9[%swap3A_165], %swap3A_168 {strides = array<i32>} : memref<128xi32, #tpu.memory_space<vmem>>, vector<16xi32>,
        %get3A_169 = arith.index_cast %add3A_120 : i32 to index
        %get3A_170 = arith.constant 96 : index
        %get3A_171 = tpu.vector_load %arg7[%get3A_169, %get3A_170] {strides = array<i32>} : memref<8x128xi32, #tpu.memory_space<vmem>>, vector<1x16xi32>,
        %get3A_172 = vector.shape_cast %get3A_171 : vector<1x16xi32> to vector<16xi32>
        %swap3A_173 = arith.constant 96 : index
        %swap3A_174 = tpu.vector_load %arg9[%swap3A_173] {strides = array<i32>} : memref<128xi32, #tpu.memory_space<vmem>>, vector<16xi32>,
        %swap3A_175 = vector.shape_cast %swap3A_174 : vector<16xi32> to vector<16xi32>
        %swap3A_176 = vector.shape_cast %get3A_172 : vector<16xi32> to vector<16xi32>
        tpu.vector_store %arg9[%swap3A_173], %swap3A_176 {strides = array<i32>} : memref<128xi32, #tpu.memory_space<vmem>>, vector<16xi32>,
        %get3A_177 = arith.index_cast %add3A_120 : i32 to index
        %get3A_178 = arith.constant 112 : index
        %get3A_179 = tpu.vector_load %arg7[%get3A_177, %get3A_178] {strides = array<i32>} : memref<8x128xi32, #tpu.memory_space<vmem>>, vector<1x16xi32>,
        %get3A_180 = vector.shape_cast %get3A_179 : vector<1x16xi32> to vector<16xi32>
        %swap3A_181 = arith.constant 112 : index
        %swap3A_182 = tpu.vector_load %arg9[%swap3A_181] {strides = array<i32>} : memref<128xi32, #tpu.memory_space<vmem>>, vector<16xi32>,
        %swap3A_183 = vector.shape_cast %swap3A_182 : vector<16xi32> to vector<16xi32>
        %swap3A_184 = vector.shape_cast %get3A_180 : vector<16xi32> to vector<16xi32>
        tpu.vector_store %arg9[%swap3A_181], %swap3A_184 {strides = array<i32>} : memref<128xi32, #tpu.memory_space<vmem>>, vector<16xi32>,
        %add3A_185 = arith.constant 1 : i32
        %add3A_186 = arith.addi %mul3A_54, %add3A_185 : i32
        "tpu.region"() ({
          %run_scoped3A = tpu.sem_alloc : memref<!tpu.dma_semaphore, #tpu.memory_space<semaphore_mem>>
          %dma_start3A_195 = arith.constant 0 : i32
          %dma_start3A_196 = tpu.memref_slice %arg6[%add3A_186, %dma_start3A_195] : memref<8x128xi32, #tpu.memory_space<vmem>> -> memref<1x128xi32, #tpu.memory_space<vmem>>
          %dma_start3A_197 = tpu.memref_squeeze %dma_start3A_196 : memref<1x128xi32, #tpu.memory_space<vmem>> -> memref<128xi32, #tpu.memory_space<vmem>>
          %dma_start3A_198 = arith.constant 0 : i32
          %dma_start3A_199 = arith.constant 0 : i32
          %dma_start3A_200 = tpu.memref_slice %arg2[%dma_start3A_198, %dma_start3A_199] : memref<10240x128xf32, #tpu.memory_space<hbm>> -> memref<10240x128xf32, #tpu.memory_space<hbm>>
          tpu.enqueue_indirect_dma source(%dma_start3A_200 : memref<10240x128xf32, #tpu.memory_space<hbm>>) target(%arg11 : memref<128x128xf32, #tpu.memory_space<vmem>>) offsets(%dma_start3A_197 : memref<128xi32, #tpu.memory_space<vmem>>) semaphore(%run_scoped3A : memref<!tpu.dma_semaphore, #tpu.memory_space<semaphore_mem>>)
          %dma_wait3A_201 = arith.constant 0 : i32
          %dma_wait3A_202 = tpu.memref_slice %arg6[%add3A_186, %dma_wait3A_201] : memref<8x128xi32, #tpu.memory_space<vmem>> -> memref<1x128xi32, #tpu.memory_space<vmem>>
          %dma_wait3A_203 = tpu.memref_squeeze %dma_wait3A_202 : memref<1x128xi32, #tpu.memory_space<vmem>> -> memref<128xi32, #tpu.memory_space<vmem>>
          %dma_wait3A_204 = arith.constant 0 : i32
          %dma_wait3A_205 = arith.constant 0 : i32
          %dma_wait3A_206 = tpu.memref_slice %arg2[%dma_wait3A_204, %dma_wait3A_205] : memref<10240x128xf32, #tpu.memory_space<hbm>> -> memref<10240x128xf32, #tpu.memory_space<hbm>>
          tpu.wait_indirect_dma semaphore(%run_scoped3A : memref<!tpu.dma_semaphore, #tpu.memory_space<semaphore_mem>>) src(%dma_wait3A_206 : memref<10240x128xf32, #tpu.memory_space<hbm>>) dst(%arg11 : memref<128x128xf32, #tpu.memory_space<vmem>>)
          tpu.yield
        }) : () -> ()
        %dma_start3A_187 = arith.constant 0 : i32
        %dma_start3A_188 = arith.constant 0 : i32
        %dma_start3A_189 = tpu.memref_slice %arg14[%dma_start3A_187, %dma_start3A_188] : memref<10240x128xf32, #tpu.memory_space<vmem_shared>> -> memref<10240x128xf32, #tpu.memory_space<vmem_shared>>
        tpu.enqueue_indirect_dma source(%arg11 : memref<128x128xf32, #tpu.memory_space<vmem>>) target(%dma_start3A_189 : memref<10240x128xf32, #tpu.memory_space<vmem_shared>>) offsets(%arg9 : memref<128xi32, #tpu.memory_space<vmem>>) semaphore(%arg13 : memref<!tpu.dma_semaphore, #tpu.memory_space<semaphore_mem>>) {add = true}
        %dma_wait3A = arith.constant 0 : i32
        %dma_wait3A_190 = arith.constant 0 : i32
        %dma_wait3A_191 = tpu.memref_slice %arg14[%dma_wait3A, %dma_wait3A_190] : memref<10240x128xf32, #tpu.memory_space<vmem_shared>> -> memref<10240x128xf32, #tpu.memory_space<vmem_shared>>
        tpu.wait_indirect_dma semaphore(%arg12 : memref<!tpu.dma_semaphore, #tpu.memory_space<semaphore_mem>>) src(%arg10 : memref<128x128xf32, #tpu.memory_space<vmem>>) dst(%dma_wait3A_191 : memref<10240x128xf32, #tpu.memory_space<vmem_shared>>)
        %dma_wait3A_192 = arith.constant 0 : i32
        %dma_wait3A_193 = arith.constant 0 : i32
        %dma_wait3A_194 = tpu.memref_slice %arg14[%dma_wait3A_192, %dma_wait3A_193] : memref<10240x128xf32, #tpu.memory_space<vmem_shared>> -> memref<10240x128xf32, #tpu.memory_space<vmem_shared>>
        tpu.wait_indirect_dma semaphore(%arg13 : memref<!tpu.dma_semaphore, #tpu.memory_space<semaphore_mem>>) src(%arg11 : memref<128x128xf32, #tpu.memory_space<vmem>>) dst(%dma_wait3A_194 : memref<10240x128xf32, #tpu.memory_space<vmem_shared>>)
      }
      %scan3A_51 = arith.constant 4 : i32
    }
    %scan3A_31 = arith.constant 10 : i32
    %barrier3A_32 = arith.constant 0 : index
    tpu.barrier barrier_id(%barrier3A_32)
    %mul3A_33 = arith.constant 640 : i32
    %mul3A_34 = arith.muli %arg1, %mul3A_33 : i32
    "tpu.region"() ({
      %run_scoped3A = tpu.sem_alloc : memref<!tpu.dma_semaphore, #tpu.memory_space<semaphore_mem>>
      %dma_start3A = arith.constant 0 : i32
      %dma_start3A_35 = arith.constant 0 : i32
      %dma_start3A_36 = tpu.memref_slice %arg5[%arg0, %dma_start3A, %dma_start3A_35] : memref<2x10240x128xf32, #tpu.memory_space<hbm>> -> memref<1x10240x128xf32, #tpu.memory_space<hbm>>
      %dma_start3A_37 = tpu.memref_squeeze %dma_start3A_36 : memref<1x10240x128xf32, #tpu.memory_space<hbm>> -> memref<10240x128xf32, #tpu.memory_space<hbm>>
      %dma_start3A_38 = arith.constant 0 : i32
      %dma_start3A_39 = tpu.memref_slice %dma_start3A_37[%mul3A_34, %dma_start3A_38] : memref<10240x128xf32, #tpu.memory_space<hbm>> -> memref<640x128xf32, #tpu.memory_space<hbm>>
      %dma_start3A_40 = arith.constant 0 : i32
      %dma_start3A_41 = tpu.memref_slice %arg14[%mul3A_34, %dma_start3A_40] : memref<10240x128xf32, #tpu.memory_space<vmem_shared>> -> memref<640x128xf32, #tpu.memory_space<vmem_shared>>
      tpu.enqueue_dma source(%dma_start3A_41 : memref<640x128xf32, #tpu.memory_space<vmem_shared>>) target(%dma_start3A_39 : memref<640x128xf32, #tpu.memory_space<hbm>>) target_semaphore(%run_scoped3A : memref<!tpu.dma_semaphore, #tpu.memory_space<semaphore_mem>>)
      %dma_wait3A = arith.constant 0 : i32
      %dma_wait3A_42 = arith.constant 0 : i32
      %dma_wait3A_43 = tpu.memref_slice %arg5[%arg0, %dma_wait3A, %dma_wait3A_42] : memref<2x10240x128xf32, #tpu.memory_space<hbm>> -> memref<1x10240x128xf32, #tpu.memory_space<hbm>>
      %dma_wait3A_44 = tpu.memref_squeeze %dma_wait3A_43 : memref<1x10240x128xf32, #tpu.memory_space<hbm>> -> memref<10240x128xf32, #tpu.memory_space<hbm>>
      %dma_wait3A_45 = arith.constant 0 : i32
      %dma_wait3A_46 = tpu.memref_slice %dma_wait3A_44[%mul3A_34, %dma_wait3A_45] : memref<10240x128xf32, #tpu.memory_space<hbm>> -> memref<640x128xf32, #tpu.memory_space<hbm>>
      %dma_wait3A_47 = arith.constant 0 : i32
      %dma_wait3A_48 = tpu.memref_slice %arg14[%mul3A_34, %dma_wait3A_47] : memref<10240x128xf32, #tpu.memory_space<vmem_shared>> -> memref<640x128xf32, #tpu.memory_space<vmem_shared>>
      tpu.wait_dma2 semaphore(%run_scoped3A : memref<!tpu.dma_semaphore, #tpu.memory_space<semaphore_mem>>) src(%dma_wait3A_48 : memref<640x128xf32, #tpu.memory_space<vmem_shared>>) dst(%dma_wait3A_46 : memref<640x128xf32, #tpu.memory_space<hbm>>)
      tpu.yield
    }) : () -> ()
    return
  }
}

#map = affine_map<(d0, d1) -> (0, 0)>
#map1 = affine_map<(d0, d1) -> (0, 0, 0)>
module attributes {stable_mosaic.version = 14 : i64} {
  func.func @_sc_sums_ef(%arg0: i32, %arg1: i32, %arg2: memref<327680x16xf32, #tpu.memory_space<hbm>>, %arg3: memref<2560x128xi32, #tpu.memory_space<hbm>>, %arg4: memref<2x10240x128xf32, #tpu.memory_space<hbm>>, %arg5: memref<8x128xi32, #tpu.memory_space<vmem>>, %arg6: memref<128xi32, #tpu.memory_space<vmem>>, %arg7: memref<128x16xf32, #tpu.memory_space<vmem>>, %arg8: memref<128x128xf32, #tpu.memory_space<vmem>>, %arg9: memref<10240x128xf32, #tpu.memory_space<vmem_shared>>) attributes {dimension_semantics = [#tpu.dimension_semantics<core_parallel>, #tpu.dimension_semantics<subcore_parallel>], iteration_bounds = array<i64: 2, 16>, scalar_prefetch = 0 : i64, scratch_operands = 5 : i64, tpu.core_type = #tpu.core_type<sc_vector_subcore>, window_params = [{transform_indices = #map}, {transform_indices = #map}, {transform_indices = #map1}]} {
    %mul3A = arith.constant 16 : i32
    %mul3A_0 = arith.muli %arg0, %mul3A : i32
    %add3A = arith.addi %mul3A_0, %arg1 : i32
    %scan3A = arith.constant 0 : i32
    %scan3A_1 = arith.constant 0 : i32
    %scan3A_2 = arith.constant 128 : i32
    %scan3A_3 = arith.addi %scan3A_1, %scan3A_2 : i32
    %scan3A_4 = arith.constant 1 : i32
    scf.for %scan3A_41 = %scan3A_1 to %scan3A_3 step %scan3A_4  : i32 {
      %broadcast_in_dim3A = arith.constant 0.000000e+00 : f32
      %broadcast_in_dim3A_42 = vector.broadcast %broadcast_in_dim3A : f32 to vector<16xf32>
      %swap3A = arith.index_cast %scan3A_41 : i32 to index
      %swap3A_43 = arith.constant 0 : index
      %swap3A_44 = tpu.vector_load %arg8[%swap3A, %swap3A_43] {strides = array<i32>} : memref<128x128xf32, #tpu.memory_space<vmem>>, vector<1x16xf32>,
      %swap3A_45 = vector.shape_cast %swap3A_44 : vector<1x16xf32> to vector<16xf32>
      %swap3A_46 = vector.shape_cast %broadcast_in_dim3A_42 : vector<16xf32> to vector<1x16xf32>
      tpu.vector_store %arg8[%swap3A, %swap3A_43], %swap3A_46 {strides = array<i32>} : memref<128x128xf32, #tpu.memory_space<vmem>>, vector<1x16xf32>,
      %broadcast_in_dim3A_47 = arith.constant 0.000000e+00 : f32
      %broadcast_in_dim3A_48 = vector.broadcast %broadcast_in_dim3A_47 : f32 to vector<16xf32>
      %swap3A_49 = arith.index_cast %scan3A_41 : i32 to index
      %swap3A_50 = arith.constant 16 : index
      %swap3A_51 = tpu.vector_load %arg8[%swap3A_49, %swap3A_50] {strides = array<i32>} : memref<128x128xf32, #tpu.memory_space<vmem>>, vector<1x16xf32>,
      %swap3A_52 = vector.shape_cast %swap3A_51 : vector<1x16xf32> to vector<16xf32>
      %swap3A_53 = vector.shape_cast %broadcast_in_dim3A_48 : vector<16xf32> to vector<1x16xf32>
      tpu.vector_store %arg8[%swap3A_49, %swap3A_50], %swap3A_53 {strides = array<i32>} : memref<128x128xf32, #tpu.memory_space<vmem>>, vector<1x16xf32>,
      %broadcast_in_dim3A_54 = arith.constant 0.000000e+00 : f32
      %broadcast_in_dim3A_55 = vector.broadcast %broadcast_in_dim3A_54 : f32 to vector<16xf32>
      %swap3A_56 = arith.index_cast %scan3A_41 : i32 to index
      %swap3A_57 = arith.constant 32 : index
      %swap3A_58 = tpu.vector_load %arg8[%swap3A_56, %swap3A_57] {strides = array<i32>} : memref<128x128xf32, #tpu.memory_space<vmem>>, vector<1x16xf32>,
      %swap3A_59 = vector.shape_cast %swap3A_58 : vector<1x16xf32> to vector<16xf32>
      %swap3A_60 = vector.shape_cast %broadcast_in_dim3A_55 : vector<16xf32> to vector<1x16xf32>
      tpu.vector_store %arg8[%swap3A_56, %swap3A_57], %swap3A_60 {strides = array<i32>} : memref<128x128xf32, #tpu.memory_space<vmem>>, vector<1x16xf32>,
      %broadcast_in_dim3A_61 = arith.constant 0.000000e+00 : f32
      %broadcast_in_dim3A_62 = vector.broadcast %broadcast_in_dim3A_61 : f32 to vector<16xf32>
      %swap3A_63 = arith.index_cast %scan3A_41 : i32 to index
      %swap3A_64 = arith.constant 48 : index
      %swap3A_65 = tpu.vector_load %arg8[%swap3A_63, %swap3A_64] {strides = array<i32>} : memref<128x128xf32, #tpu.memory_space<vmem>>, vector<1x16xf32>,
      %swap3A_66 = vector.shape_cast %swap3A_65 : vector<1x16xf32> to vector<16xf32>
      %swap3A_67 = vector.shape_cast %broadcast_in_dim3A_62 : vector<16xf32> to vector<1x16xf32>
      tpu.vector_store %arg8[%swap3A_63, %swap3A_64], %swap3A_67 {strides = array<i32>} : memref<128x128xf32, #tpu.memory_space<vmem>>, vector<1x16xf32>,
      %broadcast_in_dim3A_68 = arith.constant 0.000000e+00 : f32
      %broadcast_in_dim3A_69 = vector.broadcast %broadcast_in_dim3A_68 : f32 to vector<16xf32>
      %swap3A_70 = arith.index_cast %scan3A_41 : i32 to index
      %swap3A_71 = arith.constant 64 : index
      %swap3A_72 = tpu.vector_load %arg8[%swap3A_70, %swap3A_71] {strides = array<i32>} : memref<128x128xf32, #tpu.memory_space<vmem>>, vector<1x16xf32>,
      %swap3A_73 = vector.shape_cast %swap3A_72 : vector<1x16xf32> to vector<16xf32>
      %swap3A_74 = vector.shape_cast %broadcast_in_dim3A_69 : vector<16xf32> to vector<1x16xf32>
      tpu.vector_store %arg8[%swap3A_70, %swap3A_71], %swap3A_74 {strides = array<i32>} : memref<128x128xf32, #tpu.memory_space<vmem>>, vector<1x16xf32>,
      %broadcast_in_dim3A_75 = arith.constant 0.000000e+00 : f32
      %broadcast_in_dim3A_76 = vector.broadcast %broadcast_in_dim3A_75 : f32 to vector<16xf32>
      %swap3A_77 = arith.index_cast %scan3A_41 : i32 to index
      %swap3A_78 = arith.constant 80 : index
      %swap3A_79 = tpu.vector_load %arg8[%swap3A_77, %swap3A_78] {strides = array<i32>} : memref<128x128xf32, #tpu.memory_space<vmem>>, vector<1x16xf32>,
      %swap3A_80 = vector.shape_cast %swap3A_79 : vector<1x16xf32> to vector<16xf32>
      %swap3A_81 = vector.shape_cast %broadcast_in_dim3A_76 : vector<16xf32> to vector<1x16xf32>
      tpu.vector_store %arg8[%swap3A_77, %swap3A_78], %swap3A_81 {strides = array<i32>} : memref<128x128xf32, #tpu.memory_space<vmem>>, vector<1x16xf32>,
      %broadcast_in_dim3A_82 = arith.constant 0.000000e+00 : f32
      %broadcast_in_dim3A_83 = vector.broadcast %broadcast_in_dim3A_82 : f32 to vector<16xf32>
      %swap3A_84 = arith.index_cast %scan3A_41 : i32 to index
      %swap3A_85 = arith.constant 96 : index
      %swap3A_86 = tpu.vector_load %arg8[%swap3A_84, %swap3A_85] {strides = array<i32>} : memref<128x128xf32, #tpu.memory_space<vmem>>, vector<1x16xf32>,
      %swap3A_87 = vector.shape_cast %swap3A_86 : vector<1x16xf32> to vector<16xf32>
      %swap3A_88 = vector.shape_cast %broadcast_in_dim3A_83 : vector<16xf32> to vector<1x16xf32>
      tpu.vector_store %arg8[%swap3A_84, %swap3A_85], %swap3A_88 {strides = array<i32>} : memref<128x128xf32, #tpu.memory_space<vmem>>, vector<1x16xf32>,
      %broadcast_in_dim3A_89 = arith.constant 0.000000e+00 : f32
      %broadcast_in_dim3A_90 = vector.broadcast %broadcast_in_dim3A_89 : f32 to vector<16xf32>
      %swap3A_91 = arith.index_cast %scan3A_41 : i32 to index
      %swap3A_92 = arith.constant 112 : index
      %swap3A_93 = tpu.vector_load %arg8[%swap3A_91, %swap3A_92] {strides = array<i32>} : memref<128x128xf32, #tpu.memory_space<vmem>>, vector<1x16xf32>,
      %swap3A_94 = vector.shape_cast %swap3A_93 : vector<1x16xf32> to vector<16xf32>
      %swap3A_95 = vector.shape_cast %broadcast_in_dim3A_90 : vector<16xf32> to vector<1x16xf32>
      tpu.vector_store %arg8[%swap3A_91, %swap3A_92], %swap3A_95 {strides = array<i32>} : memref<128x128xf32, #tpu.memory_space<vmem>>, vector<1x16xf32>,
    }
    %scan3A_5 = arith.constant 128 : i32
    %mul3A_6 = arith.constant 640 : i32
    %mul3A_7 = arith.muli %arg1, %mul3A_6 : i32
    %add3A_8 = arith.constant 0 : i32
    %add3A_9 = arith.addi %mul3A_7, %add3A_8 : i32
    "tpu.region"() ({
      %run_scoped3A = tpu.sem_alloc : memref<!tpu.dma_semaphore, #tpu.memory_space<semaphore_mem>>
      %dma_start3A = arith.constant 0 : i32
      %dma_start3A_41 = tpu.memref_slice %arg9[%add3A_9, %dma_start3A] : memref<10240x128xf32, #tpu.memory_space<vmem_shared>> -> memref<128x128xf32, #tpu.memory_space<vmem_shared>>
      %dma_start3A_42 = arith.constant 0 : i32
      %dma_start3A_43 = tpu.memref_slice %arg9[%add3A_9, %dma_start3A_42] : memref<10240x128xf32, #tpu.memory_space<vmem_shared>> -> memref<128x128xf32, #tpu.memory_space<vmem_shared>>
      tpu.enqueue_dma source(%arg8 : memref<128x128xf32, #tpu.memory_space<vmem>>) target(%dma_start3A_43 : memref<128x128xf32, #tpu.memory_space<vmem_shared>>) target_semaphore(%run_scoped3A : memref<!tpu.dma_semaphore, #tpu.memory_space<semaphore_mem>>)
      %dma_wait3A = arith.constant 0 : i32
      %dma_wait3A_44 = tpu.memref_slice %arg9[%add3A_9, %dma_wait3A] : memref<10240x128xf32, #tpu.memory_space<vmem_shared>> -> memref<128x128xf32, #tpu.memory_space<vmem_shared>>
      %dma_wait3A_45 = arith.constant 0 : i32
      %dma_wait3A_46 = tpu.memref_slice %arg9[%add3A_9, %dma_wait3A_45] : memref<10240x128xf32, #tpu.memory_space<vmem_shared>> -> memref<128x128xf32, #tpu.memory_space<vmem_shared>>
      tpu.wait_dma2 semaphore(%run_scoped3A : memref<!tpu.dma_semaphore, #tpu.memory_space<semaphore_mem>>) src(%arg8 : memref<128x128xf32, #tpu.memory_space<vmem>>) dst(%dma_wait3A_46 : memref<128x128xf32, #tpu.memory_space<vmem_shared>>)
      tpu.yield
    }) : () -> ()
    %mul3A_10 = arith.constant 640 : i32
    %mul3A_11 = arith.muli %arg1, %mul3A_10 : i32
    %add3A_12 = arith.constant 128 : i32
    %add3A_13 = arith.addi %mul3A_11, %add3A_12 : i32
    "tpu.region"() ({
      %run_scoped3A = tpu.sem_alloc : memref<!tpu.dma_semaphore, #tpu.memory_space<semaphore_mem>>
      %dma_start3A = arith.constant 0 : i32
      %dma_start3A_41 = tpu.memref_slice %arg9[%add3A_13, %dma_start3A] : memref<10240x128xf32, #tpu.memory_space<vmem_shared>> -> memref<128x128xf32, #tpu.memory_space<vmem_shared>>
      %dma_start3A_42 = arith.constant 0 : i32
      %dma_start3A_43 = tpu.memref_slice %arg9[%add3A_13, %dma_start3A_42] : memref<10240x128xf32, #tpu.memory_space<vmem_shared>> -> memref<128x128xf32, #tpu.memory_space<vmem_shared>>
      tpu.enqueue_dma source(%arg8 : memref<128x128xf32, #tpu.memory_space<vmem>>) target(%dma_start3A_43 : memref<128x128xf32, #tpu.memory_space<vmem_shared>>) target_semaphore(%run_scoped3A : memref<!tpu.dma_semaphore, #tpu.memory_space<semaphore_mem>>)
      %dma_wait3A = arith.constant 0 : i32
      %dma_wait3A_44 = tpu.memref_slice %arg9[%add3A_13, %dma_wait3A] : memref<10240x128xf32, #tpu.memory_space<vmem_shared>> -> memref<128x128xf32, #tpu.memory_space<vmem_shared>>
      %dma_wait3A_45 = arith.constant 0 : i32
      %dma_wait3A_46 = tpu.memref_slice %arg9[%add3A_13, %dma_wait3A_45] : memref<10240x128xf32, #tpu.memory_space<vmem_shared>> -> memref<128x128xf32, #tpu.memory_space<vmem_shared>>
      tpu.wait_dma2 semaphore(%run_scoped3A : memref<!tpu.dma_semaphore, #tpu.memory_space<semaphore_mem>>) src(%arg8 : memref<128x128xf32, #tpu.memory_space<vmem>>) dst(%dma_wait3A_46 : memref<128x128xf32, #tpu.memory_space<vmem_shared>>)
      tpu.yield
    }) : () -> ()
    %mul3A_14 = arith.constant 640 : i32
    %mul3A_15 = arith.muli %arg1, %mul3A_14 : i32
    %add3A_16 = arith.constant 256 : i32
    %add3A_17 = arith.addi %mul3A_15, %add3A_16 : i32
    "tpu.region"() ({
      %run_scoped3A = tpu.sem_alloc : memref<!tpu.dma_semaphore, #tpu.memory_space<semaphore_mem>>
      %dma_start3A = arith.constant 0 : i32
      %dma_start3A_41 = tpu.memref_slice %arg9[%add3A_17, %dma_start3A] : memref<10240x128xf32, #tpu.memory_space<vmem_shared>> -> memref<128x128xf32, #tpu.memory_space<vmem_shared>>
      %dma_start3A_42 = arith.constant 0 : i32
      %dma_start3A_43 = tpu.memref_slice %arg9[%add3A_17, %dma_start3A_42] : memref<10240x128xf32, #tpu.memory_space<vmem_shared>> -> memref<128x128xf32, #tpu.memory_space<vmem_shared>>
      tpu.enqueue_dma source(%arg8 : memref<128x128xf32, #tpu.memory_space<vmem>>) target(%dma_start3A_43 : memref<128x128xf32, #tpu.memory_space<vmem_shared>>) target_semaphore(%run_scoped3A : memref<!tpu.dma_semaphore, #tpu.memory_space<semaphore_mem>>)
      %dma_wait3A = arith.constant 0 : i32
      %dma_wait3A_44 = tpu.memref_slice %arg9[%add3A_17, %dma_wait3A] : memref<10240x128xf32, #tpu.memory_space<vmem_shared>> -> memref<128x128xf32, #tpu.memory_space<vmem_shared>>
      %dma_wait3A_45 = arith.constant 0 : i32
      %dma_wait3A_46 = tpu.memref_slice %arg9[%add3A_17, %dma_wait3A_45] : memref<10240x128xf32, #tpu.memory_space<vmem_shared>> -> memref<128x128xf32, #tpu.memory_space<vmem_shared>>
      tpu.wait_dma2 semaphore(%run_scoped3A : memref<!tpu.dma_semaphore, #tpu.memory_space<semaphore_mem>>) src(%arg8 : memref<128x128xf32, #tpu.memory_space<vmem>>) dst(%dma_wait3A_46 : memref<128x128xf32, #tpu.memory_space<vmem_shared>>)
      tpu.yield
    }) : () -> ()
    %mul3A_18 = arith.constant 640 : i32
    %mul3A_19 = arith.muli %arg1, %mul3A_18 : i32
    %add3A_20 = arith.constant 384 : i32
    %add3A_21 = arith.addi %mul3A_19, %add3A_20 : i32
    "tpu.region"() ({
      %run_scoped3A = tpu.sem_alloc : memref<!tpu.dma_semaphore, #tpu.memory_space<semaphore_mem>>
      %dma_start3A = arith.constant 0 : i32
      %dma_start3A_41 = tpu.memref_slice %arg9[%add3A_21, %dma_start3A] : memref<10240x128xf32, #tpu.memory_space<vmem_shared>> -> memref<128x128xf32, #tpu.memory_space<vmem_shared>>
      %dma_start3A_42 = arith.constant 0 : i32
      %dma_start3A_43 = tpu.memref_slice %arg9[%add3A_21, %dma_start3A_42] : memref<10240x128xf32, #tpu.memory_space<vmem_shared>> -> memref<128x128xf32, #tpu.memory_space<vmem_shared>>
      tpu.enqueue_dma source(%arg8 : memref<128x128xf32, #tpu.memory_space<vmem>>) target(%dma_start3A_43 : memref<128x128xf32, #tpu.memory_space<vmem_shared>>) target_semaphore(%run_scoped3A : memref<!tpu.dma_semaphore, #tpu.memory_space<semaphore_mem>>)
      %dma_wait3A = arith.constant 0 : i32
      %dma_wait3A_44 = tpu.memref_slice %arg9[%add3A_21, %dma_wait3A] : memref<10240x128xf32, #tpu.memory_space<vmem_shared>> -> memref<128x128xf32, #tpu.memory_space<vmem_shared>>
      %dma_wait3A_45 = arith.constant 0 : i32
      %dma_wait3A_46 = tpu.memref_slice %arg9[%add3A_21, %dma_wait3A_45] : memref<10240x128xf32, #tpu.memory_space<vmem_shared>> -> memref<128x128xf32, #tpu.memory_space<vmem_shared>>
      tpu.wait_dma2 semaphore(%run_scoped3A : memref<!tpu.dma_semaphore, #tpu.memory_space<semaphore_mem>>) src(%arg8 : memref<128x128xf32, #tpu.memory_space<vmem>>) dst(%dma_wait3A_46 : memref<128x128xf32, #tpu.memory_space<vmem_shared>>)
      tpu.yield
    }) : () -> ()
    %mul3A_22 = arith.constant 640 : i32
    %mul3A_23 = arith.muli %arg1, %mul3A_22 : i32
    %add3A_24 = arith.constant 512 : i32
    %add3A_25 = arith.addi %mul3A_23, %add3A_24 : i32
    "tpu.region"() ({
      %run_scoped3A = tpu.sem_alloc : memref<!tpu.dma_semaphore, #tpu.memory_space<semaphore_mem>>
      %dma_start3A = arith.constant 0 : i32
      %dma_start3A_41 = tpu.memref_slice %arg9[%add3A_25, %dma_start3A] : memref<10240x128xf32, #tpu.memory_space<vmem_shared>> -> memref<128x128xf32, #tpu.memory_space<vmem_shared>>
      %dma_start3A_42 = arith.constant 0 : i32
      %dma_start3A_43 = tpu.memref_slice %arg9[%add3A_25, %dma_start3A_42] : memref<10240x128xf32, #tpu.memory_space<vmem_shared>> -> memref<128x128xf32, #tpu.memory_space<vmem_shared>>
      tpu.enqueue_dma source(%arg8 : memref<128x128xf32, #tpu.memory_space<vmem>>) target(%dma_start3A_43 : memref<128x128xf32, #tpu.memory_space<vmem_shared>>) target_semaphore(%run_scoped3A : memref<!tpu.dma_semaphore, #tpu.memory_space<semaphore_mem>>)
      %dma_wait3A = arith.constant 0 : i32
      %dma_wait3A_44 = tpu.memref_slice %arg9[%add3A_25, %dma_wait3A] : memref<10240x128xf32, #tpu.memory_space<vmem_shared>> -> memref<128x128xf32, #tpu.memory_space<vmem_shared>>
      %dma_wait3A_45 = arith.constant 0 : i32
      %dma_wait3A_46 = tpu.memref_slice %arg9[%add3A_25, %dma_wait3A_45] : memref<10240x128xf32, #tpu.memory_space<vmem_shared>> -> memref<128x128xf32, #tpu.memory_space<vmem_shared>>
      tpu.wait_dma2 semaphore(%run_scoped3A : memref<!tpu.dma_semaphore, #tpu.memory_space<semaphore_mem>>) src(%arg8 : memref<128x128xf32, #tpu.memory_space<vmem>>) dst(%dma_wait3A_46 : memref<128x128xf32, #tpu.memory_space<vmem_shared>>)
      tpu.yield
    }) : () -> ()
    %scan3A_26 = arith.constant 0 : i32
    %scan3A_27 = arith.constant 0 : i32
    %scan3A_28 = arith.constant 128 : i32
    %scan3A_29 = arith.addi %scan3A_27, %scan3A_28 : i32
    %scan3A_30 = arith.constant 1 : i32
    scf.for %scan3A_41 = %scan3A_27 to %scan3A_29 step %scan3A_30  : i32 {
      %broadcast_in_dim3A = arith.constant 1.000000e+00 : f32
      %broadcast_in_dim3A_42 = vector.broadcast %broadcast_in_dim3A : f32 to vector<16xf32>
      %swap3A = arith.index_cast %scan3A_41 : i32 to index
      %swap3A_43 = arith.constant 16 : index
      %swap3A_44 = tpu.vector_load %arg8[%swap3A, %swap3A_43] {strides = array<i32>} : memref<128x128xf32, #tpu.memory_space<vmem>>, vector<1x16xf32>,
      %swap3A_45 = vector.shape_cast %swap3A_44 : vector<1x16xf32> to vector<16xf32>
      %swap3A_46 = vector.shape_cast %broadcast_in_dim3A_42 : vector<16xf32> to vector<1x16xf32>
      tpu.vector_store %arg8[%swap3A, %swap3A_43], %swap3A_46 {strides = array<i32>} : memref<128x128xf32, #tpu.memory_space<vmem>>, vector<1x16xf32>,
    }
    %scan3A_31 = arith.constant 128 : i32
    %barrier3A = arith.constant 0 : index
    tpu.barrier barrier_id(%barrier3A)
    %scan3A_32 = arith.constant 0 : i32
    %scan3A_33 = arith.constant 0 : i32
    %scan3A_34 = arith.constant 10 : i32
    %scan3A_35 = arith.addi %scan3A_33, %scan3A_34 : i32
    %scan3A_36 = arith.constant 1 : i32
    scf.for %scan3A_41 = %scan3A_33 to %scan3A_35 step %scan3A_36  : i32 {
      %mul3A_42 = arith.constant 80 : i32
      %mul3A_43 = arith.muli %add3A, %mul3A_42 : i32
      %mul3A_44 = arith.constant 8 : i32
      %mul3A_45 = arith.muli %scan3A_41, %mul3A_44 : i32
      %add3A_46 = arith.addi %mul3A_43, %mul3A_45 : i32
      "tpu.region"() ({
        %run_scoped3A = tpu.sem_alloc : memref<!tpu.dma_semaphore, #tpu.memory_space<semaphore_mem>>
        %dma_start3A = arith.constant 0 : i32
        %dma_start3A_53 = tpu.memref_slice %arg3[%add3A_46, %dma_start3A] : memref<2560x128xi32, #tpu.memory_space<hbm>> -> memref<8x128xi32, #tpu.memory_space<hbm>>
        %dma_start3A_54 = arith.constant 0 : i32
        %dma_start3A_55 = tpu.memref_slice %arg3[%add3A_46, %dma_start3A_54] : memref<2560x128xi32, #tpu.memory_space<hbm>> -> memref<8x128xi32, #tpu.memory_space<hbm>>
        tpu.enqueue_dma source(%dma_start3A_55 : memref<8x128xi32, #tpu.memory_space<hbm>>) target(%arg5 : memref<8x128xi32, #tpu.memory_space<vmem>>) target_semaphore(%run_scoped3A : memref<!tpu.dma_semaphore, #tpu.memory_space<semaphore_mem>>)
        %dma_wait3A = arith.constant 0 : i32
        %dma_wait3A_56 = tpu.memref_slice %arg3[%add3A_46, %dma_wait3A] : memref<2560x128xi32, #tpu.memory_space<hbm>> -> memref<8x128xi32, #tpu.memory_space<hbm>>
        %dma_wait3A_57 = arith.constant 0 : i32
        %dma_wait3A_58 = tpu.memref_slice %arg3[%add3A_46, %dma_wait3A_57] : memref<2560x128xi32, #tpu.memory_space<hbm>> -> memref<8x128xi32, #tpu.memory_space<hbm>>
        tpu.wait_dma2 semaphore(%run_scoped3A : memref<!tpu.dma_semaphore, #tpu.memory_space<semaphore_mem>>) src(%dma_wait3A_58 : memref<8x128xi32, #tpu.memory_space<hbm>>) dst(%arg5 : memref<8x128xi32, #tpu.memory_space<vmem>>)
        tpu.yield
      }) : () -> ()
      %scan3A_47 = arith.constant 0 : i32
      %scan3A_48 = arith.constant 0 : i32
      %scan3A_49 = arith.constant 8 : i32
      %scan3A_50 = arith.addi %scan3A_48, %scan3A_49 : i32
      %scan3A_51 = arith.constant 1 : i32
      scf.for %scan3A_53 = %scan3A_48 to %scan3A_50 step %scan3A_51  : i32 {
        %mul3A_54 = arith.constant 8 : i32
        %mul3A_55 = arith.muli %scan3A_41, %mul3A_54 : i32
        %add3A_56 = arith.addi %mul3A_55, %scan3A_53 : i32
        %get3A = arith.index_cast %scan3A_53 : i32 to index
        %get3A_57 = arith.constant 0 : index
        %get3A_58 = tpu.vector_load %arg5[%get3A, %get3A_57] {strides = array<i32>} : memref<8x128xi32, #tpu.memory_space<vmem>>, vector<1x16xi32>,
        %get3A_59 = vector.shape_cast %get3A_58 : vector<1x16xi32> to vector<16xi32>
        %swap3A = arith.constant 0 : index
        %swap3A_60 = tpu.vector_load %arg6[%swap3A] {strides = array<i32>} : memref<128xi32, #tpu.memory_space<vmem>>, vector<16xi32>,
        %swap3A_61 = vector.shape_cast %swap3A_60 : vector<16xi32> to vector<16xi32>
        %swap3A_62 = vector.shape_cast %get3A_59 : vector<16xi32> to vector<16xi32>
        tpu.vector_store %arg6[%swap3A], %swap3A_62 {strides = array<i32>} : memref<128xi32, #tpu.memory_space<vmem>>, vector<16xi32>,
        %get3A_63 = arith.index_cast %scan3A_53 : i32 to index
        %get3A_64 = arith.constant 16 : index
        %get3A_65 = tpu.vector_load %arg5[%get3A_63, %get3A_64] {strides = array<i32>} : memref<8x128xi32, #tpu.memory_space<vmem>>, vector<1x16xi32>,
        %get3A_66 = vector.shape_cast %get3A_65 : vector<1x16xi32> to vector<16xi32>
        %swap3A_67 = arith.constant 16 : index
        %swap3A_68 = tpu.vector_load %arg6[%swap3A_67] {strides = array<i32>} : memref<128xi32, #tpu.memory_space<vmem>>, vector<16xi32>,
        %swap3A_69 = vector.shape_cast %swap3A_68 : vector<16xi32> to vector<16xi32>
        %swap3A_70 = vector.shape_cast %get3A_66 : vector<16xi32> to vector<16xi32>
        tpu.vector_store %arg6[%swap3A_67], %swap3A_70 {strides = array<i32>} : memref<128xi32, #tpu.memory_space<vmem>>, vector<16xi32>,
        %get3A_71 = arith.index_cast %scan3A_53 : i32 to index
        %get3A_72 = arith.constant 32 : index
        %get3A_73 = tpu.vector_load %arg5[%get3A_71, %get3A_72] {strides = array<i32>} : memref<8x128xi32, #tpu.memory_space<vmem>>, vector<1x16xi32>,
        %get3A_74 = vector.shape_cast %get3A_73 : vector<1x16xi32> to vector<16xi32>
        %swap3A_75 = arith.constant 32 : index
        %swap3A_76 = tpu.vector_load %arg6[%swap3A_75] {strides = array<i32>} : memref<128xi32, #tpu.memory_space<vmem>>, vector<16xi32>,
        %swap3A_77 = vector.shape_cast %swap3A_76 : vector<16xi32> to vector<16xi32>
        %swap3A_78 = vector.shape_cast %get3A_74 : vector<16xi32> to vector<16xi32>
        tpu.vector_store %arg6[%swap3A_75], %swap3A_78 {strides = array<i32>} : memref<128xi32, #tpu.memory_space<vmem>>, vector<16xi32>,
        %get3A_79 = arith.index_cast %scan3A_53 : i32 to index
        %get3A_80 = arith.constant 48 : index
        %get3A_81 = tpu.vector_load %arg5[%get3A_79, %get3A_80] {strides = array<i32>} : memref<8x128xi32, #tpu.memory_space<vmem>>, vector<1x16xi32>,
        %get3A_82 = vector.shape_cast %get3A_81 : vector<1x16xi32> to vector<16xi32>
        %swap3A_83 = arith.constant 48 : index
        %swap3A_84 = tpu.vector_load %arg6[%swap3A_83] {strides = array<i32>} : memref<128xi32, #tpu.memory_space<vmem>>, vector<16xi32>,
        %swap3A_85 = vector.shape_cast %swap3A_84 : vector<16xi32> to vector<16xi32>
        %swap3A_86 = vector.shape_cast %get3A_82 : vector<16xi32> to vector<16xi32>
        tpu.vector_store %arg6[%swap3A_83], %swap3A_86 {strides = array<i32>} : memref<128xi32, #tpu.memory_space<vmem>>, vector<16xi32>,
        %get3A_87 = arith.index_cast %scan3A_53 : i32 to index
        %get3A_88 = arith.constant 64 : index
        %get3A_89 = tpu.vector_load %arg5[%get3A_87, %get3A_88] {strides = array<i32>} : memref<8x128xi32, #tpu.memory_space<vmem>>, vector<1x16xi32>,
        %get3A_90 = vector.shape_cast %get3A_89 : vector<1x16xi32> to vector<16xi32>
        %swap3A_91 = arith.constant 64 : index
        %swap3A_92 = tpu.vector_load %arg6[%swap3A_91] {strides = array<i32>} : memref<128xi32, #tpu.memory_space<vmem>>, vector<16xi32>,
        %swap3A_93 = vector.shape_cast %swap3A_92 : vector<16xi32> to vector<16xi32>
        %swap3A_94 = vector.shape_cast %get3A_90 : vector<16xi32> to vector<16xi32>
        tpu.vector_store %arg6[%swap3A_91], %swap3A_94 {strides = array<i32>} : memref<128xi32, #tpu.memory_space<vmem>>, vector<16xi32>,
        %get3A_95 = arith.index_cast %scan3A_53 : i32 to index
        %get3A_96 = arith.constant 80 : index
        %get3A_97 = tpu.vector_load %arg5[%get3A_95, %get3A_96] {strides = array<i32>} : memref<8x128xi32, #tpu.memory_space<vmem>>, vector<1x16xi32>,
        %get3A_98 = vector.shape_cast %get3A_97 : vector<1x16xi32> to vector<16xi32>
        %swap3A_99 = arith.constant 80 : index
        %swap3A_100 = tpu.vector_load %arg6[%swap3A_99] {strides = array<i32>} : memref<128xi32, #tpu.memory_space<vmem>>, vector<16xi32>,
        %swap3A_101 = vector.shape_cast %swap3A_100 : vector<16xi32> to vector<16xi32>
        %swap3A_102 = vector.shape_cast %get3A_98 : vector<16xi32> to vector<16xi32>
        tpu.vector_store %arg6[%swap3A_99], %swap3A_102 {strides = array<i32>} : memref<128xi32, #tpu.memory_space<vmem>>, vector<16xi32>,
        %get3A_103 = arith.index_cast %scan3A_53 : i32 to index
        %get3A_104 = arith.constant 96 : index
        %get3A_105 = tpu.vector_load %arg5[%get3A_103, %get3A_104] {strides = array<i32>} : memref<8x128xi32, #tpu.memory_space<vmem>>, vector<1x16xi32>,
        %get3A_106 = vector.shape_cast %get3A_105 : vector<1x16xi32> to vector<16xi32>
        %swap3A_107 = arith.constant 96 : index
        %swap3A_108 = tpu.vector_load %arg6[%swap3A_107] {strides = array<i32>} : memref<128xi32, #tpu.memory_space<vmem>>, vector<16xi32>,
        %swap3A_109 = vector.shape_cast %swap3A_108 : vector<16xi32> to vector<16xi32>
        %swap3A_110 = vector.shape_cast %get3A_106 : vector<16xi32> to vector<16xi32>
        tpu.vector_store %arg6[%swap3A_107], %swap3A_110 {strides = array<i32>} : memref<128xi32, #tpu.memory_space<vmem>>, vector<16xi32>,
        %get3A_111 = arith.index_cast %scan3A_53 : i32 to index
        %get3A_112 = arith.constant 112 : index
        %get3A_113 = tpu.vector_load %arg5[%get3A_111, %get3A_112] {strides = array<i32>} : memref<8x128xi32, #tpu.memory_space<vmem>>, vector<1x16xi32>,
        %get3A_114 = vector.shape_cast %get3A_113 : vector<1x16xi32> to vector<16xi32>
        %swap3A_115 = arith.constant 112 : index
        %swap3A_116 = tpu.vector_load %arg6[%swap3A_115] {strides = array<i32>} : memref<128xi32, #tpu.memory_space<vmem>>, vector<16xi32>,
        %swap3A_117 = vector.shape_cast %swap3A_116 : vector<16xi32> to vector<16xi32>
        %swap3A_118 = vector.shape_cast %get3A_114 : vector<16xi32> to vector<16xi32>
        tpu.vector_store %arg6[%swap3A_115], %swap3A_118 {strides = array<i32>} : memref<128xi32, #tpu.memory_space<vmem>>, vector<16xi32>,
        %mul3A_119 = arith.constant 10240 : i32
        %mul3A_120 = arith.muli %add3A, %mul3A_119 : i32
        %mul3A_121 = arith.constant 128 : i32
        %mul3A_122 = arith.muli %add3A_56, %mul3A_121 : i32
        %add3A_123 = arith.addi %mul3A_120, %mul3A_122 : i32
        "tpu.region"() ({
          %run_scoped3A = tpu.sem_alloc : memref<!tpu.dma_semaphore, #tpu.memory_space<semaphore_mem>>
          %dma_start3A = arith.constant 0 : i32
          %dma_start3A_130 = tpu.memref_slice %arg2[%add3A_123, %dma_start3A] : memref<327680x16xf32, #tpu.memory_space<hbm>> -> memref<128x16xf32, #tpu.memory_space<hbm>>
          %dma_start3A_131 = arith.constant 0 : i32
          %dma_start3A_132 = tpu.memref_slice %arg2[%add3A_123, %dma_start3A_131] : memref<327680x16xf32, #tpu.memory_space<hbm>> -> memref<128x16xf32, #tpu.memory_space<hbm>>
          tpu.enqueue_dma source(%dma_start3A_132 : memref<128x16xf32, #tpu.memory_space<hbm>>) target(%arg7 : memref<128x16xf32, #tpu.memory_space<vmem>>) target_semaphore(%run_scoped3A : memref<!tpu.dma_semaphore, #tpu.memory_space<semaphore_mem>>)
          %dma_wait3A = arith.constant 0 : i32
          %dma_wait3A_133 = tpu.memref_slice %arg2[%add3A_123, %dma_wait3A] : memref<327680x16xf32, #tpu.memory_space<hbm>> -> memref<128x16xf32, #tpu.memory_space<hbm>>
          %dma_wait3A_134 = arith.constant 0 : i32
          %dma_wait3A_135 = tpu.memref_slice %arg2[%add3A_123, %dma_wait3A_134] : memref<327680x16xf32, #tpu.memory_space<hbm>> -> memref<128x16xf32, #tpu.memory_space<hbm>>
          tpu.wait_dma2 semaphore(%run_scoped3A : memref<!tpu.dma_semaphore, #tpu.memory_space<semaphore_mem>>) src(%dma_wait3A_135 : memref<128x16xf32, #tpu.memory_space<hbm>>) dst(%arg7 : memref<128x16xf32, #tpu.memory_space<vmem>>)
          tpu.yield
        }) : () -> ()
        %scan3A_124 = arith.constant 0 : i32
        %scan3A_125 = arith.constant 0 : i32
        %scan3A_126 = arith.constant 128 : i32
        %scan3A_127 = arith.addi %scan3A_125, %scan3A_126 : i32
        %scan3A_128 = arith.constant 1 : i32
        scf.for %scan3A_130 = %scan3A_125 to %scan3A_127 step %scan3A_128  : i32 {
          %get3A_131 = arith.index_cast %scan3A_130 : i32 to index
          %get3A_132 = arith.constant 0 : index
          %get3A_133 = tpu.vector_load %arg7[%get3A_131, %get3A_132] {strides = array<i32>} : memref<128x16xf32, #tpu.memory_space<vmem>>, vector<1x16xf32>,
          %get3A_134 = vector.shape_cast %get3A_133 : vector<1x16xf32> to vector<16xf32>
          %swap3A_135 = arith.index_cast %scan3A_130 : i32 to index
          %swap3A_136 = arith.constant 0 : index
          %swap3A_137 = tpu.vector_load %arg8[%swap3A_135, %swap3A_136] {strides = array<i32>} : memref<128x128xf32, #tpu.memory_space<vmem>>, vector<1x16xf32>,
          %swap3A_138 = vector.shape_cast %swap3A_137 : vector<1x16xf32> to vector<16xf32>
          %swap3A_139 = vector.shape_cast %get3A_134 : vector<16xf32> to vector<1x16xf32>
          tpu.vector_store %arg8[%swap3A_135, %swap3A_136], %swap3A_139 {strides = array<i32>} : memref<128x128xf32, #tpu.memory_space<vmem>>, vector<1x16xf32>,
        }
        %scan3A_129 = arith.constant 128 : i32
        "tpu.region"() ({
          %run_scoped3A = tpu.sem_alloc : memref<!tpu.dma_semaphore, #tpu.memory_space<semaphore_mem>>
          %dma_start3A = arith.constant 0 : i32
          %dma_start3A_130 = arith.constant 0 : i32
          %dma_start3A_131 = tpu.memref_slice %arg9[%dma_start3A, %dma_start3A_130] : memref<10240x128xf32, #tpu.memory_space<vmem_shared>> -> memref<10240x128xf32, #tpu.memory_space<vmem_shared>>
          tpu.enqueue_indirect_dma source(%arg8 : memref<128x128xf32, #tpu.memory_space<vmem>>) target(%dma_start3A_131 : memref<10240x128xf32, #tpu.memory_space<vmem_shared>>) offsets(%arg6 : memref<128xi32, #tpu.memory_space<vmem>>) semaphore(%run_scoped3A : memref<!tpu.dma_semaphore, #tpu.memory_space<semaphore_mem>>) {add = true}
          %dma_wait3A = arith.constant 0 : i32
          %dma_wait3A_132 = arith.constant 0 : i32
          %dma_wait3A_133 = tpu.memref_slice %arg9[%dma_wait3A, %dma_wait3A_132] : memref<10240x128xf32, #tpu.memory_space<vmem_shared>> -> memref<10240x128xf32, #tpu.memory_space<vmem_shared>>
          tpu.wait_indirect_dma semaphore(%run_scoped3A : memref<!tpu.dma_semaphore, #tpu.memory_space<semaphore_mem>>) src(%arg8 : memref<128x128xf32, #tpu.memory_space<vmem>>) dst(%dma_wait3A_133 : memref<10240x128xf32, #tpu.memory_space<vmem_shared>>)
          tpu.yield
        }) : () -> ()
      }
      %scan3A_52 = arith.constant 8 : i32
    }
    %scan3A_37 = arith.constant 10 : i32
    %barrier3A_38 = arith.constant 0 : index
    tpu.barrier barrier_id(%barrier3A_38)
    %mul3A_39 = arith.constant 640 : i32
    %mul3A_40 = arith.muli %arg1, %mul3A_39 : i32
    "tpu.region"() ({
      %run_scoped3A = tpu.sem_alloc : memref<!tpu.dma_semaphore, #tpu.memory_space<semaphore_mem>>
      %dma_start3A = arith.constant 0 : i32
      %dma_start3A_41 = arith.constant 0 : i32
      %dma_start3A_42 = tpu.memref_slice %arg4[%arg0, %dma_start3A, %dma_start3A_41] : memref<2x10240x128xf32, #tpu.memory_space<hbm>> -> memref<1x10240x128xf32, #tpu.memory_space<hbm>>
      %dma_start3A_43 = tpu.memref_squeeze %dma_start3A_42 : memref<1x10240x128xf32, #tpu.memory_space<hbm>> -> memref<10240x128xf32, #tpu.memory_space<hbm>>
      %dma_start3A_44 = arith.constant 0 : i32
      %dma_start3A_45 = tpu.memref_slice %dma_start3A_43[%mul3A_40, %dma_start3A_44] : memref<10240x128xf32, #tpu.memory_space<hbm>> -> memref<640x128xf32, #tpu.memory_space<hbm>>
      %dma_start3A_46 = arith.constant 0 : i32
      %dma_start3A_47 = tpu.memref_slice %arg9[%mul3A_40, %dma_start3A_46] : memref<10240x128xf32, #tpu.memory_space<vmem_shared>> -> memref<640x128xf32, #tpu.memory_space<vmem_shared>>
      tpu.enqueue_dma source(%dma_start3A_47 : memref<640x128xf32, #tpu.memory_space<vmem_shared>>) target(%dma_start3A_45 : memref<640x128xf32, #tpu.memory_space<hbm>>) target_semaphore(%run_scoped3A : memref<!tpu.dma_semaphore, #tpu.memory_space<semaphore_mem>>)
      %dma_wait3A = arith.constant 0 : i32
      %dma_wait3A_48 = arith.constant 0 : i32
      %dma_wait3A_49 = tpu.memref_slice %arg4[%arg0, %dma_wait3A, %dma_wait3A_48] : memref<2x10240x128xf32, #tpu.memory_space<hbm>> -> memref<1x10240x128xf32, #tpu.memory_space<hbm>>
      %dma_wait3A_50 = tpu.memref_squeeze %dma_wait3A_49 : memref<1x10240x128xf32, #tpu.memory_space<hbm>> -> memref<10240x128xf32, #tpu.memory_space<hbm>>
      %dma_wait3A_51 = arith.constant 0 : i32
      %dma_wait3A_52 = tpu.memref_slice %dma_wait3A_50[%mul3A_40, %dma_wait3A_51] : memref<10240x128xf32, #tpu.memory_space<hbm>> -> memref<640x128xf32, #tpu.memory_space<hbm>>
      %dma_wait3A_53 = arith.constant 0 : i32
      %dma_wait3A_54 = tpu.memref_slice %arg9[%mul3A_40, %dma_wait3A_53] : memref<10240x128xf32, #tpu.memory_space<vmem_shared>> -> memref<640x128xf32, #tpu.memory_space<vmem_shared>>
      tpu.wait_dma2 semaphore(%run_scoped3A : memref<!tpu.dma_semaphore, #tpu.memory_space<semaphore_mem>>) src(%dma_wait3A_54 : memref<640x128xf32, #tpu.memory_space<vmem_shared>>) dst(%dma_wait3A_52 : memref<640x128xf32, #tpu.memory_space<hbm>>)
      tpu.yield
    }) : () -> ()
    return
  }
}

#map = affine_map<(d0, d1) -> (0, 0)>
#map1 = affine_map<(d0, d1) -> (0, 0, 0)>
module attributes {stable_mosaic.version = 14 : i64} {
  func.func @_sc_cnt(%arg0: i32, %arg1: i32, %arg2: memref<2560x128xi32, #tpu.memory_space<hbm>>, %arg3: memref<2x10240x128xf32, #tpu.memory_space<hbm>>, %arg4: memref<8x128xi32, #tpu.memory_space<vmem>>, %arg5: memref<128xi32, #tpu.memory_space<vmem>>, %arg6: memref<128xi32, #tpu.memory_space<vmem>>, %arg7: memref<128x128xf32, #tpu.memory_space<vmem>>, %arg8: memref<!tpu.dma_semaphore, #tpu.memory_space<semaphore_mem>>, %arg9: memref<!tpu.dma_semaphore, #tpu.memory_space<semaphore_mem>>, %arg10: memref<10240x128xf32, #tpu.memory_space<vmem_shared>>) attributes {dimension_semantics = [#tpu.dimension_semantics<core_parallel>, #tpu.dimension_semantics<subcore_parallel>], iteration_bounds = array<i64: 2, 16>, scalar_prefetch = 0 : i64, scratch_operands = 7 : i64, tpu.core_type = #tpu.core_type<sc_vector_subcore>, window_params = [{transform_indices = #map}, {transform_indices = #map1}]} {
    %mul3A = arith.constant 16 : i32
    %mul3A_0 = arith.muli %arg0, %mul3A : i32
    %add3A = arith.addi %mul3A_0, %arg1 : i32
    %scan3A = arith.constant 0 : i32
    %scan3A_1 = arith.constant 0 : i32
    %scan3A_2 = arith.constant 128 : i32
    %scan3A_3 = arith.addi %scan3A_1, %scan3A_2 : i32
    %scan3A_4 = arith.constant 1 : i32
    scf.for %scan3A_41 = %scan3A_1 to %scan3A_3 step %scan3A_4  : i32 {
      %broadcast_in_dim3A = arith.constant 0.000000e+00 : f32
      %broadcast_in_dim3A_42 = vector.broadcast %broadcast_in_dim3A : f32 to vector<16xf32>
      %swap3A = arith.index_cast %scan3A_41 : i32 to index
      %swap3A_43 = arith.constant 0 : index
      %swap3A_44 = tpu.vector_load %arg7[%swap3A, %swap3A_43] {strides = array<i32>} : memref<128x128xf32, #tpu.memory_space<vmem>>, vector<1x16xf32>,
      %swap3A_45 = vector.shape_cast %swap3A_44 : vector<1x16xf32> to vector<16xf32>
      %swap3A_46 = vector.shape_cast %broadcast_in_dim3A_42 : vector<16xf32> to vector<1x16xf32>
      tpu.vector_store %arg7[%swap3A, %swap3A_43], %swap3A_46 {strides = array<i32>} : memref<128x128xf32, #tpu.memory_space<vmem>>, vector<1x16xf32>,
      %broadcast_in_dim3A_47 = arith.constant 0.000000e+00 : f32
      %broadcast_in_dim3A_48 = vector.broadcast %broadcast_in_dim3A_47 : f32 to vector<16xf32>
      %swap3A_49 = arith.index_cast %scan3A_41 : i32 to index
      %swap3A_50 = arith.constant 16 : index
      %swap3A_51 = tpu.vector_load %arg7[%swap3A_49, %swap3A_50] {strides = array<i32>} : memref<128x128xf32, #tpu.memory_space<vmem>>, vector<1x16xf32>,
      %swap3A_52 = vector.shape_cast %swap3A_51 : vector<1x16xf32> to vector<16xf32>
      %swap3A_53 = vector.shape_cast %broadcast_in_dim3A_48 : vector<16xf32> to vector<1x16xf32>
      tpu.vector_store %arg7[%swap3A_49, %swap3A_50], %swap3A_53 {strides = array<i32>} : memref<128x128xf32, #tpu.memory_space<vmem>>, vector<1x16xf32>,
      %broadcast_in_dim3A_54 = arith.constant 0.000000e+00 : f32
      %broadcast_in_dim3A_55 = vector.broadcast %broadcast_in_dim3A_54 : f32 to vector<16xf32>
      %swap3A_56 = arith.index_cast %scan3A_41 : i32 to index
      %swap3A_57 = arith.constant 32 : index
      %swap3A_58 = tpu.vector_load %arg7[%swap3A_56, %swap3A_57] {strides = array<i32>} : memref<128x128xf32, #tpu.memory_space<vmem>>, vector<1x16xf32>,
      %swap3A_59 = vector.shape_cast %swap3A_58 : vector<1x16xf32> to vector<16xf32>
      %swap3A_60 = vector.shape_cast %broadcast_in_dim3A_55 : vector<16xf32> to vector<1x16xf32>
      tpu.vector_store %arg7[%swap3A_56, %swap3A_57], %swap3A_60 {strides = array<i32>} : memref<128x128xf32, #tpu.memory_space<vmem>>, vector<1x16xf32>,
      %broadcast_in_dim3A_61 = arith.constant 0.000000e+00 : f32
      %broadcast_in_dim3A_62 = vector.broadcast %broadcast_in_dim3A_61 : f32 to vector<16xf32>
      %swap3A_63 = arith.index_cast %scan3A_41 : i32 to index
      %swap3A_64 = arith.constant 48 : index
      %swap3A_65 = tpu.vector_load %arg7[%swap3A_63, %swap3A_64] {strides = array<i32>} : memref<128x128xf32, #tpu.memory_space<vmem>>, vector<1x16xf32>,
      %swap3A_66 = vector.shape_cast %swap3A_65 : vector<1x16xf32> to vector<16xf32>
      %swap3A_67 = vector.shape_cast %broadcast_in_dim3A_62 : vector<16xf32> to vector<1x16xf32>
      tpu.vector_store %arg7[%swap3A_63, %swap3A_64], %swap3A_67 {strides = array<i32>} : memref<128x128xf32, #tpu.memory_space<vmem>>, vector<1x16xf32>,
      %broadcast_in_dim3A_68 = arith.constant 0.000000e+00 : f32
      %broadcast_in_dim3A_69 = vector.broadcast %broadcast_in_dim3A_68 : f32 to vector<16xf32>
      %swap3A_70 = arith.index_cast %scan3A_41 : i32 to index
      %swap3A_71 = arith.constant 64 : index
      %swap3A_72 = tpu.vector_load %arg7[%swap3A_70, %swap3A_71] {strides = array<i32>} : memref<128x128xf32, #tpu.memory_space<vmem>>, vector<1x16xf32>,
      %swap3A_73 = vector.shape_cast %swap3A_72 : vector<1x16xf32> to vector<16xf32>
      %swap3A_74 = vector.shape_cast %broadcast_in_dim3A_69 : vector<16xf32> to vector<1x16xf32>
      tpu.vector_store %arg7[%swap3A_70, %swap3A_71], %swap3A_74 {strides = array<i32>} : memref<128x128xf32, #tpu.memory_space<vmem>>, vector<1x16xf32>,
      %broadcast_in_dim3A_75 = arith.constant 0.000000e+00 : f32
      %broadcast_in_dim3A_76 = vector.broadcast %broadcast_in_dim3A_75 : f32 to vector<16xf32>
      %swap3A_77 = arith.index_cast %scan3A_41 : i32 to index
      %swap3A_78 = arith.constant 80 : index
      %swap3A_79 = tpu.vector_load %arg7[%swap3A_77, %swap3A_78] {strides = array<i32>} : memref<128x128xf32, #tpu.memory_space<vmem>>, vector<1x16xf32>,
      %swap3A_80 = vector.shape_cast %swap3A_79 : vector<1x16xf32> to vector<16xf32>
      %swap3A_81 = vector.shape_cast %broadcast_in_dim3A_76 : vector<16xf32> to vector<1x16xf32>
      tpu.vector_store %arg7[%swap3A_77, %swap3A_78], %swap3A_81 {strides = array<i32>} : memref<128x128xf32, #tpu.memory_space<vmem>>, vector<1x16xf32>,
      %broadcast_in_dim3A_82 = arith.constant 0.000000e+00 : f32
      %broadcast_in_dim3A_83 = vector.broadcast %broadcast_in_dim3A_82 : f32 to vector<16xf32>
      %swap3A_84 = arith.index_cast %scan3A_41 : i32 to index
      %swap3A_85 = arith.constant 96 : index
      %swap3A_86 = tpu.vector_load %arg7[%swap3A_84, %swap3A_85] {strides = array<i32>} : memref<128x128xf32, #tpu.memory_space<vmem>>, vector<1x16xf32>,
      %swap3A_87 = vector.shape_cast %swap3A_86 : vector<1x16xf32> to vector<16xf32>
      %swap3A_88 = vector.shape_cast %broadcast_in_dim3A_83 : vector<16xf32> to vector<1x16xf32>
      tpu.vector_store %arg7[%swap3A_84, %swap3A_85], %swap3A_88 {strides = array<i32>} : memref<128x128xf32, #tpu.memory_space<vmem>>, vector<1x16xf32>,
      %broadcast_in_dim3A_89 = arith.constant 0.000000e+00 : f32
      %broadcast_in_dim3A_90 = vector.broadcast %broadcast_in_dim3A_89 : f32 to vector<16xf32>
      %swap3A_91 = arith.index_cast %scan3A_41 : i32 to index
      %swap3A_92 = arith.constant 112 : index
      %swap3A_93 = tpu.vector_load %arg7[%swap3A_91, %swap3A_92] {strides = array<i32>} : memref<128x128xf32, #tpu.memory_space<vmem>>, vector<1x16xf32>,
      %swap3A_94 = vector.shape_cast %swap3A_93 : vector<1x16xf32> to vector<16xf32>
      %swap3A_95 = vector.shape_cast %broadcast_in_dim3A_90 : vector<16xf32> to vector<1x16xf32>
      tpu.vector_store %arg7[%swap3A_91, %swap3A_92], %swap3A_95 {strides = array<i32>} : memref<128x128xf32, #tpu.memory_space<vmem>>, vector<1x16xf32>,
    }
    %scan3A_5 = arith.constant 128 : i32
    %mul3A_6 = arith.constant 640 : i32
    %mul3A_7 = arith.muli %arg1, %mul3A_6 : i32
    %add3A_8 = arith.constant 0 : i32
    %add3A_9 = arith.addi %mul3A_7, %add3A_8 : i32
    "tpu.region"() ({
      %run_scoped3A = tpu.sem_alloc : memref<!tpu.dma_semaphore, #tpu.memory_space<semaphore_mem>>
      %dma_start3A = arith.constant 0 : i32
      %dma_start3A_41 = tpu.memref_slice %arg10[%add3A_9, %dma_start3A] : memref<10240x128xf32, #tpu.memory_space<vmem_shared>> -> memref<128x128xf32, #tpu.memory_space<vmem_shared>>
      %dma_start3A_42 = arith.constant 0 : i32
      %dma_start3A_43 = tpu.memref_slice %arg10[%add3A_9, %dma_start3A_42] : memref<10240x128xf32, #tpu.memory_space<vmem_shared>> -> memref<128x128xf32, #tpu.memory_space<vmem_shared>>
      tpu.enqueue_dma source(%arg7 : memref<128x128xf32, #tpu.memory_space<vmem>>) target(%dma_start3A_43 : memref<128x128xf32, #tpu.memory_space<vmem_shared>>) target_semaphore(%run_scoped3A : memref<!tpu.dma_semaphore, #tpu.memory_space<semaphore_mem>>)
      %dma_wait3A = arith.constant 0 : i32
      %dma_wait3A_44 = tpu.memref_slice %arg10[%add3A_9, %dma_wait3A] : memref<10240x128xf32, #tpu.memory_space<vmem_shared>> -> memref<128x128xf32, #tpu.memory_space<vmem_shared>>
      %dma_wait3A_45 = arith.constant 0 : i32
      %dma_wait3A_46 = tpu.memref_slice %arg10[%add3A_9, %dma_wait3A_45] : memref<10240x128xf32, #tpu.memory_space<vmem_shared>> -> memref<128x128xf32, #tpu.memory_space<vmem_shared>>
      tpu.wait_dma2 semaphore(%run_scoped3A : memref<!tpu.dma_semaphore, #tpu.memory_space<semaphore_mem>>) src(%arg7 : memref<128x128xf32, #tpu.memory_space<vmem>>) dst(%dma_wait3A_46 : memref<128x128xf32, #tpu.memory_space<vmem_shared>>)
      tpu.yield
    }) : () -> ()
    %mul3A_10 = arith.constant 640 : i32
    %mul3A_11 = arith.muli %arg1, %mul3A_10 : i32
    %add3A_12 = arith.constant 128 : i32
    %add3A_13 = arith.addi %mul3A_11, %add3A_12 : i32
    "tpu.region"() ({
      %run_scoped3A = tpu.sem_alloc : memref<!tpu.dma_semaphore, #tpu.memory_space<semaphore_mem>>
      %dma_start3A = arith.constant 0 : i32
      %dma_start3A_41 = tpu.memref_slice %arg10[%add3A_13, %dma_start3A] : memref<10240x128xf32, #tpu.memory_space<vmem_shared>> -> memref<128x128xf32, #tpu.memory_space<vmem_shared>>
      %dma_start3A_42 = arith.constant 0 : i32
      %dma_start3A_43 = tpu.memref_slice %arg10[%add3A_13, %dma_start3A_42] : memref<10240x128xf32, #tpu.memory_space<vmem_shared>> -> memref<128x128xf32, #tpu.memory_space<vmem_shared>>
      tpu.enqueue_dma source(%arg7 : memref<128x128xf32, #tpu.memory_space<vmem>>) target(%dma_start3A_43 : memref<128x128xf32, #tpu.memory_space<vmem_shared>>) target_semaphore(%run_scoped3A : memref<!tpu.dma_semaphore, #tpu.memory_space<semaphore_mem>>)
      %dma_wait3A = arith.constant 0 : i32
      %dma_wait3A_44 = tpu.memref_slice %arg10[%add3A_13, %dma_wait3A] : memref<10240x128xf32, #tpu.memory_space<vmem_shared>> -> memref<128x128xf32, #tpu.memory_space<vmem_shared>>
      %dma_wait3A_45 = arith.constant 0 : i32
      %dma_wait3A_46 = tpu.memref_slice %arg10[%add3A_13, %dma_wait3A_45] : memref<10240x128xf32, #tpu.memory_space<vmem_shared>> -> memref<128x128xf32, #tpu.memory_space<vmem_shared>>
      tpu.wait_dma2 semaphore(%run_scoped3A : memref<!tpu.dma_semaphore, #tpu.memory_space<semaphore_mem>>) src(%arg7 : memref<128x128xf32, #tpu.memory_space<vmem>>) dst(%dma_wait3A_46 : memref<128x128xf32, #tpu.memory_space<vmem_shared>>)
      tpu.yield
    }) : () -> ()
    %mul3A_14 = arith.constant 640 : i32
    %mul3A_15 = arith.muli %arg1, %mul3A_14 : i32
    %add3A_16 = arith.constant 256 : i32
    %add3A_17 = arith.addi %mul3A_15, %add3A_16 : i32
    "tpu.region"() ({
      %run_scoped3A = tpu.sem_alloc : memref<!tpu.dma_semaphore, #tpu.memory_space<semaphore_mem>>
      %dma_start3A = arith.constant 0 : i32
      %dma_start3A_41 = tpu.memref_slice %arg10[%add3A_17, %dma_start3A] : memref<10240x128xf32, #tpu.memory_space<vmem_shared>> -> memref<128x128xf32, #tpu.memory_space<vmem_shared>>
      %dma_start3A_42 = arith.constant 0 : i32
      %dma_start3A_43 = tpu.memref_slice %arg10[%add3A_17, %dma_start3A_42] : memref<10240x128xf32, #tpu.memory_space<vmem_shared>> -> memref<128x128xf32, #tpu.memory_space<vmem_shared>>
      tpu.enqueue_dma source(%arg7 : memref<128x128xf32, #tpu.memory_space<vmem>>) target(%dma_start3A_43 : memref<128x128xf32, #tpu.memory_space<vmem_shared>>) target_semaphore(%run_scoped3A : memref<!tpu.dma_semaphore, #tpu.memory_space<semaphore_mem>>)
      %dma_wait3A = arith.constant 0 : i32
      %dma_wait3A_44 = tpu.memref_slice %arg10[%add3A_17, %dma_wait3A] : memref<10240x128xf32, #tpu.memory_space<vmem_shared>> -> memref<128x128xf32, #tpu.memory_space<vmem_shared>>
      %dma_wait3A_45 = arith.constant 0 : i32
      %dma_wait3A_46 = tpu.memref_slice %arg10[%add3A_17, %dma_wait3A_45] : memref<10240x128xf32, #tpu.memory_space<vmem_shared>> -> memref<128x128xf32, #tpu.memory_space<vmem_shared>>
      tpu.wait_dma2 semaphore(%run_scoped3A : memref<!tpu.dma_semaphore, #tpu.memory_space<semaphore_mem>>) src(%arg7 : memref<128x128xf32, #tpu.memory_space<vmem>>) dst(%dma_wait3A_46 : memref<128x128xf32, #tpu.memory_space<vmem_shared>>)
      tpu.yield
    }) : () -> ()
    %mul3A_18 = arith.constant 640 : i32
    %mul3A_19 = arith.muli %arg1, %mul3A_18 : i32
    %add3A_20 = arith.constant 384 : i32
    %add3A_21 = arith.addi %mul3A_19, %add3A_20 : i32
    "tpu.region"() ({
      %run_scoped3A = tpu.sem_alloc : memref<!tpu.dma_semaphore, #tpu.memory_space<semaphore_mem>>
      %dma_start3A = arith.constant 0 : i32
      %dma_start3A_41 = tpu.memref_slice %arg10[%add3A_21, %dma_start3A] : memref<10240x128xf32, #tpu.memory_space<vmem_shared>> -> memref<128x128xf32, #tpu.memory_space<vmem_shared>>
      %dma_start3A_42 = arith.constant 0 : i32
      %dma_start3A_43 = tpu.memref_slice %arg10[%add3A_21, %dma_start3A_42] : memref<10240x128xf32, #tpu.memory_space<vmem_shared>> -> memref<128x128xf32, #tpu.memory_space<vmem_shared>>
      tpu.enqueue_dma source(%arg7 : memref<128x128xf32, #tpu.memory_space<vmem>>) target(%dma_start3A_43 : memref<128x128xf32, #tpu.memory_space<vmem_shared>>) target_semaphore(%run_scoped3A : memref<!tpu.dma_semaphore, #tpu.memory_space<semaphore_mem>>)
      %dma_wait3A = arith.constant 0 : i32
      %dma_wait3A_44 = tpu.memref_slice %arg10[%add3A_21, %dma_wait3A] : memref<10240x128xf32, #tpu.memory_space<vmem_shared>> -> memref<128x128xf32, #tpu.memory_space<vmem_shared>>
      %dma_wait3A_45 = arith.constant 0 : i32
      %dma_wait3A_46 = tpu.memref_slice %arg10[%add3A_21, %dma_wait3A_45] : memref<10240x128xf32, #tpu.memory_space<vmem_shared>> -> memref<128x128xf32, #tpu.memory_space<vmem_shared>>
      tpu.wait_dma2 semaphore(%run_scoped3A : memref<!tpu.dma_semaphore, #tpu.memory_space<semaphore_mem>>) src(%arg7 : memref<128x128xf32, #tpu.memory_space<vmem>>) dst(%dma_wait3A_46 : memref<128x128xf32, #tpu.memory_space<vmem_shared>>)
      tpu.yield
    }) : () -> ()
    %mul3A_22 = arith.constant 640 : i32
    %mul3A_23 = arith.muli %arg1, %mul3A_22 : i32
    %add3A_24 = arith.constant 512 : i32
    %add3A_25 = arith.addi %mul3A_23, %add3A_24 : i32
    "tpu.region"() ({
      %run_scoped3A = tpu.sem_alloc : memref<!tpu.dma_semaphore, #tpu.memory_space<semaphore_mem>>
      %dma_start3A = arith.constant 0 : i32
      %dma_start3A_41 = tpu.memref_slice %arg10[%add3A_25, %dma_start3A] : memref<10240x128xf32, #tpu.memory_space<vmem_shared>> -> memref<128x128xf32, #tpu.memory_space<vmem_shared>>
      %dma_start3A_42 = arith.constant 0 : i32
      %dma_start3A_43 = tpu.memref_slice %arg10[%add3A_25, %dma_start3A_42] : memref<10240x128xf32, #tpu.memory_space<vmem_shared>> -> memref<128x128xf32, #tpu.memory_space<vmem_shared>>
      tpu.enqueue_dma source(%arg7 : memref<128x128xf32, #tpu.memory_space<vmem>>) target(%dma_start3A_43 : memref<128x128xf32, #tpu.memory_space<vmem_shared>>) target_semaphore(%run_scoped3A : memref<!tpu.dma_semaphore, #tpu.memory_space<semaphore_mem>>)
      %dma_wait3A = arith.constant 0 : i32
      %dma_wait3A_44 = tpu.memref_slice %arg10[%add3A_25, %dma_wait3A] : memref<10240x128xf32, #tpu.memory_space<vmem_shared>> -> memref<128x128xf32, #tpu.memory_space<vmem_shared>>
      %dma_wait3A_45 = arith.constant 0 : i32
      %dma_wait3A_46 = tpu.memref_slice %arg10[%add3A_25, %dma_wait3A_45] : memref<10240x128xf32, #tpu.memory_space<vmem_shared>> -> memref<128x128xf32, #tpu.memory_space<vmem_shared>>
      tpu.wait_dma2 semaphore(%run_scoped3A : memref<!tpu.dma_semaphore, #tpu.memory_space<semaphore_mem>>) src(%arg7 : memref<128x128xf32, #tpu.memory_space<vmem>>) dst(%dma_wait3A_46 : memref<128x128xf32, #tpu.memory_space<vmem_shared>>)
      tpu.yield
    }) : () -> ()
    %scan3A_26 = arith.constant 0 : i32
    %scan3A_27 = arith.constant 0 : i32
    %scan3A_28 = arith.constant 128 : i32
    %scan3A_29 = arith.addi %scan3A_27, %scan3A_28 : i32
    %scan3A_30 = arith.constant 1 : i32
    scf.for %scan3A_41 = %scan3A_27 to %scan3A_29 step %scan3A_30  : i32 {
      %broadcast_in_dim3A = arith.constant 1.000000e+00 : f32
      %broadcast_in_dim3A_42 = vector.broadcast %broadcast_in_dim3A : f32 to vector<16xf32>
      %swap3A = arith.index_cast %scan3A_41 : i32 to index
      %swap3A_43 = arith.constant 0 : index
      %swap3A_44 = tpu.vector_load %arg7[%swap3A, %swap3A_43] {strides = array<i32>} : memref<128x128xf32, #tpu.memory_space<vmem>>, vector<1x16xf32>,
      %swap3A_45 = vector.shape_cast %swap3A_44 : vector<1x16xf32> to vector<16xf32>
      %swap3A_46 = vector.shape_cast %broadcast_in_dim3A_42 : vector<16xf32> to vector<1x16xf32>
      tpu.vector_store %arg7[%swap3A, %swap3A_43], %swap3A_46 {strides = array<i32>} : memref<128x128xf32, #tpu.memory_space<vmem>>, vector<1x16xf32>,
      %broadcast_in_dim3A_47 = arith.constant 1.000000e+00 : f32
      %broadcast_in_dim3A_48 = vector.broadcast %broadcast_in_dim3A_47 : f32 to vector<16xf32>
      %swap3A_49 = arith.index_cast %scan3A_41 : i32 to index
      %swap3A_50 = arith.constant 16 : index
      %swap3A_51 = tpu.vector_load %arg7[%swap3A_49, %swap3A_50] {strides = array<i32>} : memref<128x128xf32, #tpu.memory_space<vmem>>, vector<1x16xf32>,
      %swap3A_52 = vector.shape_cast %swap3A_51 : vector<1x16xf32> to vector<16xf32>
      %swap3A_53 = vector.shape_cast %broadcast_in_dim3A_48 : vector<16xf32> to vector<1x16xf32>
      tpu.vector_store %arg7[%swap3A_49, %swap3A_50], %swap3A_53 {strides = array<i32>} : memref<128x128xf32, #tpu.memory_space<vmem>>, vector<1x16xf32>,
      %broadcast_in_dim3A_54 = arith.constant 1.000000e+00 : f32
      %broadcast_in_dim3A_55 = vector.broadcast %broadcast_in_dim3A_54 : f32 to vector<16xf32>
      %swap3A_56 = arith.index_cast %scan3A_41 : i32 to index
      %swap3A_57 = arith.constant 32 : index
      %swap3A_58 = tpu.vector_load %arg7[%swap3A_56, %swap3A_57] {strides = array<i32>} : memref<128x128xf32, #tpu.memory_space<vmem>>, vector<1x16xf32>,
      %swap3A_59 = vector.shape_cast %swap3A_58 : vector<1x16xf32> to vector<16xf32>
      %swap3A_60 = vector.shape_cast %broadcast_in_dim3A_55 : vector<16xf32> to vector<1x16xf32>
      tpu.vector_store %arg7[%swap3A_56, %swap3A_57], %swap3A_60 {strides = array<i32>} : memref<128x128xf32, #tpu.memory_space<vmem>>, vector<1x16xf32>,
      %broadcast_in_dim3A_61 = arith.constant 1.000000e+00 : f32
      %broadcast_in_dim3A_62 = vector.broadcast %broadcast_in_dim3A_61 : f32 to vector<16xf32>
      %swap3A_63 = arith.index_cast %scan3A_41 : i32 to index
      %swap3A_64 = arith.constant 48 : index
      %swap3A_65 = tpu.vector_load %arg7[%swap3A_63, %swap3A_64] {strides = array<i32>} : memref<128x128xf32, #tpu.memory_space<vmem>>, vector<1x16xf32>,
      %swap3A_66 = vector.shape_cast %swap3A_65 : vector<1x16xf32> to vector<16xf32>
      %swap3A_67 = vector.shape_cast %broadcast_in_dim3A_62 : vector<16xf32> to vector<1x16xf32>
      tpu.vector_store %arg7[%swap3A_63, %swap3A_64], %swap3A_67 {strides = array<i32>} : memref<128x128xf32, #tpu.memory_space<vmem>>, vector<1x16xf32>,
      %broadcast_in_dim3A_68 = arith.constant 1.000000e+00 : f32
      %broadcast_in_dim3A_69 = vector.broadcast %broadcast_in_dim3A_68 : f32 to vector<16xf32>
      %swap3A_70 = arith.index_cast %scan3A_41 : i32 to index
      %swap3A_71 = arith.constant 64 : index
      %swap3A_72 = tpu.vector_load %arg7[%swap3A_70, %swap3A_71] {strides = array<i32>} : memref<128x128xf32, #tpu.memory_space<vmem>>, vector<1x16xf32>,
      %swap3A_73 = vector.shape_cast %swap3A_72 : vector<1x16xf32> to vector<16xf32>
      %swap3A_74 = vector.shape_cast %broadcast_in_dim3A_69 : vector<16xf32> to vector<1x16xf32>
      tpu.vector_store %arg7[%swap3A_70, %swap3A_71], %swap3A_74 {strides = array<i32>} : memref<128x128xf32, #tpu.memory_space<vmem>>, vector<1x16xf32>,
      %broadcast_in_dim3A_75 = arith.constant 1.000000e+00 : f32
      %broadcast_in_dim3A_76 = vector.broadcast %broadcast_in_dim3A_75 : f32 to vector<16xf32>
      %swap3A_77 = arith.index_cast %scan3A_41 : i32 to index
      %swap3A_78 = arith.constant 80 : index
      %swap3A_79 = tpu.vector_load %arg7[%swap3A_77, %swap3A_78] {strides = array<i32>} : memref<128x128xf32, #tpu.memory_space<vmem>>, vector<1x16xf32>,
      %swap3A_80 = vector.shape_cast %swap3A_79 : vector<1x16xf32> to vector<16xf32>
      %swap3A_81 = vector.shape_cast %broadcast_in_dim3A_76 : vector<16xf32> to vector<1x16xf32>
      tpu.vector_store %arg7[%swap3A_77, %swap3A_78], %swap3A_81 {strides = array<i32>} : memref<128x128xf32, #tpu.memory_space<vmem>>, vector<1x16xf32>,
      %broadcast_in_dim3A_82 = arith.constant 1.000000e+00 : f32
      %broadcast_in_dim3A_83 = vector.broadcast %broadcast_in_dim3A_82 : f32 to vector<16xf32>
      %swap3A_84 = arith.index_cast %scan3A_41 : i32 to index
      %swap3A_85 = arith.constant 96 : index
      %swap3A_86 = tpu.vector_load %arg7[%swap3A_84, %swap3A_85] {strides = array<i32>} : memref<128x128xf32, #tpu.memory_space<vmem>>, vector<1x16xf32>,
      %swap3A_87 = vector.shape_cast %swap3A_86 : vector<1x16xf32> to vector<16xf32>
      %swap3A_88 = vector.shape_cast %broadcast_in_dim3A_83 : vector<16xf32> to vector<1x16xf32>
      tpu.vector_store %arg7[%swap3A_84, %swap3A_85], %swap3A_88 {strides = array<i32>} : memref<128x128xf32, #tpu.memory_space<vmem>>, vector<1x16xf32>,
      %broadcast_in_dim3A_89 = arith.constant 1.000000e+00 : f32
      %broadcast_in_dim3A_90 = vector.broadcast %broadcast_in_dim3A_89 : f32 to vector<16xf32>
      %swap3A_91 = arith.index_cast %scan3A_41 : i32 to index
      %swap3A_92 = arith.constant 112 : index
      %swap3A_93 = tpu.vector_load %arg7[%swap3A_91, %swap3A_92] {strides = array<i32>} : memref<128x128xf32, #tpu.memory_space<vmem>>, vector<1x16xf32>,
      %swap3A_94 = vector.shape_cast %swap3A_93 : vector<1x16xf32> to vector<16xf32>
      %swap3A_95 = vector.shape_cast %broadcast_in_dim3A_90 : vector<16xf32> to vector<1x16xf32>
      tpu.vector_store %arg7[%swap3A_91, %swap3A_92], %swap3A_95 {strides = array<i32>} : memref<128x128xf32, #tpu.memory_space<vmem>>, vector<1x16xf32>,
    }
    %scan3A_31 = arith.constant 128 : i32
    %barrier3A = arith.constant 0 : index
    tpu.barrier barrier_id(%barrier3A)
    %scan3A_32 = arith.constant 0 : i32
    %scan3A_33 = arith.constant 0 : i32
    %scan3A_34 = arith.constant 10 : i32
    %scan3A_35 = arith.addi %scan3A_33, %scan3A_34 : i32
    %scan3A_36 = arith.constant 1 : i32
    scf.for %scan3A_41 = %scan3A_33 to %scan3A_35 step %scan3A_36  : i32 {
      %mul3A_42 = arith.constant 80 : i32
      %mul3A_43 = arith.muli %add3A, %mul3A_42 : i32
      %mul3A_44 = arith.constant 8 : i32
      %mul3A_45 = arith.muli %scan3A_41, %mul3A_44 : i32
      %add3A_46 = arith.addi %mul3A_43, %mul3A_45 : i32
      "tpu.region"() ({
        %run_scoped3A = tpu.sem_alloc : memref<!tpu.dma_semaphore, #tpu.memory_space<semaphore_mem>>
        %dma_start3A = arith.constant 0 : i32
        %dma_start3A_53 = tpu.memref_slice %arg2[%add3A_46, %dma_start3A] : memref<2560x128xi32, #tpu.memory_space<hbm>> -> memref<8x128xi32, #tpu.memory_space<hbm>>
        %dma_start3A_54 = arith.constant 0 : i32
        %dma_start3A_55 = tpu.memref_slice %arg2[%add3A_46, %dma_start3A_54] : memref<2560x128xi32, #tpu.memory_space<hbm>> -> memref<8x128xi32, #tpu.memory_space<hbm>>
        tpu.enqueue_dma source(%dma_start3A_55 : memref<8x128xi32, #tpu.memory_space<hbm>>) target(%arg4 : memref<8x128xi32, #tpu.memory_space<vmem>>) target_semaphore(%run_scoped3A : memref<!tpu.dma_semaphore, #tpu.memory_space<semaphore_mem>>)
        %dma_wait3A = arith.constant 0 : i32
        %dma_wait3A_56 = tpu.memref_slice %arg2[%add3A_46, %dma_wait3A] : memref<2560x128xi32, #tpu.memory_space<hbm>> -> memref<8x128xi32, #tpu.memory_space<hbm>>
        %dma_wait3A_57 = arith.constant 0 : i32
        %dma_wait3A_58 = tpu.memref_slice %arg2[%add3A_46, %dma_wait3A_57] : memref<2560x128xi32, #tpu.memory_space<hbm>> -> memref<8x128xi32, #tpu.memory_space<hbm>>
        tpu.wait_dma2 semaphore(%run_scoped3A : memref<!tpu.dma_semaphore, #tpu.memory_space<semaphore_mem>>) src(%dma_wait3A_58 : memref<8x128xi32, #tpu.memory_space<hbm>>) dst(%arg4 : memref<8x128xi32, #tpu.memory_space<vmem>>)
        tpu.yield
      }) : () -> ()
      %scan3A_47 = arith.constant 0 : i32
      %scan3A_48 = arith.constant 0 : i32
      %scan3A_49 = arith.constant 4 : i32
      %scan3A_50 = arith.addi %scan3A_48, %scan3A_49 : i32
      %scan3A_51 = arith.constant 1 : i32
      scf.for %scan3A_53 = %scan3A_48 to %scan3A_50 step %scan3A_51  : i32 {
        %mul3A_54 = arith.constant 2 : i32
        %mul3A_55 = arith.muli %mul3A_54, %scan3A_53 : i32
        %get3A = arith.index_cast %mul3A_55 : i32 to index
        %get3A_56 = arith.constant 0 : index
        %get3A_57 = tpu.vector_load %arg4[%get3A, %get3A_56] {strides = array<i32>} : memref<8x128xi32, #tpu.memory_space<vmem>>, vector<1x16xi32>,
        %get3A_58 = vector.shape_cast %get3A_57 : vector<1x16xi32> to vector<16xi32>
        %swap3A = arith.constant 0 : index
        %swap3A_59 = tpu.vector_load %arg5[%swap3A] {strides = array<i32>} : memref<128xi32, #tpu.memory_space<vmem>>, vector<16xi32>,
        %swap3A_60 = vector.shape_cast %swap3A_59 : vector<16xi32> to vector<16xi32>
        %swap3A_61 = vector.shape_cast %get3A_58 : vector<16xi32> to vector<16xi32>
        tpu.vector_store %arg5[%swap3A], %swap3A_61 {strides = array<i32>} : memref<128xi32, #tpu.memory_space<vmem>>, vector<16xi32>,
        %get3A_62 = arith.index_cast %mul3A_55 : i32 to index
        %get3A_63 = arith.constant 16 : index
        %get3A_64 = tpu.vector_load %arg4[%get3A_62, %get3A_63] {strides = array<i32>} : memref<8x128xi32, #tpu.memory_space<vmem>>, vector<1x16xi32>,
        %get3A_65 = vector.shape_cast %get3A_64 : vector<1x16xi32> to vector<16xi32>
        %swap3A_66 = arith.constant 16 : index
        %swap3A_67 = tpu.vector_load %arg5[%swap3A_66] {strides = array<i32>} : memref<128xi32, #tpu.memory_space<vmem>>, vector<16xi32>,
        %swap3A_68 = vector.shape_cast %swap3A_67 : vector<16xi32> to vector<16xi32>
        %swap3A_69 = vector.shape_cast %get3A_65 : vector<16xi32> to vector<16xi32>
        tpu.vector_store %arg5[%swap3A_66], %swap3A_69 {strides = array<i32>} : memref<128xi32, #tpu.memory_space<vmem>>, vector<16xi32>,
        %get3A_70 = arith.index_cast %mul3A_55 : i32 to index
        %get3A_71 = arith.constant 32 : index
        %get3A_72 = tpu.vector_load %arg4[%get3A_70, %get3A_71] {strides = array<i32>} : memref<8x128xi32, #tpu.memory_space<vmem>>, vector<1x16xi32>,
        %get3A_73 = vector.shape_cast %get3A_72 : vector<1x16xi32> to vector<16xi32>
        %swap3A_74 = arith.constant 32 : index
        %swap3A_75 = tpu.vector_load %arg5[%swap3A_74] {strides = array<i32>} : memref<128xi32, #tpu.memory_space<vmem>>, vector<16xi32>,
        %swap3A_76 = vector.shape_cast %swap3A_75 : vector<16xi32> to vector<16xi32>
        %swap3A_77 = vector.shape_cast %get3A_73 : vector<16xi32> to vector<16xi32>
        tpu.vector_store %arg5[%swap3A_74], %swap3A_77 {strides = array<i32>} : memref<128xi32, #tpu.memory_space<vmem>>, vector<16xi32>,
        %get3A_78 = arith.index_cast %mul3A_55 : i32 to index
        %get3A_79 = arith.constant 48 : index
        %get3A_80 = tpu.vector_load %arg4[%get3A_78, %get3A_79] {strides = array<i32>} : memref<8x128xi32, #tpu.memory_space<vmem>>, vector<1x16xi32>,
        %get3A_81 = vector.shape_cast %get3A_80 : vector<1x16xi32> to vector<16xi32>
        %swap3A_82 = arith.constant 48 : index
        %swap3A_83 = tpu.vector_load %arg5[%swap3A_82] {strides = array<i32>} : memref<128xi32, #tpu.memory_space<vmem>>, vector<16xi32>,
        %swap3A_84 = vector.shape_cast %swap3A_83 : vector<16xi32> to vector<16xi32>
        %swap3A_85 = vector.shape_cast %get3A_81 : vector<16xi32> to vector<16xi32>
        tpu.vector_store %arg5[%swap3A_82], %swap3A_85 {strides = array<i32>} : memref<128xi32, #tpu.memory_space<vmem>>, vector<16xi32>,
        %get3A_86 = arith.index_cast %mul3A_55 : i32 to index
        %get3A_87 = arith.constant 64 : index
        %get3A_88 = tpu.vector_load %arg4[%get3A_86, %get3A_87] {strides = array<i32>} : memref<8x128xi32, #tpu.memory_space<vmem>>, vector<1x16xi32>,
        %get3A_89 = vector.shape_cast %get3A_88 : vector<1x16xi32> to vector<16xi32>
        %swap3A_90 = arith.constant 64 : index
        %swap3A_91 = tpu.vector_load %arg5[%swap3A_90] {strides = array<i32>} : memref<128xi32, #tpu.memory_space<vmem>>, vector<16xi32>,
        %swap3A_92 = vector.shape_cast %swap3A_91 : vector<16xi32> to vector<16xi32>
        %swap3A_93 = vector.shape_cast %get3A_89 : vector<16xi32> to vector<16xi32>
        tpu.vector_store %arg5[%swap3A_90], %swap3A_93 {strides = array<i32>} : memref<128xi32, #tpu.memory_space<vmem>>, vector<16xi32>,
        %get3A_94 = arith.index_cast %mul3A_55 : i32 to index
        %get3A_95 = arith.constant 80 : index
        %get3A_96 = tpu.vector_load %arg4[%get3A_94, %get3A_95] {strides = array<i32>} : memref<8x128xi32, #tpu.memory_space<vmem>>, vector<1x16xi32>,
        %get3A_97 = vector.shape_cast %get3A_96 : vector<1x16xi32> to vector<16xi32>
        %swap3A_98 = arith.constant 80 : index
        %swap3A_99 = tpu.vector_load %arg5[%swap3A_98] {strides = array<i32>} : memref<128xi32, #tpu.memory_space<vmem>>, vector<16xi32>,
        %swap3A_100 = vector.shape_cast %swap3A_99 : vector<16xi32> to vector<16xi32>
        %swap3A_101 = vector.shape_cast %get3A_97 : vector<16xi32> to vector<16xi32>
        tpu.vector_store %arg5[%swap3A_98], %swap3A_101 {strides = array<i32>} : memref<128xi32, #tpu.memory_space<vmem>>, vector<16xi32>,
        %get3A_102 = arith.index_cast %mul3A_55 : i32 to index
        %get3A_103 = arith.constant 96 : index
        %get3A_104 = tpu.vector_load %arg4[%get3A_102, %get3A_103] {strides = array<i32>} : memref<8x128xi32, #tpu.memory_space<vmem>>, vector<1x16xi32>,
        %get3A_105 = vector.shape_cast %get3A_104 : vector<1x16xi32> to vector<16xi32>
        %swap3A_106 = arith.constant 96 : index
        %swap3A_107 = tpu.vector_load %arg5[%swap3A_106] {strides = array<i32>} : memref<128xi32, #tpu.memory_space<vmem>>, vector<16xi32>,
        %swap3A_108 = vector.shape_cast %swap3A_107 : vector<16xi32> to vector<16xi32>
        %swap3A_109 = vector.shape_cast %get3A_105 : vector<16xi32> to vector<16xi32>
        tpu.vector_store %arg5[%swap3A_106], %swap3A_109 {strides = array<i32>} : memref<128xi32, #tpu.memory_space<vmem>>, vector<16xi32>,
        %get3A_110 = arith.index_cast %mul3A_55 : i32 to index
        %get3A_111 = arith.constant 112 : index
        %get3A_112 = tpu.vector_load %arg4[%get3A_110, %get3A_111] {strides = array<i32>} : memref<8x128xi32, #tpu.memory_space<vmem>>, vector<1x16xi32>,
        %get3A_113 = vector.shape_cast %get3A_112 : vector<1x16xi32> to vector<16xi32>
        %swap3A_114 = arith.constant 112 : index
        %swap3A_115 = tpu.vector_load %arg5[%swap3A_114] {strides = array<i32>} : memref<128xi32, #tpu.memory_space<vmem>>, vector<16xi32>,
        %swap3A_116 = vector.shape_cast %swap3A_115 : vector<16xi32> to vector<16xi32>
        %swap3A_117 = vector.shape_cast %get3A_113 : vector<16xi32> to vector<16xi32>
        tpu.vector_store %arg5[%swap3A_114], %swap3A_117 {strides = array<i32>} : memref<128xi32, #tpu.memory_space<vmem>>, vector<16xi32>,
        %dma_start3A = arith.constant 0 : i32
        %dma_start3A_118 = arith.constant 0 : i32
        %dma_start3A_119 = tpu.memref_slice %arg10[%dma_start3A, %dma_start3A_118] : memref<10240x128xf32, #tpu.memory_space<vmem_shared>> -> memref<10240x128xf32, #tpu.memory_space<vmem_shared>>
        tpu.enqueue_indirect_dma source(%arg7 : memref<128x128xf32, #tpu.memory_space<vmem>>) target(%dma_start3A_119 : memref<10240x128xf32, #tpu.memory_space<vmem_shared>>) offsets(%arg5 : memref<128xi32, #tpu.memory_space<vmem>>) semaphore(%arg8 : memref<!tpu.dma_semaphore, #tpu.memory_space<semaphore_mem>>) {add = true}
        %add3A_120 = arith.constant 1 : i32
        %add3A_121 = arith.addi %mul3A_55, %add3A_120 : i32
        %get3A_122 = arith.index_cast %add3A_121 : i32 to index
        %get3A_123 = arith.constant 0 : index
        %get3A_124 = tpu.vector_load %arg4[%get3A_122, %get3A_123] {strides = array<i32>} : memref<8x128xi32, #tpu.memory_space<vmem>>, vector<1x16xi32>,
        %get3A_125 = vector.shape_cast %get3A_124 : vector<1x16xi32> to vector<16xi32>
        %swap3A_126 = arith.constant 0 : index
        %swap3A_127 = tpu.vector_load %arg6[%swap3A_126] {strides = array<i32>} : memref<128xi32, #tpu.memory_space<vmem>>, vector<16xi32>,
        %swap3A_128 = vector.shape_cast %swap3A_127 : vector<16xi32> to vector<16xi32>
        %swap3A_129 = vector.shape_cast %get3A_125 : vector<16xi32> to vector<16xi32>
        tpu.vector_store %arg6[%swap3A_126], %swap3A_129 {strides = array<i32>} : memref<128xi32, #tpu.memory_space<vmem>>, vector<16xi32>,
        %get3A_130 = arith.index_cast %add3A_121 : i32 to index
        %get3A_131 = arith.constant 16 : index
        %get3A_132 = tpu.vector_load %arg4[%get3A_130, %get3A_131] {strides = array<i32>} : memref<8x128xi32, #tpu.memory_space<vmem>>, vector<1x16xi32>,
        %get3A_133 = vector.shape_cast %get3A_132 : vector<1x16xi32> to vector<16xi32>
        %swap3A_134 = arith.constant 16 : index
        %swap3A_135 = tpu.vector_load %arg6[%swap3A_134] {strides = array<i32>} : memref<128xi32, #tpu.memory_space<vmem>>, vector<16xi32>,
        %swap3A_136 = vector.shape_cast %swap3A_135 : vector<16xi32> to vector<16xi32>
        %swap3A_137 = vector.shape_cast %get3A_133 : vector<16xi32> to vector<16xi32>
        tpu.vector_store %arg6[%swap3A_134], %swap3A_137 {strides = array<i32>} : memref<128xi32, #tpu.memory_space<vmem>>, vector<16xi32>,
        %get3A_138 = arith.index_cast %add3A_121 : i32 to index
        %get3A_139 = arith.constant 32 : index
        %get3A_140 = tpu.vector_load %arg4[%get3A_138, %get3A_139] {strides = array<i32>} : memref<8x128xi32, #tpu.memory_space<vmem>>, vector<1x16xi32>,
        %get3A_141 = vector.shape_cast %get3A_140 : vector<1x16xi32> to vector<16xi32>
        %swap3A_142 = arith.constant 32 : index
        %swap3A_143 = tpu.vector_load %arg6[%swap3A_142] {strides = array<i32>} : memref<128xi32, #tpu.memory_space<vmem>>, vector<16xi32>,
        %swap3A_144 = vector.shape_cast %swap3A_143 : vector<16xi32> to vector<16xi32>
        %swap3A_145 = vector.shape_cast %get3A_141 : vector<16xi32> to vector<16xi32>
        tpu.vector_store %arg6[%swap3A_142], %swap3A_145 {strides = array<i32>} : memref<128xi32, #tpu.memory_space<vmem>>, vector<16xi32>,
        %get3A_146 = arith.index_cast %add3A_121 : i32 to index
        %get3A_147 = arith.constant 48 : index
        %get3A_148 = tpu.vector_load %arg4[%get3A_146, %get3A_147] {strides = array<i32>} : memref<8x128xi32, #tpu.memory_space<vmem>>, vector<1x16xi32>,
        %get3A_149 = vector.shape_cast %get3A_148 : vector<1x16xi32> to vector<16xi32>
        %swap3A_150 = arith.constant 48 : index
        %swap3A_151 = tpu.vector_load %arg6[%swap3A_150] {strides = array<i32>} : memref<128xi32, #tpu.memory_space<vmem>>, vector<16xi32>,
        %swap3A_152 = vector.shape_cast %swap3A_151 : vector<16xi32> to vector<16xi32>
        %swap3A_153 = vector.shape_cast %get3A_149 : vector<16xi32> to vector<16xi32>
        tpu.vector_store %arg6[%swap3A_150], %swap3A_153 {strides = array<i32>} : memref<128xi32, #tpu.memory_space<vmem>>, vector<16xi32>,
        %get3A_154 = arith.index_cast %add3A_121 : i32 to index
        %get3A_155 = arith.constant 64 : index
        %get3A_156 = tpu.vector_load %arg4[%get3A_154, %get3A_155] {strides = array<i32>} : memref<8x128xi32, #tpu.memory_space<vmem>>, vector<1x16xi32>,
        %get3A_157 = vector.shape_cast %get3A_156 : vector<1x16xi32> to vector<16xi32>
        %swap3A_158 = arith.constant 64 : index
        %swap3A_159 = tpu.vector_load %arg6[%swap3A_158] {strides = array<i32>} : memref<128xi32, #tpu.memory_space<vmem>>, vector<16xi32>,
        %swap3A_160 = vector.shape_cast %swap3A_159 : vector<16xi32> to vector<16xi32>
        %swap3A_161 = vector.shape_cast %get3A_157 : vector<16xi32> to vector<16xi32>
        tpu.vector_store %arg6[%swap3A_158], %swap3A_161 {strides = array<i32>} : memref<128xi32, #tpu.memory_space<vmem>>, vector<16xi32>,
        %get3A_162 = arith.index_cast %add3A_121 : i32 to index
        %get3A_163 = arith.constant 80 : index
        %get3A_164 = tpu.vector_load %arg4[%get3A_162, %get3A_163] {strides = array<i32>} : memref<8x128xi32, #tpu.memory_space<vmem>>, vector<1x16xi32>,
        %get3A_165 = vector.shape_cast %get3A_164 : vector<1x16xi32> to vector<16xi32>
        %swap3A_166 = arith.constant 80 : index
        %swap3A_167 = tpu.vector_load %arg6[%swap3A_166] {strides = array<i32>} : memref<128xi32, #tpu.memory_space<vmem>>, vector<16xi32>,
        %swap3A_168 = vector.shape_cast %swap3A_167 : vector<16xi32> to vector<16xi32>
        %swap3A_169 = vector.shape_cast %get3A_165 : vector<16xi32> to vector<16xi32>
        tpu.vector_store %arg6[%swap3A_166], %swap3A_169 {strides = array<i32>} : memref<128xi32, #tpu.memory_space<vmem>>, vector<16xi32>,
        %get3A_170 = arith.index_cast %add3A_121 : i32 to index
        %get3A_171 = arith.constant 96 : index
        %get3A_172 = tpu.vector_load %arg4[%get3A_170, %get3A_171] {strides = array<i32>} : memref<8x128xi32, #tpu.memory_space<vmem>>, vector<1x16xi32>,
        %get3A_173 = vector.shape_cast %get3A_172 : vector<1x16xi32> to vector<16xi32>
        %swap3A_174 = arith.constant 96 : index
        %swap3A_175 = tpu.vector_load %arg6[%swap3A_174] {strides = array<i32>} : memref<128xi32, #tpu.memory_space<vmem>>, vector<16xi32>,
        %swap3A_176 = vector.shape_cast %swap3A_175 : vector<16xi32> to vector<16xi32>
        %swap3A_177 = vector.shape_cast %get3A_173 : vector<16xi32> to vector<16xi32>
        tpu.vector_store %arg6[%swap3A_174], %swap3A_177 {strides = array<i32>} : memref<128xi32, #tpu.memory_space<vmem>>, vector<16xi32>,
        %get3A_178 = arith.index_cast %add3A_121 : i32 to index
        %get3A_179 = arith.constant 112 : index
        %get3A_180 = tpu.vector_load %arg4[%get3A_178, %get3A_179] {strides = array<i32>} : memref<8x128xi32, #tpu.memory_space<vmem>>, vector<1x16xi32>,
        %get3A_181 = vector.shape_cast %get3A_180 : vector<1x16xi32> to vector<16xi32>
        %swap3A_182 = arith.constant 112 : index
        %swap3A_183 = tpu.vector_load %arg6[%swap3A_182] {strides = array<i32>} : memref<128xi32, #tpu.memory_space<vmem>>, vector<16xi32>,
        %swap3A_184 = vector.shape_cast %swap3A_183 : vector<16xi32> to vector<16xi32>
        %swap3A_185 = vector.shape_cast %get3A_181 : vector<16xi32> to vector<16xi32>
        tpu.vector_store %arg6[%swap3A_182], %swap3A_185 {strides = array<i32>} : memref<128xi32, #tpu.memory_space<vmem>>, vector<16xi32>,
        %dma_start3A_186 = arith.constant 0 : i32
        %dma_start3A_187 = arith.constant 0 : i32
        %dma_start3A_188 = tpu.memref_slice %arg10[%dma_start3A_186, %dma_start3A_187] : memref<10240x128xf32, #tpu.memory_space<vmem_shared>> -> memref<10240x128xf32, #tpu.memory_space<vmem_shared>>
        tpu.enqueue_indirect_dma source(%arg7 : memref<128x128xf32, #tpu.memory_space<vmem>>) target(%dma_start3A_188 : memref<10240x128xf32, #tpu.memory_space<vmem_shared>>) offsets(%arg6 : memref<128xi32, #tpu.memory_space<vmem>>) semaphore(%arg9 : memref<!tpu.dma_semaphore, #tpu.memory_space<semaphore_mem>>) {add = true}
        %dma_wait3A = arith.constant 0 : i32
        %dma_wait3A_189 = arith.constant 0 : i32
        %dma_wait3A_190 = tpu.memref_slice %arg10[%dma_wait3A, %dma_wait3A_189] : memref<10240x128xf32, #tpu.memory_space<vmem_shared>> -> memref<10240x128xf32, #tpu.memory_space<vmem_shared>>
        tpu.wait_indirect_dma semaphore(%arg8 : memref<!tpu.dma_semaphore, #tpu.memory_space<semaphore_mem>>) src(%arg7 : memref<128x128xf32, #tpu.memory_space<vmem>>) dst(%dma_wait3A_190 : memref<10240x128xf32, #tpu.memory_space<vmem_shared>>)
        %dma_wait3A_191 = arith.constant 0 : i32
        %dma_wait3A_192 = arith.constant 0 : i32
        %dma_wait3A_193 = tpu.memref_slice %arg10[%dma_wait3A_191, %dma_wait3A_192] : memref<10240x128xf32, #tpu.memory_space<vmem_shared>> -> memref<10240x128xf32, #tpu.memory_space<vmem_shared>>
        tpu.wait_indirect_dma semaphore(%arg9 : memref<!tpu.dma_semaphore, #tpu.memory_space<semaphore_mem>>) src(%arg7 : memref<128x128xf32, #tpu.memory_space<vmem>>) dst(%dma_wait3A_193 : memref<10240x128xf32, #tpu.memory_space<vmem_shared>>)
      }
      %scan3A_52 = arith.constant 4 : i32
    }
    %scan3A_37 = arith.constant 10 : i32
    %barrier3A_38 = arith.constant 0 : index
    tpu.barrier barrier_id(%barrier3A_38)
    %mul3A_39 = arith.constant 640 : i32
    %mul3A_40 = arith.muli %arg1, %mul3A_39 : i32
    "tpu.region"() ({
      %run_scoped3A = tpu.sem_alloc : memref<!tpu.dma_semaphore, #tpu.memory_space<semaphore_mem>>
      %dma_start3A = arith.constant 0 : i32
      %dma_start3A_41 = arith.constant 0 : i32
      %dma_start3A_42 = tpu.memref_slice %arg3[%arg0, %dma_start3A, %dma_start3A_41] : memref<2x10240x128xf32, #tpu.memory_space<hbm>> -> memref<1x10240x128xf32, #tpu.memory_space<hbm>>
      %dma_start3A_43 = tpu.memref_squeeze %dma_start3A_42 : memref<1x10240x128xf32, #tpu.memory_space<hbm>> -> memref<10240x128xf32, #tpu.memory_space<hbm>>
      %dma_start3A_44 = arith.constant 0 : i32
      %dma_start3A_45 = tpu.memref_slice %dma_start3A_43[%mul3A_40, %dma_start3A_44] : memref<10240x128xf32, #tpu.memory_space<hbm>> -> memref<640x128xf32, #tpu.memory_space<hbm>>
      %dma_start3A_46 = arith.constant 0 : i32
      %dma_start3A_47 = tpu.memref_slice %arg10[%mul3A_40, %dma_start3A_46] : memref<10240x128xf32, #tpu.memory_space<vmem_shared>> -> memref<640x128xf32, #tpu.memory_space<vmem_shared>>
      tpu.enqueue_dma source(%dma_start3A_47 : memref<640x128xf32, #tpu.memory_space<vmem_shared>>) target(%dma_start3A_45 : memref<640x128xf32, #tpu.memory_space<hbm>>) target_semaphore(%run_scoped3A : memref<!tpu.dma_semaphore, #tpu.memory_space<semaphore_mem>>)
      %dma_wait3A = arith.constant 0 : i32
      %dma_wait3A_48 = arith.constant 0 : i32
      %dma_wait3A_49 = tpu.memref_slice %arg3[%arg0, %dma_wait3A, %dma_wait3A_48] : memref<2x10240x128xf32, #tpu.memory_space<hbm>> -> memref<1x10240x128xf32, #tpu.memory_space<hbm>>
      %dma_wait3A_50 = tpu.memref_squeeze %dma_wait3A_49 : memref<1x10240x128xf32, #tpu.memory_space<hbm>> -> memref<10240x128xf32, #tpu.memory_space<hbm>>
      %dma_wait3A_51 = arith.constant 0 : i32
      %dma_wait3A_52 = tpu.memref_slice %dma_wait3A_50[%mul3A_40, %dma_wait3A_51] : memref<10240x128xf32, #tpu.memory_space<hbm>> -> memref<640x128xf32, #tpu.memory_space<hbm>>
      %dma_wait3A_53 = arith.constant 0 : i32
      %dma_wait3A_54 = tpu.memref_slice %arg10[%mul3A_40, %dma_wait3A_53] : memref<10240x128xf32, #tpu.memory_space<vmem_shared>> -> memref<640x128xf32, #tpu.memory_space<vmem_shared>>
      tpu.wait_dma2 semaphore(%run_scoped3A : memref<!tpu.dma_semaphore, #tpu.memory_space<semaphore_mem>>) src(%dma_wait3A_54 : memref<640x128xf32, #tpu.memory_space<vmem_shared>>) dst(%dma_wait3A_52 : memref<640x128xf32, #tpu.memory_space<hbm>>)
      tpu.yield
    }) : () -> ()
    return
  }
}

#map = affine_map<(d0, d1) -> (0, 0)>
#map1 = affine_map<(d0, d1) -> (0, 0, 0)>
module attributes {stable_mosaic.version = 14 : i64} {
  func.func @_sc_seg(%arg0: i32, %arg1: i32, %arg2: memref<327680x128xf32, #tpu.memory_space<hbm>>, %arg3: memref<10240x128xf32, #tpu.memory_space<hbm>>, %arg4: memref<2560x128xi32, #tpu.memory_space<hbm>>, %arg5: memref<2x10240x128xf32, #tpu.memory_space<hbm>>, %arg6: memref<8x128xi32, #tpu.memory_space<vmem>>, %arg7: memref<128xi32, #tpu.memory_space<vmem>>, %arg8: memref<128x128xf32, #tpu.memory_space<vmem>>, %arg9: memref<128x128xf32, #tpu.memory_space<vmem>>, %arg10: memref<!tpu.dma_semaphore, #tpu.memory_space<semaphore_mem>>, %arg11: memref<!tpu.dma_semaphore, #tpu.memory_space<semaphore_mem>>, %arg12: memref<10240x128xf32, #tpu.memory_space<vmem_shared>>) attributes {dimension_semantics = [#tpu.dimension_semantics<core_parallel>, #tpu.dimension_semantics<subcore_parallel>], iteration_bounds = array<i64: 2, 16>, scalar_prefetch = 0 : i64, scratch_operands = 7 : i64, tpu.core_type = #tpu.core_type<sc_vector_subcore>, window_params = [{transform_indices = #map}, {transform_indices = #map}, {transform_indices = #map}, {transform_indices = #map1}]} {
    %mul3A = arith.constant 16 : i32
    %mul3A_0 = arith.muli %arg0, %mul3A : i32
    %add3A = arith.addi %mul3A_0, %arg1 : i32
    %scan3A = arith.constant 0 : i32
    %scan3A_1 = arith.constant 0 : i32
    %scan3A_2 = arith.constant 128 : i32
    %scan3A_3 = arith.addi %scan3A_1, %scan3A_2 : i32
    %scan3A_4 = arith.constant 1 : i32
    scf.for %scan3A_35 = %scan3A_1 to %scan3A_3 step %scan3A_4  : i32 {
      %broadcast_in_dim3A = arith.constant 0.000000e+00 : f32
      %broadcast_in_dim3A_36 = vector.broadcast %broadcast_in_dim3A : f32 to vector<16xf32>
      %swap3A = arith.index_cast %scan3A_35 : i32 to index
      %swap3A_37 = arith.constant 0 : index
      %swap3A_38 = tpu.vector_load %arg8[%swap3A, %swap3A_37] {strides = array<i32>} : memref<128x128xf32, #tpu.memory_space<vmem>>, vector<1x16xf32>,
      %swap3A_39 = vector.shape_cast %swap3A_38 : vector<1x16xf32> to vector<16xf32>
      %swap3A_40 = vector.shape_cast %broadcast_in_dim3A_36 : vector<16xf32> to vector<1x16xf32>
      tpu.vector_store %arg8[%swap3A, %swap3A_37], %swap3A_40 {strides = array<i32>} : memref<128x128xf32, #tpu.memory_space<vmem>>, vector<1x16xf32>,
      %broadcast_in_dim3A_41 = arith.constant 0.000000e+00 : f32
      %broadcast_in_dim3A_42 = vector.broadcast %broadcast_in_dim3A_41 : f32 to vector<16xf32>
      %swap3A_43 = arith.index_cast %scan3A_35 : i32 to index
      %swap3A_44 = arith.constant 16 : index
      %swap3A_45 = tpu.vector_load %arg8[%swap3A_43, %swap3A_44] {strides = array<i32>} : memref<128x128xf32, #tpu.memory_space<vmem>>, vector<1x16xf32>,
      %swap3A_46 = vector.shape_cast %swap3A_45 : vector<1x16xf32> to vector<16xf32>
      %swap3A_47 = vector.shape_cast %broadcast_in_dim3A_42 : vector<16xf32> to vector<1x16xf32>
      tpu.vector_store %arg8[%swap3A_43, %swap3A_44], %swap3A_47 {strides = array<i32>} : memref<128x128xf32, #tpu.memory_space<vmem>>, vector<1x16xf32>,
      %broadcast_in_dim3A_48 = arith.constant 0.000000e+00 : f32
      %broadcast_in_dim3A_49 = vector.broadcast %broadcast_in_dim3A_48 : f32 to vector<16xf32>
      %swap3A_50 = arith.index_cast %scan3A_35 : i32 to index
      %swap3A_51 = arith.constant 32 : index
      %swap3A_52 = tpu.vector_load %arg8[%swap3A_50, %swap3A_51] {strides = array<i32>} : memref<128x128xf32, #tpu.memory_space<vmem>>, vector<1x16xf32>,
      %swap3A_53 = vector.shape_cast %swap3A_52 : vector<1x16xf32> to vector<16xf32>
      %swap3A_54 = vector.shape_cast %broadcast_in_dim3A_49 : vector<16xf32> to vector<1x16xf32>
      tpu.vector_store %arg8[%swap3A_50, %swap3A_51], %swap3A_54 {strides = array<i32>} : memref<128x128xf32, #tpu.memory_space<vmem>>, vector<1x16xf32>,
      %broadcast_in_dim3A_55 = arith.constant 0.000000e+00 : f32
      %broadcast_in_dim3A_56 = vector.broadcast %broadcast_in_dim3A_55 : f32 to vector<16xf32>
      %swap3A_57 = arith.index_cast %scan3A_35 : i32 to index
      %swap3A_58 = arith.constant 48 : index
      %swap3A_59 = tpu.vector_load %arg8[%swap3A_57, %swap3A_58] {strides = array<i32>} : memref<128x128xf32, #tpu.memory_space<vmem>>, vector<1x16xf32>,
      %swap3A_60 = vector.shape_cast %swap3A_59 : vector<1x16xf32> to vector<16xf32>
      %swap3A_61 = vector.shape_cast %broadcast_in_dim3A_56 : vector<16xf32> to vector<1x16xf32>
      tpu.vector_store %arg8[%swap3A_57, %swap3A_58], %swap3A_61 {strides = array<i32>} : memref<128x128xf32, #tpu.memory_space<vmem>>, vector<1x16xf32>,
      %broadcast_in_dim3A_62 = arith.constant 0.000000e+00 : f32
      %broadcast_in_dim3A_63 = vector.broadcast %broadcast_in_dim3A_62 : f32 to vector<16xf32>
      %swap3A_64 = arith.index_cast %scan3A_35 : i32 to index
      %swap3A_65 = arith.constant 64 : index
      %swap3A_66 = tpu.vector_load %arg8[%swap3A_64, %swap3A_65] {strides = array<i32>} : memref<128x128xf32, #tpu.memory_space<vmem>>, vector<1x16xf32>,
      %swap3A_67 = vector.shape_cast %swap3A_66 : vector<1x16xf32> to vector<16xf32>
      %swap3A_68 = vector.shape_cast %broadcast_in_dim3A_63 : vector<16xf32> to vector<1x16xf32>
      tpu.vector_store %arg8[%swap3A_64, %swap3A_65], %swap3A_68 {strides = array<i32>} : memref<128x128xf32, #tpu.memory_space<vmem>>, vector<1x16xf32>,
      %broadcast_in_dim3A_69 = arith.constant 0.000000e+00 : f32
      %broadcast_in_dim3A_70 = vector.broadcast %broadcast_in_dim3A_69 : f32 to vector<16xf32>
      %swap3A_71 = arith.index_cast %scan3A_35 : i32 to index
      %swap3A_72 = arith.constant 80 : index
      %swap3A_73 = tpu.vector_load %arg8[%swap3A_71, %swap3A_72] {strides = array<i32>} : memref<128x128xf32, #tpu.memory_space<vmem>>, vector<1x16xf32>,
      %swap3A_74 = vector.shape_cast %swap3A_73 : vector<1x16xf32> to vector<16xf32>
      %swap3A_75 = vector.shape_cast %broadcast_in_dim3A_70 : vector<16xf32> to vector<1x16xf32>
      tpu.vector_store %arg8[%swap3A_71, %swap3A_72], %swap3A_75 {strides = array<i32>} : memref<128x128xf32, #tpu.memory_space<vmem>>, vector<1x16xf32>,
      %broadcast_in_dim3A_76 = arith.constant 0.000000e+00 : f32
      %broadcast_in_dim3A_77 = vector.broadcast %broadcast_in_dim3A_76 : f32 to vector<16xf32>
      %swap3A_78 = arith.index_cast %scan3A_35 : i32 to index
      %swap3A_79 = arith.constant 96 : index
      %swap3A_80 = tpu.vector_load %arg8[%swap3A_78, %swap3A_79] {strides = array<i32>} : memref<128x128xf32, #tpu.memory_space<vmem>>, vector<1x16xf32>,
      %swap3A_81 = vector.shape_cast %swap3A_80 : vector<1x16xf32> to vector<16xf32>
      %swap3A_82 = vector.shape_cast %broadcast_in_dim3A_77 : vector<16xf32> to vector<1x16xf32>
      tpu.vector_store %arg8[%swap3A_78, %swap3A_79], %swap3A_82 {strides = array<i32>} : memref<128x128xf32, #tpu.memory_space<vmem>>, vector<1x16xf32>,
      %broadcast_in_dim3A_83 = arith.constant 0.000000e+00 : f32
      %broadcast_in_dim3A_84 = vector.broadcast %broadcast_in_dim3A_83 : f32 to vector<16xf32>
      %swap3A_85 = arith.index_cast %scan3A_35 : i32 to index
      %swap3A_86 = arith.constant 112 : index
      %swap3A_87 = tpu.vector_load %arg8[%swap3A_85, %swap3A_86] {strides = array<i32>} : memref<128x128xf32, #tpu.memory_space<vmem>>, vector<1x16xf32>,
      %swap3A_88 = vector.shape_cast %swap3A_87 : vector<1x16xf32> to vector<16xf32>
      %swap3A_89 = vector.shape_cast %broadcast_in_dim3A_84 : vector<16xf32> to vector<1x16xf32>
      tpu.vector_store %arg8[%swap3A_85, %swap3A_86], %swap3A_89 {strides = array<i32>} : memref<128x128xf32, #tpu.memory_space<vmem>>, vector<1x16xf32>,
    }
    %scan3A_5 = arith.constant 128 : i32
    %mul3A_6 = arith.constant 640 : i32
    %mul3A_7 = arith.muli %arg1, %mul3A_6 : i32
    %add3A_8 = arith.constant 0 : i32
    %add3A_9 = arith.addi %mul3A_7, %add3A_8 : i32
    "tpu.region"() ({
      %run_scoped3A = tpu.sem_alloc : memref<!tpu.dma_semaphore, #tpu.memory_space<semaphore_mem>>
      %dma_start3A = arith.constant 0 : i32
      %dma_start3A_35 = tpu.memref_slice %arg12[%add3A_9, %dma_start3A] : memref<10240x128xf32, #tpu.memory_space<vmem_shared>> -> memref<128x128xf32, #tpu.memory_space<vmem_shared>>
      %dma_start3A_36 = arith.constant 0 : i32
      %dma_start3A_37 = tpu.memref_slice %arg12[%add3A_9, %dma_start3A_36] : memref<10240x128xf32, #tpu.memory_space<vmem_shared>> -> memref<128x128xf32, #tpu.memory_space<vmem_shared>>
      tpu.enqueue_dma source(%arg8 : memref<128x128xf32, #tpu.memory_space<vmem>>) target(%dma_start3A_37 : memref<128x128xf32, #tpu.memory_space<vmem_shared>>) target_semaphore(%run_scoped3A : memref<!tpu.dma_semaphore, #tpu.memory_space<semaphore_mem>>)
      %dma_wait3A = arith.constant 0 : i32
      %dma_wait3A_38 = tpu.memref_slice %arg12[%add3A_9, %dma_wait3A] : memref<10240x128xf32, #tpu.memory_space<vmem_shared>> -> memref<128x128xf32, #tpu.memory_space<vmem_shared>>
      %dma_wait3A_39 = arith.constant 0 : i32
      %dma_wait3A_40 = tpu.memref_slice %arg12[%add3A_9, %dma_wait3A_39] : memref<10240x128xf32, #tpu.memory_space<vmem_shared>> -> memref<128x128xf32, #tpu.memory_space<vmem_shared>>
      tpu.wait_dma2 semaphore(%run_scoped3A : memref<!tpu.dma_semaphore, #tpu.memory_space<semaphore_mem>>) src(%arg8 : memref<128x128xf32, #tpu.memory_space<vmem>>) dst(%dma_wait3A_40 : memref<128x128xf32, #tpu.memory_space<vmem_shared>>)
      tpu.yield
    }) : () -> ()
    %mul3A_10 = arith.constant 640 : i32
    %mul3A_11 = arith.muli %arg1, %mul3A_10 : i32
    %add3A_12 = arith.constant 128 : i32
    %add3A_13 = arith.addi %mul3A_11, %add3A_12 : i32
    "tpu.region"() ({
      %run_scoped3A = tpu.sem_alloc : memref<!tpu.dma_semaphore, #tpu.memory_space<semaphore_mem>>
      %dma_start3A = arith.constant 0 : i32
      %dma_start3A_35 = tpu.memref_slice %arg12[%add3A_13, %dma_start3A] : memref<10240x128xf32, #tpu.memory_space<vmem_shared>> -> memref<128x128xf32, #tpu.memory_space<vmem_shared>>
      %dma_start3A_36 = arith.constant 0 : i32
      %dma_start3A_37 = tpu.memref_slice %arg12[%add3A_13, %dma_start3A_36] : memref<10240x128xf32, #tpu.memory_space<vmem_shared>> -> memref<128x128xf32, #tpu.memory_space<vmem_shared>>
      tpu.enqueue_dma source(%arg8 : memref<128x128xf32, #tpu.memory_space<vmem>>) target(%dma_start3A_37 : memref<128x128xf32, #tpu.memory_space<vmem_shared>>) target_semaphore(%run_scoped3A : memref<!tpu.dma_semaphore, #tpu.memory_space<semaphore_mem>>)
      %dma_wait3A = arith.constant 0 : i32
      %dma_wait3A_38 = tpu.memref_slice %arg12[%add3A_13, %dma_wait3A] : memref<10240x128xf32, #tpu.memory_space<vmem_shared>> -> memref<128x128xf32, #tpu.memory_space<vmem_shared>>
      %dma_wait3A_39 = arith.constant 0 : i32
      %dma_wait3A_40 = tpu.memref_slice %arg12[%add3A_13, %dma_wait3A_39] : memref<10240x128xf32, #tpu.memory_space<vmem_shared>> -> memref<128x128xf32, #tpu.memory_space<vmem_shared>>
      tpu.wait_dma2 semaphore(%run_scoped3A : memref<!tpu.dma_semaphore, #tpu.memory_space<semaphore_mem>>) src(%arg8 : memref<128x128xf32, #tpu.memory_space<vmem>>) dst(%dma_wait3A_40 : memref<128x128xf32, #tpu.memory_space<vmem_shared>>)
      tpu.yield
    }) : () -> ()
    %mul3A_14 = arith.constant 640 : i32
    %mul3A_15 = arith.muli %arg1, %mul3A_14 : i32
    %add3A_16 = arith.constant 256 : i32
    %add3A_17 = arith.addi %mul3A_15, %add3A_16 : i32
    "tpu.region"() ({
      %run_scoped3A = tpu.sem_alloc : memref<!tpu.dma_semaphore, #tpu.memory_space<semaphore_mem>>
      %dma_start3A = arith.constant 0 : i32
      %dma_start3A_35 = tpu.memref_slice %arg12[%add3A_17, %dma_start3A] : memref<10240x128xf32, #tpu.memory_space<vmem_shared>> -> memref<128x128xf32, #tpu.memory_space<vmem_shared>>
      %dma_start3A_36 = arith.constant 0 : i32
      %dma_start3A_37 = tpu.memref_slice %arg12[%add3A_17, %dma_start3A_36] : memref<10240x128xf32, #tpu.memory_space<vmem_shared>> -> memref<128x128xf32, #tpu.memory_space<vmem_shared>>
      tpu.enqueue_dma source(%arg8 : memref<128x128xf32, #tpu.memory_space<vmem>>) target(%dma_start3A_37 : memref<128x128xf32, #tpu.memory_space<vmem_shared>>) target_semaphore(%run_scoped3A : memref<!tpu.dma_semaphore, #tpu.memory_space<semaphore_mem>>)
      %dma_wait3A = arith.constant 0 : i32
      %dma_wait3A_38 = tpu.memref_slice %arg12[%add3A_17, %dma_wait3A] : memref<10240x128xf32, #tpu.memory_space<vmem_shared>> -> memref<128x128xf32, #tpu.memory_space<vmem_shared>>
      %dma_wait3A_39 = arith.constant 0 : i32
      %dma_wait3A_40 = tpu.memref_slice %arg12[%add3A_17, %dma_wait3A_39] : memref<10240x128xf32, #tpu.memory_space<vmem_shared>> -> memref<128x128xf32, #tpu.memory_space<vmem_shared>>
      tpu.wait_dma2 semaphore(%run_scoped3A : memref<!tpu.dma_semaphore, #tpu.memory_space<semaphore_mem>>) src(%arg8 : memref<128x128xf32, #tpu.memory_space<vmem>>) dst(%dma_wait3A_40 : memref<128x128xf32, #tpu.memory_space<vmem_shared>>)
      tpu.yield
    }) : () -> ()
    %mul3A_18 = arith.constant 640 : i32
    %mul3A_19 = arith.muli %arg1, %mul3A_18 : i32
    %add3A_20 = arith.constant 384 : i32
    %add3A_21 = arith.addi %mul3A_19, %add3A_20 : i32
    "tpu.region"() ({
      %run_scoped3A = tpu.sem_alloc : memref<!tpu.dma_semaphore, #tpu.memory_space<semaphore_mem>>
      %dma_start3A = arith.constant 0 : i32
      %dma_start3A_35 = tpu.memref_slice %arg12[%add3A_21, %dma_start3A] : memref<10240x128xf32, #tpu.memory_space<vmem_shared>> -> memref<128x128xf32, #tpu.memory_space<vmem_shared>>
      %dma_start3A_36 = arith.constant 0 : i32
      %dma_start3A_37 = tpu.memref_slice %arg12[%add3A_21, %dma_start3A_36] : memref<10240x128xf32, #tpu.memory_space<vmem_shared>> -> memref<128x128xf32, #tpu.memory_space<vmem_shared>>
      tpu.enqueue_dma source(%arg8 : memref<128x128xf32, #tpu.memory_space<vmem>>) target(%dma_start3A_37 : memref<128x128xf32, #tpu.memory_space<vmem_shared>>) target_semaphore(%run_scoped3A : memref<!tpu.dma_semaphore, #tpu.memory_space<semaphore_mem>>)
      %dma_wait3A = arith.constant 0 : i32
      %dma_wait3A_38 = tpu.memref_slice %arg12[%add3A_21, %dma_wait3A] : memref<10240x128xf32, #tpu.memory_space<vmem_shared>> -> memref<128x128xf32, #tpu.memory_space<vmem_shared>>
      %dma_wait3A_39 = arith.constant 0 : i32
      %dma_wait3A_40 = tpu.memref_slice %arg12[%add3A_21, %dma_wait3A_39] : memref<10240x128xf32, #tpu.memory_space<vmem_shared>> -> memref<128x128xf32, #tpu.memory_space<vmem_shared>>
      tpu.wait_dma2 semaphore(%run_scoped3A : memref<!tpu.dma_semaphore, #tpu.memory_space<semaphore_mem>>) src(%arg8 : memref<128x128xf32, #tpu.memory_space<vmem>>) dst(%dma_wait3A_40 : memref<128x128xf32, #tpu.memory_space<vmem_shared>>)
      tpu.yield
    }) : () -> ()
    %mul3A_22 = arith.constant 640 : i32
    %mul3A_23 = arith.muli %arg1, %mul3A_22 : i32
    %add3A_24 = arith.constant 512 : i32
    %add3A_25 = arith.addi %mul3A_23, %add3A_24 : i32
    "tpu.region"() ({
      %run_scoped3A = tpu.sem_alloc : memref<!tpu.dma_semaphore, #tpu.memory_space<semaphore_mem>>
      %dma_start3A = arith.constant 0 : i32
      %dma_start3A_35 = tpu.memref_slice %arg12[%add3A_25, %dma_start3A] : memref<10240x128xf32, #tpu.memory_space<vmem_shared>> -> memref<128x128xf32, #tpu.memory_space<vmem_shared>>
      %dma_start3A_36 = arith.constant 0 : i32
      %dma_start3A_37 = tpu.memref_slice %arg12[%add3A_25, %dma_start3A_36] : memref<10240x128xf32, #tpu.memory_space<vmem_shared>> -> memref<128x128xf32, #tpu.memory_space<vmem_shared>>
      tpu.enqueue_dma source(%arg8 : memref<128x128xf32, #tpu.memory_space<vmem>>) target(%dma_start3A_37 : memref<128x128xf32, #tpu.memory_space<vmem_shared>>) target_semaphore(%run_scoped3A : memref<!tpu.dma_semaphore, #tpu.memory_space<semaphore_mem>>)
      %dma_wait3A = arith.constant 0 : i32
      %dma_wait3A_38 = tpu.memref_slice %arg12[%add3A_25, %dma_wait3A] : memref<10240x128xf32, #tpu.memory_space<vmem_shared>> -> memref<128x128xf32, #tpu.memory_space<vmem_shared>>
      %dma_wait3A_39 = arith.constant 0 : i32
      %dma_wait3A_40 = tpu.memref_slice %arg12[%add3A_25, %dma_wait3A_39] : memref<10240x128xf32, #tpu.memory_space<vmem_shared>> -> memref<128x128xf32, #tpu.memory_space<vmem_shared>>
      tpu.wait_dma2 semaphore(%run_scoped3A : memref<!tpu.dma_semaphore, #tpu.memory_space<semaphore_mem>>) src(%arg8 : memref<128x128xf32, #tpu.memory_space<vmem>>) dst(%dma_wait3A_40 : memref<128x128xf32, #tpu.memory_space<vmem_shared>>)
      tpu.yield
    }) : () -> ()
    %barrier3A = arith.constant 0 : index
    tpu.barrier barrier_id(%barrier3A)
    %scan3A_26 = arith.constant 0 : i32
    %scan3A_27 = arith.constant 0 : i32
    %scan3A_28 = arith.constant 10 : i32
    %scan3A_29 = arith.addi %scan3A_27, %scan3A_28 : i32
    %scan3A_30 = arith.constant 1 : i32
    scf.for %scan3A_35 = %scan3A_27 to %scan3A_29 step %scan3A_30  : i32 {
      %mul3A_36 = arith.constant 80 : i32
      %mul3A_37 = arith.muli %add3A, %mul3A_36 : i32
      %mul3A_38 = arith.constant 8 : i32
      %mul3A_39 = arith.muli %scan3A_35, %mul3A_38 : i32
      %add3A_40 = arith.addi %mul3A_37, %mul3A_39 : i32
      "tpu.region"() ({
        %run_scoped3A = tpu.sem_alloc : memref<!tpu.dma_semaphore, #tpu.memory_space<semaphore_mem>>
        %dma_start3A = arith.constant 0 : i32
        %dma_start3A_47 = tpu.memref_slice %arg4[%add3A_40, %dma_start3A] : memref<2560x128xi32, #tpu.memory_space<hbm>> -> memref<8x128xi32, #tpu.memory_space<hbm>>
        %dma_start3A_48 = arith.constant 0 : i32
        %dma_start3A_49 = tpu.memref_slice %arg4[%add3A_40, %dma_start3A_48] : memref<2560x128xi32, #tpu.memory_space<hbm>> -> memref<8x128xi32, #tpu.memory_space<hbm>>
        tpu.enqueue_dma source(%dma_start3A_49 : memref<8x128xi32, #tpu.memory_space<hbm>>) target(%arg6 : memref<8x128xi32, #tpu.memory_space<vmem>>) target_semaphore(%run_scoped3A : memref<!tpu.dma_semaphore, #tpu.memory_space<semaphore_mem>>)
        %dma_wait3A = arith.constant 0 : i32
        %dma_wait3A_50 = tpu.memref_slice %arg4[%add3A_40, %dma_wait3A] : memref<2560x128xi32, #tpu.memory_space<hbm>> -> memref<8x128xi32, #tpu.memory_space<hbm>>
        %dma_wait3A_51 = arith.constant 0 : i32
        %dma_wait3A_52 = tpu.memref_slice %arg4[%add3A_40, %dma_wait3A_51] : memref<2560x128xi32, #tpu.memory_space<hbm>> -> memref<8x128xi32, #tpu.memory_space<hbm>>
        tpu.wait_dma2 semaphore(%run_scoped3A : memref<!tpu.dma_semaphore, #tpu.memory_space<semaphore_mem>>) src(%dma_wait3A_52 : memref<8x128xi32, #tpu.memory_space<hbm>>) dst(%arg6 : memref<8x128xi32, #tpu.memory_space<vmem>>)
        tpu.yield
      }) : () -> ()
      %scan3A_41 = arith.constant 0 : i32
      %scan3A_42 = arith.constant 0 : i32
      %scan3A_43 = arith.constant 8 : i32
      %scan3A_44 = arith.addi %scan3A_42, %scan3A_43 : i32
      %scan3A_45 = arith.constant 1 : i32
      scf.for %scan3A_47 = %scan3A_42 to %scan3A_44 step %scan3A_45  : i32 {
        %mul3A_48 = arith.constant 8 : i32
        %mul3A_49 = arith.muli %scan3A_35, %mul3A_48 : i32
        %add3A_50 = arith.addi %mul3A_49, %scan3A_47 : i32
        %get3A = arith.index_cast %scan3A_47 : i32 to index
        %get3A_51 = arith.constant 0 : index
        %get3A_52 = tpu.vector_load %arg6[%get3A, %get3A_51] {strides = array<i32>} : memref<8x128xi32, #tpu.memory_space<vmem>>, vector<1x16xi32>,
        %get3A_53 = vector.shape_cast %get3A_52 : vector<1x16xi32> to vector<16xi32>
        %swap3A = arith.constant 0 : index
        %swap3A_54 = tpu.vector_load %arg7[%swap3A] {strides = array<i32>} : memref<128xi32, #tpu.memory_space<vmem>>, vector<16xi32>,
        %swap3A_55 = vector.shape_cast %swap3A_54 : vector<16xi32> to vector<16xi32>
        %swap3A_56 = vector.shape_cast %get3A_53 : vector<16xi32> to vector<16xi32>
        tpu.vector_store %arg7[%swap3A], %swap3A_56 {strides = array<i32>} : memref<128xi32, #tpu.memory_space<vmem>>, vector<16xi32>,
        %get3A_57 = arith.index_cast %scan3A_47 : i32 to index
        %get3A_58 = arith.constant 16 : index
        %get3A_59 = tpu.vector_load %arg6[%get3A_57, %get3A_58] {strides = array<i32>} : memref<8x128xi32, #tpu.memory_space<vmem>>, vector<1x16xi32>,
        %get3A_60 = vector.shape_cast %get3A_59 : vector<1x16xi32> to vector<16xi32>
        %swap3A_61 = arith.constant 16 : index
        %swap3A_62 = tpu.vector_load %arg7[%swap3A_61] {strides = array<i32>} : memref<128xi32, #tpu.memory_space<vmem>>, vector<16xi32>,
        %swap3A_63 = vector.shape_cast %swap3A_62 : vector<16xi32> to vector<16xi32>
        %swap3A_64 = vector.shape_cast %get3A_60 : vector<16xi32> to vector<16xi32>
        tpu.vector_store %arg7[%swap3A_61], %swap3A_64 {strides = array<i32>} : memref<128xi32, #tpu.memory_space<vmem>>, vector<16xi32>,
        %get3A_65 = arith.index_cast %scan3A_47 : i32 to index
        %get3A_66 = arith.constant 32 : index
        %get3A_67 = tpu.vector_load %arg6[%get3A_65, %get3A_66] {strides = array<i32>} : memref<8x128xi32, #tpu.memory_space<vmem>>, vector<1x16xi32>,
        %get3A_68 = vector.shape_cast %get3A_67 : vector<1x16xi32> to vector<16xi32>
        %swap3A_69 = arith.constant 32 : index
        %swap3A_70 = tpu.vector_load %arg7[%swap3A_69] {strides = array<i32>} : memref<128xi32, #tpu.memory_space<vmem>>, vector<16xi32>,
        %swap3A_71 = vector.shape_cast %swap3A_70 : vector<16xi32> to vector<16xi32>
        %swap3A_72 = vector.shape_cast %get3A_68 : vector<16xi32> to vector<16xi32>
        tpu.vector_store %arg7[%swap3A_69], %swap3A_72 {strides = array<i32>} : memref<128xi32, #tpu.memory_space<vmem>>, vector<16xi32>,
        %get3A_73 = arith.index_cast %scan3A_47 : i32 to index
        %get3A_74 = arith.constant 48 : index
        %get3A_75 = tpu.vector_load %arg6[%get3A_73, %get3A_74] {strides = array<i32>} : memref<8x128xi32, #tpu.memory_space<vmem>>, vector<1x16xi32>,
        %get3A_76 = vector.shape_cast %get3A_75 : vector<1x16xi32> to vector<16xi32>
        %swap3A_77 = arith.constant 48 : index
        %swap3A_78 = tpu.vector_load %arg7[%swap3A_77] {strides = array<i32>} : memref<128xi32, #tpu.memory_space<vmem>>, vector<16xi32>,
        %swap3A_79 = vector.shape_cast %swap3A_78 : vector<16xi32> to vector<16xi32>
        %swap3A_80 = vector.shape_cast %get3A_76 : vector<16xi32> to vector<16xi32>
        tpu.vector_store %arg7[%swap3A_77], %swap3A_80 {strides = array<i32>} : memref<128xi32, #tpu.memory_space<vmem>>, vector<16xi32>,
        %get3A_81 = arith.index_cast %scan3A_47 : i32 to index
        %get3A_82 = arith.constant 64 : index
        %get3A_83 = tpu.vector_load %arg6[%get3A_81, %get3A_82] {strides = array<i32>} : memref<8x128xi32, #tpu.memory_space<vmem>>, vector<1x16xi32>,
        %get3A_84 = vector.shape_cast %get3A_83 : vector<1x16xi32> to vector<16xi32>
        %swap3A_85 = arith.constant 64 : index
        %swap3A_86 = tpu.vector_load %arg7[%swap3A_85] {strides = array<i32>} : memref<128xi32, #tpu.memory_space<vmem>>, vector<16xi32>,
        %swap3A_87 = vector.shape_cast %swap3A_86 : vector<16xi32> to vector<16xi32>
        %swap3A_88 = vector.shape_cast %get3A_84 : vector<16xi32> to vector<16xi32>
        tpu.vector_store %arg7[%swap3A_85], %swap3A_88 {strides = array<i32>} : memref<128xi32, #tpu.memory_space<vmem>>, vector<16xi32>,
        %get3A_89 = arith.index_cast %scan3A_47 : i32 to index
        %get3A_90 = arith.constant 80 : index
        %get3A_91 = tpu.vector_load %arg6[%get3A_89, %get3A_90] {strides = array<i32>} : memref<8x128xi32, #tpu.memory_space<vmem>>, vector<1x16xi32>,
        %get3A_92 = vector.shape_cast %get3A_91 : vector<1x16xi32> to vector<16xi32>
        %swap3A_93 = arith.constant 80 : index
        %swap3A_94 = tpu.vector_load %arg7[%swap3A_93] {strides = array<i32>} : memref<128xi32, #tpu.memory_space<vmem>>, vector<16xi32>,
        %swap3A_95 = vector.shape_cast %swap3A_94 : vector<16xi32> to vector<16xi32>
        %swap3A_96 = vector.shape_cast %get3A_92 : vector<16xi32> to vector<16xi32>
        tpu.vector_store %arg7[%swap3A_93], %swap3A_96 {strides = array<i32>} : memref<128xi32, #tpu.memory_space<vmem>>, vector<16xi32>,
        %get3A_97 = arith.index_cast %scan3A_47 : i32 to index
        %get3A_98 = arith.constant 96 : index
        %get3A_99 = tpu.vector_load %arg6[%get3A_97, %get3A_98] {strides = array<i32>} : memref<8x128xi32, #tpu.memory_space<vmem>>, vector<1x16xi32>,
        %get3A_100 = vector.shape_cast %get3A_99 : vector<1x16xi32> to vector<16xi32>
        %swap3A_101 = arith.constant 96 : index
        %swap3A_102 = tpu.vector_load %arg7[%swap3A_101] {strides = array<i32>} : memref<128xi32, #tpu.memory_space<vmem>>, vector<16xi32>,
        %swap3A_103 = vector.shape_cast %swap3A_102 : vector<16xi32> to vector<16xi32>
        %swap3A_104 = vector.shape_cast %get3A_100 : vector<16xi32> to vector<16xi32>
        tpu.vector_store %arg7[%swap3A_101], %swap3A_104 {strides = array<i32>} : memref<128xi32, #tpu.memory_space<vmem>>, vector<16xi32>,
        %get3A_105 = arith.index_cast %scan3A_47 : i32 to index
        %get3A_106 = arith.constant 112 : index
        %get3A_107 = tpu.vector_load %arg6[%get3A_105, %get3A_106] {strides = array<i32>} : memref<8x128xi32, #tpu.memory_space<vmem>>, vector<1x16xi32>,
        %get3A_108 = vector.shape_cast %get3A_107 : vector<1x16xi32> to vector<16xi32>
        %swap3A_109 = arith.constant 112 : index
        %swap3A_110 = tpu.vector_load %arg7[%swap3A_109] {strides = array<i32>} : memref<128xi32, #tpu.memory_space<vmem>>, vector<16xi32>,
        %swap3A_111 = vector.shape_cast %swap3A_110 : vector<16xi32> to vector<16xi32>
        %swap3A_112 = vector.shape_cast %get3A_108 : vector<16xi32> to vector<16xi32>
        tpu.vector_store %arg7[%swap3A_109], %swap3A_112 {strides = array<i32>} : memref<128xi32, #tpu.memory_space<vmem>>, vector<16xi32>,
        %dma_start3A = arith.constant 0 : i32
        %dma_start3A_113 = tpu.memref_slice %arg6[%scan3A_47, %dma_start3A] : memref<8x128xi32, #tpu.memory_space<vmem>> -> memref<1x128xi32, #tpu.memory_space<vmem>>
        %dma_start3A_114 = tpu.memref_squeeze %dma_start3A_113 : memref<1x128xi32, #tpu.memory_space<vmem>> -> memref<128xi32, #tpu.memory_space<vmem>>
        %dma_start3A_115 = arith.constant 0 : i32
        %dma_start3A_116 = arith.constant 0 : i32
        %dma_start3A_117 = tpu.memref_slice %arg3[%dma_start3A_115, %dma_start3A_116] : memref<10240x128xf32, #tpu.memory_space<hbm>> -> memref<10240x128xf32, #tpu.memory_space<hbm>>
        tpu.enqueue_indirect_dma source(%dma_start3A_117 : memref<10240x128xf32, #tpu.memory_space<hbm>>) target(%arg8 : memref<128x128xf32, #tpu.memory_space<vmem>>) offsets(%dma_start3A_114 : memref<128xi32, #tpu.memory_space<vmem>>) semaphore(%arg10 : memref<!tpu.dma_semaphore, #tpu.memory_space<semaphore_mem>>)
        %mul3A_118 = arith.constant 10240 : i32
        %mul3A_119 = arith.muli %add3A, %mul3A_118 : i32
        %mul3A_120 = arith.constant 128 : i32
        %mul3A_121 = arith.muli %add3A_50, %mul3A_120 : i32
        %add3A_122 = arith.addi %mul3A_119, %mul3A_121 : i32
        %dma_start3A_123 = arith.constant 0 : i32
        %dma_start3A_124 = tpu.memref_slice %arg2[%add3A_122, %dma_start3A_123] : memref<327680x128xf32, #tpu.memory_space<hbm>> -> memref<128x128xf32, #tpu.memory_space<hbm>>
        %dma_start3A_125 = arith.constant 0 : i32
        %dma_start3A_126 = tpu.memref_slice %arg2[%add3A_122, %dma_start3A_125] : memref<327680x128xf32, #tpu.memory_space<hbm>> -> memref<128x128xf32, #tpu.memory_space<hbm>>
        tpu.enqueue_dma source(%dma_start3A_126 : memref<128x128xf32, #tpu.memory_space<hbm>>) target(%arg9 : memref<128x128xf32, #tpu.memory_space<vmem>>) target_semaphore(%arg11 : memref<!tpu.dma_semaphore, #tpu.memory_space<semaphore_mem>>)
        %dma_wait3A = arith.constant 0 : i32
        %dma_wait3A_127 = tpu.memref_slice %arg6[%scan3A_47, %dma_wait3A] : memref<8x128xi32, #tpu.memory_space<vmem>> -> memref<1x128xi32, #tpu.memory_space<vmem>>
        %dma_wait3A_128 = tpu.memref_squeeze %dma_wait3A_127 : memref<1x128xi32, #tpu.memory_space<vmem>> -> memref<128xi32, #tpu.memory_space<vmem>>
        %dma_wait3A_129 = arith.constant 0 : i32
        %dma_wait3A_130 = arith.constant 0 : i32
        %dma_wait3A_131 = tpu.memref_slice %arg3[%dma_wait3A_129, %dma_wait3A_130] : memref<10240x128xf32, #tpu.memory_space<hbm>> -> memref<10240x128xf32, #tpu.memory_space<hbm>>
        tpu.wait_indirect_dma semaphore(%arg10 : memref<!tpu.dma_semaphore, #tpu.memory_space<semaphore_mem>>) src(%dma_wait3A_131 : memref<10240x128xf32, #tpu.memory_space<hbm>>) dst(%arg8 : memref<128x128xf32, #tpu.memory_space<vmem>>)
        %dma_wait3A_132 = arith.constant 0 : i32
        %dma_wait3A_133 = tpu.memref_slice %arg2[%add3A_122, %dma_wait3A_132] : memref<327680x128xf32, #tpu.memory_space<hbm>> -> memref<128x128xf32, #tpu.memory_space<hbm>>
        %dma_wait3A_134 = arith.constant 0 : i32
        %dma_wait3A_135 = tpu.memref_slice %arg2[%add3A_122, %dma_wait3A_134] : memref<327680x128xf32, #tpu.memory_space<hbm>> -> memref<128x128xf32, #tpu.memory_space<hbm>>
        tpu.wait_dma2 semaphore(%arg11 : memref<!tpu.dma_semaphore, #tpu.memory_space<semaphore_mem>>) src(%dma_wait3A_135 : memref<128x128xf32, #tpu.memory_space<hbm>>) dst(%arg9 : memref<128x128xf32, #tpu.memory_space<vmem>>)
        %scan3A_136 = arith.constant 0 : i32
        %scan3A_137 = arith.constant 0 : i32
        %scan3A_138 = arith.constant 128 : i32
        %scan3A_139 = arith.addi %scan3A_137, %scan3A_138 : i32
        %scan3A_140 = arith.constant 1 : i32
        scf.for %scan3A_142 = %scan3A_137 to %scan3A_139 step %scan3A_140  : i32 {
          %get3A_143 = arith.index_cast %scan3A_142 : i32 to index
          %get3A_144 = arith.constant 0 : index
          %get3A_145 = tpu.vector_load %arg8[%get3A_143, %get3A_144] {strides = array<i32>} : memref<128x128xf32, #tpu.memory_space<vmem>>, vector<1x16xf32>,
          %get3A_146 = vector.shape_cast %get3A_145 : vector<1x16xf32> to vector<16xf32>
          %get3A_147 = arith.index_cast %scan3A_142 : i32 to index
          %get3A_148 = arith.constant 0 : index
          %get3A_149 = tpu.vector_load %arg9[%get3A_147, %get3A_148] {strides = array<i32>} : memref<128x128xf32, #tpu.memory_space<vmem>>, vector<1x16xf32>,
          %get3A_150 = vector.shape_cast %get3A_149 : vector<1x16xf32> to vector<16xf32>
          %add3A_151 = arith.addf %get3A_146, %get3A_150 : vector<16xf32>
          %max3A = arith.constant 0.000000e+00 : f32
          %max3A_152 = vector.broadcast %max3A : f32 to vector<16xf32>
          %max3A_153 = arith.maximumf %add3A_151, %max3A_152 : vector<16xf32>
          %swap3A_154 = arith.index_cast %scan3A_142 : i32 to index
          %swap3A_155 = arith.constant 0 : index
          %swap3A_156 = tpu.vector_load %arg8[%swap3A_154, %swap3A_155] {strides = array<i32>} : memref<128x128xf32, #tpu.memory_space<vmem>>, vector<1x16xf32>,
          %swap3A_157 = vector.shape_cast %swap3A_156 : vector<1x16xf32> to vector<16xf32>
          %swap3A_158 = vector.shape_cast %max3A_153 : vector<16xf32> to vector<1x16xf32>
          tpu.vector_store %arg8[%swap3A_154, %swap3A_155], %swap3A_158 {strides = array<i32>} : memref<128x128xf32, #tpu.memory_space<vmem>>, vector<1x16xf32>,
          %get3A_159 = arith.index_cast %scan3A_142 : i32 to index
          %get3A_160 = arith.constant 16 : index
          %get3A_161 = tpu.vector_load %arg8[%get3A_159, %get3A_160] {strides = array<i32>} : memref<128x128xf32, #tpu.memory_space<vmem>>, vector<1x16xf32>,
          %get3A_162 = vector.shape_cast %get3A_161 : vector<1x16xf32> to vector<16xf32>
          %get3A_163 = arith.index_cast %scan3A_142 : i32 to index
          %get3A_164 = arith.constant 16 : index
          %get3A_165 = tpu.vector_load %arg9[%get3A_163, %get3A_164] {strides = array<i32>} : memref<128x128xf32, #tpu.memory_space<vmem>>, vector<1x16xf32>,
          %get3A_166 = vector.shape_cast %get3A_165 : vector<1x16xf32> to vector<16xf32>
          %add3A_167 = arith.addf %get3A_162, %get3A_166 : vector<16xf32>
          %max3A_168 = arith.constant 0.000000e+00 : f32
          %max3A_169 = vector.broadcast %max3A_168 : f32 to vector<16xf32>
          %max3A_170 = arith.maximumf %add3A_167, %max3A_169 : vector<16xf32>
          %swap3A_171 = arith.index_cast %scan3A_142 : i32 to index
          %swap3A_172 = arith.constant 16 : index
          %swap3A_173 = tpu.vector_load %arg8[%swap3A_171, %swap3A_172] {strides = array<i32>} : memref<128x128xf32, #tpu.memory_space<vmem>>, vector<1x16xf32>,
          %swap3A_174 = vector.shape_cast %swap3A_173 : vector<1x16xf32> to vector<16xf32>
          %swap3A_175 = vector.shape_cast %max3A_170 : vector<16xf32> to vector<1x16xf32>
          tpu.vector_store %arg8[%swap3A_171, %swap3A_172], %swap3A_175 {strides = array<i32>} : memref<128x128xf32, #tpu.memory_space<vmem>>, vector<1x16xf32>,
          %get3A_176 = arith.index_cast %scan3A_142 : i32 to index
          %get3A_177 = arith.constant 32 : index
          %get3A_178 = tpu.vector_load %arg8[%get3A_176, %get3A_177] {strides = array<i32>} : memref<128x128xf32, #tpu.memory_space<vmem>>, vector<1x16xf32>,
          %get3A_179 = vector.shape_cast %get3A_178 : vector<1x16xf32> to vector<16xf32>
          %get3A_180 = arith.index_cast %scan3A_142 : i32 to index
          %get3A_181 = arith.constant 32 : index
          %get3A_182 = tpu.vector_load %arg9[%get3A_180, %get3A_181] {strides = array<i32>} : memref<128x128xf32, #tpu.memory_space<vmem>>, vector<1x16xf32>,
          %get3A_183 = vector.shape_cast %get3A_182 : vector<1x16xf32> to vector<16xf32>
          %add3A_184 = arith.addf %get3A_179, %get3A_183 : vector<16xf32>
          %max3A_185 = arith.constant 0.000000e+00 : f32
          %max3A_186 = vector.broadcast %max3A_185 : f32 to vector<16xf32>
          %max3A_187 = arith.maximumf %add3A_184, %max3A_186 : vector<16xf32>
          %swap3A_188 = arith.index_cast %scan3A_142 : i32 to index
          %swap3A_189 = arith.constant 32 : index
          %swap3A_190 = tpu.vector_load %arg8[%swap3A_188, %swap3A_189] {strides = array<i32>} : memref<128x128xf32, #tpu.memory_space<vmem>>, vector<1x16xf32>,
          %swap3A_191 = vector.shape_cast %swap3A_190 : vector<1x16xf32> to vector<16xf32>
          %swap3A_192 = vector.shape_cast %max3A_187 : vector<16xf32> to vector<1x16xf32>
          tpu.vector_store %arg8[%swap3A_188, %swap3A_189], %swap3A_192 {strides = array<i32>} : memref<128x128xf32, #tpu.memory_space<vmem>>, vector<1x16xf32>,
          %get3A_193 = arith.index_cast %scan3A_142 : i32 to index
          %get3A_194 = arith.constant 48 : index
          %get3A_195 = tpu.vector_load %arg8[%get3A_193, %get3A_194] {strides = array<i32>} : memref<128x128xf32, #tpu.memory_space<vmem>>, vector<1x16xf32>,
          %get3A_196 = vector.shape_cast %get3A_195 : vector<1x16xf32> to vector<16xf32>
          %get3A_197 = arith.index_cast %scan3A_142 : i32 to index
          %get3A_198 = arith.constant 48 : index
          %get3A_199 = tpu.vector_load %arg9[%get3A_197, %get3A_198] {strides = array<i32>} : memref<128x128xf32, #tpu.memory_space<vmem>>, vector<1x16xf32>,
          %get3A_200 = vector.shape_cast %get3A_199 : vector<1x16xf32> to vector<16xf32>
          %add3A_201 = arith.addf %get3A_196, %get3A_200 : vector<16xf32>
          %max3A_202 = arith.constant 0.000000e+00 : f32
          %max3A_203 = vector.broadcast %max3A_202 : f32 to vector<16xf32>
          %max3A_204 = arith.maximumf %add3A_201, %max3A_203 : vector<16xf32>
          %swap3A_205 = arith.index_cast %scan3A_142 : i32 to index
          %swap3A_206 = arith.constant 48 : index
          %swap3A_207 = tpu.vector_load %arg8[%swap3A_205, %swap3A_206] {strides = array<i32>} : memref<128x128xf32, #tpu.memory_space<vmem>>, vector<1x16xf32>,
          %swap3A_208 = vector.shape_cast %swap3A_207 : vector<1x16xf32> to vector<16xf32>
          %swap3A_209 = vector.shape_cast %max3A_204 : vector<16xf32> to vector<1x16xf32>
          tpu.vector_store %arg8[%swap3A_205, %swap3A_206], %swap3A_209 {strides = array<i32>} : memref<128x128xf32, #tpu.memory_space<vmem>>, vector<1x16xf32>,
          %get3A_210 = arith.index_cast %scan3A_142 : i32 to index
          %get3A_211 = arith.constant 64 : index
          %get3A_212 = tpu.vector_load %arg8[%get3A_210, %get3A_211] {strides = array<i32>} : memref<128x128xf32, #tpu.memory_space<vmem>>, vector<1x16xf32>,
          %get3A_213 = vector.shape_cast %get3A_212 : vector<1x16xf32> to vector<16xf32>
          %get3A_214 = arith.index_cast %scan3A_142 : i32 to index
          %get3A_215 = arith.constant 64 : index
          %get3A_216 = tpu.vector_load %arg9[%get3A_214, %get3A_215] {strides = array<i32>} : memref<128x128xf32, #tpu.memory_space<vmem>>, vector<1x16xf32>,
          %get3A_217 = vector.shape_cast %get3A_216 : vector<1x16xf32> to vector<16xf32>
          %add3A_218 = arith.addf %get3A_213, %get3A_217 : vector<16xf32>
          %max3A_219 = arith.constant 0.000000e+00 : f32
          %max3A_220 = vector.broadcast %max3A_219 : f32 to vector<16xf32>
          %max3A_221 = arith.maximumf %add3A_218, %max3A_220 : vector<16xf32>
          %swap3A_222 = arith.index_cast %scan3A_142 : i32 to index
          %swap3A_223 = arith.constant 64 : index
          %swap3A_224 = tpu.vector_load %arg8[%swap3A_222, %swap3A_223] {strides = array<i32>} : memref<128x128xf32, #tpu.memory_space<vmem>>, vector<1x16xf32>,
          %swap3A_225 = vector.shape_cast %swap3A_224 : vector<1x16xf32> to vector<16xf32>
          %swap3A_226 = vector.shape_cast %max3A_221 : vector<16xf32> to vector<1x16xf32>
          tpu.vector_store %arg8[%swap3A_222, %swap3A_223], %swap3A_226 {strides = array<i32>} : memref<128x128xf32, #tpu.memory_space<vmem>>, vector<1x16xf32>,
          %get3A_227 = arith.index_cast %scan3A_142 : i32 to index
          %get3A_228 = arith.constant 80 : index
          %get3A_229 = tpu.vector_load %arg8[%get3A_227, %get3A_228] {strides = array<i32>} : memref<128x128xf32, #tpu.memory_space<vmem>>, vector<1x16xf32>,
          %get3A_230 = vector.shape_cast %get3A_229 : vector<1x16xf32> to vector<16xf32>
          %get3A_231 = arith.index_cast %scan3A_142 : i32 to index
          %get3A_232 = arith.constant 80 : index
          %get3A_233 = tpu.vector_load %arg9[%get3A_231, %get3A_232] {strides = array<i32>} : memref<128x128xf32, #tpu.memory_space<vmem>>, vector<1x16xf32>,
          %get3A_234 = vector.shape_cast %get3A_233 : vector<1x16xf32> to vector<16xf32>
          %add3A_235 = arith.addf %get3A_230, %get3A_234 : vector<16xf32>
          %max3A_236 = arith.constant 0.000000e+00 : f32
          %max3A_237 = vector.broadcast %max3A_236 : f32 to vector<16xf32>
          %max3A_238 = arith.maximumf %add3A_235, %max3A_237 : vector<16xf32>
          %swap3A_239 = arith.index_cast %scan3A_142 : i32 to index
          %swap3A_240 = arith.constant 80 : index
          %swap3A_241 = tpu.vector_load %arg8[%swap3A_239, %swap3A_240] {strides = array<i32>} : memref<128x128xf32, #tpu.memory_space<vmem>>, vector<1x16xf32>,
          %swap3A_242 = vector.shape_cast %swap3A_241 : vector<1x16xf32> to vector<16xf32>
          %swap3A_243 = vector.shape_cast %max3A_238 : vector<16xf32> to vector<1x16xf32>
          tpu.vector_store %arg8[%swap3A_239, %swap3A_240], %swap3A_243 {strides = array<i32>} : memref<128x128xf32, #tpu.memory_space<vmem>>, vector<1x16xf32>,
          %get3A_244 = arith.index_cast %scan3A_142 : i32 to index
          %get3A_245 = arith.constant 96 : index
          %get3A_246 = tpu.vector_load %arg8[%get3A_244, %get3A_245] {strides = array<i32>} : memref<128x128xf32, #tpu.memory_space<vmem>>, vector<1x16xf32>,
          %get3A_247 = vector.shape_cast %get3A_246 : vector<1x16xf32> to vector<16xf32>
          %get3A_248 = arith.index_cast %scan3A_142 : i32 to index
          %get3A_249 = arith.constant 96 : index
          %get3A_250 = tpu.vector_load %arg9[%get3A_248, %get3A_249] {strides = array<i32>} : memref<128x128xf32, #tpu.memory_space<vmem>>, vector<1x16xf32>,
          %get3A_251 = vector.shape_cast %get3A_250 : vector<1x16xf32> to vector<16xf32>
          %add3A_252 = arith.addf %get3A_247, %get3A_251 : vector<16xf32>
          %max3A_253 = arith.constant 0.000000e+00 : f32
          %max3A_254 = vector.broadcast %max3A_253 : f32 to vector<16xf32>
          %max3A_255 = arith.maximumf %add3A_252, %max3A_254 : vector<16xf32>
          %swap3A_256 = arith.index_cast %scan3A_142 : i32 to index
          %swap3A_257 = arith.constant 96 : index
          %swap3A_258 = tpu.vector_load %arg8[%swap3A_256, %swap3A_257] {strides = array<i32>} : memref<128x128xf32, #tpu.memory_space<vmem>>, vector<1x16xf32>,
          %swap3A_259 = vector.shape_cast %swap3A_258 : vector<1x16xf32> to vector<16xf32>
          %swap3A_260 = vector.shape_cast %max3A_255 : vector<16xf32> to vector<1x16xf32>
          tpu.vector_store %arg8[%swap3A_256, %swap3A_257], %swap3A_260 {strides = array<i32>} : memref<128x128xf32, #tpu.memory_space<vmem>>, vector<1x16xf32>,
          %get3A_261 = arith.index_cast %scan3A_142 : i32 to index
          %get3A_262 = arith.constant 112 : index
          %get3A_263 = tpu.vector_load %arg8[%get3A_261, %get3A_262] {strides = array<i32>} : memref<128x128xf32, #tpu.memory_space<vmem>>, vector<1x16xf32>,
          %get3A_264 = vector.shape_cast %get3A_263 : vector<1x16xf32> to vector<16xf32>
          %get3A_265 = arith.index_cast %scan3A_142 : i32 to index
          %get3A_266 = arith.constant 112 : index
          %get3A_267 = tpu.vector_load %arg9[%get3A_265, %get3A_266] {strides = array<i32>} : memref<128x128xf32, #tpu.memory_space<vmem>>, vector<1x16xf32>,
          %get3A_268 = vector.shape_cast %get3A_267 : vector<1x16xf32> to vector<16xf32>
          %add3A_269 = arith.addf %get3A_264, %get3A_268 : vector<16xf32>
          %max3A_270 = arith.constant 0.000000e+00 : f32
          %max3A_271 = vector.broadcast %max3A_270 : f32 to vector<16xf32>
          %max3A_272 = arith.maximumf %add3A_269, %max3A_271 : vector<16xf32>
          %swap3A_273 = arith.index_cast %scan3A_142 : i32 to index
          %swap3A_274 = arith.constant 112 : index
          %swap3A_275 = tpu.vector_load %arg8[%swap3A_273, %swap3A_274] {strides = array<i32>} : memref<128x128xf32, #tpu.memory_space<vmem>>, vector<1x16xf32>,
          %swap3A_276 = vector.shape_cast %swap3A_275 : vector<1x16xf32> to vector<16xf32>
          %swap3A_277 = vector.shape_cast %max3A_272 : vector<16xf32> to vector<1x16xf32>
          tpu.vector_store %arg8[%swap3A_273, %swap3A_274], %swap3A_277 {strides = array<i32>} : memref<128x128xf32, #tpu.memory_space<vmem>>, vector<1x16xf32>,
        }
        %scan3A_141 = arith.constant 128 : i32
        "tpu.region"() ({
          %run_scoped3A = tpu.sem_alloc : memref<!tpu.dma_semaphore, #tpu.memory_space<semaphore_mem>>
          %dma_start3A_142 = arith.constant 0 : i32
          %dma_start3A_143 = arith.constant 0 : i32
          %dma_start3A_144 = tpu.memref_slice %arg12[%dma_start3A_142, %dma_start3A_143] : memref<10240x128xf32, #tpu.memory_space<vmem_shared>> -> memref<10240x128xf32, #tpu.memory_space<vmem_shared>>
          tpu.enqueue_indirect_dma source(%arg8 : memref<128x128xf32, #tpu.memory_space<vmem>>) target(%dma_start3A_144 : memref<10240x128xf32, #tpu.memory_space<vmem_shared>>) offsets(%arg7 : memref<128xi32, #tpu.memory_space<vmem>>) semaphore(%run_scoped3A : memref<!tpu.dma_semaphore, #tpu.memory_space<semaphore_mem>>) {add = true}
          %dma_wait3A_145 = arith.constant 0 : i32
          %dma_wait3A_146 = arith.constant 0 : i32
          %dma_wait3A_147 = tpu.memref_slice %arg12[%dma_wait3A_145, %dma_wait3A_146] : memref<10240x128xf32, #tpu.memory_space<vmem_shared>> -> memref<10240x128xf32, #tpu.memory_space<vmem_shared>>
          tpu.wait_indirect_dma semaphore(%run_scoped3A : memref<!tpu.dma_semaphore, #tpu.memory_space<semaphore_mem>>) src(%arg8 : memref<128x128xf32, #tpu.memory_space<vmem>>) dst(%dma_wait3A_147 : memref<10240x128xf32, #tpu.memory_space<vmem_shared>>)
          tpu.yield
        }) : () -> ()
      }
      %scan3A_46 = arith.constant 8 : i32
    }
    %scan3A_31 = arith.constant 10 : i32
    %barrier3A_32 = arith.constant 0 : index
    tpu.barrier barrier_id(%barrier3A_32)
    %mul3A_33 = arith.constant 640 : i32
    %mul3A_34 = arith.muli %arg1, %mul3A_33 : i32
    "tpu.region"() ({
      %run_scoped3A = tpu.sem_alloc : memref<!tpu.dma_semaphore, #tpu.memory_space<semaphore_mem>>
      %dma_start3A = arith.constant 0 : i32
      %dma_start3A_35 = arith.constant 0 : i32
      %dma_start3A_36 = tpu.memref_slice %arg5[%arg0, %dma_start3A, %dma_start3A_35] : memref<2x10240x128xf32, #tpu.memory_space<hbm>> -> memref<1x10240x128xf32, #tpu.memory_space<hbm>>
      %dma_start3A_37 = tpu.memref_squeeze %dma_start3A_36 : memref<1x10240x128xf32, #tpu.memory_space<hbm>> -> memref<10240x128xf32, #tpu.memory_space<hbm>>
      %dma_start3A_38 = arith.constant 0 : i32
      %dma_start3A_39 = tpu.memref_slice %dma_start3A_37[%mul3A_34, %dma_start3A_38] : memref<10240x128xf32, #tpu.memory_space<hbm>> -> memref<640x128xf32, #tpu.memory_space<hbm>>
      %dma_start3A_40 = arith.constant 0 : i32
      %dma_start3A_41 = tpu.memref_slice %arg12[%mul3A_34, %dma_start3A_40] : memref<10240x128xf32, #tpu.memory_space<vmem_shared>> -> memref<640x128xf32, #tpu.memory_space<vmem_shared>>
      tpu.enqueue_dma source(%dma_start3A_41 : memref<640x128xf32, #tpu.memory_space<vmem_shared>>) target(%dma_start3A_39 : memref<640x128xf32, #tpu.memory_space<hbm>>) target_semaphore(%run_scoped3A : memref<!tpu.dma_semaphore, #tpu.memory_space<semaphore_mem>>)
      %dma_wait3A = arith.constant 0 : i32
      %dma_wait3A_42 = arith.constant 0 : i32
      %dma_wait3A_43 = tpu.memref_slice %arg5[%arg0, %dma_wait3A, %dma_wait3A_42] : memref<2x10240x128xf32, #tpu.memory_space<hbm>> -> memref<1x10240x128xf32, #tpu.memory_space<hbm>>
      %dma_wait3A_44 = tpu.memref_squeeze %dma_wait3A_43 : memref<1x10240x128xf32, #tpu.memory_space<hbm>> -> memref<10240x128xf32, #tpu.memory_space<hbm>>
      %dma_wait3A_45 = arith.constant 0 : i32
      %dma_wait3A_46 = tpu.memref_slice %dma_wait3A_44[%mul3A_34, %dma_wait3A_45] : memref<10240x128xf32, #tpu.memory_space<hbm>> -> memref<640x128xf32, #tpu.memory_space<hbm>>
      %dma_wait3A_47 = arith.constant 0 : i32
      %dma_wait3A_48 = tpu.memref_slice %arg12[%mul3A_34, %dma_wait3A_47] : memref<10240x128xf32, #tpu.memory_space<vmem_shared>> -> memref<640x128xf32, #tpu.memory_space<vmem_shared>>
      tpu.wait_dma2 semaphore(%run_scoped3A : memref<!tpu.dma_semaphore, #tpu.memory_space<semaphore_mem>>) src(%dma_wait3A_48 : memref<640x128xf32, #tpu.memory_space<vmem_shared>>) dst(%dma_wait3A_46 : memref<640x128xf32, #tpu.memory_space<hbm>>)
      tpu.yield
    }) : () -> ()
    return
  }
}

#map = affine_map<(d0, d1) -> (0, 0)>
#map1 = affine_map<(d0, d1) -> (0, 0, 0)>
module attributes {stable_mosaic.version = 14 : i64} {
  func.func @_sc_seg(%arg0: i32, %arg1: i32, %arg2: memref<327680x128xf32, #tpu.memory_space<hbm>>, %arg3: memref<10240x128xf32, #tpu.memory_space<hbm>>, %arg4: memref<2560x128xi32, #tpu.memory_space<hbm>>, %arg5: memref<2x10240x128xf32, #tpu.memory_space<hbm>>, %arg6: memref<8x128xi32, #tpu.memory_space<vmem>>, %arg7: memref<128xi32, #tpu.memory_space<vmem>>, %arg8: memref<128x128xf32, #tpu.memory_space<vmem>>, %arg9: memref<128x128xf32, #tpu.memory_space<vmem>>, %arg10: memref<!tpu.dma_semaphore, #tpu.memory_space<semaphore_mem>>, %arg11: memref<!tpu.dma_semaphore, #tpu.memory_space<semaphore_mem>>, %arg12: memref<10240x128xf32, #tpu.memory_space<vmem_shared>>) attributes {dimension_semantics = [#tpu.dimension_semantics<core_parallel>, #tpu.dimension_semantics<subcore_parallel>], iteration_bounds = array<i64: 2, 16>, scalar_prefetch = 0 : i64, scratch_operands = 7 : i64, tpu.core_type = #tpu.core_type<sc_vector_subcore>, window_params = [{transform_indices = #map}, {transform_indices = #map}, {transform_indices = #map}, {transform_indices = #map1}]} {
    %mul3A = arith.constant 16 : i32
    %mul3A_0 = arith.muli %arg0, %mul3A : i32
    %add3A = arith.addi %mul3A_0, %arg1 : i32
    %scan3A = arith.constant 0 : i32
    %scan3A_1 = arith.constant 0 : i32
    %scan3A_2 = arith.constant 128 : i32
    %scan3A_3 = arith.addi %scan3A_1, %scan3A_2 : i32
    %scan3A_4 = arith.constant 1 : i32
    scf.for %scan3A_35 = %scan3A_1 to %scan3A_3 step %scan3A_4  : i32 {
      %broadcast_in_dim3A = arith.constant 0.000000e+00 : f32
      %broadcast_in_dim3A_36 = vector.broadcast %broadcast_in_dim3A : f32 to vector<16xf32>
      %swap3A = arith.index_cast %scan3A_35 : i32 to index
      %swap3A_37 = arith.constant 0 : index
      %swap3A_38 = tpu.vector_load %arg8[%swap3A, %swap3A_37] {strides = array<i32>} : memref<128x128xf32, #tpu.memory_space<vmem>>, vector<1x16xf32>,
      %swap3A_39 = vector.shape_cast %swap3A_38 : vector<1x16xf32> to vector<16xf32>
      %swap3A_40 = vector.shape_cast %broadcast_in_dim3A_36 : vector<16xf32> to vector<1x16xf32>
      tpu.vector_store %arg8[%swap3A, %swap3A_37], %swap3A_40 {strides = array<i32>} : memref<128x128xf32, #tpu.memory_space<vmem>>, vector<1x16xf32>,
      %broadcast_in_dim3A_41 = arith.constant 0.000000e+00 : f32
      %broadcast_in_dim3A_42 = vector.broadcast %broadcast_in_dim3A_41 : f32 to vector<16xf32>
      %swap3A_43 = arith.index_cast %scan3A_35 : i32 to index
      %swap3A_44 = arith.constant 16 : index
      %swap3A_45 = tpu.vector_load %arg8[%swap3A_43, %swap3A_44] {strides = array<i32>} : memref<128x128xf32, #tpu.memory_space<vmem>>, vector<1x16xf32>,
      %swap3A_46 = vector.shape_cast %swap3A_45 : vector<1x16xf32> to vector<16xf32>
      %swap3A_47 = vector.shape_cast %broadcast_in_dim3A_42 : vector<16xf32> to vector<1x16xf32>
      tpu.vector_store %arg8[%swap3A_43, %swap3A_44], %swap3A_47 {strides = array<i32>} : memref<128x128xf32, #tpu.memory_space<vmem>>, vector<1x16xf32>,
      %broadcast_in_dim3A_48 = arith.constant 0.000000e+00 : f32
      %broadcast_in_dim3A_49 = vector.broadcast %broadcast_in_dim3A_48 : f32 to vector<16xf32>
      %swap3A_50 = arith.index_cast %scan3A_35 : i32 to index
      %swap3A_51 = arith.constant 32 : index
      %swap3A_52 = tpu.vector_load %arg8[%swap3A_50, %swap3A_51] {strides = array<i32>} : memref<128x128xf32, #tpu.memory_space<vmem>>, vector<1x16xf32>,
      %swap3A_53 = vector.shape_cast %swap3A_52 : vector<1x16xf32> to vector<16xf32>
      %swap3A_54 = vector.shape_cast %broadcast_in_dim3A_49 : vector<16xf32> to vector<1x16xf32>
      tpu.vector_store %arg8[%swap3A_50, %swap3A_51], %swap3A_54 {strides = array<i32>} : memref<128x128xf32, #tpu.memory_space<vmem>>, vector<1x16xf32>,
      %broadcast_in_dim3A_55 = arith.constant 0.000000e+00 : f32
      %broadcast_in_dim3A_56 = vector.broadcast %broadcast_in_dim3A_55 : f32 to vector<16xf32>
      %swap3A_57 = arith.index_cast %scan3A_35 : i32 to index
      %swap3A_58 = arith.constant 48 : index
      %swap3A_59 = tpu.vector_load %arg8[%swap3A_57, %swap3A_58] {strides = array<i32>} : memref<128x128xf32, #tpu.memory_space<vmem>>, vector<1x16xf32>,
      %swap3A_60 = vector.shape_cast %swap3A_59 : vector<1x16xf32> to vector<16xf32>
      %swap3A_61 = vector.shape_cast %broadcast_in_dim3A_56 : vector<16xf32> to vector<1x16xf32>
      tpu.vector_store %arg8[%swap3A_57, %swap3A_58], %swap3A_61 {strides = array<i32>} : memref<128x128xf32, #tpu.memory_space<vmem>>, vector<1x16xf32>,
      %broadcast_in_dim3A_62 = arith.constant 0.000000e+00 : f32
      %broadcast_in_dim3A_63 = vector.broadcast %broadcast_in_dim3A_62 : f32 to vector<16xf32>
      %swap3A_64 = arith.index_cast %scan3A_35 : i32 to index
      %swap3A_65 = arith.constant 64 : index
      %swap3A_66 = tpu.vector_load %arg8[%swap3A_64, %swap3A_65] {strides = array<i32>} : memref<128x128xf32, #tpu.memory_space<vmem>>, vector<1x16xf32>,
      %swap3A_67 = vector.shape_cast %swap3A_66 : vector<1x16xf32> to vector<16xf32>
      %swap3A_68 = vector.shape_cast %broadcast_in_dim3A_63 : vector<16xf32> to vector<1x16xf32>
      tpu.vector_store %arg8[%swap3A_64, %swap3A_65], %swap3A_68 {strides = array<i32>} : memref<128x128xf32, #tpu.memory_space<vmem>>, vector<1x16xf32>,
      %broadcast_in_dim3A_69 = arith.constant 0.000000e+00 : f32
      %broadcast_in_dim3A_70 = vector.broadcast %broadcast_in_dim3A_69 : f32 to vector<16xf32>
      %swap3A_71 = arith.index_cast %scan3A_35 : i32 to index
      %swap3A_72 = arith.constant 80 : index
      %swap3A_73 = tpu.vector_load %arg8[%swap3A_71, %swap3A_72] {strides = array<i32>} : memref<128x128xf32, #tpu.memory_space<vmem>>, vector<1x16xf32>,
      %swap3A_74 = vector.shape_cast %swap3A_73 : vector<1x16xf32> to vector<16xf32>
      %swap3A_75 = vector.shape_cast %broadcast_in_dim3A_70 : vector<16xf32> to vector<1x16xf32>
      tpu.vector_store %arg8[%swap3A_71, %swap3A_72], %swap3A_75 {strides = array<i32>} : memref<128x128xf32, #tpu.memory_space<vmem>>, vector<1x16xf32>,
      %broadcast_in_dim3A_76 = arith.constant 0.000000e+00 : f32
      %broadcast_in_dim3A_77 = vector.broadcast %broadcast_in_dim3A_76 : f32 to vector<16xf32>
      %swap3A_78 = arith.index_cast %scan3A_35 : i32 to index
      %swap3A_79 = arith.constant 96 : index
      %swap3A_80 = tpu.vector_load %arg8[%swap3A_78, %swap3A_79] {strides = array<i32>} : memref<128x128xf32, #tpu.memory_space<vmem>>, vector<1x16xf32>,
      %swap3A_81 = vector.shape_cast %swap3A_80 : vector<1x16xf32> to vector<16xf32>
      %swap3A_82 = vector.shape_cast %broadcast_in_dim3A_77 : vector<16xf32> to vector<1x16xf32>
      tpu.vector_store %arg8[%swap3A_78, %swap3A_79], %swap3A_82 {strides = array<i32>} : memref<128x128xf32, #tpu.memory_space<vmem>>, vector<1x16xf32>,
      %broadcast_in_dim3A_83 = arith.constant 0.000000e+00 : f32
      %broadcast_in_dim3A_84 = vector.broadcast %broadcast_in_dim3A_83 : f32 to vector<16xf32>
      %swap3A_85 = arith.index_cast %scan3A_35 : i32 to index
      %swap3A_86 = arith.constant 112 : index
      %swap3A_87 = tpu.vector_load %arg8[%swap3A_85, %swap3A_86] {strides = array<i32>} : memref<128x128xf32, #tpu.memory_space<vmem>>, vector<1x16xf32>,
      %swap3A_88 = vector.shape_cast %swap3A_87 : vector<1x16xf32> to vector<16xf32>
      %swap3A_89 = vector.shape_cast %broadcast_in_dim3A_84 : vector<16xf32> to vector<1x16xf32>
      tpu.vector_store %arg8[%swap3A_85, %swap3A_86], %swap3A_89 {strides = array<i32>} : memref<128x128xf32, #tpu.memory_space<vmem>>, vector<1x16xf32>,
    }
    %scan3A_5 = arith.constant 128 : i32
    %mul3A_6 = arith.constant 640 : i32
    %mul3A_7 = arith.muli %arg1, %mul3A_6 : i32
    %add3A_8 = arith.constant 0 : i32
    %add3A_9 = arith.addi %mul3A_7, %add3A_8 : i32
    "tpu.region"() ({
      %run_scoped3A = tpu.sem_alloc : memref<!tpu.dma_semaphore, #tpu.memory_space<semaphore_mem>>
      %dma_start3A = arith.constant 0 : i32
      %dma_start3A_35 = tpu.memref_slice %arg12[%add3A_9, %dma_start3A] : memref<10240x128xf32, #tpu.memory_space<vmem_shared>> -> memref<128x128xf32, #tpu.memory_space<vmem_shared>>
      %dma_start3A_36 = arith.constant 0 : i32
      %dma_start3A_37 = tpu.memref_slice %arg12[%add3A_9, %dma_start3A_36] : memref<10240x128xf32, #tpu.memory_space<vmem_shared>> -> memref<128x128xf32, #tpu.memory_space<vmem_shared>>
      tpu.enqueue_dma source(%arg8 : memref<128x128xf32, #tpu.memory_space<vmem>>) target(%dma_start3A_37 : memref<128x128xf32, #tpu.memory_space<vmem_shared>>) target_semaphore(%run_scoped3A : memref<!tpu.dma_semaphore, #tpu.memory_space<semaphore_mem>>)
      %dma_wait3A = arith.constant 0 : i32
      %dma_wait3A_38 = tpu.memref_slice %arg12[%add3A_9, %dma_wait3A] : memref<10240x128xf32, #tpu.memory_space<vmem_shared>> -> memref<128x128xf32, #tpu.memory_space<vmem_shared>>
      %dma_wait3A_39 = arith.constant 0 : i32
      %dma_wait3A_40 = tpu.memref_slice %arg12[%add3A_9, %dma_wait3A_39] : memref<10240x128xf32, #tpu.memory_space<vmem_shared>> -> memref<128x128xf32, #tpu.memory_space<vmem_shared>>
      tpu.wait_dma2 semaphore(%run_scoped3A : memref<!tpu.dma_semaphore, #tpu.memory_space<semaphore_mem>>) src(%arg8 : memref<128x128xf32, #tpu.memory_space<vmem>>) dst(%dma_wait3A_40 : memref<128x128xf32, #tpu.memory_space<vmem_shared>>)
      tpu.yield
    }) : () -> ()
    %mul3A_10 = arith.constant 640 : i32
    %mul3A_11 = arith.muli %arg1, %mul3A_10 : i32
    %add3A_12 = arith.constant 128 : i32
    %add3A_13 = arith.addi %mul3A_11, %add3A_12 : i32
    "tpu.region"() ({
      %run_scoped3A = tpu.sem_alloc : memref<!tpu.dma_semaphore, #tpu.memory_space<semaphore_mem>>
      %dma_start3A = arith.constant 0 : i32
      %dma_start3A_35 = tpu.memref_slice %arg12[%add3A_13, %dma_start3A] : memref<10240x128xf32, #tpu.memory_space<vmem_shared>> -> memref<128x128xf32, #tpu.memory_space<vmem_shared>>
      %dma_start3A_36 = arith.constant 0 : i32
      %dma_start3A_37 = tpu.memref_slice %arg12[%add3A_13, %dma_start3A_36] : memref<10240x128xf32, #tpu.memory_space<vmem_shared>> -> memref<128x128xf32, #tpu.memory_space<vmem_shared>>
      tpu.enqueue_dma source(%arg8 : memref<128x128xf32, #tpu.memory_space<vmem>>) target(%dma_start3A_37 : memref<128x128xf32, #tpu.memory_space<vmem_shared>>) target_semaphore(%run_scoped3A : memref<!tpu.dma_semaphore, #tpu.memory_space<semaphore_mem>>)
      %dma_wait3A = arith.constant 0 : i32
      %dma_wait3A_38 = tpu.memref_slice %arg12[%add3A_13, %dma_wait3A] : memref<10240x128xf32, #tpu.memory_space<vmem_shared>> -> memref<128x128xf32, #tpu.memory_space<vmem_shared>>
      %dma_wait3A_39 = arith.constant 0 : i32
      %dma_wait3A_40 = tpu.memref_slice %arg12[%add3A_13, %dma_wait3A_39] : memref<10240x128xf32, #tpu.memory_space<vmem_shared>> -> memref<128x128xf32, #tpu.memory_space<vmem_shared>>
      tpu.wait_dma2 semaphore(%run_scoped3A : memref<!tpu.dma_semaphore, #tpu.memory_space<semaphore_mem>>) src(%arg8 : memref<128x128xf32, #tpu.memory_space<vmem>>) dst(%dma_wait3A_40 : memref<128x128xf32, #tpu.memory_space<vmem_shared>>)
      tpu.yield
    }) : () -> ()
    %mul3A_14 = arith.constant 640 : i32
    %mul3A_15 = arith.muli %arg1, %mul3A_14 : i32
    %add3A_16 = arith.constant 256 : i32
    %add3A_17 = arith.addi %mul3A_15, %add3A_16 : i32
    "tpu.region"() ({
      %run_scoped3A = tpu.sem_alloc : memref<!tpu.dma_semaphore, #tpu.memory_space<semaphore_mem>>
      %dma_start3A = arith.constant 0 : i32
      %dma_start3A_35 = tpu.memref_slice %arg12[%add3A_17, %dma_start3A] : memref<10240x128xf32, #tpu.memory_space<vmem_shared>> -> memref<128x128xf32, #tpu.memory_space<vmem_shared>>
      %dma_start3A_36 = arith.constant 0 : i32
      %dma_start3A_37 = tpu.memref_slice %arg12[%add3A_17, %dma_start3A_36] : memref<10240x128xf32, #tpu.memory_space<vmem_shared>> -> memref<128x128xf32, #tpu.memory_space<vmem_shared>>
      tpu.enqueue_dma source(%arg8 : memref<128x128xf32, #tpu.memory_space<vmem>>) target(%dma_start3A_37 : memref<128x128xf32, #tpu.memory_space<vmem_shared>>) target_semaphore(%run_scoped3A : memref<!tpu.dma_semaphore, #tpu.memory_space<semaphore_mem>>)
      %dma_wait3A = arith.constant 0 : i32
      %dma_wait3A_38 = tpu.memref_slice %arg12[%add3A_17, %dma_wait3A] : memref<10240x128xf32, #tpu.memory_space<vmem_shared>> -> memref<128x128xf32, #tpu.memory_space<vmem_shared>>
      %dma_wait3A_39 = arith.constant 0 : i32
      %dma_wait3A_40 = tpu.memref_slice %arg12[%add3A_17, %dma_wait3A_39] : memref<10240x128xf32, #tpu.memory_space<vmem_shared>> -> memref<128x128xf32, #tpu.memory_space<vmem_shared>>
      tpu.wait_dma2 semaphore(%run_scoped3A : memref<!tpu.dma_semaphore, #tpu.memory_space<semaphore_mem>>) src(%arg8 : memref<128x128xf32, #tpu.memory_space<vmem>>) dst(%dma_wait3A_40 : memref<128x128xf32, #tpu.memory_space<vmem_shared>>)
      tpu.yield
    }) : () -> ()
    %mul3A_18 = arith.constant 640 : i32
    %mul3A_19 = arith.muli %arg1, %mul3A_18 : i32
    %add3A_20 = arith.constant 384 : i32
    %add3A_21 = arith.addi %mul3A_19, %add3A_20 : i32
    "tpu.region"() ({
      %run_scoped3A = tpu.sem_alloc : memref<!tpu.dma_semaphore, #tpu.memory_space<semaphore_mem>>
      %dma_start3A = arith.constant 0 : i32
      %dma_start3A_35 = tpu.memref_slice %arg12[%add3A_21, %dma_start3A] : memref<10240x128xf32, #tpu.memory_space<vmem_shared>> -> memref<128x128xf32, #tpu.memory_space<vmem_shared>>
      %dma_start3A_36 = arith.constant 0 : i32
      %dma_start3A_37 = tpu.memref_slice %arg12[%add3A_21, %dma_start3A_36] : memref<10240x128xf32, #tpu.memory_space<vmem_shared>> -> memref<128x128xf32, #tpu.memory_space<vmem_shared>>
      tpu.enqueue_dma source(%arg8 : memref<128x128xf32, #tpu.memory_space<vmem>>) target(%dma_start3A_37 : memref<128x128xf32, #tpu.memory_space<vmem_shared>>) target_semaphore(%run_scoped3A : memref<!tpu.dma_semaphore, #tpu.memory_space<semaphore_mem>>)
      %dma_wait3A = arith.constant 0 : i32
      %dma_wait3A_38 = tpu.memref_slice %arg12[%add3A_21, %dma_wait3A] : memref<10240x128xf32, #tpu.memory_space<vmem_shared>> -> memref<128x128xf32, #tpu.memory_space<vmem_shared>>
      %dma_wait3A_39 = arith.constant 0 : i32
      %dma_wait3A_40 = tpu.memref_slice %arg12[%add3A_21, %dma_wait3A_39] : memref<10240x128xf32, #tpu.memory_space<vmem_shared>> -> memref<128x128xf32, #tpu.memory_space<vmem_shared>>
      tpu.wait_dma2 semaphore(%run_scoped3A : memref<!tpu.dma_semaphore, #tpu.memory_space<semaphore_mem>>) src(%arg8 : memref<128x128xf32, #tpu.memory_space<vmem>>) dst(%dma_wait3A_40 : memref<128x128xf32, #tpu.memory_space<vmem_shared>>)
      tpu.yield
    }) : () -> ()
    %mul3A_22 = arith.constant 640 : i32
    %mul3A_23 = arith.muli %arg1, %mul3A_22 : i32
    %add3A_24 = arith.constant 512 : i32
    %add3A_25 = arith.addi %mul3A_23, %add3A_24 : i32
    "tpu.region"() ({
      %run_scoped3A = tpu.sem_alloc : memref<!tpu.dma_semaphore, #tpu.memory_space<semaphore_mem>>
      %dma_start3A = arith.constant 0 : i32
      %dma_start3A_35 = tpu.memref_slice %arg12[%add3A_25, %dma_start3A] : memref<10240x128xf32, #tpu.memory_space<vmem_shared>> -> memref<128x128xf32, #tpu.memory_space<vmem_shared>>
      %dma_start3A_36 = arith.constant 0 : i32
      %dma_start3A_37 = tpu.memref_slice %arg12[%add3A_25, %dma_start3A_36] : memref<10240x128xf32, #tpu.memory_space<vmem_shared>> -> memref<128x128xf32, #tpu.memory_space<vmem_shared>>
      tpu.enqueue_dma source(%arg8 : memref<128x128xf32, #tpu.memory_space<vmem>>) target(%dma_start3A_37 : memref<128x128xf32, #tpu.memory_space<vmem_shared>>) target_semaphore(%run_scoped3A : memref<!tpu.dma_semaphore, #tpu.memory_space<semaphore_mem>>)
      %dma_wait3A = arith.constant 0 : i32
      %dma_wait3A_38 = tpu.memref_slice %arg12[%add3A_25, %dma_wait3A] : memref<10240x128xf32, #tpu.memory_space<vmem_shared>> -> memref<128x128xf32, #tpu.memory_space<vmem_shared>>
      %dma_wait3A_39 = arith.constant 0 : i32
      %dma_wait3A_40 = tpu.memref_slice %arg12[%add3A_25, %dma_wait3A_39] : memref<10240x128xf32, #tpu.memory_space<vmem_shared>> -> memref<128x128xf32, #tpu.memory_space<vmem_shared>>
      tpu.wait_dma2 semaphore(%run_scoped3A : memref<!tpu.dma_semaphore, #tpu.memory_space<semaphore_mem>>) src(%arg8 : memref<128x128xf32, #tpu.memory_space<vmem>>) dst(%dma_wait3A_40 : memref<128x128xf32, #tpu.memory_space<vmem_shared>>)
      tpu.yield
    }) : () -> ()
    %barrier3A = arith.constant 0 : index
    tpu.barrier barrier_id(%barrier3A)
    %scan3A_26 = arith.constant 0 : i32
    %scan3A_27 = arith.constant 0 : i32
    %scan3A_28 = arith.constant 10 : i32
    %scan3A_29 = arith.addi %scan3A_27, %scan3A_28 : i32
    %scan3A_30 = arith.constant 1 : i32
    scf.for %scan3A_35 = %scan3A_27 to %scan3A_29 step %scan3A_30  : i32 {
      %mul3A_36 = arith.constant 80 : i32
      %mul3A_37 = arith.muli %add3A, %mul3A_36 : i32
      %mul3A_38 = arith.constant 8 : i32
      %mul3A_39 = arith.muli %scan3A_35, %mul3A_38 : i32
      %add3A_40 = arith.addi %mul3A_37, %mul3A_39 : i32
      "tpu.region"() ({
        %run_scoped3A = tpu.sem_alloc : memref<!tpu.dma_semaphore, #tpu.memory_space<semaphore_mem>>
        %dma_start3A = arith.constant 0 : i32
        %dma_start3A_47 = tpu.memref_slice %arg4[%add3A_40, %dma_start3A] : memref<2560x128xi32, #tpu.memory_space<hbm>> -> memref<8x128xi32, #tpu.memory_space<hbm>>
        %dma_start3A_48 = arith.constant 0 : i32
        %dma_start3A_49 = tpu.memref_slice %arg4[%add3A_40, %dma_start3A_48] : memref<2560x128xi32, #tpu.memory_space<hbm>> -> memref<8x128xi32, #tpu.memory_space<hbm>>
        tpu.enqueue_dma source(%dma_start3A_49 : memref<8x128xi32, #tpu.memory_space<hbm>>) target(%arg6 : memref<8x128xi32, #tpu.memory_space<vmem>>) target_semaphore(%run_scoped3A : memref<!tpu.dma_semaphore, #tpu.memory_space<semaphore_mem>>)
        %dma_wait3A = arith.constant 0 : i32
        %dma_wait3A_50 = tpu.memref_slice %arg4[%add3A_40, %dma_wait3A] : memref<2560x128xi32, #tpu.memory_space<hbm>> -> memref<8x128xi32, #tpu.memory_space<hbm>>
        %dma_wait3A_51 = arith.constant 0 : i32
        %dma_wait3A_52 = tpu.memref_slice %arg4[%add3A_40, %dma_wait3A_51] : memref<2560x128xi32, #tpu.memory_space<hbm>> -> memref<8x128xi32, #tpu.memory_space<hbm>>
        tpu.wait_dma2 semaphore(%run_scoped3A : memref<!tpu.dma_semaphore, #tpu.memory_space<semaphore_mem>>) src(%dma_wait3A_52 : memref<8x128xi32, #tpu.memory_space<hbm>>) dst(%arg6 : memref<8x128xi32, #tpu.memory_space<vmem>>)
        tpu.yield
      }) : () -> ()
      %scan3A_41 = arith.constant 0 : i32
      %scan3A_42 = arith.constant 0 : i32
      %scan3A_43 = arith.constant 8 : i32
      %scan3A_44 = arith.addi %scan3A_42, %scan3A_43 : i32
      %scan3A_45 = arith.constant 1 : i32
      scf.for %scan3A_47 = %scan3A_42 to %scan3A_44 step %scan3A_45  : i32 {
        %mul3A_48 = arith.constant 8 : i32
        %mul3A_49 = arith.muli %scan3A_35, %mul3A_48 : i32
        %add3A_50 = arith.addi %mul3A_49, %scan3A_47 : i32
        %get3A = arith.index_cast %scan3A_47 : i32 to index
        %get3A_51 = arith.constant 0 : index
        %get3A_52 = tpu.vector_load %arg6[%get3A, %get3A_51] {strides = array<i32>} : memref<8x128xi32, #tpu.memory_space<vmem>>, vector<1x16xi32>,
        %get3A_53 = vector.shape_cast %get3A_52 : vector<1x16xi32> to vector<16xi32>
        %swap3A = arith.constant 0 : index
        %swap3A_54 = tpu.vector_load %arg7[%swap3A] {strides = array<i32>} : memref<128xi32, #tpu.memory_space<vmem>>, vector<16xi32>,
        %swap3A_55 = vector.shape_cast %swap3A_54 : vector<16xi32> to vector<16xi32>
        %swap3A_56 = vector.shape_cast %get3A_53 : vector<16xi32> to vector<16xi32>
        tpu.vector_store %arg7[%swap3A], %swap3A_56 {strides = array<i32>} : memref<128xi32, #tpu.memory_space<vmem>>, vector<16xi32>,
        %get3A_57 = arith.index_cast %scan3A_47 : i32 to index
        %get3A_58 = arith.constant 16 : index
        %get3A_59 = tpu.vector_load %arg6[%get3A_57, %get3A_58] {strides = array<i32>} : memref<8x128xi32, #tpu.memory_space<vmem>>, vector<1x16xi32>,
        %get3A_60 = vector.shape_cast %get3A_59 : vector<1x16xi32> to vector<16xi32>
        %swap3A_61 = arith.constant 16 : index
        %swap3A_62 = tpu.vector_load %arg7[%swap3A_61] {strides = array<i32>} : memref<128xi32, #tpu.memory_space<vmem>>, vector<16xi32>,
        %swap3A_63 = vector.shape_cast %swap3A_62 : vector<16xi32> to vector<16xi32>
        %swap3A_64 = vector.shape_cast %get3A_60 : vector<16xi32> to vector<16xi32>
        tpu.vector_store %arg7[%swap3A_61], %swap3A_64 {strides = array<i32>} : memref<128xi32, #tpu.memory_space<vmem>>, vector<16xi32>,
        %get3A_65 = arith.index_cast %scan3A_47 : i32 to index
        %get3A_66 = arith.constant 32 : index
        %get3A_67 = tpu.vector_load %arg6[%get3A_65, %get3A_66] {strides = array<i32>} : memref<8x128xi32, #tpu.memory_space<vmem>>, vector<1x16xi32>,
        %get3A_68 = vector.shape_cast %get3A_67 : vector<1x16xi32> to vector<16xi32>
        %swap3A_69 = arith.constant 32 : index
        %swap3A_70 = tpu.vector_load %arg7[%swap3A_69] {strides = array<i32>} : memref<128xi32, #tpu.memory_space<vmem>>, vector<16xi32>,
        %swap3A_71 = vector.shape_cast %swap3A_70 : vector<16xi32> to vector<16xi32>
        %swap3A_72 = vector.shape_cast %get3A_68 : vector<16xi32> to vector<16xi32>
        tpu.vector_store %arg7[%swap3A_69], %swap3A_72 {strides = array<i32>} : memref<128xi32, #tpu.memory_space<vmem>>, vector<16xi32>,
        %get3A_73 = arith.index_cast %scan3A_47 : i32 to index
        %get3A_74 = arith.constant 48 : index
        %get3A_75 = tpu.vector_load %arg6[%get3A_73, %get3A_74] {strides = array<i32>} : memref<8x128xi32, #tpu.memory_space<vmem>>, vector<1x16xi32>,
        %get3A_76 = vector.shape_cast %get3A_75 : vector<1x16xi32> to vector<16xi32>
        %swap3A_77 = arith.constant 48 : index
        %swap3A_78 = tpu.vector_load %arg7[%swap3A_77] {strides = array<i32>} : memref<128xi32, #tpu.memory_space<vmem>>, vector<16xi32>,
        %swap3A_79 = vector.shape_cast %swap3A_78 : vector<16xi32> to vector<16xi32>
        %swap3A_80 = vector.shape_cast %get3A_76 : vector<16xi32> to vector<16xi32>
        tpu.vector_store %arg7[%swap3A_77], %swap3A_80 {strides = array<i32>} : memref<128xi32, #tpu.memory_space<vmem>>, vector<16xi32>,
        %get3A_81 = arith.index_cast %scan3A_47 : i32 to index
        %get3A_82 = arith.constant 64 : index
        %get3A_83 = tpu.vector_load %arg6[%get3A_81, %get3A_82] {strides = array<i32>} : memref<8x128xi32, #tpu.memory_space<vmem>>, vector<1x16xi32>,
        %get3A_84 = vector.shape_cast %get3A_83 : vector<1x16xi32> to vector<16xi32>
        %swap3A_85 = arith.constant 64 : index
        %swap3A_86 = tpu.vector_load %arg7[%swap3A_85] {strides = array<i32>} : memref<128xi32, #tpu.memory_space<vmem>>, vector<16xi32>,
        %swap3A_87 = vector.shape_cast %swap3A_86 : vector<16xi32> to vector<16xi32>
        %swap3A_88 = vector.shape_cast %get3A_84 : vector<16xi32> to vector<16xi32>
        tpu.vector_store %arg7[%swap3A_85], %swap3A_88 {strides = array<i32>} : memref<128xi32, #tpu.memory_space<vmem>>, vector<16xi32>,
        %get3A_89 = arith.index_cast %scan3A_47 : i32 to index
        %get3A_90 = arith.constant 80 : index
        %get3A_91 = tpu.vector_load %arg6[%get3A_89, %get3A_90] {strides = array<i32>} : memref<8x128xi32, #tpu.memory_space<vmem>>, vector<1x16xi32>,
        %get3A_92 = vector.shape_cast %get3A_91 : vector<1x16xi32> to vector<16xi32>
        %swap3A_93 = arith.constant 80 : index
        %swap3A_94 = tpu.vector_load %arg7[%swap3A_93] {strides = array<i32>} : memref<128xi32, #tpu.memory_space<vmem>>, vector<16xi32>,
        %swap3A_95 = vector.shape_cast %swap3A_94 : vector<16xi32> to vector<16xi32>
        %swap3A_96 = vector.shape_cast %get3A_92 : vector<16xi32> to vector<16xi32>
        tpu.vector_store %arg7[%swap3A_93], %swap3A_96 {strides = array<i32>} : memref<128xi32, #tpu.memory_space<vmem>>, vector<16xi32>,
        %get3A_97 = arith.index_cast %scan3A_47 : i32 to index
        %get3A_98 = arith.constant 96 : index
        %get3A_99 = tpu.vector_load %arg6[%get3A_97, %get3A_98] {strides = array<i32>} : memref<8x128xi32, #tpu.memory_space<vmem>>, vector<1x16xi32>,
        %get3A_100 = vector.shape_cast %get3A_99 : vector<1x16xi32> to vector<16xi32>
        %swap3A_101 = arith.constant 96 : index
        %swap3A_102 = tpu.vector_load %arg7[%swap3A_101] {strides = array<i32>} : memref<128xi32, #tpu.memory_space<vmem>>, vector<16xi32>,
        %swap3A_103 = vector.shape_cast %swap3A_102 : vector<16xi32> to vector<16xi32>
        %swap3A_104 = vector.shape_cast %get3A_100 : vector<16xi32> to vector<16xi32>
        tpu.vector_store %arg7[%swap3A_101], %swap3A_104 {strides = array<i32>} : memref<128xi32, #tpu.memory_space<vmem>>, vector<16xi32>,
        %get3A_105 = arith.index_cast %scan3A_47 : i32 to index
        %get3A_106 = arith.constant 112 : index
        %get3A_107 = tpu.vector_load %arg6[%get3A_105, %get3A_106] {strides = array<i32>} : memref<8x128xi32, #tpu.memory_space<vmem>>, vector<1x16xi32>,
        %get3A_108 = vector.shape_cast %get3A_107 : vector<1x16xi32> to vector<16xi32>
        %swap3A_109 = arith.constant 112 : index
        %swap3A_110 = tpu.vector_load %arg7[%swap3A_109] {strides = array<i32>} : memref<128xi32, #tpu.memory_space<vmem>>, vector<16xi32>,
        %swap3A_111 = vector.shape_cast %swap3A_110 : vector<16xi32> to vector<16xi32>
        %swap3A_112 = vector.shape_cast %get3A_108 : vector<16xi32> to vector<16xi32>
        tpu.vector_store %arg7[%swap3A_109], %swap3A_112 {strides = array<i32>} : memref<128xi32, #tpu.memory_space<vmem>>, vector<16xi32>,
        %dma_start3A = arith.constant 0 : i32
        %dma_start3A_113 = tpu.memref_slice %arg6[%scan3A_47, %dma_start3A] : memref<8x128xi32, #tpu.memory_space<vmem>> -> memref<1x128xi32, #tpu.memory_space<vmem>>
        %dma_start3A_114 = tpu.memref_squeeze %dma_start3A_113 : memref<1x128xi32, #tpu.memory_space<vmem>> -> memref<128xi32, #tpu.memory_space<vmem>>
        %dma_start3A_115 = arith.constant 0 : i32
        %dma_start3A_116 = arith.constant 0 : i32
        %dma_start3A_117 = tpu.memref_slice %arg3[%dma_start3A_115, %dma_start3A_116] : memref<10240x128xf32, #tpu.memory_space<hbm>> -> memref<10240x128xf32, #tpu.memory_space<hbm>>
        tpu.enqueue_indirect_dma source(%dma_start3A_117 : memref<10240x128xf32, #tpu.memory_space<hbm>>) target(%arg8 : memref<128x128xf32, #tpu.memory_space<vmem>>) offsets(%dma_start3A_114 : memref<128xi32, #tpu.memory_space<vmem>>) semaphore(%arg10 : memref<!tpu.dma_semaphore, #tpu.memory_space<semaphore_mem>>)
        %mul3A_118 = arith.constant 10240 : i32
        %mul3A_119 = arith.muli %add3A, %mul3A_118 : i32
        %mul3A_120 = arith.constant 128 : i32
        %mul3A_121 = arith.muli %add3A_50, %mul3A_120 : i32
        %add3A_122 = arith.addi %mul3A_119, %mul3A_121 : i32
        %dma_start3A_123 = arith.constant 0 : i32
        %dma_start3A_124 = tpu.memref_slice %arg2[%add3A_122, %dma_start3A_123] : memref<327680x128xf32, #tpu.memory_space<hbm>> -> memref<128x128xf32, #tpu.memory_space<hbm>>
        %dma_start3A_125 = arith.constant 0 : i32
        %dma_start3A_126 = tpu.memref_slice %arg2[%add3A_122, %dma_start3A_125] : memref<327680x128xf32, #tpu.memory_space<hbm>> -> memref<128x128xf32, #tpu.memory_space<hbm>>
        tpu.enqueue_dma source(%dma_start3A_126 : memref<128x128xf32, #tpu.memory_space<hbm>>) target(%arg9 : memref<128x128xf32, #tpu.memory_space<vmem>>) target_semaphore(%arg11 : memref<!tpu.dma_semaphore, #tpu.memory_space<semaphore_mem>>)
        %dma_wait3A = arith.constant 0 : i32
        %dma_wait3A_127 = tpu.memref_slice %arg6[%scan3A_47, %dma_wait3A] : memref<8x128xi32, #tpu.memory_space<vmem>> -> memref<1x128xi32, #tpu.memory_space<vmem>>
        %dma_wait3A_128 = tpu.memref_squeeze %dma_wait3A_127 : memref<1x128xi32, #tpu.memory_space<vmem>> -> memref<128xi32, #tpu.memory_space<vmem>>
        %dma_wait3A_129 = arith.constant 0 : i32
        %dma_wait3A_130 = arith.constant 0 : i32
        %dma_wait3A_131 = tpu.memref_slice %arg3[%dma_wait3A_129, %dma_wait3A_130] : memref<10240x128xf32, #tpu.memory_space<hbm>> -> memref<10240x128xf32, #tpu.memory_space<hbm>>
        tpu.wait_indirect_dma semaphore(%arg10 : memref<!tpu.dma_semaphore, #tpu.memory_space<semaphore_mem>>) src(%dma_wait3A_131 : memref<10240x128xf32, #tpu.memory_space<hbm>>) dst(%arg8 : memref<128x128xf32, #tpu.memory_space<vmem>>)
        %dma_wait3A_132 = arith.constant 0 : i32
        %dma_wait3A_133 = tpu.memref_slice %arg2[%add3A_122, %dma_wait3A_132] : memref<327680x128xf32, #tpu.memory_space<hbm>> -> memref<128x128xf32, #tpu.memory_space<hbm>>
        %dma_wait3A_134 = arith.constant 0 : i32
        %dma_wait3A_135 = tpu.memref_slice %arg2[%add3A_122, %dma_wait3A_134] : memref<327680x128xf32, #tpu.memory_space<hbm>> -> memref<128x128xf32, #tpu.memory_space<hbm>>
        tpu.wait_dma2 semaphore(%arg11 : memref<!tpu.dma_semaphore, #tpu.memory_space<semaphore_mem>>) src(%dma_wait3A_135 : memref<128x128xf32, #tpu.memory_space<hbm>>) dst(%arg9 : memref<128x128xf32, #tpu.memory_space<vmem>>)
        %scan3A_136 = arith.constant 0 : i32
        %scan3A_137 = arith.constant 0 : i32
        %scan3A_138 = arith.constant 128 : i32
        %scan3A_139 = arith.addi %scan3A_137, %scan3A_138 : i32
        %scan3A_140 = arith.constant 1 : i32
        scf.for %scan3A_142 = %scan3A_137 to %scan3A_139 step %scan3A_140  : i32 {
          %get3A_143 = arith.index_cast %scan3A_142 : i32 to index
          %get3A_144 = arith.constant 0 : index
          %get3A_145 = tpu.vector_load %arg8[%get3A_143, %get3A_144] {strides = array<i32>} : memref<128x128xf32, #tpu.memory_space<vmem>>, vector<1x16xf32>,
          %get3A_146 = vector.shape_cast %get3A_145 : vector<1x16xf32> to vector<16xf32>
          %get3A_147 = arith.index_cast %scan3A_142 : i32 to index
          %get3A_148 = arith.constant 0 : index
          %get3A_149 = tpu.vector_load %arg9[%get3A_147, %get3A_148] {strides = array<i32>} : memref<128x128xf32, #tpu.memory_space<vmem>>, vector<1x16xf32>,
          %get3A_150 = vector.shape_cast %get3A_149 : vector<1x16xf32> to vector<16xf32>
          %add3A_151 = arith.addf %get3A_146, %get3A_150 : vector<16xf32>
          %max3A = arith.constant 0.000000e+00 : f32
          %max3A_152 = vector.broadcast %max3A : f32 to vector<16xf32>
          %max3A_153 = arith.maximumf %add3A_151, %max3A_152 : vector<16xf32>
          %swap3A_154 = arith.index_cast %scan3A_142 : i32 to index
          %swap3A_155 = arith.constant 0 : index
          %swap3A_156 = tpu.vector_load %arg8[%swap3A_154, %swap3A_155] {strides = array<i32>} : memref<128x128xf32, #tpu.memory_space<vmem>>, vector<1x16xf32>,
          %swap3A_157 = vector.shape_cast %swap3A_156 : vector<1x16xf32> to vector<16xf32>
          %swap3A_158 = vector.shape_cast %max3A_153 : vector<16xf32> to vector<1x16xf32>
          tpu.vector_store %arg8[%swap3A_154, %swap3A_155], %swap3A_158 {strides = array<i32>} : memref<128x128xf32, #tpu.memory_space<vmem>>, vector<1x16xf32>,
          %get3A_159 = arith.index_cast %scan3A_142 : i32 to index
          %get3A_160 = arith.constant 16 : index
          %get3A_161 = tpu.vector_load %arg8[%get3A_159, %get3A_160] {strides = array<i32>} : memref<128x128xf32, #tpu.memory_space<vmem>>, vector<1x16xf32>,
          %get3A_162 = vector.shape_cast %get3A_161 : vector<1x16xf32> to vector<16xf32>
          %get3A_163 = arith.index_cast %scan3A_142 : i32 to index
          %get3A_164 = arith.constant 16 : index
          %get3A_165 = tpu.vector_load %arg9[%get3A_163, %get3A_164] {strides = array<i32>} : memref<128x128xf32, #tpu.memory_space<vmem>>, vector<1x16xf32>,
          %get3A_166 = vector.shape_cast %get3A_165 : vector<1x16xf32> to vector<16xf32>
          %add3A_167 = arith.addf %get3A_162, %get3A_166 : vector<16xf32>
          %max3A_168 = arith.constant 0.000000e+00 : f32
          %max3A_169 = vector.broadcast %max3A_168 : f32 to vector<16xf32>
          %max3A_170 = arith.maximumf %add3A_167, %max3A_169 : vector<16xf32>
          %swap3A_171 = arith.index_cast %scan3A_142 : i32 to index
          %swap3A_172 = arith.constant 16 : index
          %swap3A_173 = tpu.vector_load %arg8[%swap3A_171, %swap3A_172] {strides = array<i32>} : memref<128x128xf32, #tpu.memory_space<vmem>>, vector<1x16xf32>,
          %swap3A_174 = vector.shape_cast %swap3A_173 : vector<1x16xf32> to vector<16xf32>
          %swap3A_175 = vector.shape_cast %max3A_170 : vector<16xf32> to vector<1x16xf32>
          tpu.vector_store %arg8[%swap3A_171, %swap3A_172], %swap3A_175 {strides = array<i32>} : memref<128x128xf32, #tpu.memory_space<vmem>>, vector<1x16xf32>,
          %get3A_176 = arith.index_cast %scan3A_142 : i32 to index
          %get3A_177 = arith.constant 32 : index
          %get3A_178 = tpu.vector_load %arg8[%get3A_176, %get3A_177] {strides = array<i32>} : memref<128x128xf32, #tpu.memory_space<vmem>>, vector<1x16xf32>,
          %get3A_179 = vector.shape_cast %get3A_178 : vector<1x16xf32> to vector<16xf32>
          %get3A_180 = arith.index_cast %scan3A_142 : i32 to index
          %get3A_181 = arith.constant 32 : index
          %get3A_182 = tpu.vector_load %arg9[%get3A_180, %get3A_181] {strides = array<i32>} : memref<128x128xf32, #tpu.memory_space<vmem>>, vector<1x16xf32>,
          %get3A_183 = vector.shape_cast %get3A_182 : vector<1x16xf32> to vector<16xf32>
          %add3A_184 = arith.addf %get3A_179, %get3A_183 : vector<16xf32>
          %max3A_185 = arith.constant 0.000000e+00 : f32
          %max3A_186 = vector.broadcast %max3A_185 : f32 to vector<16xf32>
          %max3A_187 = arith.maximumf %add3A_184, %max3A_186 : vector<16xf32>
          %swap3A_188 = arith.index_cast %scan3A_142 : i32 to index
          %swap3A_189 = arith.constant 32 : index
          %swap3A_190 = tpu.vector_load %arg8[%swap3A_188, %swap3A_189] {strides = array<i32>} : memref<128x128xf32, #tpu.memory_space<vmem>>, vector<1x16xf32>,
          %swap3A_191 = vector.shape_cast %swap3A_190 : vector<1x16xf32> to vector<16xf32>
          %swap3A_192 = vector.shape_cast %max3A_187 : vector<16xf32> to vector<1x16xf32>
          tpu.vector_store %arg8[%swap3A_188, %swap3A_189], %swap3A_192 {strides = array<i32>} : memref<128x128xf32, #tpu.memory_space<vmem>>, vector<1x16xf32>,
          %get3A_193 = arith.index_cast %scan3A_142 : i32 to index
          %get3A_194 = arith.constant 48 : index
          %get3A_195 = tpu.vector_load %arg8[%get3A_193, %get3A_194] {strides = array<i32>} : memref<128x128xf32, #tpu.memory_space<vmem>>, vector<1x16xf32>,
          %get3A_196 = vector.shape_cast %get3A_195 : vector<1x16xf32> to vector<16xf32>
          %get3A_197 = arith.index_cast %scan3A_142 : i32 to index
          %get3A_198 = arith.constant 48 : index
          %get3A_199 = tpu.vector_load %arg9[%get3A_197, %get3A_198] {strides = array<i32>} : memref<128x128xf32, #tpu.memory_space<vmem>>, vector<1x16xf32>,
          %get3A_200 = vector.shape_cast %get3A_199 : vector<1x16xf32> to vector<16xf32>
          %add3A_201 = arith.addf %get3A_196, %get3A_200 : vector<16xf32>
          %max3A_202 = arith.constant 0.000000e+00 : f32
          %max3A_203 = vector.broadcast %max3A_202 : f32 to vector<16xf32>
          %max3A_204 = arith.maximumf %add3A_201, %max3A_203 : vector<16xf32>
          %swap3A_205 = arith.index_cast %scan3A_142 : i32 to index
          %swap3A_206 = arith.constant 48 : index
          %swap3A_207 = tpu.vector_load %arg8[%swap3A_205, %swap3A_206] {strides = array<i32>} : memref<128x128xf32, #tpu.memory_space<vmem>>, vector<1x16xf32>,
          %swap3A_208 = vector.shape_cast %swap3A_207 : vector<1x16xf32> to vector<16xf32>
          %swap3A_209 = vector.shape_cast %max3A_204 : vector<16xf32> to vector<1x16xf32>
          tpu.vector_store %arg8[%swap3A_205, %swap3A_206], %swap3A_209 {strides = array<i32>} : memref<128x128xf32, #tpu.memory_space<vmem>>, vector<1x16xf32>,
          %get3A_210 = arith.index_cast %scan3A_142 : i32 to index
          %get3A_211 = arith.constant 64 : index
          %get3A_212 = tpu.vector_load %arg8[%get3A_210, %get3A_211] {strides = array<i32>} : memref<128x128xf32, #tpu.memory_space<vmem>>, vector<1x16xf32>,
          %get3A_213 = vector.shape_cast %get3A_212 : vector<1x16xf32> to vector<16xf32>
          %get3A_214 = arith.index_cast %scan3A_142 : i32 to index
          %get3A_215 = arith.constant 64 : index
          %get3A_216 = tpu.vector_load %arg9[%get3A_214, %get3A_215] {strides = array<i32>} : memref<128x128xf32, #tpu.memory_space<vmem>>, vector<1x16xf32>,
          %get3A_217 = vector.shape_cast %get3A_216 : vector<1x16xf32> to vector<16xf32>
          %add3A_218 = arith.addf %get3A_213, %get3A_217 : vector<16xf32>
          %max3A_219 = arith.constant 0.000000e+00 : f32
          %max3A_220 = vector.broadcast %max3A_219 : f32 to vector<16xf32>
          %max3A_221 = arith.maximumf %add3A_218, %max3A_220 : vector<16xf32>
          %swap3A_222 = arith.index_cast %scan3A_142 : i32 to index
          %swap3A_223 = arith.constant 64 : index
          %swap3A_224 = tpu.vector_load %arg8[%swap3A_222, %swap3A_223] {strides = array<i32>} : memref<128x128xf32, #tpu.memory_space<vmem>>, vector<1x16xf32>,
          %swap3A_225 = vector.shape_cast %swap3A_224 : vector<1x16xf32> to vector<16xf32>
          %swap3A_226 = vector.shape_cast %max3A_221 : vector<16xf32> to vector<1x16xf32>
          tpu.vector_store %arg8[%swap3A_222, %swap3A_223], %swap3A_226 {strides = array<i32>} : memref<128x128xf32, #tpu.memory_space<vmem>>, vector<1x16xf32>,
          %get3A_227 = arith.index_cast %scan3A_142 : i32 to index
          %get3A_228 = arith.constant 80 : index
          %get3A_229 = tpu.vector_load %arg8[%get3A_227, %get3A_228] {strides = array<i32>} : memref<128x128xf32, #tpu.memory_space<vmem>>, vector<1x16xf32>,
          %get3A_230 = vector.shape_cast %get3A_229 : vector<1x16xf32> to vector<16xf32>
          %get3A_231 = arith.index_cast %scan3A_142 : i32 to index
          %get3A_232 = arith.constant 80 : index
          %get3A_233 = tpu.vector_load %arg9[%get3A_231, %get3A_232] {strides = array<i32>} : memref<128x128xf32, #tpu.memory_space<vmem>>, vector<1x16xf32>,
          %get3A_234 = vector.shape_cast %get3A_233 : vector<1x16xf32> to vector<16xf32>
          %add3A_235 = arith.addf %get3A_230, %get3A_234 : vector<16xf32>
          %max3A_236 = arith.constant 0.000000e+00 : f32
          %max3A_237 = vector.broadcast %max3A_236 : f32 to vector<16xf32>
          %max3A_238 = arith.maximumf %add3A_235, %max3A_237 : vector<16xf32>
          %swap3A_239 = arith.index_cast %scan3A_142 : i32 to index
          %swap3A_240 = arith.constant 80 : index
          %swap3A_241 = tpu.vector_load %arg8[%swap3A_239, %swap3A_240] {strides = array<i32>} : memref<128x128xf32, #tpu.memory_space<vmem>>, vector<1x16xf32>,
          %swap3A_242 = vector.shape_cast %swap3A_241 : vector<1x16xf32> to vector<16xf32>
          %swap3A_243 = vector.shape_cast %max3A_238 : vector<16xf32> to vector<1x16xf32>
          tpu.vector_store %arg8[%swap3A_239, %swap3A_240], %swap3A_243 {strides = array<i32>} : memref<128x128xf32, #tpu.memory_space<vmem>>, vector<1x16xf32>,
          %get3A_244 = arith.index_cast %scan3A_142 : i32 to index
          %get3A_245 = arith.constant 96 : index
          %get3A_246 = tpu.vector_load %arg8[%get3A_244, %get3A_245] {strides = array<i32>} : memref<128x128xf32, #tpu.memory_space<vmem>>, vector<1x16xf32>,
          %get3A_247 = vector.shape_cast %get3A_246 : vector<1x16xf32> to vector<16xf32>
          %get3A_248 = arith.index_cast %scan3A_142 : i32 to index
          %get3A_249 = arith.constant 96 : index
          %get3A_250 = tpu.vector_load %arg9[%get3A_248, %get3A_249] {strides = array<i32>} : memref<128x128xf32, #tpu.memory_space<vmem>>, vector<1x16xf32>,
          %get3A_251 = vector.shape_cast %get3A_250 : vector<1x16xf32> to vector<16xf32>
          %add3A_252 = arith.addf %get3A_247, %get3A_251 : vector<16xf32>
          %max3A_253 = arith.constant 0.000000e+00 : f32
          %max3A_254 = vector.broadcast %max3A_253 : f32 to vector<16xf32>
          %max3A_255 = arith.maximumf %add3A_252, %max3A_254 : vector<16xf32>
          %swap3A_256 = arith.index_cast %scan3A_142 : i32 to index
          %swap3A_257 = arith.constant 96 : index
          %swap3A_258 = tpu.vector_load %arg8[%swap3A_256, %swap3A_257] {strides = array<i32>} : memref<128x128xf32, #tpu.memory_space<vmem>>, vector<1x16xf32>,
          %swap3A_259 = vector.shape_cast %swap3A_258 : vector<1x16xf32> to vector<16xf32>
          %swap3A_260 = vector.shape_cast %max3A_255 : vector<16xf32> to vector<1x16xf32>
          tpu.vector_store %arg8[%swap3A_256, %swap3A_257], %swap3A_260 {strides = array<i32>} : memref<128x128xf32, #tpu.memory_space<vmem>>, vector<1x16xf32>,
          %get3A_261 = arith.index_cast %scan3A_142 : i32 to index
          %get3A_262 = arith.constant 112 : index
          %get3A_263 = tpu.vector_load %arg8[%get3A_261, %get3A_262] {strides = array<i32>} : memref<128x128xf32, #tpu.memory_space<vmem>>, vector<1x16xf32>,
          %get3A_264 = vector.shape_cast %get3A_263 : vector<1x16xf32> to vector<16xf32>
          %get3A_265 = arith.index_cast %scan3A_142 : i32 to index
          %get3A_266 = arith.constant 112 : index
          %get3A_267 = tpu.vector_load %arg9[%get3A_265, %get3A_266] {strides = array<i32>} : memref<128x128xf32, #tpu.memory_space<vmem>>, vector<1x16xf32>,
          %get3A_268 = vector.shape_cast %get3A_267 : vector<1x16xf32> to vector<16xf32>
          %add3A_269 = arith.addf %get3A_264, %get3A_268 : vector<16xf32>
          %max3A_270 = arith.constant 0.000000e+00 : f32
          %max3A_271 = vector.broadcast %max3A_270 : f32 to vector<16xf32>
          %max3A_272 = arith.maximumf %add3A_269, %max3A_271 : vector<16xf32>
          %swap3A_273 = arith.index_cast %scan3A_142 : i32 to index
          %swap3A_274 = arith.constant 112 : index
          %swap3A_275 = tpu.vector_load %arg8[%swap3A_273, %swap3A_274] {strides = array<i32>} : memref<128x128xf32, #tpu.memory_space<vmem>>, vector<1x16xf32>,
          %swap3A_276 = vector.shape_cast %swap3A_275 : vector<1x16xf32> to vector<16xf32>
          %swap3A_277 = vector.shape_cast %max3A_272 : vector<16xf32> to vector<1x16xf32>
          tpu.vector_store %arg8[%swap3A_273, %swap3A_274], %swap3A_277 {strides = array<i32>} : memref<128x128xf32, #tpu.memory_space<vmem>>, vector<1x16xf32>,
        }
        %scan3A_141 = arith.constant 128 : i32
        "tpu.region"() ({
          %run_scoped3A = tpu.sem_alloc : memref<!tpu.dma_semaphore, #tpu.memory_space<semaphore_mem>>
          %dma_start3A_142 = arith.constant 0 : i32
          %dma_start3A_143 = arith.constant 0 : i32
          %dma_start3A_144 = tpu.memref_slice %arg12[%dma_start3A_142, %dma_start3A_143] : memref<10240x128xf32, #tpu.memory_space<vmem_shared>> -> memref<10240x128xf32, #tpu.memory_space<vmem_shared>>
          tpu.enqueue_indirect_dma source(%arg8 : memref<128x128xf32, #tpu.memory_space<vmem>>) target(%dma_start3A_144 : memref<10240x128xf32, #tpu.memory_space<vmem_shared>>) offsets(%arg7 : memref<128xi32, #tpu.memory_space<vmem>>) semaphore(%run_scoped3A : memref<!tpu.dma_semaphore, #tpu.memory_space<semaphore_mem>>) {add = true}
          %dma_wait3A_145 = arith.constant 0 : i32
          %dma_wait3A_146 = arith.constant 0 : i32
          %dma_wait3A_147 = tpu.memref_slice %arg12[%dma_wait3A_145, %dma_wait3A_146] : memref<10240x128xf32, #tpu.memory_space<vmem_shared>> -> memref<10240x128xf32, #tpu.memory_space<vmem_shared>>
          tpu.wait_indirect_dma semaphore(%run_scoped3A : memref<!tpu.dma_semaphore, #tpu.memory_space<semaphore_mem>>) src(%arg8 : memref<128x128xf32, #tpu.memory_space<vmem>>) dst(%dma_wait3A_147 : memref<10240x128xf32, #tpu.memory_space<vmem_shared>>)
          tpu.yield
        }) : () -> ()
      }
      %scan3A_46 = arith.constant 8 : i32
    }
    %scan3A_31 = arith.constant 10 : i32
    %barrier3A_32 = arith.constant 0 : index
    tpu.barrier barrier_id(%barrier3A_32)
    %mul3A_33 = arith.constant 640 : i32
    %mul3A_34 = arith.muli %arg1, %mul3A_33 : i32
    "tpu.region"() ({
      %run_scoped3A = tpu.sem_alloc : memref<!tpu.dma_semaphore, #tpu.memory_space<semaphore_mem>>
      %dma_start3A = arith.constant 0 : i32
      %dma_start3A_35 = arith.constant 0 : i32
      %dma_start3A_36 = tpu.memref_slice %arg5[%arg0, %dma_start3A, %dma_start3A_35] : memref<2x10240x128xf32, #tpu.memory_space<hbm>> -> memref<1x10240x128xf32, #tpu.memory_space<hbm>>
      %dma_start3A_37 = tpu.memref_squeeze %dma_start3A_36 : memref<1x10240x128xf32, #tpu.memory_space<hbm>> -> memref<10240x128xf32, #tpu.memory_space<hbm>>
      %dma_start3A_38 = arith.constant 0 : i32
      %dma_start3A_39 = tpu.memref_slice %dma_start3A_37[%mul3A_34, %dma_start3A_38] : memref<10240x128xf32, #tpu.memory_space<hbm>> -> memref<640x128xf32, #tpu.memory_space<hbm>>
      %dma_start3A_40 = arith.constant 0 : i32
      %dma_start3A_41 = tpu.memref_slice %arg12[%mul3A_34, %dma_start3A_40] : memref<10240x128xf32, #tpu.memory_space<vmem_shared>> -> memref<640x128xf32, #tpu.memory_space<vmem_shared>>
      tpu.enqueue_dma source(%dma_start3A_41 : memref<640x128xf32, #tpu.memory_space<vmem_shared>>) target(%dma_start3A_39 : memref<640x128xf32, #tpu.memory_space<hbm>>) target_semaphore(%run_scoped3A : memref<!tpu.dma_semaphore, #tpu.memory_space<semaphore_mem>>)
      %dma_wait3A = arith.constant 0 : i32
      %dma_wait3A_42 = arith.constant 0 : i32
      %dma_wait3A_43 = tpu.memref_slice %arg5[%arg0, %dma_wait3A, %dma_wait3A_42] : memref<2x10240x128xf32, #tpu.memory_space<hbm>> -> memref<1x10240x128xf32, #tpu.memory_space<hbm>>
      %dma_wait3A_44 = tpu.memref_squeeze %dma_wait3A_43 : memref<1x10240x128xf32, #tpu.memory_space<hbm>> -> memref<10240x128xf32, #tpu.memory_space<hbm>>
      %dma_wait3A_45 = arith.constant 0 : i32
      %dma_wait3A_46 = tpu.memref_slice %dma_wait3A_44[%mul3A_34, %dma_wait3A_45] : memref<10240x128xf32, #tpu.memory_space<hbm>> -> memref<640x128xf32, #tpu.memory_space<hbm>>
      %dma_wait3A_47 = arith.constant 0 : i32
      %dma_wait3A_48 = tpu.memref_slice %arg12[%mul3A_34, %dma_wait3A_47] : memref<10240x128xf32, #tpu.memory_space<vmem_shared>> -> memref<640x128xf32, #tpu.memory_space<vmem_shared>>
      tpu.wait_dma2 semaphore(%run_scoped3A : memref<!tpu.dma_semaphore, #tpu.memory_space<semaphore_mem>>) src(%dma_wait3A_48 : memref<640x128xf32, #tpu.memory_space<vmem_shared>>) dst(%dma_wait3A_46 : memref<640x128xf32, #tpu.memory_space<hbm>>)
      tpu.yield
    }) : () -> ()
    return
  }
}

#map = affine_map<(d0, d1) -> (0)>
module attributes {stable_mosaic.version = 14 : i64} {
  func.func @_sc_batch(%arg0: i32, %arg1: i32, %arg2: memref<320000xi32, #tpu.memory_space<hbm>>, %arg3: memref<320000xi32, #tpu.memory_space<hbm>>, %arg4: memref<320000xf32, #tpu.memory_space<hbm>>, %arg5: memref<1024xi32, #tpu.memory_space<hbm>>, %arg6: memref<5120xi32, #tpu.memory_space<hbm>>, %arg7: memref<10000xf32, #tpu.memory_space<hbm>>, %arg8: memref<10000xf32, #tpu.memory_space<hbm>>, %arg9: memref<1024xf32, #tpu.memory_space<hbm>>, %arg10: memref<1024xf32, #tpu.memory_space<hbm>>, %arg11: memref<1024xf32, #tpu.memory_space<hbm>>, %arg12: memref<5120xf32, #tpu.memory_space<hbm>>, %arg13: memref<32xi32, #tpu.memory_space<vmem>>, %arg14: memref<32xi32, #tpu.memory_space<vmem>>, %arg15: memref<32xi32, #tpu.memory_space<vmem>>, %arg16: memref<32xf32, #tpu.memory_space<vmem>>, %arg17: memref<32xf32, #tpu.memory_space<vmem>>, %arg18: memref<32xf32, #tpu.memory_space<vmem>>, %arg19: memref<160xi32, #tpu.memory_space<vmem>>, %arg20: memref<160xf32, #tpu.memory_space<vmem>>) attributes {dimension_semantics = [#tpu.dimension_semantics<core_parallel>, #tpu.dimension_semantics<subcore_parallel>], iteration_bounds = array<i64: 2, 16>, scalar_prefetch = 0 : i64, scratch_operands = 8 : i64, tpu.core_type = #tpu.core_type<sc_vector_subcore>, window_params = [{transform_indices = #map}, {transform_indices = #map}, {transform_indices = #map}, {transform_indices = #map}, {transform_indices = #map}, {transform_indices = #map}, {transform_indices = #map}, {transform_indices = #map}, {transform_indices = #map}, {transform_indices = #map}, {transform_indices = #map}]} {
    %mul3A = arith.constant 16 : i32
    %mul3A_0 = arith.muli %arg0, %mul3A : i32
    %add3A = arith.addi %mul3A_0, %arg1 : i32
    %mul3A_1 = arith.constant 32 : i32
    %mul3A_2 = arith.muli %add3A, %mul3A_1 : i32
    "tpu.region"() ({
      %run_scoped3A = tpu.sem_alloc : memref<!tpu.dma_semaphore, #tpu.memory_space<semaphore_mem>>
      %dma_start3A = tpu.memref_slice %arg5[%mul3A_2] : memref<1024xi32, #tpu.memory_space<hbm>> -> memref<32xi32, #tpu.memory_space<hbm>>
      %dma_start3A_13 = tpu.memref_slice %arg5[%mul3A_2] : memref<1024xi32, #tpu.memory_space<hbm>> -> memref<32xi32, #tpu.memory_space<hbm>>
      tpu.enqueue_dma source(%dma_start3A_13 : memref<32xi32, #tpu.memory_space<hbm>>) target(%arg13 : memref<32xi32, #tpu.memory_space<vmem>>) target_semaphore(%run_scoped3A : memref<!tpu.dma_semaphore, #tpu.memory_space<semaphore_mem>>)
      %dma_wait3A = tpu.memref_slice %arg5[%mul3A_2] : memref<1024xi32, #tpu.memory_space<hbm>> -> memref<32xi32, #tpu.memory_space<hbm>>
      %dma_wait3A_14 = tpu.memref_slice %arg5[%mul3A_2] : memref<1024xi32, #tpu.memory_space<hbm>> -> memref<32xi32, #tpu.memory_space<hbm>>
      tpu.wait_dma2 semaphore(%run_scoped3A : memref<!tpu.dma_semaphore, #tpu.memory_space<semaphore_mem>>) src(%dma_wait3A_14 : memref<32xi32, #tpu.memory_space<hbm>>) dst(%arg13 : memref<32xi32, #tpu.memory_space<vmem>>)
      tpu.yield
    }) : () -> ()
    %mul3A_3 = arith.constant 160 : i32
    %mul3A_4 = arith.muli %add3A, %mul3A_3 : i32
    "tpu.region"() ({
      %run_scoped3A = tpu.sem_alloc : memref<!tpu.dma_semaphore, #tpu.memory_space<semaphore_mem>>
      %dma_start3A = tpu.memref_slice %arg6[%mul3A_4] : memref<5120xi32, #tpu.memory_space<hbm>> -> memref<160xi32, #tpu.memory_space<hbm>>
      %dma_start3A_13 = tpu.memref_slice %arg6[%mul3A_4] : memref<5120xi32, #tpu.memory_space<hbm>> -> memref<160xi32, #tpu.memory_space<hbm>>
      tpu.enqueue_dma source(%dma_start3A_13 : memref<160xi32, #tpu.memory_space<hbm>>) target(%arg19 : memref<160xi32, #tpu.memory_space<vmem>>) target_semaphore(%run_scoped3A : memref<!tpu.dma_semaphore, #tpu.memory_space<semaphore_mem>>)
      %dma_wait3A = tpu.memref_slice %arg6[%mul3A_4] : memref<5120xi32, #tpu.memory_space<hbm>> -> memref<160xi32, #tpu.memory_space<hbm>>
      %dma_wait3A_14 = tpu.memref_slice %arg6[%mul3A_4] : memref<5120xi32, #tpu.memory_space<hbm>> -> memref<160xi32, #tpu.memory_space<hbm>>
      tpu.wait_dma2 semaphore(%run_scoped3A : memref<!tpu.dma_semaphore, #tpu.memory_space<semaphore_mem>>) src(%dma_wait3A_14 : memref<160xi32, #tpu.memory_space<hbm>>) dst(%arg19 : memref<160xi32, #tpu.memory_space<vmem>>)
      tpu.yield
    }) : () -> ()
    "tpu.region"() ({
      %run_scoped3A = tpu.sem_alloc : memref<!tpu.dma_semaphore, #tpu.memory_space<semaphore_mem>>
      %dma_start3A = arith.constant 0 : i32
      %dma_start3A_13 = tpu.memref_slice %arg2[%dma_start3A] : memref<320000xi32, #tpu.memory_space<hbm>> -> memref<320000xi32, #tpu.memory_space<hbm>>
      tpu.enqueue_indirect_dma source(%dma_start3A_13 : memref<320000xi32, #tpu.memory_space<hbm>>) target(%arg14 : memref<32xi32, #tpu.memory_space<vmem>>) offsets(%arg13 : memref<32xi32, #tpu.memory_space<vmem>>) semaphore(%run_scoped3A : memref<!tpu.dma_semaphore, #tpu.memory_space<semaphore_mem>>)
      %dma_wait3A = arith.constant 0 : i32
      %dma_wait3A_14 = tpu.memref_slice %arg2[%dma_wait3A] : memref<320000xi32, #tpu.memory_space<hbm>> -> memref<320000xi32, #tpu.memory_space<hbm>>
      tpu.wait_indirect_dma semaphore(%run_scoped3A : memref<!tpu.dma_semaphore, #tpu.memory_space<semaphore_mem>>) src(%dma_wait3A_14 : memref<320000xi32, #tpu.memory_space<hbm>>) dst(%arg14 : memref<32xi32, #tpu.memory_space<vmem>>)
      tpu.yield
    }) : () -> ()
    "tpu.region"() ({
      %run_scoped3A = tpu.sem_alloc : memref<!tpu.dma_semaphore, #tpu.memory_space<semaphore_mem>>
      %dma_start3A = arith.constant 0 : i32
      %dma_start3A_13 = tpu.memref_slice %arg3[%dma_start3A] : memref<320000xi32, #tpu.memory_space<hbm>> -> memref<320000xi32, #tpu.memory_space<hbm>>
      tpu.enqueue_indirect_dma source(%dma_start3A_13 : memref<320000xi32, #tpu.memory_space<hbm>>) target(%arg15 : memref<32xi32, #tpu.memory_space<vmem>>) offsets(%arg13 : memref<32xi32, #tpu.memory_space<vmem>>) semaphore(%run_scoped3A : memref<!tpu.dma_semaphore, #tpu.memory_space<semaphore_mem>>)
      %dma_wait3A = arith.constant 0 : i32
      %dma_wait3A_14 = tpu.memref_slice %arg3[%dma_wait3A] : memref<320000xi32, #tpu.memory_space<hbm>> -> memref<320000xi32, #tpu.memory_space<hbm>>
      tpu.wait_indirect_dma semaphore(%run_scoped3A : memref<!tpu.dma_semaphore, #tpu.memory_space<semaphore_mem>>) src(%dma_wait3A_14 : memref<320000xi32, #tpu.memory_space<hbm>>) dst(%arg15 : memref<32xi32, #tpu.memory_space<vmem>>)
      tpu.yield
    }) : () -> ()
    "tpu.region"() ({
      %run_scoped3A = tpu.sem_alloc : memref<!tpu.dma_semaphore, #tpu.memory_space<semaphore_mem>>
      %dma_start3A = arith.constant 0 : i32
      %dma_start3A_13 = tpu.memref_slice %arg4[%dma_start3A] : memref<320000xf32, #tpu.memory_space<hbm>> -> memref<320000xf32, #tpu.memory_space<hbm>>
      tpu.enqueue_indirect_dma source(%dma_start3A_13 : memref<320000xf32, #tpu.memory_space<hbm>>) target(%arg18 : memref<32xf32, #tpu.memory_space<vmem>>) offsets(%arg13 : memref<32xi32, #tpu.memory_space<vmem>>) semaphore(%run_scoped3A : memref<!tpu.dma_semaphore, #tpu.memory_space<semaphore_mem>>)
      %dma_wait3A = arith.constant 0 : i32
      %dma_wait3A_14 = tpu.memref_slice %arg4[%dma_wait3A] : memref<320000xf32, #tpu.memory_space<hbm>> -> memref<320000xf32, #tpu.memory_space<hbm>>
      tpu.wait_indirect_dma semaphore(%run_scoped3A : memref<!tpu.dma_semaphore, #tpu.memory_space<semaphore_mem>>) src(%dma_wait3A_14 : memref<320000xf32, #tpu.memory_space<hbm>>) dst(%arg18 : memref<32xf32, #tpu.memory_space<vmem>>)
      tpu.yield
    }) : () -> ()
    "tpu.region"() ({
      %run_scoped3A = tpu.sem_alloc : memref<!tpu.dma_semaphore, #tpu.memory_space<semaphore_mem>>
      %dma_start3A = arith.constant 0 : i32
      %dma_start3A_13 = tpu.memref_slice %arg7[%dma_start3A] : memref<10000xf32, #tpu.memory_space<hbm>> -> memref<10000xf32, #tpu.memory_space<hbm>>
      tpu.enqueue_indirect_dma source(%dma_start3A_13 : memref<10000xf32, #tpu.memory_space<hbm>>) target(%arg16 : memref<32xf32, #tpu.memory_space<vmem>>) offsets(%arg14 : memref<32xi32, #tpu.memory_space<vmem>>) semaphore(%run_scoped3A : memref<!tpu.dma_semaphore, #tpu.memory_space<semaphore_mem>>)
      %dma_wait3A = arith.constant 0 : i32
      %dma_wait3A_14 = tpu.memref_slice %arg7[%dma_wait3A] : memref<10000xf32, #tpu.memory_space<hbm>> -> memref<10000xf32, #tpu.memory_space<hbm>>
      tpu.wait_indirect_dma semaphore(%run_scoped3A : memref<!tpu.dma_semaphore, #tpu.memory_space<semaphore_mem>>) src(%dma_wait3A_14 : memref<10000xf32, #tpu.memory_space<hbm>>) dst(%arg16 : memref<32xf32, #tpu.memory_space<vmem>>)
      tpu.yield
    }) : () -> ()
    "tpu.region"() ({
      %run_scoped3A = tpu.sem_alloc : memref<!tpu.dma_semaphore, #tpu.memory_space<semaphore_mem>>
      %dma_start3A = arith.constant 0 : i32
      %dma_start3A_13 = tpu.memref_slice %arg8[%dma_start3A] : memref<10000xf32, #tpu.memory_space<hbm>> -> memref<10000xf32, #tpu.memory_space<hbm>>
      tpu.enqueue_indirect_dma source(%dma_start3A_13 : memref<10000xf32, #tpu.memory_space<hbm>>) target(%arg17 : memref<32xf32, #tpu.memory_space<vmem>>) offsets(%arg15 : memref<32xi32, #tpu.memory_space<vmem>>) semaphore(%run_scoped3A : memref<!tpu.dma_semaphore, #tpu.memory_space<semaphore_mem>>)
      %dma_wait3A = arith.constant 0 : i32
      %dma_wait3A_14 = tpu.memref_slice %arg8[%dma_wait3A] : memref<10000xf32, #tpu.memory_space<hbm>> -> memref<10000xf32, #tpu.memory_space<hbm>>
      tpu.wait_indirect_dma semaphore(%run_scoped3A : memref<!tpu.dma_semaphore, #tpu.memory_space<semaphore_mem>>) src(%dma_wait3A_14 : memref<10000xf32, #tpu.memory_space<hbm>>) dst(%arg17 : memref<32xf32, #tpu.memory_space<vmem>>)
      tpu.yield
    }) : () -> ()
    "tpu.region"() ({
      %run_scoped3A = tpu.sem_alloc : memref<!tpu.dma_semaphore, #tpu.memory_space<semaphore_mem>>
      %dma_start3A = arith.constant 0 : i32
      %dma_start3A_13 = tpu.memref_slice %arg20[%dma_start3A] : memref<160xf32, #tpu.memory_space<vmem>> -> memref<80xf32, #tpu.memory_space<vmem>>
      %dma_start3A_14 = arith.constant 0 : i32
      %dma_start3A_15 = tpu.memref_slice %arg19[%dma_start3A_14] : memref<160xi32, #tpu.memory_space<vmem>> -> memref<80xi32, #tpu.memory_space<vmem>>
      %dma_start3A_16 = arith.constant 0 : i32
      %dma_start3A_17 = tpu.memref_slice %arg8[%dma_start3A_16] : memref<10000xf32, #tpu.memory_space<hbm>> -> memref<10000xf32, #tpu.memory_space<hbm>>
      tpu.enqueue_indirect_dma source(%dma_start3A_17 : memref<10000xf32, #tpu.memory_space<hbm>>) target(%dma_start3A_13 : memref<80xf32, #tpu.memory_space<vmem>>) offsets(%dma_start3A_15 : memref<80xi32, #tpu.memory_space<vmem>>) semaphore(%run_scoped3A : memref<!tpu.dma_semaphore, #tpu.memory_space<semaphore_mem>>)
      %dma_wait3A = arith.constant 0 : i32
      %dma_wait3A_18 = tpu.memref_slice %arg20[%dma_wait3A] : memref<160xf32, #tpu.memory_space<vmem>> -> memref<80xf32, #tpu.memory_space<vmem>>
      %dma_wait3A_19 = arith.constant 0 : i32
      %dma_wait3A_20 = tpu.memref_slice %arg19[%dma_wait3A_19] : memref<160xi32, #tpu.memory_space<vmem>> -> memref<80xi32, #tpu.memory_space<vmem>>
      %dma_wait3A_21 = arith.constant 0 : i32
      %dma_wait3A_22 = tpu.memref_slice %arg8[%dma_wait3A_21] : memref<10000xf32, #tpu.memory_space<hbm>> -> memref<10000xf32, #tpu.memory_space<hbm>>
      tpu.wait_indirect_dma semaphore(%run_scoped3A : memref<!tpu.dma_semaphore, #tpu.memory_space<semaphore_mem>>) src(%dma_wait3A_22 : memref<10000xf32, #tpu.memory_space<hbm>>) dst(%dma_wait3A_18 : memref<80xf32, #tpu.memory_space<vmem>>)
      tpu.yield
    }) : () -> ()
    "tpu.region"() ({
      %run_scoped3A = tpu.sem_alloc : memref<!tpu.dma_semaphore, #tpu.memory_space<semaphore_mem>>
      %dma_start3A = arith.constant 80 : i32
      %dma_start3A_13 = tpu.memref_slice %arg20[%dma_start3A] : memref<160xf32, #tpu.memory_space<vmem>> -> memref<80xf32, #tpu.memory_space<vmem>>
      %dma_start3A_14 = arith.constant 80 : i32
      %dma_start3A_15 = tpu.memref_slice %arg19[%dma_start3A_14] : memref<160xi32, #tpu.memory_space<vmem>> -> memref<80xi32, #tpu.memory_space<vmem>>
      %dma_start3A_16 = arith.constant 0 : i32
      %dma_start3A_17 = tpu.memref_slice %arg8[%dma_start3A_16] : memref<10000xf32, #tpu.memory_space<hbm>> -> memref<10000xf32, #tpu.memory_space<hbm>>
      tpu.enqueue_indirect_dma source(%dma_start3A_17 : memref<10000xf32, #tpu.memory_space<hbm>>) target(%dma_start3A_13 : memref<80xf32, #tpu.memory_space<vmem>>) offsets(%dma_start3A_15 : memref<80xi32, #tpu.memory_space<vmem>>) semaphore(%run_scoped3A : memref<!tpu.dma_semaphore, #tpu.memory_space<semaphore_mem>>)
      %dma_wait3A = arith.constant 80 : i32
      %dma_wait3A_18 = tpu.memref_slice %arg20[%dma_wait3A] : memref<160xf32, #tpu.memory_space<vmem>> -> memref<80xf32, #tpu.memory_space<vmem>>
      %dma_wait3A_19 = arith.constant 80 : i32
      %dma_wait3A_20 = tpu.memref_slice %arg19[%dma_wait3A_19] : memref<160xi32, #tpu.memory_space<vmem>> -> memref<80xi32, #tpu.memory_space<vmem>>
      %dma_wait3A_21 = arith.constant 0 : i32
      %dma_wait3A_22 = tpu.memref_slice %arg8[%dma_wait3A_21] : memref<10000xf32, #tpu.memory_space<hbm>> -> memref<10000xf32, #tpu.memory_space<hbm>>
      tpu.wait_indirect_dma semaphore(%run_scoped3A : memref<!tpu.dma_semaphore, #tpu.memory_space<semaphore_mem>>) src(%dma_wait3A_22 : memref<10000xf32, #tpu.memory_space<hbm>>) dst(%dma_wait3A_18 : memref<80xf32, #tpu.memory_space<vmem>>)
      tpu.yield
    }) : () -> ()
    %mul3A_5 = arith.constant 32 : i32
    %mul3A_6 = arith.muli %add3A, %mul3A_5 : i32
    "tpu.region"() ({
      %run_scoped3A = tpu.sem_alloc : memref<!tpu.dma_semaphore, #tpu.memory_space<semaphore_mem>>
      %dma_start3A = tpu.memref_slice %arg9[%mul3A_6] : memref<1024xf32, #tpu.memory_space<hbm>> -> memref<32xf32, #tpu.memory_space<hbm>>
      %dma_start3A_13 = tpu.memref_slice %arg9[%mul3A_6] : memref<1024xf32, #tpu.memory_space<hbm>> -> memref<32xf32, #tpu.memory_space<hbm>>
      tpu.enqueue_dma source(%arg16 : memref<32xf32, #tpu.memory_space<vmem>>) target(%dma_start3A_13 : memref<32xf32, #tpu.memory_space<hbm>>) target_semaphore(%run_scoped3A : memref<!tpu.dma_semaphore, #tpu.memory_space<semaphore_mem>>)
      %dma_wait3A = tpu.memref_slice %arg9[%mul3A_6] : memref<1024xf32, #tpu.memory_space<hbm>> -> memref<32xf32, #tpu.memory_space<hbm>>
      %dma_wait3A_14 = tpu.memref_slice %arg9[%mul3A_6] : memref<1024xf32, #tpu.memory_space<hbm>> -> memref<32xf32, #tpu.memory_space<hbm>>
      tpu.wait_dma2 semaphore(%run_scoped3A : memref<!tpu.dma_semaphore, #tpu.memory_space<semaphore_mem>>) src(%arg16 : memref<32xf32, #tpu.memory_space<vmem>>) dst(%dma_wait3A_14 : memref<32xf32, #tpu.memory_space<hbm>>)
      tpu.yield
    }) : () -> ()
    %mul3A_7 = arith.constant 32 : i32
    %mul3A_8 = arith.muli %add3A, %mul3A_7 : i32
    "tpu.region"() ({
      %run_scoped3A = tpu.sem_alloc : memref<!tpu.dma_semaphore, #tpu.memory_space<semaphore_mem>>
      %dma_start3A = tpu.memref_slice %arg10[%mul3A_8] : memref<1024xf32, #tpu.memory_space<hbm>> -> memref<32xf32, #tpu.memory_space<hbm>>
      %dma_start3A_13 = tpu.memref_slice %arg10[%mul3A_8] : memref<1024xf32, #tpu.memory_space<hbm>> -> memref<32xf32, #tpu.memory_space<hbm>>
      tpu.enqueue_dma source(%arg17 : memref<32xf32, #tpu.memory_space<vmem>>) target(%dma_start3A_13 : memref<32xf32, #tpu.memory_space<hbm>>) target_semaphore(%run_scoped3A : memref<!tpu.dma_semaphore, #tpu.memory_space<semaphore_mem>>)
      %dma_wait3A = tpu.memref_slice %arg10[%mul3A_8] : memref<1024xf32, #tpu.memory_space<hbm>> -> memref<32xf32, #tpu.memory_space<hbm>>
      %dma_wait3A_14 = tpu.memref_slice %arg10[%mul3A_8] : memref<1024xf32, #tpu.memory_space<hbm>> -> memref<32xf32, #tpu.memory_space<hbm>>
      tpu.wait_dma2 semaphore(%run_scoped3A : memref<!tpu.dma_semaphore, #tpu.memory_space<semaphore_mem>>) src(%arg17 : memref<32xf32, #tpu.memory_space<vmem>>) dst(%dma_wait3A_14 : memref<32xf32, #tpu.memory_space<hbm>>)
      tpu.yield
    }) : () -> ()
    %mul3A_9 = arith.constant 32 : i32
    %mul3A_10 = arith.muli %add3A, %mul3A_9 : i32
    "tpu.region"() ({
      %run_scoped3A = tpu.sem_alloc : memref<!tpu.dma_semaphore, #tpu.memory_space<semaphore_mem>>
      %dma_start3A = tpu.memref_slice %arg11[%mul3A_10] : memref<1024xf32, #tpu.memory_space<hbm>> -> memref<32xf32, #tpu.memory_space<hbm>>
      %dma_start3A_13 = tpu.memref_slice %arg11[%mul3A_10] : memref<1024xf32, #tpu.memory_space<hbm>> -> memref<32xf32, #tpu.memory_space<hbm>>
      tpu.enqueue_dma source(%arg18 : memref<32xf32, #tpu.memory_space<vmem>>) target(%dma_start3A_13 : memref<32xf32, #tpu.memory_space<hbm>>) target_semaphore(%run_scoped3A : memref<!tpu.dma_semaphore, #tpu.memory_space<semaphore_mem>>)
      %dma_wait3A = tpu.memref_slice %arg11[%mul3A_10] : memref<1024xf32, #tpu.memory_space<hbm>> -> memref<32xf32, #tpu.memory_space<hbm>>
      %dma_wait3A_14 = tpu.memref_slice %arg11[%mul3A_10] : memref<1024xf32, #tpu.memory_space<hbm>> -> memref<32xf32, #tpu.memory_space<hbm>>
      tpu.wait_dma2 semaphore(%run_scoped3A : memref<!tpu.dma_semaphore, #tpu.memory_space<semaphore_mem>>) src(%arg18 : memref<32xf32, #tpu.memory_space<vmem>>) dst(%dma_wait3A_14 : memref<32xf32, #tpu.memory_space<hbm>>)
      tpu.yield
    }) : () -> ()
    %mul3A_11 = arith.constant 160 : i32
    %mul3A_12 = arith.muli %add3A, %mul3A_11 : i32
    "tpu.region"() ({
      %run_scoped3A = tpu.sem_alloc : memref<!tpu.dma_semaphore, #tpu.memory_space<semaphore_mem>>
      %dma_start3A = tpu.memref_slice %arg12[%mul3A_12] : memref<5120xf32, #tpu.memory_space<hbm>> -> memref<160xf32, #tpu.memory_space<hbm>>
      %dma_start3A_13 = tpu.memref_slice %arg12[%mul3A_12] : memref<5120xf32, #tpu.memory_space<hbm>> -> memref<160xf32, #tpu.memory_space<hbm>>
      tpu.enqueue_dma source(%arg20 : memref<160xf32, #tpu.memory_space<vmem>>) target(%dma_start3A_13 : memref<160xf32, #tpu.memory_space<hbm>>) target_semaphore(%run_scoped3A : memref<!tpu.dma_semaphore, #tpu.memory_space<semaphore_mem>>)
      %dma_wait3A = tpu.memref_slice %arg12[%mul3A_12] : memref<5120xf32, #tpu.memory_space<hbm>> -> memref<160xf32, #tpu.memory_space<hbm>>
      %dma_wait3A_14 = tpu.memref_slice %arg12[%mul3A_12] : memref<5120xf32, #tpu.memory_space<hbm>> -> memref<160xf32, #tpu.memory_space<hbm>>
      tpu.wait_dma2 semaphore(%run_scoped3A : memref<!tpu.dma_semaphore, #tpu.memory_space<semaphore_mem>>) src(%arg20 : memref<160xf32, #tpu.memory_space<vmem>>) dst(%dma_wait3A_14 : memref<160xf32, #tpu.memory_space<hbm>>)
      tpu.yield
    }) : () -> ()
    return
  }
}

module attributes {stable_mosaic.version = 14 : i64} {
  func.func @_tc_ef1_body(%arg0: i32, %arg1: memref<4096x16xf32, #tpu.memory_space<vmem>>, %arg2: memref<16x128xf32, #tpu.memory_space<vmem>>, %arg3: memref<4096x128xf32, #tpu.memory_space<vmem>>) attributes {dimension_semantics = [#tpu.dimension_semantics<arbitrary>], iteration_bounds = array<i64: 80>, scalar_prefetch = 0 : i64, scratch_operands = 0 : i64, tpu.core_type = #tpu.core_type<tc>, window_params = [{transform_indices = @transform_0, window_bounds = array<i64: 4096, 16>}, {pipeline_mode = #tpu.pipeline_mode<synchronous>, transform_indices = @transform_1, window_bounds = array<i64: 16, 128>}, {transform_indices = @transform_2, window_bounds = array<i64: 4096, 128>}]} {
    %get3A = arith.constant 0 : index
    %get3A_0 = arith.constant 0 : index
    %get3A_1 = vector.load %arg1[%get3A, %get3A_0] : memref<4096x16xf32, #tpu.memory_space<vmem>>, vector<4096x16xf32>
    %get3A_2 = arith.constant 0 : index
    %get3A_3 = arith.constant 0 : index
    %get3A_4 = vector.load %arg2[%get3A_2, %get3A_3] : memref<16x128xf32, #tpu.memory_space<vmem>>, vector<16x128xf32>
    %dot_general3A = arith.constant dense<0.000000e+00> : vector<4096x128xf32>
    %dot_general3A_5 = tpu.matmul %get3A_1, %get3A_4, %dot_general3A {dimension_numbers = #tpu.dot_dimension_numbers<[1], [0], [0], [1], [0, 0, 1, 1], [], []>, transpose_lhs_hint = false} : vector<4096x16xf32>, vector<16x128xf32>, vector<4096x128xf32> -> vector<4096x128xf32>
    %swap3A = arith.constant 0 : index
    %swap3A_6 = arith.constant 0 : index
    %swap3A_7 = vector.load %arg3[%swap3A, %swap3A_6] : memref<4096x128xf32, #tpu.memory_space<vmem>>, vector<4096x128xf32>
    tpu.vector_store %arg3[%swap3A, %swap3A_6], %dot_general3A_5 {strides = array<i32>} : memref<4096x128xf32, #tpu.memory_space<vmem>>, vector<4096x128xf32>,
    return
  }
  func.func @transform_0(%arg0: i32) -> (i32, i32) {
    %c0_i32 = arith.constant 0 : i32
    %c0_i32_0 = arith.constant 0 : i32
    return %arg0, %c0_i32 : i32, i32
  }
  func.func @transform_1(%arg0: i32) -> (i32, i32) {
    %c0_i32 = arith.constant 0 : i32
    %c0_i32_0 = arith.constant 0 : i32
    %c0_i32_1 = arith.constant 0 : i32
    return %c0_i32, %c0_i32_0 : i32, i32
  }
  func.func @transform_2(%arg0: i32) -> (i32, i32) {
    %c0_i32 = arith.constant 0 : i32
    %c0_i32_0 = arith.constant 0 : i32
    return %arg0, %c0_i32 : i32, i32
  }
}

module attributes {stable_mosaic.version = 14 : i64} {
  func.func @_tc_g1_body(%arg0: i32, %arg1: memref<1000x128xf32, #tpu.memory_space<vmem>>, %arg2: memref<2x1000x128xf32, #tpu.memory_space<vmem>>, %arg3: memref<2x1000x128xf32, #tpu.memory_space<vmem>>, %arg4: memref<128x128xf32, #tpu.memory_space<vmem>>, %arg5: memref<128x128xf32, #tpu.memory_space<vmem>>, %arg6: memref<16x128xf32, #tpu.memory_space<vmem>>, %arg7: memref<1x128xf32, #tpu.memory_space<vmem>>, %arg8: memref<1000x128xf32, #tpu.memory_space<vmem>>, %arg9: memref<1x1x1000xf32, #tpu.memory_space<vmem>>) attributes {dimension_semantics = [#tpu.dimension_semantics<arbitrary>], iteration_bounds = array<i64: 10>, scalar_prefetch = 0 : i64, scratch_operands = 0 : i64, tpu.core_type = #tpu.core_type<tc>, window_params = [{transform_indices = @transform_0, window_bounds = array<i64: 1000, 128>}, {transform_indices = @transform_1, window_bounds = array<i64: 2, 1000, 128>}, {transform_indices = @transform_2, window_bounds = array<i64: 2, 1000, 128>}, {pipeline_mode = #tpu.pipeline_mode<synchronous>, transform_indices = @transform_3, window_bounds = array<i64: 128, 128>}, {pipeline_mode = #tpu.pipeline_mode<synchronous>, transform_indices = @transform_4, window_bounds = array<i64: 128, 128>}, {pipeline_mode = #tpu.pipeline_mode<synchronous>, transform_indices = @transform_5, window_bounds = array<i64: 16, 128>}, {pipeline_mode = #tpu.pipeline_mode<synchronous>, transform_indices = @transform_6, window_bounds = array<i64: 1, 128>}, {transform_indices = @transform_7, window_bounds = array<i64: 1000, 128>}, {transform_indices = @transform_8, window_bounds = array<i64: 1, 1, 1000>}]} {
    %get3A = arith.constant 0 : index
    %get3A_0 = arith.constant 0 : index
    %get3A_1 = arith.constant 16 : index
    %get3A_2 = vector.load %arg3[%get3A, %get3A_0, %get3A_1] : memref<2x1000x128xf32, #tpu.memory_space<vmem>>, vector<1x1000x1xf32>
    %get3A_3 = vector.shape_cast %get3A_2 : vector<1x1000x1xf32> to vector<1000xf32>
    %get3A_4 = arith.constant 1 : index
    %get3A_5 = arith.constant 0 : index
    %get3A_6 = arith.constant 16 : index
    %get3A_7 = vector.load %arg3[%get3A_4, %get3A_5, %get3A_6] : memref<2x1000x128xf32, #tpu.memory_space<vmem>>, vector<1x1000x1xf32>
    %get3A_8 = vector.shape_cast %get3A_7 : vector<1x1000x1xf32> to vector<1000xf32>
    %add3A = arith.addf %get3A_3, %get3A_8 : vector<1000xf32>
    %max3A = arith.constant 1.000000e+00 : f32
    %max3A_9 = vector.broadcast %max3A : f32 to vector<1000xf32>
    %max3A_10 = arith.maximumf %add3A, %max3A_9 : vector<1000xf32>
    %div3A = arith.constant 1.000000e+00 : f32
    %div3A_11 = vector.broadcast %div3A : f32 to vector<1000xf32>
    %div3A_12 = arith.divf %div3A_11, %max3A_10 : vector<1000xf32>
    %broadcast_in_dim3A = vector.shape_cast %div3A_12 : vector<1000xf32> to vector<1000x1xf32>
    %get3A_13 = arith.constant 0 : index
    %get3A_14 = arith.constant 0 : index
    %get3A_15 = arith.constant 0 : index
    %get3A_16 = vector.load %arg2[%get3A_13, %get3A_14, %get3A_15] : memref<2x1000x128xf32, #tpu.memory_space<vmem>>, vector<1x1000x128xf32>
    %get3A_17 = vector.shape_cast %get3A_16 : vector<1x1000x128xf32> to vector<1000x128xf32>
    %get3A_18 = arith.constant 1 : index
    %get3A_19 = arith.constant 0 : index
    %get3A_20 = arith.constant 0 : index
    %get3A_21 = vector.load %arg2[%get3A_18, %get3A_19, %get3A_20] : memref<2x1000x128xf32, #tpu.memory_space<vmem>>, vector<1x1000x128xf32>
    %get3A_22 = vector.shape_cast %get3A_21 : vector<1x1000x128xf32> to vector<1000x128xf32>
    %add3A_23 = arith.addf %get3A_17, %get3A_22 : vector<1000x128xf32>
    %mul3A = vector.broadcast %broadcast_in_dim3A : vector<1000x1xf32> to vector<1000x128xf32>
    %mul3A_24 = arith.mulf %add3A_23, %mul3A : vector<1000x128xf32>
    %get3A_25 = arith.constant 0 : index
    %get3A_26 = arith.constant 0 : index
    %get3A_27 = arith.constant 0 : index
    %get3A_28 = vector.load %arg3[%get3A_25, %get3A_26, %get3A_27] : memref<2x1000x128xf32, #tpu.memory_space<vmem>>, vector<1x1000x16xf32>
    %get3A_29 = vector.shape_cast %get3A_28 : vector<1x1000x16xf32> to vector<1000x16xf32>
    %get3A_30 = arith.constant 1 : index
    %get3A_31 = arith.constant 0 : index
    %get3A_32 = arith.constant 0 : index
    %get3A_33 = vector.load %arg3[%get3A_30, %get3A_31, %get3A_32] : memref<2x1000x128xf32, #tpu.memory_space<vmem>>, vector<1x1000x16xf32>
    %get3A_34 = vector.shape_cast %get3A_33 : vector<1x1000x16xf32> to vector<1000x16xf32>
    %add3A_35 = arith.addf %get3A_29, %get3A_34 : vector<1000x16xf32>
    %mul3A_36 = vector.broadcast %broadcast_in_dim3A : vector<1000x1xf32> to vector<1000x16xf32>
    %mul3A_37 = arith.mulf %add3A_35, %mul3A_36 : vector<1000x16xf32>
    %get3A_38 = arith.constant 0 : index
    %get3A_39 = arith.constant 0 : index
    %get3A_40 = vector.load %arg1[%get3A_38, %get3A_39] : memref<1000x128xf32, #tpu.memory_space<vmem>>, vector<1000x128xf32>
    %get3A_41 = arith.constant 0 : index
    %get3A_42 = arith.constant 0 : index
    %get3A_43 = vector.load %arg4[%get3A_41, %get3A_42] : memref<128x128xf32, #tpu.memory_space<vmem>>, vector<128x128xf32>
    %dot_general3A = arith.constant dense<0.000000e+00> : vector<1000x128xf32>
    %dot_general3A_44 = tpu.matmul %get3A_40, %get3A_43, %dot_general3A {dimension_numbers = #tpu.dot_dimension_numbers<[1], [0], [0], [1], [0, 0, 1, 1], [], []>, transpose_lhs_hint = false} : vector<1000x128xf32>, vector<128x128xf32>, vector<1000x128xf32> -> vector<1000x128xf32>
    %get3A_45 = arith.constant 0 : index
    %get3A_46 = arith.constant 0 : index
    %get3A_47 = vector.load %arg5[%get3A_45, %get3A_46] : memref<128x128xf32, #tpu.memory_space<vmem>>, vector<128x128xf32>
    %dot_general3A_48 = arith.constant dense<0.000000e+00> : vector<1000x128xf32>
    %dot_general3A_49 = tpu.matmul %mul3A_24, %get3A_47, %dot_general3A_48 {dimension_numbers = #tpu.dot_dimension_numbers<[1], [0], [0], [1], [0, 0, 1, 1], [], []>, transpose_lhs_hint = false} : vector<1000x128xf32>, vector<128x128xf32>, vector<1000x128xf32> -> vector<1000x128xf32>
    %add3A_50 = arith.addf %dot_general3A_44, %dot_general3A_49 : vector<1000x128xf32>
    %get3A_51 = arith.constant 0 : index
    %get3A_52 = arith.constant 0 : index
    %get3A_53 = vector.load %arg6[%get3A_51, %get3A_52] : memref<16x128xf32, #tpu.memory_space<vmem>>, vector<16x128xf32>
    %dot_general3A_54 = arith.constant dense<0.000000e+00> : vector<1000x128xf32>
    %dot_general3A_55 = tpu.matmul %mul3A_37, %get3A_53, %dot_general3A_54 {dimension_numbers = #tpu.dot_dimension_numbers<[1], [0], [0], [1], [0, 0, 1, 1], [], []>, transpose_lhs_hint = false} : vector<1000x16xf32>, vector<16x128xf32>, vector<1000x128xf32> -> vector<1000x128xf32>
    %add3A_56 = arith.addf %add3A_50, %dot_general3A_55 : vector<1000x128xf32>
    %get3A_57 = arith.constant 0 : index
    %get3A_58 = arith.constant 0 : index
    %get3A_59 = vector.load %arg7[%get3A_57, %get3A_58] : memref<1x128xf32, #tpu.memory_space<vmem>>, vector<1x128xf32>
    %add3A_60 = vector.broadcast %get3A_59 : vector<1x128xf32> to vector<1000x128xf32>
    %add3A_61 = arith.addf %add3A_56, %add3A_60 : vector<1000x128xf32>
    %swap3A = arith.constant 0 : index
    %swap3A_62 = arith.constant 0 : index
    %swap3A_63 = vector.load %arg8[%swap3A, %swap3A_62] : memref<1000x128xf32, #tpu.memory_space<vmem>>, vector<1000x128xf32>
    tpu.vector_store %arg8[%swap3A, %swap3A_62], %add3A_61 {strides = array<i32>} : memref<1000x128xf32, #tpu.memory_space<vmem>>, vector<1000x128xf32>,
    %swap3A_64 = arith.constant 0 : index
    %swap3A_65 = arith.constant 0 : index
    %swap3A_66 = arith.constant 0 : index
    %swap3A_67 = vector.load %arg9[%swap3A_64, %swap3A_65, %swap3A_66] : memref<1x1x1000xf32, #tpu.memory_space<vmem>>, vector<1x1x1000xf32>
    %swap3A_68 = vector.shape_cast %swap3A_67 : vector<1x1x1000xf32> to vector<1000xf32>
    %swap3A_69 = vector.shape_cast %max3A_10 : vector<1000xf32> to vector<1x1x1000xf32>
    tpu.vector_store %arg9[%swap3A_64, %swap3A_65, %swap3A_66], %swap3A_69 {strides = array<i32>} : memref<1x1x1000xf32, #tpu.memory_space<vmem>>, vector<1x1x1000xf32>,
    return
  }
  func.func @transform_0(%arg0: i32) -> (i32, i32) {
    %c0_i32 = arith.constant 0 : i32
    %c0_i32_0 = arith.constant 0 : i32
    return %arg0, %c0_i32 : i32, i32
  }
  func.func @transform_1(%arg0: i32) -> (i32, i32, i32) {
    %c0_i32 = arith.constant 0 : i32
    %c0_i32_0 = arith.constant 0 : i32
    %c0_i32_1 = arith.constant 0 : i32
    return %c0_i32, %arg0, %c0_i32_0 : i32, i32, i32
  }
  func.func @transform_2(%arg0: i32) -> (i32, i32, i32) {
    %c0_i32 = arith.constant 0 : i32
    %c0_i32_0 = arith.constant 0 : i32
    %c0_i32_1 = arith.constant 0 : i32
    return %c0_i32, %arg0, %c0_i32_0 : i32, i32, i32
  }
  func.func @transform_3(%arg0: i32) -> (i32, i32) {
    %c0_i32 = arith.constant 0 : i32
    %c0_i32_0 = arith.constant 0 : i32
    %c0_i32_1 = arith.constant 0 : i32
    return %c0_i32, %c0_i32_0 : i32, i32
  }
  func.func @transform_4(%arg0: i32) -> (i32, i32) {
    %c0_i32 = arith.constant 0 : i32
    %c0_i32_0 = arith.constant 0 : i32
    %c0_i32_1 = arith.constant 0 : i32
    return %c0_i32, %c0_i32_0 : i32, i32
  }
  func.func @transform_5(%arg0: i32) -> (i32, i32) {
    %c0_i32 = arith.constant 0 : i32
    %c0_i32_0 = arith.constant 0 : i32
    %c0_i32_1 = arith.constant 0 : i32
    return %c0_i32, %c0_i32_0 : i32, i32
  }
  func.func @transform_6(%arg0: i32) -> (i32, i32) {
    %c0_i32 = arith.constant 0 : i32
    %c0_i32_0 = arith.constant 0 : i32
    %c0_i32_1 = arith.constant 0 : i32
    return %c0_i32, %c0_i32_0 : i32, i32
  }
  func.func @transform_7(%arg0: i32) -> (i32, i32) {
    %c0_i32 = arith.constant 0 : i32
    %c0_i32_0 = arith.constant 0 : i32
    return %arg0, %c0_i32 : i32, i32
  }
  func.func @transform_8(%arg0: i32) -> (i32, i32, i32) {
    %c0_i32 = arith.constant 0 : i32
    %c0_i32_0 = arith.constant 0 : i32
    %c0_i32_1 = arith.constant 0 : i32
    return %arg0, %c0_i32, %c0_i32_0 : i32, i32, i32
  }
}

module attributes {stable_mosaic.version = 14 : i64} {
  func.func @_tc_g2_body(%arg0: i32, %arg1: memref<2x1000x128xf32, #tpu.memory_space<vmem>>, %arg2: memref<1x1x1000xf32, #tpu.memory_space<vmem>>, %arg3: memref<128x128xf32, #tpu.memory_space<vmem>>, %arg4: memref<1x128xf32, #tpu.memory_space<vmem>>, %arg5: memref<1000x128xf32, #tpu.memory_space<vmem>>) attributes {dimension_semantics = [#tpu.dimension_semantics<arbitrary>], iteration_bounds = array<i64: 10>, scalar_prefetch = 0 : i64, scratch_operands = 0 : i64, tpu.core_type = #tpu.core_type<tc>, window_params = [{transform_indices = @transform_0, window_bounds = array<i64: 2, 1000, 128>}, {transform_indices = @transform_1, window_bounds = array<i64: 1, 1, 1000>}, {pipeline_mode = #tpu.pipeline_mode<synchronous>, transform_indices = @transform_2, window_bounds = array<i64: 128, 128>}, {pipeline_mode = #tpu.pipeline_mode<synchronous>, transform_indices = @transform_3, window_bounds = array<i64: 1, 128>}, {transform_indices = @transform_4, window_bounds = array<i64: 1000, 128>}]} {
    %get3A = arith.constant 0 : index
    %get3A_0 = arith.constant 0 : index
    %get3A_1 = arith.constant 0 : index
    %get3A_2 = vector.load %arg1[%get3A, %get3A_0, %get3A_1] : memref<2x1000x128xf32, #tpu.memory_space<vmem>>, vector<1x1000x128xf32>
    %get3A_3 = vector.shape_cast %get3A_2 : vector<1x1000x128xf32> to vector<1000x128xf32>
    %get3A_4 = arith.constant 1 : index
    %get3A_5 = arith.constant 0 : index
    %get3A_6 = arith.constant 0 : index
    %get3A_7 = vector.load %arg1[%get3A_4, %get3A_5, %get3A_6] : memref<2x1000x128xf32, #tpu.memory_space<vmem>>, vector<1x1000x128xf32>
    %get3A_8 = vector.shape_cast %get3A_7 : vector<1x1000x128xf32> to vector<1000x128xf32>
    %add3A = arith.addf %get3A_3, %get3A_8 : vector<1000x128xf32>
    %get3A_9 = arith.constant 0 : index
    %get3A_10 = arith.constant 0 : index
    %get3A_11 = arith.constant 0 : index
    %get3A_12 = vector.load %arg2[%get3A_9, %get3A_10, %get3A_11] : memref<1x1x1000xf32, #tpu.memory_space<vmem>>, vector<1x1x1000xf32>
    %get3A_13 = vector.shape_cast %get3A_12 : vector<1x1x1000xf32> to vector<1000xf32>
    %max3A = arith.constant 1.000000e+00 : f32
    %max3A_14 = vector.broadcast %max3A : f32 to vector<1000xf32>
    %max3A_15 = arith.maximumf %get3A_13, %max3A_14 : vector<1000xf32>
    %div3A = arith.constant 1.000000e+00 : f32
    %div3A_16 = vector.broadcast %div3A : f32 to vector<1000xf32>
    %div3A_17 = arith.divf %div3A_16, %max3A_15 : vector<1000xf32>
    %broadcast_in_dim3A = vector.shape_cast %div3A_17 : vector<1000xf32> to vector<1000x1xf32>
    %mul3A = vector.broadcast %broadcast_in_dim3A : vector<1000x1xf32> to vector<1000x128xf32>
    %mul3A_18 = arith.mulf %add3A, %mul3A : vector<1000x128xf32>
    %get3A_19 = arith.constant 0 : index
    %get3A_20 = arith.constant 0 : index
    %get3A_21 = vector.load %arg3[%get3A_19, %get3A_20] : memref<128x128xf32, #tpu.memory_space<vmem>>, vector<128x128xf32>
    %dot_general3A = arith.constant dense<0.000000e+00> : vector<1000x128xf32>
    %dot_general3A_22 = tpu.matmul %mul3A_18, %get3A_21, %dot_general3A {dimension_numbers = #tpu.dot_dimension_numbers<[1], [0], [0], [1], [0, 0, 1, 1], [], []>, transpose_lhs_hint = false} : vector<1000x128xf32>, vector<128x128xf32>, vector<1000x128xf32> -> vector<1000x128xf32>
    %get3A_23 = arith.constant 0 : index
    %get3A_24 = arith.constant 0 : index
    %get3A_25 = vector.load %arg4[%get3A_23, %get3A_24] : memref<1x128xf32, #tpu.memory_space<vmem>>, vector<1x128xf32>
    %add3A_26 = vector.broadcast %get3A_25 : vector<1x128xf32> to vector<1000x128xf32>
    %add3A_27 = arith.addf %dot_general3A_22, %add3A_26 : vector<1000x128xf32>
    %swap3A = arith.constant 0 : index
    %swap3A_28 = arith.constant 0 : index
    %swap3A_29 = vector.load %arg5[%swap3A, %swap3A_28] : memref<1000x128xf32, #tpu.memory_space<vmem>>, vector<1000x128xf32>
    tpu.vector_store %arg5[%swap3A, %swap3A_28], %add3A_27 {strides = array<i32>} : memref<1000x128xf32, #tpu.memory_space<vmem>>, vector<1000x128xf32>,
    return
  }
  func.func @transform_0(%arg0: i32) -> (i32, i32, i32) {
    %c0_i32 = arith.constant 0 : i32
    %c0_i32_0 = arith.constant 0 : i32
    %c0_i32_1 = arith.constant 0 : i32
    return %c0_i32, %arg0, %c0_i32_0 : i32, i32, i32
  }
  func.func @transform_1(%arg0: i32) -> (i32, i32, i32) {
    %c0_i32 = arith.constant 0 : i32
    %c0_i32_0 = arith.constant 0 : i32
    %c0_i32_1 = arith.constant 0 : i32
    return %arg0, %c0_i32, %c0_i32_0 : i32, i32, i32
  }
  func.func @transform_2(%arg0: i32) -> (i32, i32) {
    %c0_i32 = arith.constant 0 : i32
    %c0_i32_0 = arith.constant 0 : i32
    %c0_i32_1 = arith.constant 0 : i32
    return %c0_i32, %c0_i32_0 : i32, i32
  }
  func.func @transform_3(%arg0: i32) -> (i32, i32) {
    %c0_i32 = arith.constant 0 : i32
    %c0_i32_0 = arith.constant 0 : i32
    %c0_i32_1 = arith.constant 0 : i32
    return %c0_i32, %c0_i32_0 : i32, i32
  }
  func.func @transform_4(%arg0: i32) -> (i32, i32) {
    %c0_i32 = arith.constant 0 : i32
    %c0_i32_0 = arith.constant 0 : i32
    return %arg0, %c0_i32 : i32, i32
  }
}

module attributes {stable_mosaic.version = 14 : i64} {
  func.func @_tc_mm2_body(%arg0: i32, %arg1: memref<2048x128xf32, #tpu.memory_space<vmem>>, %arg2: memref<2048x128xf32, #tpu.memory_space<vmem>>, %arg3: memref<128x128xf32, #tpu.memory_space<vmem>>, %arg4: memref<2048x128xf32, #tpu.memory_space<vmem>>, %arg5: memref<2048x128xf32, #tpu.memory_space<vmem>>) attributes {dimension_semantics = [#tpu.dimension_semantics<arbitrary>], iteration_bounds = array<i64: 160>, scalar_prefetch = 0 : i64, scratch_operands = 0 : i64, tpu.core_type = #tpu.core_type<tc>, window_params = [{transform_indices = @transform_0, window_bounds = array<i64: 2048, 128>}, {transform_indices = @transform_1, window_bounds = array<i64: 2048, 128>}, {pipeline_mode = #tpu.pipeline_mode<synchronous>, transform_indices = @transform_2, window_bounds = array<i64: 128, 128>}, {transform_indices = @transform_3, window_bounds = array<i64: 2048, 128>}, {transform_indices = @transform_4, window_bounds = array<i64: 2048, 128>}]} {
    %get3A = arith.constant 0 : index
    %get3A_0 = arith.constant 0 : index
    %get3A_1 = vector.load %arg1[%get3A, %get3A_0] : memref<2048x128xf32, #tpu.memory_space<vmem>>, vector<2048x128xf32>
    %get3A_2 = arith.constant 0 : index
    %get3A_3 = arith.constant 0 : index
    %get3A_4 = vector.load %arg3[%get3A_2, %get3A_3] : memref<128x128xf32, #tpu.memory_space<vmem>>, vector<128x128xf32>
    %dot_general3A = arith.constant dense<0.000000e+00> : vector<2048x128xf32>
    %dot_general3A_5 = tpu.matmul %get3A_1, %get3A_4, %dot_general3A {dimension_numbers = #tpu.dot_dimension_numbers<[1], [0], [0], [1], [0, 0, 1, 1], [], []>, transpose_lhs_hint = false} : vector<2048x128xf32>, vector<128x128xf32>, vector<2048x128xf32> -> vector<2048x128xf32>
    %swap3A = arith.constant 0 : index
    %swap3A_6 = arith.constant 0 : index
    %swap3A_7 = vector.load %arg4[%swap3A, %swap3A_6] : memref<2048x128xf32, #tpu.memory_space<vmem>>, vector<2048x128xf32>
    tpu.vector_store %arg4[%swap3A, %swap3A_6], %dot_general3A_5 {strides = array<i32>} : memref<2048x128xf32, #tpu.memory_space<vmem>>, vector<2048x128xf32>,
    %get3A_8 = arith.constant 0 : index
    %get3A_9 = arith.constant 0 : index
    %get3A_10 = vector.load %arg2[%get3A_8, %get3A_9] : memref<2048x128xf32, #tpu.memory_space<vmem>>, vector<2048x128xf32>
    %get3A_11 = arith.constant 0 : index
    %get3A_12 = arith.constant 0 : index
    %get3A_13 = vector.load %arg3[%get3A_11, %get3A_12] : memref<128x128xf32, #tpu.memory_space<vmem>>, vector<128x128xf32>
    %dot_general3A_14 = arith.constant dense<0.000000e+00> : vector<2048x128xf32>
    %dot_general3A_15 = tpu.matmul %get3A_10, %get3A_13, %dot_general3A_14 {dimension_numbers = #tpu.dot_dimension_numbers<[1], [0], [0], [1], [0, 0, 1, 1], [], []>, transpose_lhs_hint = false} : vector<2048x128xf32>, vector<128x128xf32>, vector<2048x128xf32> -> vector<2048x128xf32>
    %swap3A_16 = arith.constant 0 : index
    %swap3A_17 = arith.constant 0 : index
    %swap3A_18 = vector.load %arg5[%swap3A_16, %swap3A_17] : memref<2048x128xf32, #tpu.memory_space<vmem>>, vector<2048x128xf32>
    tpu.vector_store %arg5[%swap3A_16, %swap3A_17], %dot_general3A_15 {strides = array<i32>} : memref<2048x128xf32, #tpu.memory_space<vmem>>, vector<2048x128xf32>,
    return
  }
  func.func @transform_0(%arg0: i32) -> (i32, i32) {
    %c0_i32 = arith.constant 0 : i32
    %c0_i32_0 = arith.constant 0 : i32
    return %arg0, %c0_i32 : i32, i32
  }
  func.func @transform_1(%arg0: i32) -> (i32, i32) {
    %c0_i32 = arith.constant 0 : i32
    %c0_i32_0 = arith.constant 0 : i32
    return %arg0, %c0_i32 : i32, i32
  }
  func.func @transform_2(%arg0: i32) -> (i32, i32) {
    %c0_i32 = arith.constant 0 : i32
    %c0_i32_0 = arith.constant 0 : i32
    %c0_i32_1 = arith.constant 0 : i32
    return %c0_i32, %c0_i32_0 : i32, i32
  }
  func.func @transform_3(%arg0: i32) -> (i32, i32) {
    %c0_i32 = arith.constant 0 : i32
    %c0_i32_0 = arith.constant 0 : i32
    return %arg0, %c0_i32 : i32, i32
  }
  func.func @transform_4(%arg0: i32) -> (i32, i32) {
    %c0_i32 = arith.constant 0 : i32
    %c0_i32_0 = arith.constant 0 : i32
    return %arg0, %c0_i32 : i32, i32
  }
}

module attributes {stable_mosaic.version = 14 : i64} {
  func.func @_tc_u_body(%arg0: i32, %arg1: memref<2x1000x128xf32, #tpu.memory_space<vmem>>, %arg2: memref<2x1000x128xf32, #tpu.memory_space<vmem>>, %arg3: memref<2x1000x128xf32, #tpu.memory_space<vmem>>, %arg4: memref<1x1x1000xf32, #tpu.memory_space<vmem>>, %arg5: memref<128x1xf32, #tpu.memory_space<vmem>>, %arg6: memref<128x1xf32, #tpu.memory_space<vmem>>, %arg7: memref<1x1x1000xf32, #tpu.memory_space<vmem>>, %arg8: memref<1x1x1000xf32, #tpu.memory_space<vmem>>) attributes {dimension_semantics = [#tpu.dimension_semantics<arbitrary>], iteration_bounds = array<i64: 10>, scalar_prefetch = 0 : i64, scratch_operands = 0 : i64, tpu.core_type = #tpu.core_type<tc>, window_params = [{transform_indices = @transform_0, window_bounds = array<i64: 2, 1000, 128>}, {transform_indices = @transform_1, window_bounds = array<i64: 2, 1000, 128>}, {transform_indices = @transform_2, window_bounds = array<i64: 2, 1000, 128>}, {transform_indices = @transform_3, window_bounds = array<i64: 1, 1, 1000>}, {pipeline_mode = #tpu.pipeline_mode<synchronous>, transform_indices = @transform_4, window_bounds = array<i64: 128, 1>}, {pipeline_mode = #tpu.pipeline_mode<synchronous>, transform_indices = @transform_5, window_bounds = array<i64: 128, 1>}, {transform_indices = @transform_6, window_bounds = array<i64: 1, 1, 1000>}, {transform_indices = @transform_7, window_bounds = array<i64: 1, 1, 1000>}]} {
    %get3A = arith.constant 0 : index
    %get3A_0 = arith.constant 0 : index
    %get3A_1 = arith.constant 0 : index
    %get3A_2 = vector.load %arg3[%get3A, %get3A_0, %get3A_1] : memref<2x1000x128xf32, #tpu.memory_space<vmem>>, vector<1x1000x1xf32>
    %get3A_3 = vector.shape_cast %get3A_2 : vector<1x1000x1xf32> to vector<1000xf32>
    %get3A_4 = arith.constant 1 : index
    %get3A_5 = arith.constant 0 : index
    %get3A_6 = arith.constant 0 : index
    %get3A_7 = vector.load %arg3[%get3A_4, %get3A_5, %get3A_6] : memref<2x1000x128xf32, #tpu.memory_space<vmem>>, vector<1x1000x1xf32>
    %get3A_8 = vector.shape_cast %get3A_7 : vector<1x1000x1xf32> to vector<1000xf32>
    %add3A = arith.addf %get3A_3, %get3A_8 : vector<1000xf32>
    %max3A = arith.constant 1.000000e+00 : f32
    %max3A_9 = vector.broadcast %max3A : f32 to vector<1000xf32>
    %max3A_10 = arith.maximumf %add3A, %max3A_9 : vector<1000xf32>
    %get3A_11 = arith.constant 0 : index
    %get3A_12 = arith.constant 0 : index
    %get3A_13 = arith.constant 0 : index
    %get3A_14 = vector.load %arg1[%get3A_11, %get3A_12, %get3A_13] : memref<2x1000x128xf32, #tpu.memory_space<vmem>>, vector<1x1000x128xf32>
    %get3A_15 = vector.shape_cast %get3A_14 : vector<1x1000x128xf32> to vector<1000x128xf32>
    %get3A_16 = arith.constant 1 : index
    %get3A_17 = arith.constant 0 : index
    %get3A_18 = arith.constant 0 : index
    %get3A_19 = vector.load %arg1[%get3A_16, %get3A_17, %get3A_18] : memref<2x1000x128xf32, #tpu.memory_space<vmem>>, vector<1x1000x128xf32>
    %get3A_20 = vector.shape_cast %get3A_19 : vector<1x1000x128xf32> to vector<1000x128xf32>
    %add3A_21 = arith.addf %get3A_15, %get3A_20 : vector<1000x128xf32>
    %get3A_22 = arith.constant 0 : index
    %get3A_23 = arith.constant 0 : index
    %get3A_24 = vector.load %arg5[%get3A_22, %get3A_23] : memref<128x1xf32, #tpu.memory_space<vmem>>, vector<128x1xf32>
    %dot_general3A = arith.constant dense<0.000000e+00> : vector<1000x1xf32>
    %dot_general3A_25 = tpu.matmul %add3A_21, %get3A_24, %dot_general3A {dimension_numbers = #tpu.dot_dimension_numbers<[1], [0], [0], [1], [0, 0, 1, 1], [], []>, transpose_lhs_hint = false} : vector<1000x128xf32>, vector<128x1xf32>, vector<1000x1xf32> -> vector<1000x1xf32>
    %get3A_26 = arith.constant 0 : index
    %get3A_27 = arith.constant 0 : index
    %get3A_28 = arith.constant 0 : index
    %get3A_29 = vector.load %arg2[%get3A_26, %get3A_27, %get3A_28] : memref<2x1000x128xf32, #tpu.memory_space<vmem>>, vector<1x1000x128xf32>
    %get3A_30 = vector.shape_cast %get3A_29 : vector<1x1000x128xf32> to vector<1000x128xf32>
    %get3A_31 = arith.constant 1 : index
    %get3A_32 = arith.constant 0 : index
    %get3A_33 = arith.constant 0 : index
    %get3A_34 = vector.load %arg2[%get3A_31, %get3A_32, %get3A_33] : memref<2x1000x128xf32, #tpu.memory_space<vmem>>, vector<1x1000x128xf32>
    %get3A_35 = vector.shape_cast %get3A_34 : vector<1x1000x128xf32> to vector<1000x128xf32>
    %add3A_36 = arith.addf %get3A_30, %get3A_35 : vector<1000x128xf32>
    %get3A_37 = arith.constant 0 : index
    %get3A_38 = arith.constant 0 : index
    %get3A_39 = vector.load %arg6[%get3A_37, %get3A_38] : memref<128x1xf32, #tpu.memory_space<vmem>>, vector<128x1xf32>
    %dot_general3A_40 = arith.constant dense<0.000000e+00> : vector<1000x1xf32>
    %dot_general3A_41 = tpu.matmul %add3A_36, %get3A_39, %dot_general3A_40 {dimension_numbers = #tpu.dot_dimension_numbers<[1], [0], [0], [1], [0, 0, 1, 1], [], []>, transpose_lhs_hint = false} : vector<1000x128xf32>, vector<128x1xf32>, vector<1000x1xf32> -> vector<1000x1xf32>
    %squeeze3A = vector.shape_cast %dot_general3A_25 : vector<1000x1xf32> to vector<1000xf32>
    %div3A = arith.divf %squeeze3A, %max3A_10 : vector<1000xf32>
    %swap3A = arith.constant 0 : index
    %swap3A_42 = arith.constant 0 : index
    %swap3A_43 = arith.constant 0 : index
    %swap3A_44 = vector.load %arg7[%swap3A, %swap3A_42, %swap3A_43] : memref<1x1x1000xf32, #tpu.memory_space<vmem>>, vector<1x1x1000xf32>
    %swap3A_45 = vector.shape_cast %swap3A_44 : vector<1x1x1000xf32> to vector<1000xf32>
    %swap3A_46 = vector.shape_cast %div3A : vector<1000xf32> to vector<1x1x1000xf32>
    tpu.vector_store %arg7[%swap3A, %swap3A_42, %swap3A_43], %swap3A_46 {strides = array<i32>} : memref<1x1x1000xf32, #tpu.memory_space<vmem>>, vector<1x1x1000xf32>,
    %squeeze3A_47 = vector.shape_cast %dot_general3A_41 : vector<1000x1xf32> to vector<1000xf32>
    %get3A_48 = arith.constant 0 : index
    %get3A_49 = arith.constant 0 : index
    %get3A_50 = arith.constant 0 : index
    %get3A_51 = vector.load %arg4[%get3A_48, %get3A_49, %get3A_50] : memref<1x1x1000xf32, #tpu.memory_space<vmem>>, vector<1x1x1000xf32>
    %get3A_52 = vector.shape_cast %get3A_51 : vector<1x1x1000xf32> to vector<1000xf32>
    %max3A_53 = arith.constant 1.000000e+00 : f32
    %max3A_54 = vector.broadcast %max3A_53 : f32 to vector<1000xf32>
    %max3A_55 = arith.maximumf %get3A_52, %max3A_54 : vector<1000xf32>
    %div3A_56 = arith.divf %squeeze3A_47, %max3A_55 : vector<1000xf32>
    %swap3A_57 = arith.constant 0 : index
    %swap3A_58 = arith.constant 0 : index
    %swap3A_59 = arith.constant 0 : index
    %swap3A_60 = vector.load %arg8[%swap3A_57, %swap3A_58, %swap3A_59] : memref<1x1x1000xf32, #tpu.memory_space<vmem>>, vector<1x1x1000xf32>
    %swap3A_61 = vector.shape_cast %swap3A_60 : vector<1x1x1000xf32> to vector<1000xf32>
    %swap3A_62 = vector.shape_cast %div3A_56 : vector<1000xf32> to vector<1x1x1000xf32>
    tpu.vector_store %arg8[%swap3A_57, %swap3A_58, %swap3A_59], %swap3A_62 {strides = array<i32>} : memref<1x1x1000xf32, #tpu.memory_space<vmem>>, vector<1x1x1000xf32>,
    return
  }
  func.func @transform_0(%arg0: i32) -> (i32, i32, i32) {
    %c0_i32 = arith.constant 0 : i32
    %c0_i32_0 = arith.constant 0 : i32
    %c0_i32_1 = arith.constant 0 : i32
    return %c0_i32, %arg0, %c0_i32_0 : i32, i32, i32
  }
  func.func @transform_1(%arg0: i32) -> (i32, i32, i32) {
    %c0_i32 = arith.constant 0 : i32
    %c0_i32_0 = arith.constant 0 : i32
    %c0_i32_1 = arith.constant 0 : i32
    return %c0_i32, %arg0, %c0_i32_0 : i32, i32, i32
  }
  func.func @transform_2(%arg0: i32) -> (i32, i32, i32) {
    %c0_i32 = arith.constant 0 : i32
    %c0_i32_0 = arith.constant 0 : i32
    %c0_i32_1 = arith.constant 0 : i32
    return %c0_i32, %arg0, %c0_i32_0 : i32, i32, i32
  }
  func.func @transform_3(%arg0: i32) -> (i32, i32, i32) {
    %c0_i32 = arith.constant 0 : i32
    %c0_i32_0 = arith.constant 0 : i32
    %c0_i32_1 = arith.constant 0 : i32
    return %arg0, %c0_i32, %c0_i32_0 : i32, i32, i32
  }
  func.func @transform_4(%arg0: i32) -> (i32, i32) {
    %c0_i32 = arith.constant 0 : i32
    %c0_i32_0 = arith.constant 0 : i32
    %c0_i32_1 = arith.constant 0 : i32
    return %c0_i32, %c0_i32_0 : i32, i32
  }
  func.func @transform_5(%arg0: i32) -> (i32, i32) {
    %c0_i32 = arith.constant 0 : i32
    %c0_i32_0 = arith.constant 0 : i32
    %c0_i32_1 = arith.constant 0 : i32
    return %c0_i32, %c0_i32_0 : i32, i32
  }
  func.func @transform_6(%arg0: i32) -> (i32, i32, i32) {
    %c0_i32 = arith.constant 0 : i32
    %c0_i32_0 = arith.constant 0 : i32
    %c0_i32_1 = arith.constant 0 : i32
    return %arg0, %c0_i32, %c0_i32_0 : i32, i32, i32
  }
  func.func @transform_7(%arg0: i32) -> (i32, i32, i32) {
    %c0_i32 = arith.constant 0 : i32
    %c0_i32_0 = arith.constant 0 : i32
    %c0_i32_1 = arith.constant 0 : i32
    return %arg0, %c0_i32, %c0_i32_0 : i32, i32, i32
  }
}

module attributes {stable_mosaic.version = 14 : i64} {
  func.func @_tc_loss_body(%arg0: memref<1024xf32, #tpu.memory_space<vmem>>, %arg1: memref<1024xf32, #tpu.memory_space<vmem>>, %arg2: memref<1024xf32, #tpu.memory_space<vmem>>, %arg3: memref<5x1024xf32, #tpu.memory_space<vmem>>, %arg4: memref<1x16xf32, #tpu.memory_space<vmem>>, %arg5: memref<16x1xf32, #tpu.memory_space<vmem>>, %arg6: memref<1x1xf32, #tpu.memory_space<vmem>>, %arg7: memref<1x1xf32, #tpu.memory_space<vmem>>) attributes {dimension_semantics = [], scalar_prefetch = 0 : i64, scratch_operands = 0 : i64, tpu.core_type = #tpu.core_type<tc>} {
    %get3A = arith.constant 0 : index
    %get3A_0 = vector.load %arg2[%get3A] : memref<1024xf32, #tpu.memory_space<vmem>>, vector<1024xf32>
    %broadcast_in_dim3A = vector.shape_cast %get3A_0 : vector<1024xf32> to vector<1024x1xf32>
    %get3A_1 = arith.constant 0 : index
    %get3A_2 = arith.constant 0 : index
    %get3A_3 = vector.load %arg4[%get3A_1, %get3A_2] : memref<1x16xf32, #tpu.memory_space<vmem>>, vector<1x16xf32>
    %mul3A = vector.broadcast %broadcast_in_dim3A : vector<1024x1xf32> to vector<1024x16xf32>
    %mul3A_4 = vector.broadcast %get3A_3 : vector<1x16xf32> to vector<1024x16xf32>
    %mul3A_5 = arith.mulf %mul3A, %mul3A_4 : vector<1024x16xf32>
    %cos3A = math.cos %mul3A_5 : vector<1024x16xf32>
    %get3A_6 = arith.constant 0 : index
    %get3A_7 = arith.constant 0 : index
    %get3A_8 = vector.load %arg5[%get3A_6, %get3A_7] : memref<16x1xf32, #tpu.memory_space<vmem>>, vector<16x1xf32>
    %dot_general3A = arith.constant dense<0.000000e+00> : vector<1024x1xf32>
    %dot_general3A_9 = tpu.matmul %cos3A, %get3A_8, %dot_general3A {dimension_numbers = #tpu.dot_dimension_numbers<[1], [0], [0], [1], [0, 0, 1, 1], [], []>, transpose_lhs_hint = false} : vector<1024x16xf32>, vector<16x1xf32>, vector<1024x1xf32> -> vector<1024x1xf32>
    %squeeze3A = vector.shape_cast %dot_general3A_9 : vector<1024x1xf32> to vector<1024xf32>
    %get3A_10 = arith.constant 0 : index
    %get3A_11 = vector.load %arg0[%get3A_10] : memref<1024xf32, #tpu.memory_space<vmem>>, vector<1024xf32>
    %add3A = arith.addf %get3A_11, %squeeze3A : vector<1024xf32>
    %get3A_12 = arith.constant 0 : index
    %get3A_13 = arith.constant 0 : index
    %get3A_14 = vector.load %arg6[%get3A_12, %get3A_13] : memref<1x1xf32, #tpu.memory_space<vmem>>, vector<1x1xf32>
    %get3A_15 = vector.extract %get3A_14[0, 0] : f32 from vector<1x1xf32>
    %add3A_16 = vector.broadcast %get3A_15 : f32 to vector<1024xf32>
    %add3A_17 = arith.addf %add3A, %add3A_16 : vector<1024xf32>
    %get3A_18 = arith.constant 0 : index
    %get3A_19 = vector.load %arg1[%get3A_18] : memref<1024xf32, #tpu.memory_space<vmem>>, vector<1024xf32>
    %add3A_20 = arith.addf %add3A_17, %get3A_19 : vector<1024xf32>
    %broadcast_in_dim3A_21 = vector.shape_cast %add3A_17 : vector<1024xf32> to vector<1x1024xf32>
    %get3A_22 = arith.constant 0 : index
    %get3A_23 = arith.constant 0 : index
    %get3A_24 = vector.load %arg3[%get3A_22, %get3A_23] : memref<5x1024xf32, #tpu.memory_space<vmem>>, vector<5x1024xf32>
    %add3A_25 = vector.broadcast %broadcast_in_dim3A_21 : vector<1x1024xf32> to vector<5x1024xf32>
    %add3A_26 = arith.addf %add3A_25, %get3A_24 : vector<5x1024xf32>
    %neg3A = arith.constant 0.000000e+00 : f32
    %neg3A_27 = vector.broadcast %neg3A : f32 to vector<1024xf32>
    %neg3A_28 = arith.subf %neg3A_27, %add3A_20 : vector<1024xf32>
    %max3A = arith.constant 0.000000e+00 : f32
    %max3A_29 = vector.broadcast %max3A : f32 to vector<1024xf32>
    %max3A_30 = arith.maximumf %neg3A_28, %max3A_29 : vector<1024xf32>
    %abs3A = math.absf %neg3A_28 : vector<1024xf32>
    %neg3A_31 = arith.constant 0.000000e+00 : f32
    %neg3A_32 = vector.broadcast %neg3A_31 : f32 to vector<1024xf32>
    %neg3A_33 = arith.subf %neg3A_32, %abs3A : vector<1024xf32>
    %exp3A = math.exp %neg3A_33 : vector<1024xf32>
    %log1p3A = math.log1p %exp3A : vector<1024xf32>
    %add3A_34 = arith.addf %max3A_30, %log1p3A : vector<1024xf32>
    %reduce_sum3A = vector.shape_cast %add3A_34 : vector<1024xf32> to vector<1x1024xf32>
    %reduce_sum3A_35 = arith.constant dense<0.000000e+00> : vector<1xf32>
    %reduce_sum3A_36 = vector.multi_reduction <add>, %reduce_sum3A, %reduce_sum3A_35 [1] : vector<1x1024xf32> to vector<1xf32>
    %reduce_sum3A_37 = vector.shape_cast %reduce_sum3A_36 : vector<1xf32> to vector<1x1xf32>
    %reduce_sum3A_38 = vector.extract %reduce_sum3A_37[0, 0] : f32 from vector<1x1xf32>
    %div3A = arith.constant 1.024000e+03 : f32
    %div3A_39 = arith.divf %reduce_sum3A_38, %div3A : f32
    %max3A_40 = arith.constant 0.000000e+00 : f32
    %max3A_41 = vector.broadcast %max3A_40 : f32 to vector<5x1024xf32>
    %max3A_42 = arith.maximumf %add3A_26, %max3A_41 : vector<5x1024xf32>
    %abs3A_43 = math.absf %add3A_26 : vector<5x1024xf32>
    %neg3A_44 = arith.constant 0.000000e+00 : f32
    %neg3A_45 = vector.broadcast %neg3A_44 : f32 to vector<5x1024xf32>
    %neg3A_46 = arith.subf %neg3A_45, %abs3A_43 : vector<5x1024xf32>
    %exp3A_47 = math.exp %neg3A_46 : vector<5x1024xf32>
    %log1p3A_48 = math.log1p %exp3A_47 : vector<5x1024xf32>
    %add3A_49 = arith.addf %max3A_42, %log1p3A_48 : vector<5x1024xf32>
    %reduce_sum3A_50 = vector.shape_cast %add3A_49 : vector<5x1024xf32> to vector<1x5x1024xf32>
    %reduce_sum3A_51 = arith.constant dense<0.000000e+00> : vector<1xf32>
    %reduce_sum3A_52 = vector.multi_reduction <add>, %reduce_sum3A_50, %reduce_sum3A_51 [1, 2] : vector<1x5x1024xf32> to vector<1xf32>
    %reduce_sum3A_53 = vector.shape_cast %reduce_sum3A_52 : vector<1xf32> to vector<1x1x1xf32>
    %reduce_sum3A_54 = vector.extract %reduce_sum3A_53[0, 0, 0] : f32 from vector<1x1x1xf32>
    %div3A_55 = arith.constant 5.120000e+03 : f32
    %div3A_56 = arith.divf %reduce_sum3A_54, %div3A_55 : f32
    %add3A_57 = arith.addf %div3A_39, %div3A_56 : f32
    %broadcast_in_dim3A_58 = vector.broadcast %add3A_57 : f32 to vector<1x1xf32>
    %swap3A = arith.constant 0 : index
    %swap3A_59 = arith.constant 0 : index
    %swap3A_60 = vector.load %arg7[%swap3A, %swap3A_59] : memref<1x1xf32, #tpu.memory_space<vmem>>, vector<1x1xf32>
    tpu.vector_store %arg7[%swap3A, %swap3A_59], %broadcast_in_dim3A_58 {strides = array<i32>} : memref<1x1xf32, #tpu.memory_space<vmem>>, vector<1x1xf32>,
    return
  }
}

</mosaic_0001>

<sc_bundles>
// kernel: kernel.15.cloned.1.call-start
scs
__scs_entry_jumppad:
0x0: {  	(pc) =	sbr.rel $0x88, $3  }
0x1: {  	(tag) =	ssettag $0x0;
	lr =	simm.s32 $0x1  }
0x2: {  	[smem:$0x3F92] =	sst lr;
	_ =	strace $0xD0000000  }
0x3: {  	_ = 	snop  }
0x4: {  	_ = 	snop  }
0x5: {  	_ = 	snop  }
0x6: {  	_ = 	snop  }
0x7: {  	_ = 	snop  }
__scs_overlays_trampoline_lowered:
0x8: {  	[smem:$0x3FA1] =	sst s0  }
0x9: {  	[smem:$0x3FA2] =	sst s1  }
0xa: {  	[smem:$0x3FA3] =	sst s2  }
0xb: {  	[smem:$0x3FA4] =	sst s3  }
0xc: {  	[smem:$0x3FA5] =	sst s4  }
0xd: {  	[smem:$0x3FA6] =	sst s5  }
0xe: {  	[smem:$0x3FA7] =	sst s6  }
0xf: {  	[smem:$0x3FA8] =	sst s7  }
0x10: {  	[smem:$0x3FA9] =	sst s8  }
0x11: {  	[smem:$0x3FAA] =	sst s9;
	s0 =	simm.s32 @!p0 $0x0  }
0x12: {  	s1 =	sld [smem:$0x3F90];
	s0 =	simm.s32 @p0 $0x1  }
0x13: {  	[smem:$0x3FAB] =	sst s0;
	s0 =	simm.s32 @!p1 $0x0  }
0x14: {  	s2 =	sld [smem:$0x3F8F];
	s0 =	simm.s32 @p1 $0x1  }
0x15: {  	[smem:$0x3FAC] =	sst s0;
	s0 =	simm.s32 @!p2 $0x0  }
0x16: {  	s3 =	sld [smem:$0x3FDB];
	s0 =	simm.s32 @p2 $0x1  }
0x17: {  	s4 =	simm.s32 $0x1BF5;
	[smem:$0x3FAE] =	sst s0  }
0x18: {  	s0 =	sld [smem:$0x3F91];
	_ =	swait.ge [sflag:s4], $0x0  }
0x19: {  	s7 =	sld [smem:$0x3F92]  }
0x1a: {  	s8 =	sadd.s32 $0xFFFFE003, lr  }
0x1b: {  	s9 =	sadd.s32 $0xFFFFFEF7, lr;
	s5 =	simm.s32 $0xFFFFFFFF;
	p2 =	slt.u32 s8, $0xFFFFF086  }
0x1c: {  	p1 =	slt.u32 s9, $0xF7A;
	s5 =	simm.s32 @!p2 $0x0  }
0x1d: {  	s5 =	simm.s32 @p1 $0x1;
	p0 =	seq.s32 s7, s2  }
0x1e: {  	s7 =	smul.u32 @!p0 $0xF7A, s2;
	p2 =	seq.s32 @!p0 s5, $0x0  }
0x1f: {  	s9 =	smul.u32 $0xF7A, s1;
	s8 =	simm.s32 @!p0 $0x1BF5;
	p2 =	por !p2, p0  }
0x20: {  	[sflag:s8] =	ssyncset.s32 @!p0 $0xFFFFF086;
	s6 =	sadd.s32 @!p0 s3, s7;
	s7 =	simm.s32 @!p0 $0x108  }
0x21: {  	s3 =	sadd.s32 s3, s9;
	s6 =	sadd.s32 @!p0 $0x88, s6;
	s7 =	simm.s32 @p2 $0x1082  }
0x22: {  	[simem:s7], [sflag:s8] =	dma.local @!p0 [hbm:s6], $0xF7A  }
0x23: {  	s9 =	sor.u32 $0xD0000000, s2;
	s6 =	simm.s32 $0x108;
	_ =	swait.ge @!p0 [sflag:s8], $0x0  }
0x24: {  	s3 =	sadd.s32 $0x88, s3;
	s6 =	simm.s32 @!p1 $0x1082;
	[sflag:s4] =	ssyncset.s32 $0xFFFFF086  }
0x25: {  	[simem:s6], [sflag:s4] =	dma.local [hbm:s3], $0xF7A  }
0x26: {  	[smem:$0x3F92] =	sst s1;
	(tag) =	ssettag s2;
	_ =	strace s9  }
0x27: {  	s1 =	sld [smem:$0x3FA2]  }
0x28: {  	s2 =	sld [smem:$0x3FA3]  }
0x29: {  	s4 =	sld [smem:$0x3FA5]  }
0x2a: {  	p0 =	seq.s32 s5, $0x0;
	s5 =	sld [smem:$0x3FA6]  }
0x2b: {  	s6 =	sld [smem:$0x3FA7]  }
0x2c: {  	s7 =	sld [smem:$0x3FA8]  }
0x2d: {  	s3 =	simm.s32 $0x108;
	s8 =	sld [smem:$0x3FA9]  }
0x2e: {  	s3 =	simm.s32 @!p0 $0x1082;
	s9 =	sld [smem:$0x3FAA]  }
0x2f: {  	lr =	sadd.s32 s0, s3;
	s0 =	sld [smem:$0x3FA1]  }
0x30: {  	s3 =	sld [smem:$0x3FA4]  }
0x31: {  	[smem:$0x3FAD] =	sst s10  }
0x32: {  	s10 =	sld [smem:$0x3FAB];
	_ =	sdelay $0x3  }
0x33: {  	p0 =	seq.s32 s10, $0x1;
	s10 =	sld [smem:$0x3FAD];
	_ =	sdelay $0x3  }
0x34: {  	[smem:$0x3FAD] =	sst s10  }
0x35: {  	s10 =	sld [smem:$0x3FAC];
	_ =	sdelay $0x3  }
0x36: {  	p1 =	seq.s32 s10, $0x1;
	s10 =	sld [smem:$0x3FAD];
	_ =	sdelay $0x3  }
0x37: {  	[smem:$0x3FAD] =	sst s10  }
0x38: {  	s10 =	sld [smem:$0x3FAE]  }
0x39: {  	_ = 	snop;
	(pc) =	sbr.ind lr, $3  }
0x3a: {  	_ = 	snop  }
0x3b: {  	_ = 	snop  }
0x3c: {  	p2 =	seq.s32 s10, $0x1;
	s10 =	sld [smem:$0x3FAD]  }
0x3d: {  	_ =	shalt  }
0x3e: {  	_ =	shalt  }
0x3f: {  	_ =	shalt  }
0x40: {  	_ =	shalt  }
0x41: {  	_ =	shalt  }
0x42: {  	_ =	shalt  }
0x43: {  	_ =	shalt  }
0x44: {  	_ =	shalt  }
0x45: {  	_ =	shalt  }
0x46: {  	_ =	shalt  }
0x47: {  	_ =	shalt  }
0x48: {  	_ =	shalt  }
0x49: {  	_ =	shalt  }
0x4a: {  	_ =	shalt  }
0x4b: {  	_ =	shalt  }
0x4c: {  	_ =	shalt  }
0x4d: {  	_ =	shalt  }
0x4e: {  	_ =	shalt  }
0x4f: {  	_ =	shalt  }
0x50: {  	_ =	shalt  }
0x51: {  	_ =	shalt  }
0x52: {  	_ =	shalt  }
0x53: {  	_ =	shalt  }
0x54: {  	_ =	shalt  }
0x55: {  	_ =	shalt  }
0x56: {  	_ =	shalt  }
0x57: {  	_ =	shalt  }
0x58: {  	_ =	shalt  }
0x59: {  	_ =	shalt  }
0x5a: {  	_ =	shalt  }
0x5b: {  	_ =	shalt  }
0x5c: {  	_ =	shalt  }
0x5d: {  	_ =	shalt  }
0x5e: {  	_ =	shalt  }
0x5f: {  	_ =	shalt  }
0x60: {  	_ =	shalt  }
0x61: {  	_ =	shalt  }
0x62: {  	_ =	shalt  }
0x63: {  	_ =	shalt  }
0x64: {  	_ =	shalt  }
0x65: {  	_ =	shalt  }
0x66: {  	_ =	shalt  }
0x67: {  	_ =	shalt  }
0x68: {  	_ =	shalt  }
0x69: {  	_ =	shalt  }
0x6a: {  	_ =	shalt  }
0x6b: {  	_ =	shalt  }
0x6c: {  	_ =	shalt  }
0x6d: {  	_ =	shalt  }
0x6e: {  	_ =	shalt  }
0x6f: {  	_ =	shalt  }
0x70: {  	_ =	shalt  }
0x71: {  	_ =	shalt  }
0x72: {  	_ =	shalt  }
0x73: {  	_ =	shalt  }
0x74: {  	_ =	shalt  }
0x75: {  	_ =	shalt  }
0x76: {  	_ =	shalt  }
0x77: {  	_ =	shalt  }
0x78: {  	_ =	shalt  }
0x79: {  	_ =	shalt  }
0x7a: {  	_ =	shalt  }
0x7b: {  	_ =	shalt  }
0x7c: {  	_ =	shalt  }
0x7d: {  	_ =	shalt  }
0x7e: {  	_ =	shalt  }
0x7f: {  	_ =	shalt  }
0x80: {  	_ =	shalt  }
0x81: {  	_ =	shalt  }
0x82: {  	_ =	shalt  }
0x83: {  	_ =	shalt  }
0x84: {  	_ =	shalt  }
0x85: {  	_ =	shalt  }
0x86: {  	_ =	shalt  }
0x87: {  	_ =	shalt  }
.Lfunc_end0:
.L_simem_size_0:
called_computation_lowered:
.L_overlay_start_0:
0x88: {  	s2 =	sld [smem:$0x3FD9]  }
0x89: {  	s3 =	sld [smem:$0x3FFE];
	_ =	sdelay $0x1  }
0x8a: {  	s1 =	srdreg.scid  }
0x8b: {  	s0 =	sand.u32 $0x1, s1  }
0x8c: {  	s16 =	sshll.u32 s0, $0xA;
	s2 =	sadd.s32 s3, s2  }
0x8d: {  	s2 =	sadd.s32 s2, s16  }
0x8e: {  	[smem:$0x3FB9] =	sst s2  }
0x8f: {  	_ = 	snop  }
0x90: {  	(tm) =	ssettm $0x1  }
0x91: {  	s17 =	sld [smem:$0x3FFB];
	_ =	sdelay $0x3  }
0x92: {  	_ =	strace s17  }
0x93: {  	s2 =	sld [smem:$0x3FFC];
	_ =	sdelay $0x3  }
0x94: {  	_ =	strace s2  }
0x95: {  	s2 =	sld [smem:$0x3FFD];
	_ =	sdelay $0x3  }
0x96: {  	_ =	strace s2  }
0x97: {  	_ =	strace $0x8FFFFFFF  }
0x98: {  	s18 =	sld [smem:$0x3FDB];
	_ =	sdelay $0x1  }
0x99: {  	s19 =	simm.s32 $_scs_section_size  }
0x9a: {  	s4 =	simm.s32 $_size__tile_overlayer_lowered;
	s5 =	simm.s32 $_tile_overlayer_lowered  }
0x9b: {  	s22 =	simm.s32 $0x1BFF;
	s21 =	sshll.u32 s5, $0x1;
	s2 =	sadd.s32 s19, s18  }
0x9c: {  	s6 =	simm.s32 $0x0;
	s20 =	sshll.u32 s4, $0x1;
	s4 =	sadd.s32 s21, s2  }
0x9d: {  	[timem:s6], [sflag:s22] =	dma.local [hbm:s4], s20  }
0x9e: {  	_ =	swait.ge [sflag:s22], s20  }
0x9f: {  	s3 =	ssub.s32 $0x0, s20;
	[sflag:s22] =	ssyncset.done $0x0  }
0xa0: {  	[sflag:s22] =	ssyncadd.s32 s3;
	_ =	sdelay $0x1  }
0xa1: {  	s23 =	simm.s32 $0x1B8B  }
0xa2: {  	_ =	swait.ge [sflag:s23], $0x1  }
0xa3: {  	[sflag:s23] =	ssyncset.done $0x0  }
0xa4: {  	s25 =	simm.s32 $0x1B8E;
	s24 =	sld [smem:$0x3FFE];
	[sflag:s23] =	ssyncadd.s32 $0xFFFFFFFF  }
0xa5: {  	s26 =	simm.s32 $execute0_lowered;
	[smem:$0x3FD2] =	sst s25  }
0xa6: {  	s4 =	sshll.u32 s26, $0x1;
	_ =	strace $0x80000046;
	[dreg:$0x1] =	wrdreg $0xFFFFFFFF  }
0xa7: {  	s28 =	simm.s32 $_size_execute0_lowered;
	s2 =	sadd.s32 s2, s4;
	[dreg:$0x0] =	wrdreg $0x0  }
0xa8: {  	s4 =	sshll.u32 s28, $0x1;
	[dreg:$0x2] =	wrdreg s2  }
0xa9: {  	[dreg:$0x3] =	wrdreg s4  }
0xaa: {  	[dreg:$0x4] =	wrdreg $0xC0  }
0xab: {  	_ =	task [dreg:s6], $0x5FFFF  }
0xac: {  	[dreg:$0x1] =	wrdreg $0xFFFFFFFF  }
0xad: {  	[dreg:$0x0] =	wrdreg $0x60  }
0xae: {  	[dreg:$0x2] =	wrdreg s24  }
0xaf: {  	[dreg:$0x3] =	wrdreg $0x89000  }
0xb0: {  	[dreg:$0x4] =	wrdreg $0x9  }
0xb1: {  	_ =	task.clear_ibuf [dreg:s6], $0x5FFFF;
	_ =	strace $0x90000046  }
0xb2: {  	s29 =	simm.s32 $0x9;
	_ =	strace $0x80000048  }
0xb3: {  	_ =	swait.ge [sflag:s29], $0x1  }
0xb4: {  	[sflag:s29] =	ssyncadd.s32 $0xFFFFFFFF  }
0xb5: {  	_ =	strace $0x90000048  }
0xb6: {  	_ =	sfence  }
0xb7: {  	s30 =	sld [smem:$0x0];
	_ =	sdelay $0x2  }
0xb8: {  	s31 =	sshll.u32 s1, $0xD;
	s1 =	sshrl.u32 s1, $0x2  }
0xb9: {  	s3 =	sand.u32 $0x4000, s31;
	s1 =	sadd.s32 s1, s30  }
0xba: {  	s0 =	sor.u32 s3, s0;
	s1 =	sshll.u32 s1, $0x11  }
0xbb: {  	s0 =	sor.u32 s1, s0  }
0xbc: {  	s0 =	sadd.s32 $0x8F2B, s0  }
0xbd: {  	[sflag:s0] =	ssyncadd.remote.s32 $0x1  }
0xbe: {  	_ =	sfence.sel $0xFFFF  }
0xbf: {  	[dreg:$0x0] =	wrdreg $0xFFFFFFFF;
	(pc) =	sbr.abs _section_cstart, $3  }
0xc0: {  	[dreg:$0x1] =	wrdreg $0xFFFFFFFF  }
0xc1: {  	_ =	task.clear_ibuf [dreg:s6], $0x2FFFF;
	_ =	strace $0x9FFFFFFF  }
0xc2: {  	(tm) =	ssettm $0x7FFFFFFF  }
0xc3: {  	_ =	shalt  }
tec
execute0_lowered:
.L_overlay_start_1:
0x0: {  	(tag) =	ssettag $0x1  }
0x1: {  	s7 =	rddreg [dreg:$0x0]  }
0x2: {  	s1 =	rddreg [dreg:$0x1]  }
0x3: {  	s0 =	rddreg [dreg:$0x2];
	s2 =	simm.s32 $0x0  }
0x4: {  	s3 =	srdreg.scid;
	s15 =	simm.s32 $0x3;
	s16 =	simm.s32 $0x400  }
0x5: {  	s17 =	simm.s32 $0x80;
	s18 =	simm.s32 $0x800;
	s19 =	simm.s32 $0x4900  }
0x6: {  	s20 =	simm.s32 $0x880;
	s21 =	simm.s32 $0x1;
	s22 =	simm.s32 $0x2  }
0x7: {  	[smem:$0x7FF] =	sst s2;
	s8 =	sand.u32 $0x1, s3;
	s3 =	stileid.u32  }
0x8: {  	s4 =	sadd.s32 $0x2DA00, s7;
	s5 =	sadd.s32 $0x23A00, s7;
	s9 =	smul.u32 $0x28000, s8  }
0x9: {  	s6 =	sadd.s32 $0x19A00, s7;
	_ =	strace $0x80000047;
	s10 =	smul.u32 $0x50000, s3  }
0xa: {  	s30 =	ssub.s32 $0x2, s8;
	s8 =	sshll.u32 s8, $0x4;
	s24 =	smul.u32 $0x2800, s3  }
0xb: {  	s31 =	sshrl.u32 s30, $0x1;
	s12 =	sor.u32 s3, s8;
	s13 =	sadd.s32 s9, s7  }
0xc: {  	s10 =	sshrl.u32 s10, $0x2;
	s14 =	ssub.s32 s30, s31;
	s12 =	smul.u32 $0xA, s12  }
0xd: {  	s7 =	sadd.s32 s10, s1;
	s23 =	sadd.s32 $0x55A00, s13;
	s13 =	smax.u32 s14, $0x1  }
0xe: {  	s14 =	simm.s32 $0x900;
	s8 =	sadd.s32 $0x4000, s7;
	s9 =	sadd.s32 $0x8000, s7  }
0xf: {  	v0 =	vimm.f32 $0.0e+00;
	s10 =	sadd.s32 $0xC000, s7;
	s11 =	sadd.s32 $0x10000, s7;
	s23 =	sadd.s32 s24, s23  }
.LBB2_1:
0x10: {  	s24 =	simm.s32 $0x0;
	s25 =	simm.s32 $0x200  }
.LBB2_2:
0x11: {  	p0 =	sne.s32 s25, $0xFE00;
	[tilespmem:s24+$0x970] =	vst v0  }
0x12: {  	[tilespmem:s24+$0x900] =	vst v0  }
0x13: {  	[tilespmem:s24+$0x910] =	vst v0  }
.Ltmp0:
0x14: {  	[tilespmem:s24+$0x920] =	vst v0;
	(pc) =	sbr.rel @p0 .LBB2_2-.Ltmp0, $4  }
0x15: {  	[tilespmem:s24+$0x930] =	vst v0  }
0x16: {  	[tilespmem:s24+$0x940] =	vst v0  }
0x17: {  	[tilespmem:s24+$0x950] =	vst v0  }
0x18: {  	[tilespmem:s24+$0x960] =	vst v0;
	s24 =	sshra.s32 s25, $0x2;
	s25 =	sadd.s32 $0x200, s25  }
0x19: {  	[tilespmem:s24+$0x970] =	vst v0  }
0x1a: {  	[tilespmem:s24+$0x900] =	vst v0  }
0x1b: {  	[tilespmem:s24+$0x910] =	vst v0  }
0x1c: {  	[tilespmem:s24+$0x920] =	vst v0  }
0x1d: {  	[tilespmem:s24+$0x930] =	vst v0  }
0x1e: {  	[tilespmem:s24+$0x940] =	vst v0  }
0x1f: {  	[tilespmem:s24+$0x950] =	vst v0  }
0x20: {  	[tilespmem:s24+$0x960] =	vst v0  }
0x21: {  	[spmem:s7] =	stream.linear.scatter [tilespmem:s14], [sflag:$0x3], $0x4000, $0x38;
	[tilespmem:$0x1C900] =	vst v63  }
0x22: {  	_ =	swait.ge [sflag:s15], $0x4000  }
0x23: {  	[sflag:s15] =	ssyncset.done $0x0  }
0x24: {  	[sflag:s15] =	ssyncadd.s32 $0xFFFFC000  }
0x25: {  	[spmem:s8] =	stream.linear.scatter [tilespmem:s14], [sflag:$0x3], $0x4000, $0x38;
	[tilespmem:$0x1C900] =	vst v63  }
0x26: {  	_ =	swait.ge [sflag:s15], $0x4000  }
0x27: {  	[sflag:s15] =	ssyncset.done $0x0  }
0x28: {  	[sflag:s15] =	ssyncadd.s32 $0xFFFFC000  }
0x29: {  	[spmem:s9] =	stream.linear.scatter [tilespmem:s14], [sflag:$0x3], $0x4000, $0x38;
	[tilespmem:$0x1C900] =	vst v63  }
0x2a: {  	_ =	swait.ge [sflag:s15], $0x4000  }
0x2b: {  	[sflag:s15] =	ssyncset.done $0x0  }
0x2c: {  	[sflag:s15] =	ssyncadd.s32 $0xFFFFC000  }
0x2d: {  	[spmem:s10] =	stream.linear.scatter [tilespmem:s14], [sflag:$0x3], $0x4000, $0x38;
	[tilespmem:$0x1C900] =	vst v63  }
0x2e: {  	_ =	swait.ge [sflag:s15], $0x4000  }
0x2f: {  	[sflag:s15] =	ssyncset.done $0x0  }
0x30: {  	[sflag:s15] =	ssyncadd.s32 $0xFFFFC000  }
0x31: {  	[spmem:s11] =	stream.linear.scatter [tilespmem:s14], [sflag:$0x3], $0x4000, $0x38;
	[tilespmem:$0x1C900] =	vst v63  }
0x32: {  	_ =	swait.ge [sflag:s15], $0x4000  }
0x33: {  	[sflag:s15] =	ssyncset.done $0x0  }
0x34: {  	[sflag:s15] =	ssyncadd.s32 $0xFFFFC000  }
0x35: {  	s24 =	simm.s32 $0x0;
	s25 =	simm.s32 $0x0;
	[bflag:$0x0] =	sbarrier.arrive $0xFFFF  }
.LBB2_4:
0x36: {  	s26 =	sadd.s32 s12, s25  }
0x37: {  	s26 =	sshll.u32 s26, $0x7  }
0x38: {  	s28 =	sadd.s32 s5, s26  }
0x39: {  	[tilespmem:s24], [sflag:$0x3] =	stream.linear.gather [hbm4b:s28+s24], $0x400, $0x38;
	[tilespmem:$0x1C900] =	vst v63  }
0x3a: {  	_ =	swait.ge [sflag:s15], $0x400  }
0x3b: {  	[sflag:s15] =	ssyncset.done $0x0  }
0x3c: {  	s26 =	sadd.s32 s6, s26;
	[sflag:s15] =	ssyncadd.s32 $0xFFFFFC00  }
0x3d: {  	[tilespmem:s16], [sflag:$0x3] =	stream.linear.gather [hbm4b:s26+s24], $0x400, $0x38;
	[tilespmem:$0x1C900] =	vst v63  }
0x3e: {  	_ =	swait.ge [sflag:s15], $0x400  }
0x3f: {  	[sflag:s15] =	ssyncset.done $0x0  }
0x40: {  	s29 =	simm.s32 $0x0;
	[sflag:s15] =	ssyncadd.s32 $0xFFFFFC00  }
0x41: {  	v1 =	vld [tilespmem:s29+$0x400];
	_ =	sdelay $0x4  }
0x42: {  	[tilespmem:$0x800] =	vst v1  }
0x43: {  	v1 =	vld [tilespmem:s29+$0x410];
	_ =	sdelay $0x4  }
0x44: {  	[tilespmem:$0x810] =	vst v1  }
0x45: {  	v1 =	vld [tilespmem:s29+$0x420];
	_ =	sdelay $0x4  }
0x46: {  	[tilespmem:$0x820] =	vst v1  }
0x47: {  	v1 =	vld [tilespmem:s29+$0x430];
	_ =	sdelay $0x4  }
0x48: {  	[tilespmem:$0x830] =	vst v1  }
0x49: {  	v1 =	vld [tilespmem:s29+$0x440];
	_ =	sdelay $0x4  }
0x4a: {  	[tilespmem:$0x840] =	vst v1  }
0x4b: {  	v1 =	vld [tilespmem:s29+$0x450];
	_ =	sdelay $0x4  }
0x4c: {  	[tilespmem:$0x850] =	vst v1  }
0x4d: {  	v1 =	vld [tilespmem:s29+$0x460];
	_ =	sdelay $0x4  }
0x4e: {  	[tilespmem:$0x860] =	vst v1  }
0x4f: {  	v1 =	vld [tilespmem:s29+$0x470];
	_ =	sdelay $0x4  }
0x50: {  	[tilespmem:$0x870] =	vst v1  }
0x51: {  	[tilespmem:s14], [sflag:$0x3] =	stream.indirect.gather [hbm4b:s4+s17], $0x80, s29, s17, $0xb8;
	[tilespmem:$0x1C900] =	vst v63  }
0x52: {  	_ =	swait.ge [sflag:s15], $0x4000  }
0x53: {  	[sflag:s15] =	ssyncset.done $0x0  }
0x54: {  	[sflag:s15] =	ssyncadd.s32 $0xFFFFC000  }
0x55: {  	[spmem:s1] =	stream.indirect.scatter.add.f32 [tilespmem:s14], [sflag:$0x1], $0x80, s18, s17, $0xb8;
	[tilespmem:$0x1C900] =	vst v63  }
0x56: {  	v1 =	vld [tilespmem:s29+$0x480];
	_ =	sdelay $0x4  }
0x57: {  	[tilespmem:$0x880] =	vst v1  }
0x58: {  	v1 =	vld [tilespmem:s29+$0x490];
	_ =	sdelay $0x4  }
0x59: {  	[tilespmem:$0x890] =	vst v1  }
0x5a: {  	v1 =	vld [tilespmem:s29+$0x4A0];
	_ =	sdelay $0x4  }
0x5b: {  	[tilespmem:$0x8A0] =	vst v1  }
0x5c: {  	v1 =	vld [tilespmem:s29+$0x4B0];
	_ =	sdelay $0x4  }
0x5d: {  	[tilespmem:$0x8B0] =	vst v1  }
0x5e: {  	v1 =	vld [tilespmem:s29+$0x4C0];
	_ =	sdelay $0x4  }
0x5f: {  	[tilespmem:$0x8C0] =	vst v1  }
0x60: {  	v1 =	vld [tilespmem:s29+$0x4D0];
	_ =	sdelay $0x4  }
0x61: {  	[tilespmem:$0x8D0] =	vst v1  }
0x62: {  	v1 =	vld [tilespmem:s29+$0x4E0];
	_ =	sdelay $0x4  }
0x63: {  	[tilespmem:$0x8E0] =	vst v1  }
0x64: {  	v1 =	vld [tilespmem:s29+$0x4F0];
	_ =	sdelay $0x4  }
0x65: {  	s31 =	simm.s32 $0x80;
	[tilespmem:$0x8F0] =	vst v1  }
0x66: {  	[tilespmem:s19], [sflag:$0x3] =	stream.indirect.gather [hbm4b:s4+s17], $0x80, s31, s17, $0xb8;
	[tilespmem:$0x1C900] =	vst v63  }
0x67: {  	_ =	swait.ge [sflag:s15], $0x4000  }
0x68: {  	[sflag:s15] =	ssyncset.done $0x0  }
0x69: {  	[sflag:s15] =	ssyncadd.s32 $0xFFFFC000  }
0x6a: {  	[spmem:s1] =	stream.indirect.scatter.add.f32 [tilespmem:s19], [sflag:$0x2], $0x80, s20, s17, $0xb8;
	[tilespmem:$0x1C900] =	vst v63  }
0x6b: {  	_ =	swait.ge [sflag:s21], $0x4000  }
0x6c: {  	[sflag:s21] =	ssyncset.done $0x0  }
0x6d: {  	[sflag:s21] =	ssyncadd.s32 $0xFFFFC000  }
0x6e: {  	_ =	swait.ge [sflag:s22], $0x4000  }
0x6f: {  	s30 =	simm.s32 $0x800;
	s26 =	simm.s32 $0x400;
	[sflag:s22] =	ssyncset.done $0x0  }
.LBB2_5:
0x70: {  	s29 =	sshra.s32 s26, $0x2  }
0x71: {  	[sflag:s22] =	ssyncadd.s32 $0xFFFFC000;
	s26 =	smov.u32 s30;
	s28 =	sadd.s32 $0x400, s30  }
0x72: {  	p0 =	sne.s32 s30, $0xC00;
	v1 =	vld [tilespmem:s29+$0x400];
	_ =	sdelay $0x4  }
0x73: {  	[tilespmem:$0x800] =	vst v1  }
0x74: {  	v1 =	vld [tilespmem:s29+$0x410];
	_ =	sdelay $0x4  }
0x75: {  	[tilespmem:$0x810] =	vst v1  }
0x76: {  	v1 =	vld [tilespmem:s29+$0x420];
	_ =	sdelay $0x4  }
0x77: {  	[tilespmem:$0x820] =	vst v1  }
0x78: {  	v1 =	vld [tilespmem:s29+$0x430];
	_ =	sdelay $0x4  }
0x79: {  	[tilespmem:$0x830] =	vst v1  }
0x7a: {  	v1 =	vld [tilespmem:s29+$0x440];
	_ =	sdelay $0x4  }
0x7b: {  	[tilespmem:$0x840] =	vst v1  }
0x7c: {  	v1 =	vld [tilespmem:s29+$0x450];
	_ =	sdelay $0x4  }
0x7d: {  	[tilespmem:$0x850] =	vst v1  }
0x7e: {  	v1 =	vld [tilespmem:s29+$0x460];
	_ =	sdelay $0x4  }
0x7f: {  	[tilespmem:$0x860] =	vst v1  }
0x80: {  	v1 =	vld [tilespmem:s29+$0x470];
	_ =	sdelay $0x4  }
0x81: {  	[tilespmem:$0x870] =	vst v1  }
0x82: {  	[tilespmem:s14], [sflag:$0x3] =	stream.indirect.gather [hbm4b:s4+s17], $0x80, s29, s17, $0xb8;
	[tilespmem:$0x1C900] =	vst v63  }
0x83: {  	_ =	swait.ge [sflag:s15], $0x4000  }
0x84: {  	[sflag:s15] =	ssyncset.done $0x0  }
0x85: {  	[sflag:s15] =	ssyncadd.s32 $0xFFFFC000  }
0x86: {  	[spmem:s1] =	stream.indirect.scatter.add.f32 [tilespmem:s14], [sflag:$0x1], $0x80, s18, s17, $0xb8;
	[tilespmem:$0x1C900] =	vst v63  }
0x87: {  	v1 =	vld [tilespmem:s29+$0x480];
	_ =	sdelay $0x4  }
0x88: {  	[tilespmem:$0x880] =	vst v1  }
0x89: {  	v1 =	vld [tilespmem:s29+$0x490];
	_ =	sdelay $0x4  }
0x8a: {  	[tilespmem:$0x890] =	vst v1  }
0x8b: {  	v1 =	vld [tilespmem:s29+$0x4A0];
	_ =	sdelay $0x4  }
0x8c: {  	[tilespmem:$0x8A0] =	vst v1  }
0x8d: {  	v1 =	vld [tilespmem:s29+$0x4B0];
	_ =	sdelay $0x4  }
0x8e: {  	[tilespmem:$0x8B0] =	vst v1  }
0x8f: {  	v1 =	vld [tilespmem:s29+$0x4C0];
	_ =	sdelay $0x4  }
0x90: {  	[tilespmem:$0x8C0] =	vst v1  }
0x91: {  	v1 =	vld [tilespmem:s29+$0x4D0];
	_ =	sdelay $0x4  }
0x92: {  	[tilespmem:$0x8D0] =	vst v1  }
0x93: {  	v1 =	vld [tilespmem:s29+$0x4E0];
	_ =	sdelay $0x4  }
0x94: {  	[tilespmem:$0x8E0] =	vst v1  }
0x95: {  	v1 =	vld [tilespmem:s29+$0x4F0];
	_ =	sdelay $0x4  }
0x96: {  	s29 =	sadd.s32 $0x80, s29;
	[tilespmem:$0x8F0] =	vst v1  }
0x97: {  	[tilespmem:s19], [sflag:$0x3] =	stream.indirect.gather [hbm4b:s4+s17], $0x80, s29, s17, $0xb8;
	[tilespmem:$0x1C900] =	vst v63  }
0x98: {  	_ =	swait.ge [sflag:s15], $0x4000  }
0x99: {  	[sflag:s15] =	ssyncset.done $0x0  }
0x9a: {  	[sflag:s15] =	ssyncadd.s32 $0xFFFFC000  }
0x9b: {  	[spmem:s1] =	stream.indirect.scatter.add.f32 [tilespmem:s19], [sflag:$0x2], $0x80, s20, s17, $0xb8;
	[tilespmem:$0x1C900] =	vst v63  }
.Ltmp1:
0x9c: {  	_ =	swait.ge [sflag:s21], $0x4000;
	(pc) =	sbr.rel @p0 .LBB2_5-.Ltmp1, $4  }
0x9d: {  	[sflag:s21] =	ssyncset.done $0x0  }
0x9e: {  	[sflag:s21] =	ssyncadd.s32 $0xFFFFC000  }
0x9f: {  	_ =	swait.ge [sflag:s22], $0x4000  }
0xa0: {  	s30 =	smov.u32 s28;
	[sflag:s22] =	ssyncset.done $0x0  }
0xa1: {  	s26 =	sshra.s32 s26, $0x2;
	[sflag:s22] =	ssyncadd.s32 $0xFFFFC000  }
0xa2: {  	v1 =	vld [tilespmem:s26+$0x400];
	_ =	sdelay $0x4  }
0xa3: {  	[tilespmem:$0x800] =	vst v1  }
0xa4: {  	v1 =	vld [tilespmem:s26+$0x410];
	_ =	sdelay $0x4  }
0xa5: {  	[tilespmem:$0x810] =	vst v1  }
0xa6: {  	v1 =	vld [tilespmem:s26+$0x420];
	_ =	sdelay $0x4  }
0xa7: {  	[tilespmem:$0x820] =	vst v1  }
0xa8: {  	v1 =	vld [tilespmem:s26+$0x430];
	_ =	sdelay $0x4  }
0xa9: {  	[tilespmem:$0x830] =	vst v1  }
0xaa: {  	v1 =	vld [tilespmem:s26+$0x440];
	_ =	sdelay $0x4  }
0xab: {  	[tilespmem:$0x840] =	vst v1  }
0xac: {  	v1 =	vld [tilespmem:s26+$0x450];
	_ =	sdelay $0x4  }
0xad: {  	[tilespmem:$0x850] =	vst v1  }
0xae: {  	v1 =	vld [tilespmem:s26+$0x460];
	_ =	sdelay $0x4  }
0xaf: {  	[tilespmem:$0x860] =	vst v1  }
0xb0: {  	v1 =	vld [tilespmem:s26+$0x470];
	_ =	sdelay $0x4  }
0xb1: {  	[tilespmem:$0x870] =	vst v1  }
0xb2: {  	[tilespmem:s14], [sflag:$0x3] =	stream.indirect.gather [hbm4b:s4+s17], $0x80, s26, s17, $0xb8;
	[tilespmem:$0x1C900] =	vst v63  }
0xb3: {  	_ =	swait.ge [sflag:s15], $0x4000  }
0xb4: {  	[sflag:s15] =	ssyncset.done $0x0  }
0xb5: {  	[sflag:s15] =	ssyncadd.s32 $0xFFFFC000  }
0xb6: {  	[spmem:s1] =	stream.indirect.scatter.add.f32 [tilespmem:s14], [sflag:$0x1], $0x80, s18, s17, $0xb8;
	[tilespmem:$0x1C900] =	vst v63  }
0xb7: {  	v1 =	vld [tilespmem:s26+$0x480];
	_ =	sdelay $0x4  }
0xb8: {  	[tilespmem:$0x880] =	vst v1  }
0xb9: {  	v1 =	vld [tilespmem:s26+$0x490];
	_ =	sdelay $0x4  }
0xba: {  	[tilespmem:$0x890] =	vst v1  }
0xbb: {  	v1 =	vld [tilespmem:s26+$0x4A0];
	_ =	sdelay $0x4  }
0xbc: {  	[tilespmem:$0x8A0] =	vst v1  }
0xbd: {  	v1 =	vld [tilespmem:s26+$0x4B0];
	_ =	sdelay $0x4  }
0xbe: {  	[tilespmem:$0x8B0] =	vst v1  }
0xbf: {  	v1 =	vld [tilespmem:s26+$0x4C0];
	_ =	sdelay $0x4  }
0xc0: {  	[tilespmem:$0x8C0] =	vst v1  }
0xc1: {  	v1 =	vld [tilespmem:s26+$0x4D0];
	_ =	sdelay $0x4  }
0xc2: {  	[tilespmem:$0x8D0] =	vst v1  }
0xc3: {  	v1 =	vld [tilespmem:s26+$0x4E0];
	_ =	sdelay $0x4  }
0xc4: {  	[tilespmem:$0x8E0] =	vst v1  }
0xc5: {  	v1 =	vld [tilespmem:s26+$0x4F0];
	_ =	sdelay $0x4  }
0xc6: {  	s26 =	sadd.s32 $0x80, s26;
	[tilespmem:$0x8F0] =	vst v1  }
0xc7: {  	[tilespmem:s19], [sflag:$0x3] =	stream.indirect.gather [hbm4b:s4+s17], $0x80, s26, s17, $0xb8;
	[tilespmem:$0x1C900] =	vst v63  }
0xc8: {  	_ =	swait.ge [sflag:s15], $0x4000  }
0xc9: {  	[sflag:s15] =	ssyncset.done $0x0  }
0xca: {  	s25 =	sadd.s32 $0x1, s25;
	[sflag:s15] =	ssyncadd.s32 $0xFFFFC000  }
0xcb: {  	[spmem:s1] =	stream.indirect.scatter.add.f32 [tilespmem:s19], [sflag:$0x2], $0x80, s20, s17, $0xb8;
	[tilespmem:$0x1C900] =	vst v63  }
0xcc: {  	p0 =	sne.s32 s25, $0xA;
	_ =	swait.ge [sflag:s21], $0x4000  }
.Ltmp2:
0xcd: {  	[sflag:s21] =	ssyncset.done $0x0;
	(pc) =	sbr.rel @p0 .LBB2_4-.Ltmp2, $4  }
0xce: {  	[sflag:s21] =	ssyncadd.s32 $0xFFFFC000  }
0xcf: {  	_ =	swait.ge [sflag:s22], $0x4000  }
0xd0: {  	[sflag:s22] =	ssyncset.done $0x0  }
0xd1: {  	[sflag:s22] =	ssyncadd.s32 $0xFFFFC000  }
0xd2: {  	s2 =	sadd.s32 $0x1, s2  }
0xd3: {  	s24 =	sshll.u32 s3, $0x6;
	[bflag:$0x0] =	sbarrier.arrive $0xFFFF;
	p0 =	sne.s32 s2, s13  }
.Ltmp3:
0xd4: {  	s25 =	sshrl.u32 s7, $0x3;
	s24 =	sor.u32 $0x1C03, s24;
	(pc) =	sbr.rel @p0 .LBB2_1-.Ltmp3, $4  }
0xd5: {  	[hbm:s23], [sflag:s24] =	dma.local [spmem:s25], $0x2800  }
0xd6: {  	_ =	swait.ge [sflag:s15], $0x2800  }
0xd7: {  	[sflag:s15] =	ssyncset.done $0x0  }
0xd8: {  	[sflag:s15] =	ssyncadd.s32 $0xFFFFD800  }
0xd9: {  	_ =	sfence.sel $0x180000  }
0xda: {  	[bflag:$0x0] =	sbarrier.arrive $0xFFFF  }
0xdb: {  	p0 =	sne.s32 s3, $0x0;
	_ =	strace $0x90000047  }
0xdc: {  	s0 =	sadd.s32 @!p0 $0x100000, s0;
	[bflag:$0x2] =	sbarrier.arrive $0xFFFF  }
0xdd: {  	[sflag:s0] =	ssyncadd.tile.s32 @!p0 $0x1;
	_ =	shalt  }
.Lfunc_end2:
_tile_overlayer_lowered:
.L_overlay_start_2:
0xde: {  	(tag) =	ssettag $0x2  }
0xdf: {  	s0 =	rddreg [dreg:$0x0];
	s2 =	stileid.u32  }
0xe0: {  	s1 =	rddreg [dreg:$0x1];
	p0 =	sne.s32 s2, $0x0  }
0xe1: {  	s3 =	rddreg [dreg:$0x2];
	[bflag:$0x3] =	sbarrier.arrive $0xFFFF;
	s2 =	simm.s32 @!p0 $0x1C03  }
0xe2: {  	[timem:s3], [sflag:s2] =	dma.local @!p0 [hbm:s0], s1  }
0xe3: {  	s0 =	simm.s32 @!p0 $0x3  }
0xe4: {  	_ =	swait.ge @!p0 [sflag:s0], s1  }
0xe5: {  	s1 =	ssub.s32 @!p0 $0x0, s1;
	[sflag:s0] =	ssyncset.done @!p0 $0x0  }
0xe6: {  	[sflag:s0] =	ssyncadd.s32 @!p0 s1  }
0xe7: {  	[bflag:$0x3] =	sbarrier.arrive $0xFFFF  }
0xe8: {  	_ =	shalt  }

// kernel: kernel.18.cloned.1.call-start
scs
__scs_entry_jumppad:
0x0: {  	(pc) =	sbr.rel $0x88, $3  }
0x1: {  	(tag) =	ssettag $0x0;
	lr =	simm.s32 $0x1  }
0x2: {  	[smem:$0x3F92] =	sst lr;
	_ =	strace $0xD0000000  }
0x3: {  	_ = 	snop  }
0x4: {  	_ = 	snop  }
0x5: {  	_ = 	snop  }
0x6: {  	_ = 	snop  }
0x7: {  	_ = 	snop  }
__scs_overlays_trampoline_lowered:
0x8: {  	[smem:$0x3FA1] =	sst s0  }
0x9: {  	[smem:$0x3FA2] =	sst s1  }
0xa: {  	[smem:$0x3FA3] =	sst s2  }
0xb: {  	[smem:$0x3FA4] =	sst s3  }
0xc: {  	[smem:$0x3FA5] =	sst s4  }
0xd: {  	[smem:$0x3FA6] =	sst s5  }
0xe: {  	[smem:$0x3FA7] =	sst s6  }
0xf: {  	[smem:$0x3FA8] =	sst s7  }
0x10: {  	[smem:$0x3FA9] =	sst s8  }
0x11: {  	[smem:$0x3FAA] =	sst s9;
	s0 =	simm.s32 @!p0 $0x0  }
0x12: {  	s1 =	sld [smem:$0x3F90];
	s0 =	simm.s32 @p0 $0x1  }
0x13: {  	[smem:$0x3FAB] =	sst s0;
	s0 =	simm.s32 @!p1 $0x0  }
0x14: {  	s2 =	sld [smem:$0x3F8F];
	s0 =	simm.s32 @p1 $0x1  }
0x15: {  	[smem:$0x3FAC] =	sst s0;
	s0 =	simm.s32 @!p2 $0x0  }
0x16: {  	s3 =	sld [smem:$0x3FDB];
	s0 =	simm.s32 @p2 $0x1  }
0x17: {  	s4 =	simm.s32 $0x1BF5;
	[smem:$0x3FAE] =	sst s0  }
0x18: {  	s0 =	sld [smem:$0x3F91];
	_ =	swait.ge [sflag:s4], $0x0  }
0x19: {  	s7 =	sld [smem:$0x3F92]  }
0x1a: {  	s8 =	sadd.s32 $0xFFFFE003, lr  }
0x1b: {  	s9 =	sadd.s32 $0xFFFFFEF7, lr;
	s5 =	simm.s32 $0xFFFFFFFF;
	p2 =	slt.u32 s8, $0xFFFFF086  }
0x1c: {  	p1 =	slt.u32 s9, $0xF7A;
	s5 =	simm.s32 @!p2 $0x0  }
0x1d: {  	s5 =	simm.s32 @p1 $0x1;
	p0 =	seq.s32 s7, s2  }
0x1e: {  	s7 =	smul.u32 @!p0 $0xF7A, s2;
	p2 =	seq.s32 @!p0 s5, $0x0  }
0x1f: {  	s9 =	smul.u32 $0xF7A, s1;
	s8 =	simm.s32 @!p0 $0x1BF5;
	p2 =	por !p2, p0  }
0x20: {  	[sflag:s8] =	ssyncset.s32 @!p0 $0xFFFFF086;
	s6 =	sadd.s32 @!p0 s3, s7;
	s7 =	simm.s32 @!p0 $0x108  }
0x21: {  	s3 =	sadd.s32 s3, s9;
	s6 =	sadd.s32 @!p0 $0x88, s6;
	s7 =	simm.s32 @p2 $0x1082  }
0x22: {  	[simem:s7], [sflag:s8] =	dma.local @!p0 [hbm:s6], $0xF7A  }
0x23: {  	s9 =	sor.u32 $0xD0000000, s2;
	s6 =	simm.s32 $0x108;
	_ =	swait.ge @!p0 [sflag:s8], $0x0  }
0x24: {  	s3 =	sadd.s32 $0x88, s3;
	s6 =	simm.s32 @!p1 $0x1082;
	[sflag:s4] =	ssyncset.s32 $0xFFFFF086  }
0x25: {  	[simem:s6], [sflag:s4] =	dma.local [hbm:s3], $0xF7A  }
0x26: {  	[smem:$0x3F92] =	sst s1;
	(tag) =	ssettag s2;
	_ =	strace s9  }
0x27: {  	s1 =	sld [smem:$0x3FA2]  }
0x28: {  	s2 =	sld [smem:$0x3FA3]  }
0x29: {  	s4 =	sld [smem:$0x3FA5]  }
0x2a: {  	p0 =	seq.s32 s5, $0x0;
	s5 =	sld [smem:$0x3FA6]  }
0x2b: {  	s6 =	sld [smem:$0x3FA7]  }
0x2c: {  	s7 =	sld [smem:$0x3FA8]  }
0x2d: {  	s3 =	simm.s32 $0x108;
	s8 =	sld [smem:$0x3FA9]  }
0x2e: {  	s3 =	simm.s32 @!p0 $0x1082;
	s9 =	sld [smem:$0x3FAA]  }
0x2f: {  	lr =	sadd.s32 s0, s3;
	s0 =	sld [smem:$0x3FA1]  }
0x30: {  	s3 =	sld [smem:$0x3FA4]  }
0x31: {  	[smem:$0x3FAD] =	sst s10  }
0x32: {  	s10 =	sld [smem:$0x3FAB];
	_ =	sdelay $0x3  }
0x33: {  	p0 =	seq.s32 s10, $0x1;
	s10 =	sld [smem:$0x3FAD];
	_ =	sdelay $0x3  }
0x34: {  	[smem:$0x3FAD] =	sst s10  }
0x35: {  	s10 =	sld [smem:$0x3FAC];
	_ =	sdelay $0x3  }
0x36: {  	p1 =	seq.s32 s10, $0x1;
	s10 =	sld [smem:$0x3FAD];
	_ =	sdelay $0x3  }
0x37: {  	[smem:$0x3FAD] =	sst s10  }
0x38: {  	s10 =	sld [smem:$0x3FAE]  }
0x39: {  	_ = 	snop;
	(pc) =	sbr.ind lr, $3  }
0x3a: {  	_ = 	snop  }
0x3b: {  	_ = 	snop  }
0x3c: {  	p2 =	seq.s32 s10, $0x1;
	s10 =	sld [smem:$0x3FAD]  }
0x3d: {  	_ =	shalt  }
0x3e: {  	_ =	shalt  }
0x3f: {  	_ =	shalt  }
0x40: {  	_ =	shalt  }
0x41: {  	_ =	shalt  }
0x42: {  	_ =	shalt  }
0x43: {  	_ =	shalt  }
0x44: {  	_ =	shalt  }
0x45: {  	_ =	shalt  }
0x46: {  	_ =	shalt  }
0x47: {  	_ =	shalt  }
0x48: {  	_ =	shalt  }
0x49: {  	_ =	shalt  }
0x4a: {  	_ =	shalt  }
0x4b: {  	_ =	shalt  }
0x4c: {  	_ =	shalt  }
0x4d: {  	_ =	shalt  }
0x4e: {  	_ =	shalt  }
0x4f: {  	_ =	shalt  }
0x50: {  	_ =	shalt  }
0x51: {  	_ =	shalt  }
0x52: {  	_ =	shalt  }
0x53: {  	_ =	shalt  }
0x54: {  	_ =	shalt  }
0x55: {  	_ =	shalt  }
0x56: {  	_ =	shalt  }
0x57: {  	_ =	shalt  }
0x58: {  	_ =	shalt  }
0x59: {  	_ =	shalt  }
0x5a: {  	_ =	shalt  }
0x5b: {  	_ =	shalt  }
0x5c: {  	_ =	shalt  }
0x5d: {  	_ =	shalt  }
0x5e: {  	_ =	shalt  }
0x5f: {  	_ =	shalt  }
0x60: {  	_ =	shalt  }
0x61: {  	_ =	shalt  }
0x62: {  	_ =	shalt  }
0x63: {  	_ =	shalt  }
0x64: {  	_ =	shalt  }
0x65: {  	_ =	shalt  }
0x66: {  	_ =	shalt  }
0x67: {  	_ =	shalt  }
0x68: {  	_ =	shalt  }
0x69: {  	_ =	shalt  }
0x6a: {  	_ =	shalt  }
0x6b: {  	_ =	shalt  }
0x6c: {  	_ =	shalt  }
0x6d: {  	_ =	shalt  }
0x6e: {  	_ =	shalt  }
0x6f: {  	_ =	shalt  }
0x70: {  	_ =	shalt  }
0x71: {  	_ =	shalt  }
0x72: {  	_ =	shalt  }
0x73: {  	_ =	shalt  }
0x74: {  	_ =	shalt  }
0x75: {  	_ =	shalt  }
0x76: {  	_ =	shalt  }
0x77: {  	_ =	shalt  }
0x78: {  	_ =	shalt  }
0x79: {  	_ =	shalt  }
0x7a: {  	_ =	shalt  }
0x7b: {  	_ =	shalt  }
0x7c: {  	_ =	shalt  }
0x7d: {  	_ =	shalt  }
0x7e: {  	_ =	shalt  }
0x7f: {  	_ =	shalt  }
0x80: {  	_ =	shalt  }
0x81: {  	_ =	shalt  }
0x82: {  	_ =	shalt  }
0x83: {  	_ =	shalt  }
0x84: {  	_ =	shalt  }
0x85: {  	_ =	shalt  }
0x86: {  	_ =	shalt  }
0x87: {  	_ =	shalt  }
.Lfunc_end0:
.L_simem_size_0:
called_computation.1_lowered:
.L_overlay_start_0:
0x88: {  	s2 =	sld [smem:$0x3FD9]  }
0x89: {  	s3 =	sld [smem:$0x3FFE];
	_ =	sdelay $0x1  }
0x8a: {  	s1 =	srdreg.scid  }
0x8b: {  	s0 =	sand.u32 $0x1, s1  }
0x8c: {  	s17 =	sshll.u32 s0, $0xA;
	s2 =	sadd.s32 s3, s2  }
0x8d: {  	s2 =	sadd.s32 s2, s17  }
0x8e: {  	[smem:$0x3FB9] =	sst s2  }
0x8f: {  	_ = 	snop  }
0x90: {  	(tm) =	ssettm $0x1  }
0x91: {  	s18 =	sld [smem:$0x3FFB];
	_ =	sdelay $0x3  }
0x92: {  	_ =	strace s18  }
0x93: {  	s2 =	sld [smem:$0x3FFC];
	_ =	sdelay $0x3  }
0x94: {  	_ =	strace s2  }
0x95: {  	s2 =	sld [smem:$0x3FFD];
	_ =	sdelay $0x3  }
0x96: {  	_ =	strace s2  }
0x97: {  	_ =	strace $0x8FFFFFFF  }
0x98: {  	s19 =	sld [smem:$0x3FDB];
	_ =	sdelay $0x1  }
0x99: {  	s20 =	simm.s32 $_scs_section_size  }
0x9a: {  	s4 =	simm.s32 $_size__tile_overlayer_lowered;
	s5 =	simm.s32 $_tile_overlayer_lowered  }
0x9b: {  	s6 =	simm.s32 $0x1BFF;
	s21 =	sshll.u32 s5, $0x1;
	s3 =	sadd.s32 s20, s19  }
0x9c: {  	s22 =	simm.s32 $0x0;
	s4 =	sshll.u32 s4, $0x1;
	s5 =	sadd.s32 s21, s3  }
0x9d: {  	[timem:s22], [sflag:s6] =	dma.local [hbm:s5], s4  }
0x9e: {  	_ =	swait.ge [sflag:s6], s4  }
0x9f: {  	s4 =	ssub.s32 $0x0, s4;
	[sflag:s6] =	ssyncset.done $0x0  }
0xa0: {  	[sflag:s6] =	ssyncadd.s32 s4;
	_ =	sdelay $0x1  }
0xa1: {  	s23 =	simm.s32 $0x1B8B  }
0xa2: {  	_ =	swait.ge [sflag:s23], $0x1  }
0xa3: {  	[sflag:s23] =	ssyncset.done $0x0  }
0xa4: {  	[sflag:s23] =	ssyncadd.s32 $0xFFFFFFFF  }
0xa5: {  	s4 =	sld [smem:$0x0]  }
0xa6: {  	s5 =	sand.u32 $0xFFFFFFFE, s1  }
0xa7: {  	p0 =	sne.s32 s1, s5  }
0xa8: {  	s5 =	sshll.u32 @p0 s5, $0xE  }
0xa9: {  	s5 =	sadd.s32 @p0 $0x11B8D, s5;
	s6 =	sshll.u32 @p0 s4, $0x11  }
0xaa: {  	s5 =	sor.u32 @p0 s6, s5  }
0xab: {  	[sflag:s5] =	ssyncadd.remote.s32 @p0 $0x1;
	_ =	sdelay $0x1  }
0xac: {  	s5 =	simm.s32 @p0 $0x1B8D  }
0xad: {  	_ =	swait.eq @p0 [sflag:s5], $0x1  }
0xae: {  	[sflag:s5] =	ssyncadd.s32 @p0 $0xFFFFFFFF  }
0xaf: {  	s6 =	sshll.u32 @!p0 s1, $0xE  }
0xb0: {  	s6 =	sor.u32 @!p0 $0x4000, s6;
	s5 =	simm.s32 @!p0 $0x1B8D  }
0xb1: {  	s4 =	sshll.u32 @!p0 s4, $0x11;
	s6 =	sadd.s32 @!p0 $0x11B8D, s6;
	_ =	swait.eq @!p0 [sflag:s5], $0x1  }
0xb2: {  	s4 =	sor.u32 @!p0 s4, s6;
	[sflag:s5] =	ssyncadd.s32 @!p0 $0xFFFFFFFF  }
0xb3: {  	s25 =	simm.s32 $0x1B8E;
	s24 =	sld [smem:$0x3FFE];
	[sflag:s4] =	ssyncadd.remote.s32 @!p0 $0x1  }
0xb4: {  	s26 =	simm.s32 $execute0_lowered;
	[smem:$0x3FD2] =	sst s25  }
0xb5: {  	s5 =	sshll.u32 s26, $0x1;
	_ =	strace $0x80000049;
	[dreg:$0x1] =	wrdreg $0xFFFFFFFF  }
0xb6: {  	s28 =	simm.s32 $_size_execute0_lowered;
	s3 =	sadd.s32 s3, s5;
	[dreg:$0x0] =	wrdreg $0x0  }
0xb7: {  	s5 =	sshll.u32 s28, $0x1;
	[dreg:$0x2] =	wrdreg s3  }
0xb8: {  	[dreg:$0x3] =	wrdreg s5  }
0xb9: {  	[dreg:$0x4] =	wrdreg $0xC0  }
0xba: {  	_ =	task [dreg:s22], $0x5FFFF  }
0xbb: {  	[dreg:$0x1] =	wrdreg $0xFFFFFFFF  }
0xbc: {  	[dreg:$0x0] =	wrdreg $0x60  }
0xbd: {  	[dreg:$0x2] =	wrdreg s24  }
0xbe: {  	[dreg:$0x3] =	wrdreg $0x84800  }
0xbf: {  	[dreg:$0x4] =	wrdreg $0xA  }
0xc0: {  	_ =	task.clear_ibuf [dreg:s22], $0x5FFFF;
	_ =	strace $0x90000049  }
0xc1: {  	s29 =	simm.s32 $0xA;
	_ =	strace $0x8000004B  }
0xc2: {  	_ =	swait.ge [sflag:s29], $0x1  }
0xc3: {  	[sflag:s29] =	ssyncadd.s32 $0xFFFFFFFF  }
0xc4: {  	_ =	strace $0x9000004B  }
0xc5: {  	_ =	sfence  }
0xc6: {  	s30 =	sld [smem:$0x0];
	_ =	sdelay $0x2  }
0xc7: {  	s31 =	sshll.u32 s1, $0xD;
	s1 =	sshrl.u32 s1, $0x2  }
0xc8: {  	s4 =	sand.u32 $0x4000, s31;
	s1 =	sadd.s32 s1, s30  }
0xc9: {  	s0 =	sor.u32 s4, s0;
	s1 =	sshll.u32 s1, $0x11  }
0xca: {  	s0 =	sor.u32 s1, s0  }
0xcb: {  	s0 =	sadd.s32 $0x8F2B, s0  }
0xcc: {  	[sflag:s0] =	ssyncadd.remote.s32 $0x1  }
0xcd: {  	_ =	sfence.sel $0xFFFF  }
0xce: {  	[dreg:$0x0] =	wrdreg $0xFFFFFFFF;
	(pc) =	sbr.abs _section_cstart, $3  }
0xcf: {  	[dreg:$0x1] =	wrdreg $0xFFFFFFFF  }
0xd0: {  	_ =	task.clear_ibuf [dreg:s22], $0x2FFFF;
	_ =	strace $0x9FFFFFFF  }
0xd1: {  	(tm) =	ssettm $0x7FFFFFFF  }
tec
execute0_lowered:
.L_overlay_start_1:
0x0: {  	(tag) =	ssettag $0x1  }
0x1: {  	s6 =	rddreg [dreg:$0x0]  }
0x2: {  	s1 =	rddreg [dreg:$0x1]  }
0x3: {  	s0 =	rddreg [dreg:$0x2]  }
0x4: {  	s2 =	simm.s32 $0x0;
	s3 =	srdreg.scid;
	s15 =	simm.s32 $0x1  }
0x5: {  	s16 =	simm.s32 $0x480;
	s17 =	simm.s32 $0x80;
	s18 =	simm.s32 $0x400  }
0x6: {  	[smem:$0x7FF] =	sst s2;
	s7 =	sand.u32 $0x1, s3;
	s3 =	stileid.u32  }
0x7: {  	s4 =	sadd.s32 $0x587A00, s6;
	s5 =	sadd.s32 $0x19A00, s6;
	s8 =	smul.u32 $0x28000, s7  }
0x8: {  	_ =	strace $0x8000004A;
	s9 =	smul.u32 $0x50000, s3;
	s30 =	ssub.s32 $0x2, s7  }
0x9: {  	s7 =	sshll.u32 s7, $0x4;
	s20 =	smul.u32 $0x2800, s3;
	s31 =	sshrl.u32 s30, $0x1  }
0xa: {  	s12 =	sor.u32 s3, s7;
	s13 =	sadd.s32 s8, s6;
	s9 =	sshrl.u32 s9, $0x2  }
0xb: {  	s14 =	ssub.s32 s30, s31;
	s6 =	sadd.s32 s9, s1;
	s9 =	smul.u32 $0x50, s12  }
0xc: {  	s12 =	smul.u32 $0x140000, s12;
	s19 =	sadd.s32 $0xA5A00, s13;
	s13 =	smax.u32 s14, $0x1  }
0xd: {  	s14 =	simm.s32 $0x4480;
	s7 =	sadd.s32 $0x4000, s6;
	s8 =	sadd.s32 $0x8000, s6  }
0xe: {  	v0 =	vimm.f32 $0.0e+00;
	v1 =	vimm.f32 $1.000000000e+00;
	s10 =	sadd.s32 $0xC000, s6;
	s11 =	sadd.s32 $0x10000, s6;
	s19 =	sadd.s32 s20, s19  }
.LBB2_1:
0xf: {  	s20 =	simm.s32 $0x0;
	s21 =	simm.s32 $0x200  }
.LBB2_2:
0x10: {  	p0 =	sne.s32 s21, $0xFE00;
	[tilespmem:s20+$0x44F0] =	vst v0  }
0x11: {  	[tilespmem:s20+$0x4480] =	vst v0  }
0x12: {  	[tilespmem:s20+$0x4490] =	vst v0  }
.Ltmp0:
0x13: {  	[tilespmem:s20+$0x44A0] =	vst v0;
	(pc) =	sbr.rel @p0 .LBB2_2-.Ltmp0, $4  }
0x14: {  	[tilespmem:s20+$0x44B0] =	vst v0  }
0x15: {  	[tilespmem:s20+$0x44C0] =	vst v0  }
0x16: {  	[tilespmem:s20+$0x44D0] =	vst v0  }
0x17: {  	[tilespmem:s20+$0x44E0] =	vst v0;
	s20 =	sshra.s32 s21, $0x2;
	s21 =	sadd.s32 $0x200, s21  }
0x18: {  	[tilespmem:s20+$0x44F0] =	vst v0  }
0x19: {  	[tilespmem:s20+$0x4480] =	vst v0  }
0x1a: {  	[tilespmem:s20+$0x4490] =	vst v0  }
0x1b: {  	[tilespmem:s20+$0x44A0] =	vst v0  }
0x1c: {  	[tilespmem:s20+$0x44B0] =	vst v0  }
0x1d: {  	[tilespmem:s20+$0x44C0] =	vst v0  }
0x1e: {  	[tilespmem:s20+$0x44D0] =	vst v0  }
0x1f: {  	[tilespmem:s20+$0x44E0] =	vst v0  }
0x20: {  	[spmem:s6] =	stream.linear.scatter [tilespmem:s14], [sflag:$0x1], $0x4000, $0x38;
	[tilespmem:$0x1C480] =	vst v63  }
0x21: {  	_ =	swait.ge [sflag:s15], $0x4000  }
0x22: {  	[sflag:s15] =	ssyncset.done $0x0  }
0x23: {  	[sflag:s15] =	ssyncadd.s32 $0xFFFFC000  }
0x24: {  	[spmem:s7] =	stream.linear.scatter [tilespmem:s14], [sflag:$0x1], $0x4000, $0x38;
	[tilespmem:$0x1C480] =	vst v63  }
0x25: {  	_ =	swait.ge [sflag:s15], $0x4000  }
0x26: {  	[sflag:s15] =	ssyncset.done $0x0  }
0x27: {  	[sflag:s15] =	ssyncadd.s32 $0xFFFFC000  }
0x28: {  	[spmem:s8] =	stream.linear.scatter [tilespmem:s14], [sflag:$0x1], $0x4000, $0x38;
	[tilespmem:$0x1C480] =	vst v63  }
0x29: {  	_ =	swait.ge [sflag:s15], $0x4000  }
0x2a: {  	[sflag:s15] =	ssyncset.done $0x0  }
0x2b: {  	[sflag:s15] =	ssyncadd.s32 $0xFFFFC000  }
0x2c: {  	[spmem:s10] =	stream.linear.scatter [tilespmem:s14], [sflag:$0x1], $0x4000, $0x38;
	[tilespmem:$0x1C480] =	vst v63  }
0x2d: {  	_ =	swait.ge [sflag:s15], $0x4000  }
0x2e: {  	[sflag:s15] =	ssyncset.done $0x0  }
0x2f: {  	[sflag:s15] =	ssyncadd.s32 $0xFFFFC000  }
0x30: {  	[spmem:s11] =	stream.linear.scatter [tilespmem:s14], [sflag:$0x1], $0x4000, $0x38;
	[tilespmem:$0x1C480] =	vst v63  }
0x31: {  	_ =	swait.ge [sflag:s15], $0x4000  }
0x32: {  	[sflag:s15] =	ssyncset.done $0x0  }
0x33: {  	s20 =	simm.s32 $0x200;
	s21 =	simm.s32 $0x0;
	[sflag:s15] =	ssyncadd.s32 $0xFFFFC000  }
.LBB2_4:
0x34: {  	p0 =	sne.s32 s20, $0xFE00;
	[tilespmem:s21+$0x4490] =	vst v1;
	s21 =	smov.u32 s20;
	s20 =	sadd.s32 $0x200, s20  }
.Ltmp1:
0x35: {  	(pc) =	sbr.rel @p0 .LBB2_4-.Ltmp1, $2  }
0x36: {  	_ =	sdelay $0x2  }
0x37: {  	s21 =	sshra.s32 s21, $0x2  }
0x38: {  	[tilespmem:s21+$0x4490] =	vst v1  }
0x39: {  	s20 =	simm.s32 $0x0;
	s21 =	simm.s32 $0x0;
	[bflag:$0x0] =	sbarrier.arrive $0xFFFF  }
.LBB2_6:
0x3a: {  	s22 =	sshll.u32 s21, $0x3  }
0x3b: {  	s23 =	sadd.s32 s9, s22  }
0x3c: {  	s23 =	sshll.u32 s23, $0x4  }
0x3d: {  	s23 =	sadd.s32 s5, s23  }
0x3e: {  	[tilespmem:s20], [sflag:$0x1] =	stream.linear.gather [hbm4b:s23+s20], $0x400, $0x38;
	[tilespmem:$0x1C480] =	vst v63  }
0x3f: {  	_ =	swait.ge [sflag:s15], $0x400  }
0x40: {  	[sflag:s15] =	ssyncset.done $0x0  }
0x41: {  	s23 =	simm.s32 $0x0;
	[sflag:s15] =	ssyncadd.s32 $0xFFFFFC00  }
.LBB2_7:
0x42: {  	s24 =	sshll.u32 s23, $0x7  }
0x43: {  	s24 =	sand.u32 $0x3FFFFF80, s24  }
0x44: {  	v2 =	vld [tilespmem:s24+$0x0];
	_ =	sdelay $0x4  }
0x45: {  	[tilespmem:$0x400] =	vst v2  }
0x46: {  	v2 =	vld [tilespmem:s24+$0x10];
	_ =	sdelay $0x4  }
0x47: {  	[tilespmem:$0x410] =	vst v2  }
0x48: {  	v2 =	vld [tilespmem:s24+$0x20];
	_ =	sdelay $0x4  }
0x49: {  	[tilespmem:$0x420] =	vst v2  }
0x4a: {  	v2 =	vld [tilespmem:s24+$0x30];
	_ =	sdelay $0x4  }
0x4b: {  	[tilespmem:$0x430] =	vst v2  }
0x4c: {  	v2 =	vld [tilespmem:s24+$0x40];
	_ =	sdelay $0x4  }
0x4d: {  	[tilespmem:$0x440] =	vst v2  }
0x4e: {  	v2 =	vld [tilespmem:s24+$0x50];
	_ =	sdelay $0x4  }
0x4f: {  	[tilespmem:$0x450] =	vst v2  }
0x50: {  	v2 =	vld [tilespmem:s24+$0x60];
	_ =	sdelay $0x4  }
0x51: {  	[tilespmem:$0x460] =	vst v2  }
0x52: {  	v2 =	vld [tilespmem:s24+$0x70]  }
0x53: {  	s31 =	sadd.s32 s22, s23  }
0x54: {  	s24 =	sshll.u32 s31, $0xE  }
0x55: {  	s24 =	sadd.s32 s12, s24  }
0x56: {  	s24 =	sshrl.u32 s24, $0x3  }
0x57: {  	s25 =	simm.s32 $0x0;
	s24 =	sadd.s32 s4, s24;
	[tilespmem:$0x470] =	vst v2  }
0x58: {  	[tilespmem:s16], [sflag:$0x1] =	stream.linear.gather [hbm4b:s24+s25], $0x4000, $0x38;
	[tilespmem:$0x1C480] =	vst v63  }
0x59: {  	_ =	swait.ge [sflag:s15], $0x4000  }
0x5a: {  	[sflag:s15] =	ssyncset.done $0x0  }
0x5b: {  	s24 =	simm.s32 $0x0;
	[sflag:s15] =	ssyncadd.s32 $0xFFFFC000  }
0x5c: {  	s25 =	simm.s32 $0x200;
	v2 =	vld [tilespmem:s24+$0x480]  }
.LBB2_8:
0x5d: {  	p0 =	sne.s32 s25, $0xFE00  }
.Ltmp2:
0x5e: {  	_ = 	snop;
	(pc) =	sbr.rel @p0 .LBB2_8-.Ltmp2, $3  }
0x5f: {  	_ =	sdelay $0x1  }
0x60: {  	[tilespmem:s24+$0x4480] =	vst v2;
	s24 =	sshra.s32 s25, $0x2;
	s25 =	sadd.s32 $0x200, s25  }
0x61: {  	v2 =	vld [tilespmem:s24+$0x480]  }
0x62: {  	_ =	sdelay $0x1  }
0x63: {  	s23 =	sadd.s32 $0x1, s23  }
0x64: {  	p0 =	sne.s32 s23, $0x8  }
.Ltmp3:
0x65: {  	[tilespmem:s24+$0x4480] =	vst v2;
	(pc) =	sbr.rel @p0 .LBB2_7-.Ltmp3, $4  }
0x66: {  	[spmem:s1] =	stream.indirect.scatter.add.f32 [tilespmem:s14], [sflag:$0x1], $0x80, s18, s17, $0xb8;
	[tilespmem:$0x1C480] =	vst v63  }
0x67: {  	_ =	swait.ge [sflag:s15], $0x4000  }
0x68: {  	[sflag:s15] =	ssyncset.done $0x0  }
0x69: {  	[sflag:s15] =	ssyncadd.s32 $0xFFFFC000  }
0x6a: {  	s21 =	sadd.s32 $0x1, s21  }
0x6b: {  	p0 =	sne.s32 s21, $0xA  }
.Ltmp4:
0x6c: {  	_ = 	snop;
	(pc) =	sbr.rel @p0 .LBB2_6-.Ltmp4, $1  }
0x6d: {  	_ =	sdelay $0x3  }
0x6e: {  	s2 =	sadd.s32 $0x1, s2  }
0x6f: {  	s20 =	sshll.u32 s3, $0x6;
	[bflag:$0x0] =	sbarrier.arrive $0xFFFF;
	p0 =	sne.s32 s2, s13  }
.Ltmp5:
0x70: {  	s21 =	sshrl.u32 s6, $0x3;
	s20 =	sor.u32 $0x1C01, s20;
	(pc) =	sbr.rel @p0 .LBB2_1-.Ltmp5, $4  }
0x71: {  	[hbm:s19], [sflag:s20] =	dma.local [spmem:s21], $0x2800  }
0x72: {  	_ =	swait.ge [sflag:s15], $0x2800  }
0x73: {  	[sflag:s15] =	ssyncset.done $0x0  }
0x74: {  	[sflag:s15] =	ssyncadd.s32 $0xFFFFD800  }
0x75: {  	_ =	sfence.sel $0x180000  }
0x76: {  	[bflag:$0x0] =	sbarrier.arrive $0xFFFF  }
0x77: {  	p0 =	sne.s32 s3, $0x0;
	_ =	strace $0x9000004A  }
0x78: {  	s0 =	sadd.s32 @!p0 $0x100000, s0;
	[bflag:$0x2] =	sbarrier.arrive $0xFFFF  }
0x79: {  	[sflag:s0] =	ssyncadd.tile.s32 @!p0 $0x1;
	_ =	shalt  }
.Lfunc_end2:
_tile_overlayer_lowered:
.L_overlay_start_2:
0x7a: {  	(tag) =	ssettag $0x2  }
0x7b: {  	s0 =	rddreg [dreg:$0x0];
	s2 =	stileid.u32  }
0x7c: {  	s1 =	rddreg [dreg:$0x1];
	p0 =	sne.s32 s2, $0x0  }
0x7d: {  	s3 =	rddreg [dreg:$0x2];
	[bflag:$0x3] =	sbarrier.arrive $0xFFFF;
	s2 =	simm.s32 @!p0 $0x1C01  }
0x7e: {  	[timem:s3], [sflag:s2] =	dma.local @!p0 [hbm:s0], s1  }
0x7f: {  	s0 =	simm.s32 @!p0 $0x1  }
0x80: {  	_ =	swait.ge @!p0 [sflag:s0], s1  }
0x81: {  	s1 =	ssub.s32 @!p0 $0x0, s1;
	[sflag:s0] =	ssyncset.done @!p0 $0x0  }
0x82: {  	[sflag:s0] =	ssyncadd.s32 @!p0 s1  }
0x83: {  	[bflag:$0x3] =	sbarrier.arrive $0xFFFF  }
0x84: {  	_ =	shalt  }

// kernel: kernel.21.cloned.1.call-start
scs
__scs_entry_jumppad:
0x0: {  	(pc) =	sbr.rel $0x88, $3  }
0x1: {  	(tag) =	ssettag $0x0;
	lr =	simm.s32 $0x1  }
0x2: {  	[smem:$0x3F92] =	sst lr;
	_ =	strace $0xD0000000  }
0x3: {  	_ = 	snop  }
0x4: {  	_ = 	snop  }
0x5: {  	_ = 	snop  }
0x6: {  	_ = 	snop  }
0x7: {  	_ = 	snop  }
__scs_overlays_trampoline_lowered:
0x8: {  	[smem:$0x3FA1] =	sst s0  }
0x9: {  	[smem:$0x3FA2] =	sst s1  }
0xa: {  	[smem:$0x3FA3] =	sst s2  }
0xb: {  	[smem:$0x3FA4] =	sst s3  }
0xc: {  	[smem:$0x3FA5] =	sst s4  }
0xd: {  	[smem:$0x3FA6] =	sst s5  }
0xe: {  	[smem:$0x3FA7] =	sst s6  }
0xf: {  	[smem:$0x3FA8] =	sst s7  }
0x10: {  	[smem:$0x3FA9] =	sst s8  }
0x11: {  	[smem:$0x3FAA] =	sst s9;
	s0 =	simm.s32 @!p0 $0x0  }
0x12: {  	s1 =	sld [smem:$0x3F90];
	s0 =	simm.s32 @p0 $0x1  }
0x13: {  	[smem:$0x3FAB] =	sst s0;
	s0 =	simm.s32 @!p1 $0x0  }
0x14: {  	s2 =	sld [smem:$0x3F8F];
	s0 =	simm.s32 @p1 $0x1  }
0x15: {  	[smem:$0x3FAC] =	sst s0;
	s0 =	simm.s32 @!p2 $0x0  }
0x16: {  	s3 =	sld [smem:$0x3FDB];
	s0 =	simm.s32 @p2 $0x1  }
0x17: {  	s4 =	simm.s32 $0x1BF5;
	[smem:$0x3FAE] =	sst s0  }
0x18: {  	s0 =	sld [smem:$0x3F91];
	_ =	swait.ge [sflag:s4], $0x0  }
0x19: {  	s7 =	sld [smem:$0x3F92]  }
0x1a: {  	s8 =	sadd.s32 $0xFFFFE003, lr  }
0x1b: {  	s9 =	sadd.s32 $0xFFFFFEF7, lr;
	s5 =	simm.s32 $0xFFFFFFFF;
	p2 =	slt.u32 s8, $0xFFFFF086  }
0x1c: {  	p1 =	slt.u32 s9, $0xF7A;
	s5 =	simm.s32 @!p2 $0x0  }
0x1d: {  	s5 =	simm.s32 @p1 $0x1;
	p0 =	seq.s32 s7, s2  }
0x1e: {  	s7 =	smul.u32 @!p0 $0xF7A, s2;
	p2 =	seq.s32 @!p0 s5, $0x0  }
0x1f: {  	s9 =	smul.u32 $0xF7A, s1;
	s8 =	simm.s32 @!p0 $0x1BF5;
	p2 =	por !p2, p0  }
0x20: {  	[sflag:s8] =	ssyncset.s32 @!p0 $0xFFFFF086;
	s6 =	sadd.s32 @!p0 s3, s7;
	s7 =	simm.s32 @!p0 $0x108  }
0x21: {  	s3 =	sadd.s32 s3, s9;
	s6 =	sadd.s32 @!p0 $0x88, s6;
	s7 =	simm.s32 @p2 $0x1082  }
0x22: {  	[simem:s7], [sflag:s8] =	dma.local @!p0 [hbm:s6], $0xF7A  }
0x23: {  	s9 =	sor.u32 $0xD0000000, s2;
	s6 =	simm.s32 $0x108;
	_ =	swait.ge @!p0 [sflag:s8], $0x0  }
0x24: {  	s3 =	sadd.s32 $0x88, s3;
	s6 =	simm.s32 @!p1 $0x1082;
	[sflag:s4] =	ssyncset.s32 $0xFFFFF086  }
0x25: {  	[simem:s6], [sflag:s4] =	dma.local [hbm:s3], $0xF7A  }
0x26: {  	[smem:$0x3F92] =	sst s1;
	(tag) =	ssettag s2;
	_ =	strace s9  }
0x27: {  	s1 =	sld [smem:$0x3FA2]  }
0x28: {  	s2 =	sld [smem:$0x3FA3]  }
0x29: {  	s4 =	sld [smem:$0x3FA5]  }
0x2a: {  	p0 =	seq.s32 s5, $0x0;
	s5 =	sld [smem:$0x3FA6]  }
0x2b: {  	s6 =	sld [smem:$0x3FA7]  }
0x2c: {  	s7 =	sld [smem:$0x3FA8]  }
0x2d: {  	s3 =	simm.s32 $0x108;
	s8 =	sld [smem:$0x3FA9]  }
0x2e: {  	s3 =	simm.s32 @!p0 $0x1082;
	s9 =	sld [smem:$0x3FAA]  }
0x2f: {  	lr =	sadd.s32 s0, s3;
	s0 =	sld [smem:$0x3FA1]  }
0x30: {  	s3 =	sld [smem:$0x3FA4]  }
0x31: {  	[smem:$0x3FAD] =	sst s10  }
0x32: {  	s10 =	sld [smem:$0x3FAB];
	_ =	sdelay $0x3  }
0x33: {  	p0 =	seq.s32 s10, $0x1;
	s10 =	sld [smem:$0x3FAD];
	_ =	sdelay $0x3  }
0x34: {  	[smem:$0x3FAD] =	sst s10  }
0x35: {  	s10 =	sld [smem:$0x3FAC];
	_ =	sdelay $0x3  }
0x36: {  	p1 =	seq.s32 s10, $0x1;
	s10 =	sld [smem:$0x3FAD];
	_ =	sdelay $0x3  }
0x37: {  	[smem:$0x3FAD] =	sst s10  }
0x38: {  	s10 =	sld [smem:$0x3FAE]  }
0x39: {  	_ = 	snop;
	(pc) =	sbr.ind lr, $3  }
0x3a: {  	_ = 	snop  }
0x3b: {  	_ = 	snop  }
0x3c: {  	p2 =	seq.s32 s10, $0x1;
	s10 =	sld [smem:$0x3FAD]  }
0x3d: {  	_ =	shalt  }
0x3e: {  	_ =	shalt  }
0x3f: {  	_ =	shalt  }
0x40: {  	_ =	shalt  }
0x41: {  	_ =	shalt  }
0x42: {  	_ =	shalt  }
0x43: {  	_ =	shalt  }
0x44: {  	_ =	shalt  }
0x45: {  	_ =	shalt  }
0x46: {  	_ =	shalt  }
0x47: {  	_ =	shalt  }
0x48: {  	_ =	shalt  }
0x49: {  	_ =	shalt  }
0x4a: {  	_ =	shalt  }
0x4b: {  	_ =	shalt  }
0x4c: {  	_ =	shalt  }
0x4d: {  	_ =	shalt  }
0x4e: {  	_ =	shalt  }
0x4f: {  	_ =	shalt  }
0x50: {  	_ =	shalt  }
0x51: {  	_ =	shalt  }
0x52: {  	_ =	shalt  }
0x53: {  	_ =	shalt  }
0x54: {  	_ =	shalt  }
0x55: {  	_ =	shalt  }
0x56: {  	_ =	shalt  }
0x57: {  	_ =	shalt  }
0x58: {  	_ =	shalt  }
0x59: {  	_ =	shalt  }
0x5a: {  	_ =	shalt  }
0x5b: {  	_ =	shalt  }
0x5c: {  	_ =	shalt  }
0x5d: {  	_ =	shalt  }
0x5e: {  	_ =	shalt  }
0x5f: {  	_ =	shalt  }
0x60: {  	_ =	shalt  }
0x61: {  	_ =	shalt  }
0x62: {  	_ =	shalt  }
0x63: {  	_ =	shalt  }
0x64: {  	_ =	shalt  }
0x65: {  	_ =	shalt  }
0x66: {  	_ =	shalt  }
0x67: {  	_ =	shalt  }
0x68: {  	_ =	shalt  }
0x69: {  	_ =	shalt  }
0x6a: {  	_ =	shalt  }
0x6b: {  	_ =	shalt  }
0x6c: {  	_ =	shalt  }
0x6d: {  	_ =	shalt  }
0x6e: {  	_ =	shalt  }
0x6f: {  	_ =	shalt  }
0x70: {  	_ =	shalt  }
0x71: {  	_ =	shalt  }
0x72: {  	_ =	shalt  }
0x73: {  	_ =	shalt  }
0x74: {  	_ =	shalt  }
0x75: {  	_ =	shalt  }
0x76: {  	_ =	shalt  }
0x77: {  	_ =	shalt  }
0x78: {  	_ =	shalt  }
0x79: {  	_ =	shalt  }
0x7a: {  	_ =	shalt  }
0x7b: {  	_ =	shalt  }
0x7c: {  	_ =	shalt  }
0x7d: {  	_ =	shalt  }
0x7e: {  	_ =	shalt  }
0x7f: {  	_ =	shalt  }
0x80: {  	_ =	shalt  }
0x81: {  	_ =	shalt  }
0x82: {  	_ =	shalt  }
0x83: {  	_ =	shalt  }
0x84: {  	_ =	shalt  }
0x85: {  	_ =	shalt  }
0x86: {  	_ =	shalt  }
0x87: {  	_ =	shalt  }
.Lfunc_end0:
.L_simem_size_0:
called_computation.2_lowered:
.L_overlay_start_0:
0x88: {  	s2 =	sld [smem:$0x3FD9]  }
0x89: {  	s3 =	sld [smem:$0x3FFE];
	_ =	sdelay $0x1  }
0x8a: {  	s1 =	srdreg.scid  }
0x8b: {  	s0 =	sand.u32 $0x1, s1  }
0x8c: {  	s17 =	sshll.u32 s0, $0xA;
	s2 =	sadd.s32 s3, s2  }
0x8d: {  	s2 =	sadd.s32 s2, s17  }
0x8e: {  	[smem:$0x3FB9] =	sst s2  }
0x8f: {  	_ = 	snop  }
0x90: {  	(tm) =	ssettm $0x1  }
0x91: {  	s18 =	sld [smem:$0x3FFB];
	_ =	sdelay $0x3  }
0x92: {  	_ =	strace s18  }
0x93: {  	s2 =	sld [smem:$0x3FFC];
	_ =	sdelay $0x3  }
0x94: {  	_ =	strace s2  }
0x95: {  	s2 =	sld [smem:$0x3FFD];
	_ =	sdelay $0x3  }
0x96: {  	_ =	strace s2  }
0x97: {  	_ =	strace $0x8FFFFFFF  }
0x98: {  	s19 =	sld [smem:$0x3FDB];
	_ =	sdelay $0x1  }
0x99: {  	s20 =	simm.s32 $_scs_section_size  }
0x9a: {  	s4 =	simm.s32 $_size__tile_overlayer_lowered;
	s5 =	simm.s32 $_tile_overlayer_lowered  }
0x9b: {  	s6 =	simm.s32 $0x1BFF;
	s21 =	sshll.u32 s5, $0x1;
	s3 =	sadd.s32 s20, s19  }
0x9c: {  	s22 =	simm.s32 $0x0;
	s4 =	sshll.u32 s4, $0x1;
	s5 =	sadd.s32 s21, s3  }
0x9d: {  	[timem:s22], [sflag:s6] =	dma.local [hbm:s5], s4  }
0x9e: {  	_ =	swait.ge [sflag:s6], s4  }
0x9f: {  	s4 =	ssub.s32 $0x0, s4;
	[sflag:s6] =	ssyncset.done $0x0  }
0xa0: {  	[sflag:s6] =	ssyncadd.s32 s4;
	_ =	sdelay $0x1  }
0xa1: {  	s23 =	simm.s32 $0x1B8B  }
0xa2: {  	_ =	swait.ge [sflag:s23], $0x1  }
0xa3: {  	[sflag:s23] =	ssyncset.done $0x0  }
0xa4: {  	[sflag:s23] =	ssyncadd.s32 $0xFFFFFFFF  }
0xa5: {  	s4 =	sld [smem:$0x0]  }
0xa6: {  	s5 =	sand.u32 $0xFFFFFFFE, s1  }
0xa7: {  	p0 =	sne.s32 s1, s5  }
0xa8: {  	s5 =	sshll.u32 @p0 s5, $0xE  }
0xa9: {  	s5 =	sadd.s32 @p0 $0x11B8D, s5;
	s6 =	sshll.u32 @p0 s4, $0x11  }
0xaa: {  	s5 =	sor.u32 @p0 s6, s5  }
0xab: {  	[sflag:s5] =	ssyncadd.remote.s32 @p0 $0x1;
	_ =	sdelay $0x1  }
0xac: {  	s5 =	simm.s32 @p0 $0x1B8D  }
0xad: {  	_ =	swait.eq @p0 [sflag:s5], $0x1  }
0xae: {  	[sflag:s5] =	ssyncadd.s32 @p0 $0xFFFFFFFF  }
0xaf: {  	s6 =	sshll.u32 @!p0 s1, $0xE  }
0xb0: {  	s6 =	sor.u32 @!p0 $0x4000, s6;
	s5 =	simm.s32 @!p0 $0x1B8D  }
0xb1: {  	s4 =	sshll.u32 @!p0 s4, $0x11;
	s6 =	sadd.s32 @!p0 $0x11B8D, s6;
	_ =	swait.eq @!p0 [sflag:s5], $0x1  }
0xb2: {  	s4 =	sor.u32 @!p0 s4, s6;
	[sflag:s5] =	ssyncadd.s32 @!p0 $0xFFFFFFFF  }
0xb3: {  	s25 =	simm.s32 $0x1B8E;
	s24 =	sld [smem:$0x3FFE];
	[sflag:s4] =	ssyncadd.remote.s32 @!p0 $0x1  }
0xb4: {  	s26 =	simm.s32 $execute0_lowered;
	[smem:$0x3FD2] =	sst s25  }
0xb5: {  	s5 =	sshll.u32 s26, $0x1;
	_ =	strace $0x8000004F;
	[dreg:$0x1] =	wrdreg $0xFFFFFFFF  }
0xb6: {  	s28 =	simm.s32 $_size_execute0_lowered;
	s3 =	sadd.s32 s3, s5;
	[dreg:$0x0] =	wrdreg $0x0  }
0xb7: {  	s5 =	sshll.u32 s28, $0x1;
	[dreg:$0x2] =	wrdreg s3  }
0xb8: {  	[dreg:$0x3] =	wrdreg s5  }
0xb9: {  	[dreg:$0x4] =	wrdreg $0xC0  }
0xba: {  	_ =	task [dreg:s22], $0x5FFFF  }
0xbb: {  	[dreg:$0x1] =	wrdreg $0xFFFFFFFF  }
0xbc: {  	[dreg:$0x0] =	wrdreg $0x60  }
0xbd: {  	[dreg:$0x2] =	wrdreg s24  }
0xbe: {  	[dreg:$0x3] =	wrdreg $0x45000  }
0xbf: {  	[dreg:$0x4] =	wrdreg $0x9  }
0xc0: {  	_ =	task.clear_ibuf [dreg:s22], $0x5FFFF;
	_ =	strace $0x9000004F  }
0xc1: {  	s29 =	simm.s32 $0x9;
	_ =	strace $0x80000051  }
0xc2: {  	_ =	swait.ge [sflag:s29], $0x1  }
0xc3: {  	[sflag:s29] =	ssyncadd.s32 $0xFFFFFFFF  }
0xc4: {  	_ =	strace $0x90000051  }
0xc5: {  	_ =	sfence  }
0xc6: {  	s30 =	sld [smem:$0x0];
	_ =	sdelay $0x2  }
0xc7: {  	s31 =	sshll.u32 s1, $0xD;
	s1 =	sshrl.u32 s1, $0x2  }
0xc8: {  	s4 =	sand.u32 $0x4000, s31;
	s1 =	sadd.s32 s1, s30  }
0xc9: {  	s0 =	sor.u32 s4, s0;
	s1 =	sshll.u32 s1, $0x11  }
0xca: {  	s0 =	sor.u32 s1, s0  }
0xcb: {  	s0 =	sadd.s32 $0x8F2B, s0  }
0xcc: {  	[sflag:s0] =	ssyncadd.remote.s32 $0x1  }
0xcd: {  	_ =	sfence.sel $0xFFFF  }
0xce: {  	[dreg:$0x0] =	wrdreg $0xFFFFFFFF;
	(pc) =	sbr.abs _section_cstart, $3  }
0xcf: {  	[dreg:$0x1] =	wrdreg $0xFFFFFFFF  }
0xd0: {  	_ =	task.clear_ibuf [dreg:s22], $0x2FFFF;
	_ =	strace $0x9FFFFFFF  }
0xd1: {  	(tm) =	ssettm $0x7FFFFFFF  }
tec
execute0_lowered:
.L_overlay_start_1:
0x0: {  	(tag) =	ssettag $0x1  }
0x1: {  	s4 =	rddreg [dreg:$0x0];
	s0 =	srdreg.scid  }
0x2: {  	s1 =	rddreg [dreg:$0x1];
	s3 =	simm.s32 $0x0;
	s2 =	stileid.u32  }
0x3: {  	s13 =	simm.s32 $0x80;
	s14 =	simm.s32 $0x400;
	s8 =	smul.u32 $0x50000, s2  }
0x4: {  	s15 =	simm.s32 $0x480;
	s16 =	simm.s32 $0x1;
	s12 =	smul.u32 $0x500, s2  }
0x5: {  	s17 =	simm.s32 $0x2;
	s5 =	sand.u32 $0x1, s0;
	s19 =	smul.u32 $0x2800, s2  }
0x6: {  	s21 =	simm.s32 $0x0;
	s0 =	rddreg [dreg:$0x2];
	s6 =	smul.u32 $0x5000, s5  }
0x7: {  	[smem:$0x7FF] =	sst s3;
	s7 =	smul.u32 $0x28000, s5;
	s5 =	ssub.s32 $0x2, s5  }
0x8: {  	s31 =	sshll.u32 s2, $0x6;
	s28 =	sshrl.u32 s5, $0x1;
	s29 =	sshrl.u32 s8, $0x2  }
0x9: {  	s9 =	sadd.s32 s6, s4;
	s10 =	sadd.s32 s7, s4;
	s4 =	sadd.s32 s29, s1  }
0xa: {  	_ =	strace $0x80000050;
	s11 =	ssub.s32 s5, s28;
	s5 =	sadd.s32 $0x4000, s4  }
0xb: {  	s6 =	sadd.s32 $0x8000, s4;
	s7 =	sadd.s32 $0xC000, s4;
	s8 =	sadd.s32 $0x10000, s4  }
0xc: {  	s18 =	sadd.s32 $0x5A6000, s10;
	s30 =	sadd.s32 s12, s9;
	s9 =	smax.u32 s11, $0x1  }
0xd: {  	s11 =	simm.s32 $0x500;
	s12 =	simm.s32 $0x3;
	s20 =	sshrl.u32 s4, $0x3  }
0xe: {  	v0 =	vimm.f32 $0.0e+00;
	v1 =	vimm.f32 $1.000000000e+00;
	s10 =	sadd.s32 $0x23A00, s30;
	s18 =	sadd.s32 s19, s18;
	s19 =	sor.u32 $0x1C03, s31  }
.LBB2_1:
0xf: {  	s22 =	simm.s32 $0x0;
	s23 =	simm.s32 $0x200  }
.LBB2_2:
0x10: {  	p0 =	sne.s32 s23, $0xFE00;
	[tilespmem:s22+$0x570] =	vst v0  }
0x11: {  	[tilespmem:s22+$0x500] =	vst v0  }
0x12: {  	[tilespmem:s22+$0x510] =	vst v0  }
.Ltmp0:
0x13: {  	[tilespmem:s22+$0x520] =	vst v0;
	(pc) =	sbr.rel @p0 .LBB2_2-.Ltmp0, $4  }
0x14: {  	[tilespmem:s22+$0x530] =	vst v0  }
0x15: {  	[tilespmem:s22+$0x540] =	vst v0  }
0x16: {  	[tilespmem:s22+$0x550] =	vst v0  }
0x17: {  	[tilespmem:s22+$0x560] =	vst v0;
	s22 =	sshra.s32 s23, $0x2;
	s23 =	sadd.s32 $0x200, s23  }
0x18: {  	[tilespmem:s22+$0x570] =	vst v0  }
0x19: {  	[tilespmem:s22+$0x500] =	vst v0  }
0x1a: {  	[tilespmem:s22+$0x510] =	vst v0  }
0x1b: {  	[tilespmem:s22+$0x520] =	vst v0  }
0x1c: {  	[tilespmem:s22+$0x530] =	vst v0  }
0x1d: {  	[tilespmem:s22+$0x540] =	vst v0  }
0x1e: {  	[tilespmem:s22+$0x550] =	vst v0  }
0x1f: {  	[tilespmem:s22+$0x560] =	vst v0  }
0x20: {  	[spmem:s4] =	stream.linear.scatter [tilespmem:s11], [sflag:$0x3], $0x4000, $0x38;
	[tilespmem:$0x18500] =	vst v63  }
0x21: {  	_ =	swait.ge [sflag:s12], $0x4000  }
0x22: {  	[sflag:s12] =	ssyncset.done $0x0  }
0x23: {  	[sflag:s12] =	ssyncadd.s32 $0xFFFFC000  }
0x24: {  	[spmem:s5] =	stream.linear.scatter [tilespmem:s11], [sflag:$0x3], $0x4000, $0x38;
	[tilespmem:$0x18500] =	vst v63  }
0x25: {  	_ =	swait.ge [sflag:s12], $0x4000  }
0x26: {  	[sflag:s12] =	ssyncset.done $0x0  }
0x27: {  	[sflag:s12] =	ssyncadd.s32 $0xFFFFC000  }
0x28: {  	[spmem:s6] =	stream.linear.scatter [tilespmem:s11], [sflag:$0x3], $0x4000, $0x38;
	[tilespmem:$0x18500] =	vst v63  }
0x29: {  	_ =	swait.ge [sflag:s12], $0x4000  }
0x2a: {  	[sflag:s12] =	ssyncset.done $0x0  }
0x2b: {  	[sflag:s12] =	ssyncadd.s32 $0xFFFFC000  }
0x2c: {  	[spmem:s7] =	stream.linear.scatter [tilespmem:s11], [sflag:$0x3], $0x4000, $0x38;
	[tilespmem:$0x18500] =	vst v63  }
0x2d: {  	_ =	swait.ge [sflag:s12], $0x4000  }
0x2e: {  	[sflag:s12] =	ssyncset.done $0x0  }
0x2f: {  	[sflag:s12] =	ssyncadd.s32 $0xFFFFC000  }
0x30: {  	[spmem:s8] =	stream.linear.scatter [tilespmem:s11], [sflag:$0x3], $0x4000, $0x38;
	[tilespmem:$0x18500] =	vst v63  }
0x31: {  	_ =	swait.ge [sflag:s12], $0x4000  }
0x32: {  	[sflag:s12] =	ssyncset.done $0x0  }
0x33: {  	s22 =	simm.s32 $0x0;
	s23 =	simm.s32 $0x200;
	[sflag:s12] =	ssyncadd.s32 $0xFFFFC000  }
.LBB2_4:
0x34: {  	p0 =	sne.s32 s23, $0xFE00;
	[tilespmem:s22+$0x570] =	vst v1  }
0x35: {  	[tilespmem:s22+$0x500] =	vst v1  }
0x36: {  	[tilespmem:s22+$0x510] =	vst v1  }
.Ltmp1:
0x37: {  	[tilespmem:s22+$0x520] =	vst v1;
	(pc) =	sbr.rel @p0 .LBB2_4-.Ltmp1, $4  }
0x38: {  	[tilespmem:s22+$0x530] =	vst v1  }
0x39: {  	[tilespmem:s22+$0x540] =	vst v1  }
0x3a: {  	[tilespmem:s22+$0x550] =	vst v1  }
0x3b: {  	[tilespmem:s22+$0x560] =	vst v1;
	s22 =	sshra.s32 s23, $0x2;
	s23 =	sadd.s32 $0x200, s23  }
0x3c: {  	[tilespmem:s22+$0x570] =	vst v1  }
0x3d: {  	[tilespmem:s22+$0x500] =	vst v1  }
0x3e: {  	[tilespmem:s22+$0x510] =	vst v1  }
0x3f: {  	[tilespmem:s22+$0x520] =	vst v1  }
0x40: {  	[tilespmem:s22+$0x530] =	vst v1  }
0x41: {  	[tilespmem:s22+$0x540] =	vst v1  }
0x42: {  	[tilespmem:s22+$0x550] =	vst v1  }
0x43: {  	[tilespmem:s22+$0x560] =	vst v1  }
0x44: {  	s22 =	simm.s32 $0x0;
	[bflag:$0x0] =	sbarrier.arrive $0xFFFF  }
.LBB2_6:
0x45: {  	s23 =	sadd.s32 s22, s10  }
0x46: {  	[tilespmem:s3], [sflag:$0x3] =	stream.linear.gather [hbm4b:s23+s3], $0x400, $0x38;
	[tilespmem:$0x18500] =	vst v63  }
0x47: {  	_ =	swait.ge [sflag:s12], $0x400  }
0x48: {  	[sflag:s12] =	ssyncset.done $0x0  }
0x49: {  	[sflag:s12] =	ssyncadd.s32 $0xFFFFFC00  }
0x4a: {  	v2 =	vld [tilespmem:$0x0]  }
0x4b: {  	v3 =	vld [tilespmem:$0x10]  }
0x4c: {  	v4 =	vld [tilespmem:$0x20]  }
0x4d: {  	v5 =	vld [tilespmem:$0x30]  }
0x4e: {  	v6 =	vld [tilespmem:$0x40]  }
0x4f: {  	v35 =	vld [tilespmem:$0x70];
	[tilespmem:$0x400] =	vst v2  }
0x50: {  	v2 =	vld [tilespmem:$0x50];
	[tilespmem:$0x410] =	vst v3  }
0x51: {  	v3 =	vld [tilespmem:$0x60];
	[tilespmem:$0x420] =	vst v4  }
0x52: {  	[tilespmem:$0x430] =	vst v5  }
0x53: {  	[tilespmem:$0x440] =	vst v6  }
0x54: {  	[tilespmem:$0x470] =	vst v35  }
0x55: {  	[tilespmem:$0x450] =	vst v2  }
0x56: {  	[tilespmem:$0x460] =	vst v3  }
0x57: {  	[spmem:s1] =	stream.indirect.scatter.add.f32 [tilespmem:s11], [sflag:$0x1], $0x80, s14, s13, $0xb8;
	[tilespmem:$0x18500] =	vst v63  }
0x58: {  	v2 =	vld [tilespmem:$0x80]  }
0x59: {  	v3 =	vld [tilespmem:$0x90]  }
0x5a: {  	v36 =	vld [tilespmem:$0xA0]  }
0x5b: {  	v37 =	vld [tilespmem:$0xB0]  }
0x5c: {  	v38 =	vld [tilespmem:$0xC0]  }
0x5d: {  	v39 =	vld [tilespmem:$0xF0];
	[tilespmem:$0x480] =	vst v2  }
0x5e: {  	v2 =	vld [tilespmem:$0xD0];
	[tilespmem:$0x490] =	vst v3  }
0x5f: {  	v3 =	vld [tilespmem:$0xE0];
	[tilespmem:$0x4A0] =	vst v36  }
0x60: {  	[tilespmem:$0x4B0] =	vst v37  }
0x61: {  	[tilespmem:$0x4C0] =	vst v38  }
0x62: {  	[tilespmem:$0x4F0] =	vst v39  }
0x63: {  	[tilespmem:$0x4D0] =	vst v2  }
0x64: {  	[tilespmem:$0x4E0] =	vst v3  }
0x65: {  	[spmem:s1] =	stream.indirect.scatter.add.f32 [tilespmem:s11], [sflag:$0x2], $0x80, s15, s13, $0xb8;
	[tilespmem:$0x18500] =	vst v63  }
0x66: {  	_ =	swait.ge [sflag:s16], $0x4000  }
0x67: {  	[sflag:s16] =	ssyncset.done $0x0  }
0x68: {  	[sflag:s16] =	ssyncadd.s32 $0xFFFFC000  }
0x69: {  	_ =	swait.ge [sflag:s17], $0x4000  }
0x6a: {  	[sflag:s17] =	ssyncset.done $0x0  }
0x6b: {  	[sflag:s17] =	ssyncadd.s32 $0xFFFFC000  }
0x6c: {  	v2 =	vld [tilespmem:$0x100]  }
0x6d: {  	v3 =	vld [tilespmem:$0x110]  }
0x6e: {  	v40 =	vld [tilespmem:$0x120]  }
0x6f: {  	v41 =	vld [tilespmem:$0x130]  }
0x70: {  	v42 =	vld [tilespmem:$0x140]  }
0x71: {  	v43 =	vld [tilespmem:$0x170];
	[tilespmem:$0x400] =	vst v2  }
0x72: {  	v2 =	vld [tilespmem:$0x150];
	[tilespmem:$0x410] =	vst v3  }
0x73: {  	v3 =	vld [tilespmem:$0x160];
	[tilespmem:$0x420] =	vst v40  }
0x74: {  	[tilespmem:$0x430] =	vst v41  }
0x75: {  	[tilespmem:$0x440] =	vst v42  }
0x76: {  	[tilespmem:$0x470] =	vst v43  }
0x77: {  	[tilespmem:$0x450] =	vst v2  }
0x78: {  	[tilespmem:$0x460] =	vst v3  }
0x79: {  	[spmem:s1] =	stream.indirect.scatter.add.f32 [tilespmem:s11], [sflag:$0x1], $0x80, s14, s13, $0xb8;
	[tilespmem:$0x18500] =	vst v63  }
0x7a: {  	v2 =	vld [tilespmem:$0x180]  }
0x7b: {  	v3 =	vld [tilespmem:$0x190]  }
0x7c: {  	v44 =	vld [tilespmem:$0x1A0]  }
0x7d: {  	v45 =	vld [tilespmem:$0x1B0]  }
0x7e: {  	v46 =	vld [tilespmem:$0x1C0]  }
0x7f: {  	v47 =	vld [tilespmem:$0x1F0];
	[tilespmem:$0x480] =	vst v2  }
0x80: {  	v2 =	vld [tilespmem:$0x1D0];
	[tilespmem:$0x490] =	vst v3  }
0x81: {  	v3 =	vld [tilespmem:$0x1E0];
	[tilespmem:$0x4A0] =	vst v44  }
0x82: {  	[tilespmem:$0x4B0] =	vst v45  }
0x83: {  	[tilespmem:$0x4C0] =	vst v46  }
0x84: {  	[tilespmem:$0x4F0] =	vst v47  }
0x85: {  	[tilespmem:$0x4D0] =	vst v2  }
0x86: {  	[tilespmem:$0x4E0] =	vst v3  }
0x87: {  	[spmem:s1] =	stream.indirect.scatter.add.f32 [tilespmem:s11], [sflag:$0x2], $0x80, s15, s13, $0xb8;
	[tilespmem:$0x18500] =	vst v63  }
0x88: {  	_ =	swait.ge [sflag:s16], $0x4000  }
0x89: {  	[sflag:s16] =	ssyncset.done $0x0  }
0x8a: {  	[sflag:s16] =	ssyncadd.s32 $0xFFFFC000  }
0x8b: {  	_ =	swait.ge [sflag:s17], $0x4000  }
0x8c: {  	[sflag:s17] =	ssyncset.done $0x0  }
0x8d: {  	[sflag:s17] =	ssyncadd.s32 $0xFFFFC000  }
0x8e: {  	v2 =	vld [tilespmem:$0x200]  }
0x8f: {  	v3 =	vld [tilespmem:$0x210]  }
0x90: {  	v48 =	vld [tilespmem:$0x220]  }
0x91: {  	v49 =	vld [tilespmem:$0x230]  }
0x92: {  	v50 =	vld [tilespmem:$0x240]  }
0x93: {  	v51 =	vld [tilespmem:$0x270];
	[tilespmem:$0x400] =	vst v2  }
0x94: {  	v2 =	vld [tilespmem:$0x250];
	[tilespmem:$0x410] =	vst v3  }
0x95: {  	v3 =	vld [tilespmem:$0x260];
	[tilespmem:$0x420] =	vst v48  }
0x96: {  	[tilespmem:$0x430] =	vst v49  }
0x97: {  	[tilespmem:$0x440] =	vst v50  }
0x98: {  	[tilespmem:$0x470] =	vst v51  }
0x99: {  	[tilespmem:$0x450] =	vst v2  }
0x9a: {  	[tilespmem:$0x460] =	vst v3  }
0x9b: {  	[spmem:s1] =	stream.indirect.scatter.add.f32 [tilespmem:s11], [sflag:$0x1], $0x80, s14, s13, $0xb8;
	[tilespmem:$0x18500] =	vst v63  }
0x9c: {  	v2 =	vld [tilespmem:$0x280]  }
0x9d: {  	v3 =	vld [tilespmem:$0x290]  }
0x9e: {  	v52 =	vld [tilespmem:$0x2A0]  }
0x9f: {  	v53 =	vld [tilespmem:$0x2B0]  }
0xa0: {  	v54 =	vld [tilespmem:$0x2C0]  }
0xa1: {  	v55 =	vld [tilespmem:$0x2F0];
	[tilespmem:$0x480] =	vst v2  }
0xa2: {  	v2 =	vld [tilespmem:$0x2D0];
	[tilespmem:$0x490] =	vst v3  }
0xa3: {  	v3 =	vld [tilespmem:$0x2E0];
	[tilespmem:$0x4A0] =	vst v52  }
0xa4: {  	[tilespmem:$0x4B0] =	vst v53  }
0xa5: {  	[tilespmem:$0x4C0] =	vst v54  }
0xa6: {  	[tilespmem:$0x4F0] =	vst v55  }
0xa7: {  	[tilespmem:$0x4D0] =	vst v2  }
0xa8: {  	[tilespmem:$0x4E0] =	vst v3  }
0xa9: {  	[spmem:s1] =	stream.indirect.scatter.add.f32 [tilespmem:s11], [sflag:$0x2], $0x80, s15, s13, $0xb8;
	[tilespmem:$0x18500] =	vst v63  }
0xaa: {  	_ =	swait.ge [sflag:s16], $0x4000  }
0xab: {  	[sflag:s16] =	ssyncset.done $0x0  }
0xac: {  	[sflag:s16] =	ssyncadd.s32 $0xFFFFC000  }
0xad: {  	_ =	swait.ge [sflag:s17], $0x4000  }
0xae: {  	[sflag:s17] =	ssyncset.done $0x0  }
0xaf: {  	[sflag:s17] =	ssyncadd.s32 $0xFFFFC000  }
0xb0: {  	v2 =	vld [tilespmem:$0x300]  }
0xb1: {  	v3 =	vld [tilespmem:$0x310]  }
0xb2: {  	v56 =	vld [tilespmem:$0x320]  }
0xb3: {  	v57 =	vld [tilespmem:$0x330]  }
0xb4: {  	v58 =	vld [tilespmem:$0x340]  }
0xb5: {  	v59 =	vld [tilespmem:$0x370];
	[tilespmem:$0x400] =	vst v2  }
0xb6: {  	v2 =	vld [tilespmem:$0x350];
	[tilespmem:$0x410] =	vst v3  }
0xb7: {  	v3 =	vld [tilespmem:$0x360];
	[tilespmem:$0x420] =	vst v56  }
0xb8: {  	[tilespmem:$0x430] =	vst v57  }
0xb9: {  	[tilespmem:$0x440] =	vst v58  }
0xba: {  	[tilespmem:$0x470] =	vst v59  }
0xbb: {  	[tilespmem:$0x450] =	vst v2  }
0xbc: {  	[tilespmem:$0x460] =	vst v3  }
0xbd: {  	[spmem:s1] =	stream.indirect.scatter.add.f32 [tilespmem:s11], [sflag:$0x1], $0x80, s14, s13, $0xb8;
	[tilespmem:$0x18500] =	vst v63  }
0xbe: {  	v2 =	vld [tilespmem:$0x380]  }
0xbf: {  	v3 =	vld [tilespmem:$0x390]  }
0xc0: {  	v60 =	vld [tilespmem:$0x3A0]  }
0xc1: {  	v61 =	vld [tilespmem:$0x3B0]  }
0xc2: {  	v62 =	vld [tilespmem:$0x3C0]  }
0xc3: {  	v63 =	vld [tilespmem:$0x3F0];
	[tilespmem:$0x480] =	vst v2  }
0xc4: {  	v2 =	vld [tilespmem:$0x3D0];
	[tilespmem:$0x490] =	vst v3  }
0xc5: {  	v3 =	vld [tilespmem:$0x3E0];
	[tilespmem:$0x4A0] =	vst v60  }
0xc6: {  	[tilespmem:$0x4B0] =	vst v61  }
0xc7: {  	[tilespmem:$0x4C0] =	vst v62  }
0xc8: {  	[tilespmem:$0x4F0] =	vst v63  }
0xc9: {  	[tilespmem:$0x4D0] =	vst v2  }
0xca: {  	[tilespmem:$0x4E0] =	vst v3  }
0xcb: {  	[spmem:s1] =	stream.indirect.scatter.add.f32 [tilespmem:s11], [sflag:$0x2], $0x80, s15, s13, $0xb8;
	[tilespmem:$0x18500] =	vst v63  }
0xcc: {  	p0 =	sne.s32 s22, $0x480;
	_ =	swait.ge [sflag:s16], $0x4000  }
.Ltmp2:
0xcd: {  	[sflag:s16] =	ssyncset.done $0x0;
	(pc) =	sbr.rel @p0 .LBB2_6-.Ltmp2, $4  }
0xce: {  	[sflag:s16] =	ssyncadd.s32 $0xFFFFC000  }
0xcf: {  	_ =	swait.ge [sflag:s17], $0x4000  }
0xd0: {  	[sflag:s17] =	ssyncset.done $0x0  }
0xd1: {  	s22 =	sadd.s32 $0x80, s22;
	[sflag:s17] =	ssyncadd.s32 $0xFFFFC000  }
0xd2: {  	s21 =	sadd.s32 $0x1, s21  }
0xd3: {  	p0 =	sne.s32 s21, s9  }
.Ltmp3:
0xd4: {  	[bflag:$0x0] =	sbarrier.arrive $0xFFFF;
	(pc) =	sbr.rel @p0 .LBB2_1-.Ltmp3, $4  }
0xd5: {  	[hbm:s18], [sflag:s19] =	dma.local [spmem:s20], $0x2800  }
0xd6: {  	_ =	swait.ge [sflag:s12], $0x2800  }
0xd7: {  	[sflag:s12] =	ssyncset.done $0x0  }
0xd8: {  	[sflag:s12] =	ssyncadd.s32 $0xFFFFD800  }
0xd9: {  	_ =	sfence.sel $0x180000  }
0xda: {  	[bflag:$0x0] =	sbarrier.arrive $0xFFFF  }
0xdb: {  	p0 =	sne.s32 s2, $0x0;
	_ =	strace $0x90000050  }
0xdc: {  	s0 =	sadd.s32 @!p0 $0x100000, s0;
	[bflag:$0x2] =	sbarrier.arrive $0xFFFF  }
0xdd: {  	[sflag:s0] =	ssyncadd.tile.s32 @!p0 $0x1;
	_ =	shalt  }
.Lfunc_end2:
_tile_overlayer_lowered:
.L_overlay_start_2:
0xde: {  	(tag) =	ssettag $0x2  }
0xdf: {  	s0 =	rddreg [dreg:$0x0];
	s2 =	stileid.u32  }
0xe0: {  	s1 =	rddreg [dreg:$0x1];
	p0 =	sne.s32 s2, $0x0  }
0xe1: {  	s3 =	rddreg [dreg:$0x2];
	[bflag:$0x3] =	sbarrier.arrive $0xFFFF;
	s2 =	simm.s32 @!p0 $0x1C03  }
0xe2: {  	[timem:s3], [sflag:s2] =	dma.local @!p0 [hbm:s0], s1  }
0xe3: {  	s0 =	simm.s32 @!p0 $0x3  }
0xe4: {  	_ =	swait.ge @!p0 [sflag:s0], s1  }
0xe5: {  	s1 =	ssub.s32 @!p0 $0x0, s1;
	[sflag:s0] =	ssyncset.done @!p0 $0x0  }
0xe6: {  	[sflag:s0] =	ssyncadd.s32 @!p0 s1  }
0xe7: {  	[bflag:$0x3] =	sbarrier.arrive $0xFFFF  }
0xe8: {  	_ =	shalt  }

// kernel: kernel.24.cloned.1.call-start
scs
__scs_entry_jumppad:
0x0: {  	(pc) =	sbr.rel $0x88, $3  }
0x1: {  	(tag) =	ssettag $0x0;
	lr =	simm.s32 $0x1  }
0x2: {  	[smem:$0x3F92] =	sst lr;
	_ =	strace $0xD0000000  }
0x3: {  	_ = 	snop  }
0x4: {  	_ = 	snop  }
0x5: {  	_ = 	snop  }
0x6: {  	_ = 	snop  }
0x7: {  	_ = 	snop  }
__scs_overlays_trampoline_lowered:
0x8: {  	[smem:$0x3FA1] =	sst s0  }
0x9: {  	[smem:$0x3FA2] =	sst s1  }
0xa: {  	[smem:$0x3FA3] =	sst s2  }
0xb: {  	[smem:$0x3FA4] =	sst s3  }
0xc: {  	[smem:$0x3FA5] =	sst s4  }
0xd: {  	[smem:$0x3FA6] =	sst s5  }
0xe: {  	[smem:$0x3FA7] =	sst s6  }
0xf: {  	[smem:$0x3FA8] =	sst s7  }
0x10: {  	[smem:$0x3FA9] =	sst s8  }
0x11: {  	[smem:$0x3FAA] =	sst s9;
	s0 =	simm.s32 @!p0 $0x0  }
0x12: {  	s1 =	sld [smem:$0x3F90];
	s0 =	simm.s32 @p0 $0x1  }
0x13: {  	[smem:$0x3FAB] =	sst s0;
	s0 =	simm.s32 @!p1 $0x0  }
0x14: {  	s2 =	sld [smem:$0x3F8F];
	s0 =	simm.s32 @p1 $0x1  }
0x15: {  	[smem:$0x3FAC] =	sst s0;
	s0 =	simm.s32 @!p2 $0x0  }
0x16: {  	s3 =	sld [smem:$0x3FDB];
	s0 =	simm.s32 @p2 $0x1  }
0x17: {  	s4 =	simm.s32 $0x1BF5;
	[smem:$0x3FAE] =	sst s0  }
0x18: {  	s0 =	sld [smem:$0x3F91];
	_ =	swait.ge [sflag:s4], $0x0  }
0x19: {  	s7 =	sld [smem:$0x3F92]  }
0x1a: {  	s8 =	sadd.s32 $0xFFFFE003, lr  }
0x1b: {  	s9 =	sadd.s32 $0xFFFFFEF7, lr;
	s5 =	simm.s32 $0xFFFFFFFF;
	p2 =	slt.u32 s8, $0xFFFFF086  }
0x1c: {  	p1 =	slt.u32 s9, $0xF7A;
	s5 =	simm.s32 @!p2 $0x0  }
0x1d: {  	s5 =	simm.s32 @p1 $0x1;
	p0 =	seq.s32 s7, s2  }
0x1e: {  	s7 =	smul.u32 @!p0 $0xF7A, s2;
	p2 =	seq.s32 @!p0 s5, $0x0  }
0x1f: {  	s9 =	smul.u32 $0xF7A, s1;
	s8 =	simm.s32 @!p0 $0x1BF5;
	p2 =	por !p2, p0  }
0x20: {  	[sflag:s8] =	ssyncset.s32 @!p0 $0xFFFFF086;
	s6 =	sadd.s32 @!p0 s3, s7;
	s7 =	simm.s32 @!p0 $0x108  }
0x21: {  	s3 =	sadd.s32 s3, s9;
	s6 =	sadd.s32 @!p0 $0x88, s6;
	s7 =	simm.s32 @p2 $0x1082  }
0x22: {  	[simem:s7], [sflag:s8] =	dma.local @!p0 [hbm:s6], $0xF7A  }
0x23: {  	s9 =	sor.u32 $0xD0000000, s2;
	s6 =	simm.s32 $0x108;
	_ =	swait.ge @!p0 [sflag:s8], $0x0  }
0x24: {  	s3 =	sadd.s32 $0x88, s3;
	s6 =	simm.s32 @!p1 $0x1082;
	[sflag:s4] =	ssyncset.s32 $0xFFFFF086  }
0x25: {  	[simem:s6], [sflag:s4] =	dma.local [hbm:s3], $0xF7A  }
0x26: {  	[smem:$0x3F92] =	sst s1;
	(tag) =	ssettag s2;
	_ =	strace s9  }
0x27: {  	s1 =	sld [smem:$0x3FA2]  }
0x28: {  	s2 =	sld [smem:$0x3FA3]  }
0x29: {  	s4 =	sld [smem:$0x3FA5]  }
0x2a: {  	p0 =	seq.s32 s5, $0x0;
	s5 =	sld [smem:$0x3FA6]  }
0x2b: {  	s6 =	sld [smem:$0x3FA7]  }
0x2c: {  	s7 =	sld [smem:$0x3FA8]  }
0x2d: {  	s3 =	simm.s32 $0x108;
	s8 =	sld [smem:$0x3FA9]  }
0x2e: {  	s3 =	simm.s32 @!p0 $0x1082;
	s9 =	sld [smem:$0x3FAA]  }
0x2f: {  	lr =	sadd.s32 s0, s3;
	s0 =	sld [smem:$0x3FA1]  }
0x30: {  	s3 =	sld [smem:$0x3FA4]  }
0x31: {  	[smem:$0x3FAD] =	sst s10  }
0x32: {  	s10 =	sld [smem:$0x3FAB];
	_ =	sdelay $0x3  }
0x33: {  	p0 =	seq.s32 s10, $0x1;
	s10 =	sld [smem:$0x3FAD];
	_ =	sdelay $0x3  }
0x34: {  	[smem:$0x3FAD] =	sst s10  }
0x35: {  	s10 =	sld [smem:$0x3FAC];
	_ =	sdelay $0x3  }
0x36: {  	p1 =	seq.s32 s10, $0x1;
	s10 =	sld [smem:$0x3FAD];
	_ =	sdelay $0x3  }
0x37: {  	[smem:$0x3FAD] =	sst s10  }
0x38: {  	s10 =	sld [smem:$0x3FAE]  }
0x39: {  	_ = 	snop;
	(pc) =	sbr.ind lr, $3  }
0x3a: {  	_ = 	snop  }
0x3b: {  	_ = 	snop  }
0x3c: {  	p2 =	seq.s32 s10, $0x1;
	s10 =	sld [smem:$0x3FAD]  }
0x3d: {  	_ =	shalt  }
0x3e: {  	_ =	shalt  }
0x3f: {  	_ =	shalt  }
0x40: {  	_ =	shalt  }
0x41: {  	_ =	shalt  }
0x42: {  	_ =	shalt  }
0x43: {  	_ =	shalt  }
0x44: {  	_ =	shalt  }
0x45: {  	_ =	shalt  }
0x46: {  	_ =	shalt  }
0x47: {  	_ =	shalt  }
0x48: {  	_ =	shalt  }
0x49: {  	_ =	shalt  }
0x4a: {  	_ =	shalt  }
0x4b: {  	_ =	shalt  }
0x4c: {  	_ =	shalt  }
0x4d: {  	_ =	shalt  }
0x4e: {  	_ =	shalt  }
0x4f: {  	_ =	shalt  }
0x50: {  	_ =	shalt  }
0x51: {  	_ =	shalt  }
0x52: {  	_ =	shalt  }
0x53: {  	_ =	shalt  }
0x54: {  	_ =	shalt  }
0x55: {  	_ =	shalt  }
0x56: {  	_ =	shalt  }
0x57: {  	_ =	shalt  }
0x58: {  	_ =	shalt  }
0x59: {  	_ =	shalt  }
0x5a: {  	_ =	shalt  }
0x5b: {  	_ =	shalt  }
0x5c: {  	_ =	shalt  }
0x5d: {  	_ =	shalt  }
0x5e: {  	_ =	shalt  }
0x5f: {  	_ =	shalt  }
0x60: {  	_ =	shalt  }
0x61: {  	_ =	shalt  }
0x62: {  	_ =	shalt  }
0x63: {  	_ =	shalt  }
0x64: {  	_ =	shalt  }
0x65: {  	_ =	shalt  }
0x66: {  	_ =	shalt  }
0x67: {  	_ =	shalt  }
0x68: {  	_ =	shalt  }
0x69: {  	_ =	shalt  }
0x6a: {  	_ =	shalt  }
0x6b: {  	_ =	shalt  }
0x6c: {  	_ =	shalt  }
0x6d: {  	_ =	shalt  }
0x6e: {  	_ =	shalt  }
0x6f: {  	_ =	shalt  }
0x70: {  	_ =	shalt  }
0x71: {  	_ =	shalt  }
0x72: {  	_ =	shalt  }
0x73: {  	_ =	shalt  }
0x74: {  	_ =	shalt  }
0x75: {  	_ =	shalt  }
0x76: {  	_ =	shalt  }
0x77: {  	_ =	shalt  }
0x78: {  	_ =	shalt  }
0x79: {  	_ =	shalt  }
0x7a: {  	_ =	shalt  }
0x7b: {  	_ =	shalt  }
0x7c: {  	_ =	shalt  }
0x7d: {  	_ =	shalt  }
0x7e: {  	_ =	shalt  }
0x7f: {  	_ =	shalt  }
0x80: {  	_ =	shalt  }
0x81: {  	_ =	shalt  }
0x82: {  	_ =	shalt  }
0x83: {  	_ =	shalt  }
0x84: {  	_ =	shalt  }
0x85: {  	_ =	shalt  }
0x86: {  	_ =	shalt  }
0x87: {  	_ =	shalt  }
.Lfunc_end0:
.L_simem_size_0:
called_computation.3_lowered:
.L_overlay_start_0:
0x88: {  	s2 =	sld [smem:$0x3FD9]  }
0x89: {  	s3 =	sld [smem:$0x3FFE];
	_ =	sdelay $0x1  }
0x8a: {  	s1 =	srdreg.scid  }
0x8b: {  	s0 =	sand.u32 $0x1, s1  }
0x8c: {  	s16 =	sshll.u32 s0, $0xA;
	s2 =	sadd.s32 s3, s2  }
0x8d: {  	s2 =	sadd.s32 s2, s16  }
0x8e: {  	[smem:$0x3FB9] =	sst s2  }
0x8f: {  	_ = 	snop  }
0x90: {  	(tm) =	ssettm $0x1  }
0x91: {  	s17 =	sld [smem:$0x3FFB];
	_ =	sdelay $0x3  }
0x92: {  	_ =	strace s17  }
0x93: {  	s2 =	sld [smem:$0x3FFC];
	_ =	sdelay $0x3  }
0x94: {  	_ =	strace s2  }
0x95: {  	s2 =	sld [smem:$0x3FFD];
	_ =	sdelay $0x3  }
0x96: {  	_ =	strace s2  }
0x97: {  	_ =	strace $0x8FFFFFFF  }
0x98: {  	s18 =	sld [smem:$0x3FDB];
	_ =	sdelay $0x1  }
0x99: {  	s19 =	simm.s32 $_scs_section_size  }
0x9a: {  	s4 =	simm.s32 $_size__tile_overlayer_lowered;
	s5 =	simm.s32 $_tile_overlayer_lowered  }
0x9b: {  	s22 =	simm.s32 $0x1BFF;
	s21 =	sshll.u32 s5, $0x1;
	s2 =	sadd.s32 s19, s18  }
0x9c: {  	s6 =	simm.s32 $0x0;
	s20 =	sshll.u32 s4, $0x1;
	s4 =	sadd.s32 s21, s2  }
0x9d: {  	[timem:s6], [sflag:s22] =	dma.local [hbm:s4], s20  }
0x9e: {  	_ =	swait.ge [sflag:s22], s20  }
0x9f: {  	s3 =	ssub.s32 $0x0, s20;
	[sflag:s22] =	ssyncset.done $0x0  }
0xa0: {  	[sflag:s22] =	ssyncadd.s32 s3;
	_ =	sdelay $0x1  }
0xa1: {  	s23 =	simm.s32 $0x1B8B  }
0xa2: {  	_ =	swait.ge [sflag:s23], $0x1  }
0xa3: {  	[sflag:s23] =	ssyncset.done $0x0  }
0xa4: {  	s25 =	simm.s32 $0x1B8E;
	s24 =	sld [smem:$0x3FFE];
	[sflag:s23] =	ssyncadd.s32 $0xFFFFFFFF  }
0xa5: {  	s26 =	simm.s32 $execute0_lowered;
	[smem:$0x3FD2] =	sst s25  }
0xa6: {  	s4 =	sshll.u32 s26, $0x1;
	_ =	strace $0x8000004C;
	[dreg:$0x1] =	wrdreg $0xFFFFFFFF  }
0xa7: {  	s28 =	simm.s32 $_size_execute0_lowered;
	s2 =	sadd.s32 s2, s4;
	[dreg:$0x0] =	wrdreg $0x0  }
0xa8: {  	s4 =	sshll.u32 s28, $0x1;
	[dreg:$0x2] =	wrdreg s2  }
0xa9: {  	[dreg:$0x3] =	wrdreg s4  }
0xaa: {  	[dreg:$0x4] =	wrdreg $0xC0  }
0xab: {  	_ =	task [dreg:s6], $0x5FFFF  }
0xac: {  	[dreg:$0x1] =	wrdreg $0xFFFFFFFF  }
0xad: {  	[dreg:$0x0] =	wrdreg $0x60  }
0xae: {  	[dreg:$0x2] =	wrdreg s24  }
0xaf: {  	[dreg:$0x3] =	wrdreg $0x88800  }
0xb0: {  	[dreg:$0x4] =	wrdreg $0xA  }
0xb1: {  	_ =	task.clear_ibuf [dreg:s6], $0x5FFFF;
	_ =	strace $0x9000004C  }
0xb2: {  	s29 =	simm.s32 $0xA;
	_ =	strace $0x8000004E  }
0xb3: {  	_ =	swait.ge [sflag:s29], $0x1  }
0xb4: {  	[sflag:s29] =	ssyncadd.s32 $0xFFFFFFFF  }
0xb5: {  	_ =	strace $0x9000004E  }
0xb6: {  	_ =	sfence  }
0xb7: {  	s30 =	sld [smem:$0x0];
	_ =	sdelay $0x2  }
0xb8: {  	s31 =	sshll.u32 s1, $0xD;
	s1 =	sshrl.u32 s1, $0x2  }
0xb9: {  	s3 =	sand.u32 $0x4000, s31;
	s1 =	sadd.s32 s1, s30  }
0xba: {  	s0 =	sor.u32 s3, s0;
	s1 =	sshll.u32 s1, $0x11  }
0xbb: {  	s0 =	sor.u32 s1, s0  }
0xbc: {  	s0 =	sadd.s32 $0x8F2B, s0  }
0xbd: {  	[sflag:s0] =	ssyncadd.remote.s32 $0x1  }
0xbe: {  	_ =	sfence.sel $0xFFFF  }
0xbf: {  	[dreg:$0x0] =	wrdreg $0xFFFFFFFF;
	(pc) =	sbr.abs _section_cstart, $3  }
0xc0: {  	[dreg:$0x1] =	wrdreg $0xFFFFFFFF  }
0xc1: {  	_ =	task.clear_ibuf [dreg:s6], $0x2FFFF;
	_ =	strace $0x9FFFFFFF  }
0xc2: {  	(tm) =	ssettm $0x7FFFFFFF  }
0xc3: {  	_ =	shalt  }
tec
execute0_lowered:
.L_overlay_start_1:
0x0: {  	(tag) =	ssettag $0x1  }
0x1: {  	s0 =	rddreg [dreg:$0x0]  }
0x2: {  	s1 =	rddreg [dreg:$0x1];
	s2 =	simm.s32 $0x0  }
0x3: {  	s3 =	srdreg.scid;
	s13 =	stileid.u32;
	s18 =	simm.s32 $0x880  }
0x4: {  	s19 =	simm.s32 $0x3;
	s20 =	simm.s32 $0x400;
	s21 =	simm.s32 $0x80  }
0x5: {  	s28 =	simm.s32 $0x0;
	s29 =	simm.s32 $0x0;
	[smem:$0x7FF] =	sst s2  }
0x6: {  	s3 =	sand.u32 $0x1, s3;
	s4 =	sadd.s32 $0x2E000, s0;
	s5 =	sadd.s32 $0xA87A00, s0  }
0x7: {  	s6 =	sadd.s32 $0x23A00, s0;
	s11 =	smul.u32 $0x50000, s13;
	s7 =	sadd.s32 $0x19A00, s0  }
0x8: {  	s8 =	sadd.s32 $0xA6000, s0;
	s9 =	sadd.s32 $0xF87A00, s0;
	s31 =	smul.u32 $0x2800, s13  }
0x9: {  	_ =	strace $0x8000004D;
	s10 =	smul.u32 $0x28000, s3;
	s12 =	ssub.s32 $0x2, s3  }
0xa: {  	s3 =	sshll.u32 s3, $0x4;
	s22 =	sshrl.u32 s11, $0x2;
	s23 =	sshrl.u32 s12, $0x1  }
0xb: {  	s3 =	sor.u32 s13, s3;
	s0 =	sadd.s32 s10, s0;
	s10 =	sadd.s32 s22, s1  }
0xc: {  	s11 =	ssub.s32 s12, s23;
	s14 =	smul.u32 $0x50, s3;
	s24 =	sadd.s32 $0x4000, s10  }
0xd: {  	s16 =	smul.u32 $0x140000, s3;
	s25 =	sadd.s32 $0x8000, s10;
	[dreg:$0x3] =	wrdreg s24  }
0xe: {  	s22 =	simm.s32 $0x4880;
	s26 =	sadd.s32 $0xC000, s10;
	[dreg:$0x4] =	wrdreg s25  }
0xf: {  	s23 =	simm.s32 $0x1;
	s30 =	sadd.s32 $0x10000, s10;
	[dreg:$0x5] =	wrdreg s26  }
0x10: {  	s0 =	sadd.s32 $0x56000, s0;
	s17 =	smax.u32 s11, $0x1;
	[dreg:$0x6] =	wrdreg s30  }
0x11: {  	v0 =	vimm.f32 $0.0e+00;
	s24 =	sadd.s32 s31, s0;
	s25 =	simm.s32 $0x2;
	s26 =	simm.s32 $0x800  }
.LBB2_1:
0x12: {  	s0 =	simm.s32 $0x0;
	s3 =	simm.s32 $0x200  }
.LBB2_2:
0x13: {  	p0 =	sne.s32 s3, $0xFE00;
	[tilespmem:s0+$0x8F0] =	vst v0  }
0x14: {  	[tilespmem:s0+$0x880] =	vst v0  }
0x15: {  	[tilespmem:s0+$0x890] =	vst v0  }
.Ltmp0:
0x16: {  	[tilespmem:s0+$0x8A0] =	vst v0;
	(pc) =	sbr.rel @p0 .LBB2_2-.Ltmp0, $4  }
0x17: {  	[tilespmem:s0+$0x8B0] =	vst v0  }
0x18: {  	[tilespmem:s0+$0x8C0] =	vst v0  }
0x19: {  	[tilespmem:s0+$0x8D0] =	vst v0  }
0x1a: {  	[tilespmem:s0+$0x8E0] =	vst v0;
	s0 =	sshra.s32 s3, $0x2;
	s3 =	sadd.s32 $0x200, s3  }
0x1b: {  	[tilespmem:s0+$0x8F0] =	vst v0  }
0x1c: {  	[tilespmem:s0+$0x880] =	vst v0  }
0x1d: {  	[tilespmem:s0+$0x890] =	vst v0  }
0x1e: {  	[tilespmem:s0+$0x8A0] =	vst v0  }
0x1f: {  	[tilespmem:s0+$0x8B0] =	vst v0  }
0x20: {  	[tilespmem:s0+$0x8C0] =	vst v0  }
0x21: {  	[tilespmem:s0+$0x8D0] =	vst v0  }
0x22: {  	[tilespmem:s0+$0x8E0] =	vst v0  }
0x23: {  	[spmem:s10] =	stream.linear.scatter [tilespmem:s18], [sflag:$0x3], $0x4000, $0x38;
	[tilespmem:$0x1C880] =	vst v63  }
0x24: {  	_ =	swait.ge [sflag:s19], $0x4000  }
0x25: {  	[sflag:s19] =	ssyncset.done $0x0  }
0x26: {  	s12 =	rddreg [dreg:$0x3];
	[sflag:s19] =	ssyncadd.s32 $0xFFFFC000  }
0x27: {  	[spmem:s12] =	stream.linear.scatter [tilespmem:s18], [sflag:$0x3], $0x4000, $0x38;
	[tilespmem:$0x1C880] =	vst v63  }
0x28: {  	_ =	swait.ge [sflag:s19], $0x4000  }
0x29: {  	[sflag:s19] =	ssyncset.done $0x0  }
0x2a: {  	s13 =	rddreg [dreg:$0x4];
	[sflag:s19] =	ssyncadd.s32 $0xFFFFC000  }
0x2b: {  	[spmem:s13] =	stream.linear.scatter [tilespmem:s18], [sflag:$0x3], $0x4000, $0x38;
	[tilespmem:$0x1C880] =	vst v63  }
0x2c: {  	_ =	swait.ge [sflag:s19], $0x4000  }
0x2d: {  	[sflag:s19] =	ssyncset.done $0x0  }
0x2e: {  	s15 =	rddreg [dreg:$0x5];
	[sflag:s19] =	ssyncadd.s32 $0xFFFFC000  }
0x2f: {  	[spmem:s15] =	stream.linear.scatter [tilespmem:s18], [sflag:$0x3], $0x4000, $0x38;
	[tilespmem:$0x1C880] =	vst v63  }
0x30: {  	_ =	swait.ge [sflag:s19], $0x4000  }
0x31: {  	[sflag:s19] =	ssyncset.done $0x0  }
0x32: {  	s31 =	rddreg [dreg:$0x6];
	[sflag:s19] =	ssyncadd.s32 $0xFFFFC000  }
0x33: {  	[spmem:s31] =	stream.linear.scatter [tilespmem:s18], [sflag:$0x3], $0x4000, $0x38;
	[tilespmem:$0x1C880] =	vst v63  }
0x34: {  	_ =	swait.ge [sflag:s19], $0x4000  }
0x35: {  	[sflag:s19] =	ssyncset.done $0x0  }
0x36: {  	[sflag:s19] =	ssyncadd.s32 $0xFFFFC000  }
0x37: {  	s30 =	simm.s32 $0x0;
	[bflag:$0x0] =	sbarrier.arrive $0xFFFF  }
.LBB2_4:
0x38: {  	s31 =	sshll.u32 s30, $0x3  }
0x39: {  	s0 =	sadd.s32 s14, s31  }
0x3a: {  	s0 =	sshll.u32 s0, $0x4  }
0x3b: {  	s3 =	sadd.s32 s6, s0  }
0x3c: {  	[tilespmem:s29], [sflag:$0x3] =	stream.linear.gather [hbm4b:s3+s29], $0x400, $0x38;
	[tilespmem:$0x1C880] =	vst v63  }
0x3d: {  	_ =	swait.ge [sflag:s19], $0x400  }
0x3e: {  	[sflag:s19] =	ssyncset.done $0x0  }
0x3f: {  	s0 =	sadd.s32 s7, s0;
	[sflag:s19] =	ssyncadd.s32 $0xFFFFFC00  }
0x40: {  	[tilespmem:s20], [sflag:$0x3] =	stream.linear.gather [hbm4b:s0+s29], $0x400, $0x38;
	[tilespmem:$0x1C880] =	vst v63  }
0x41: {  	_ =	swait.ge [sflag:s19], $0x400  }
0x42: {  	[sflag:s19] =	ssyncset.done $0x0  }
0x43: {  	s0 =	simm.s32 $0x0;
	[sflag:s19] =	ssyncadd.s32 $0xFFFFFC00  }
.LBB2_5:
0x44: {  	s12 =	sshll.u32 s0, $0x7  }
0x45: {  	v1 =	vld [tilespmem:s12+$0x400];
	_ =	sdelay $0x4  }
0x46: {  	[tilespmem:$0x800] =	vst v1  }
0x47: {  	v1 =	vld [tilespmem:s12+$0x410];
	_ =	sdelay $0x4  }
0x48: {  	[tilespmem:$0x810] =	vst v1  }
0x49: {  	v1 =	vld [tilespmem:s12+$0x420];
	_ =	sdelay $0x4  }
0x4a: {  	[tilespmem:$0x820] =	vst v1  }
0x4b: {  	v1 =	vld [tilespmem:s12+$0x430];
	_ =	sdelay $0x4  }
0x4c: {  	[tilespmem:$0x830] =	vst v1  }
0x4d: {  	v1 =	vld [tilespmem:s12+$0x440];
	_ =	sdelay $0x4  }
0x4e: {  	[tilespmem:$0x840] =	vst v1  }
0x4f: {  	v1 =	vld [tilespmem:s12+$0x450];
	_ =	sdelay $0x4  }
0x50: {  	[tilespmem:$0x850] =	vst v1  }
0x51: {  	v1 =	vld [tilespmem:s12+$0x460];
	_ =	sdelay $0x4  }
0x52: {  	[tilespmem:$0x860] =	vst v1  }
0x53: {  	v1 =	vld [tilespmem:s12+$0x470];
	_ =	sdelay $0x1  }
0x54: {  	s3 =	sadd.s32 s31, s0  }
0x55: {  	s3 =	sshll.u32 s3, $0xE  }
0x56: {  	s3 =	sadd.s32 s16, s3  }
0x57: {  	s3 =	sshrl.u32 s3, $0x3;
	[tilespmem:$0x870] =	vst v1  }
0x58: {  	[tilespmem:s18], [sflag:$0x1] =	stream.indirect.gather [hbm4b:s4+s21], $0x80, s12, s21, $0xb8;
	[tilespmem:$0x1C880] =	vst v63  }
0x59: {  	s13 =	simm.s32 $0x0;
	s11 =	sadd.s32 s5, s3  }
0x5a: {  	[tilespmem:s22], [sflag:$0x2] =	stream.linear.gather [hbm4b:s11+s13], $0x4000, $0x38;
	[tilespmem:$0x1C880] =	vst v63  }
0x5b: {  	_ =	swait.ge [sflag:s23], $0x4000  }
0x5c: {  	[sflag:s23] =	ssyncset.done $0x0  }
0x5d: {  	[sflag:s23] =	ssyncadd.s32 $0xFFFFC000  }
0x5e: {  	_ =	swait.ge [sflag:s25], $0x4000  }
0x5f: {  	[sflag:s25] =	ssyncset.done $0x0  }
0x60: {  	s11 =	simm.s32 $0x0;
	[sflag:s25] =	ssyncadd.s32 $0xFFFFC000  }
0x61: {  	v7 =	vld [tilespmem:s11+$0x4880]  }
0x62: {  	v12 =	vld [tilespmem:s11+$0x4890]  }
0x63: {  	v6 =	vld [tilespmem:s11+$0x48A0]  }
0x64: {  	v5 =	vld [tilespmem:s11+$0x48B0]  }
0x65: {  	v4 =	vld [tilespmem:s11+$0x48C0]  }
0x66: {  	v3 =	vld [tilespmem:s11+$0x48D0]  }
0x67: {  	v2 =	vld [tilespmem:s11+$0x48E0]  }
0x68: {  	v1 =	vld [tilespmem:s11+$0x48F0]  }
0x69: {  	v13 =	vld [tilespmem:s11+$0x880]  }
0x6a: {  	v14 =	vld [tilespmem:s11+$0x890]  }
0x6b: {  	v11 =	vld [tilespmem:s11+$0x8A0]  }
0x6c: {  	v10 =	vld [tilespmem:s11+$0x8B0]  }
0x6d: {  	v9 =	vld [tilespmem:s11+$0x8C0]  }
0x6e: {  	v8 =	vld [tilespmem:s11+$0x8D0];
	v13 =	vadd.f32 v7, v13  }
0x6f: {  	s12 =	sadd.s32 $0x400, s12;
	s13 =	simm.s32 $0x200;
	v12 =	vadd.f32 v12, v14;
	v7 =	vld [tilespmem:s11+$0x8E0]  }
.LBB2_6:
0x70: {  	s15 =	sshra.s32 s13, $0x2;
	p0 =	sne.s32 s13, $0xFE00;
	v13 =	vmax.f32 v13, $0.0e+00;
	v6 =	vadd.f32 v6, v11;
	v11 =	vld [tilespmem:s11+$0x8F0]  }
0x71: {  	v14 =	vld [tilespmem:s15+$0x4880];
	[tilespmem:s11+$0x880] =	vst v13;
	v12 =	vmax.f32 v12, $0.0e+00;
	v5 =	vadd.f32 v5, v10  }
0x72: {  	v15 =	vld [tilespmem:s15+$0x4890];
	[tilespmem:s11+$0x890] =	vst v12;
	v10 =	vmax.f32 v6, $0.0e+00;
	v4 =	vadd.f32 v4, v9  }
0x73: {  	v6 =	vld [tilespmem:s15+$0x48A0];
	[tilespmem:s11+$0x8A0] =	vst v10;
	v9 =	vmax.f32 v5, $0.0e+00;
	v3 =	vadd.f32 v3, v8  }
0x74: {  	v5 =	vld [tilespmem:s15+$0x48B0];
	[tilespmem:s11+$0x8B0] =	vst v9;
	v8 =	vmax.f32 v4, $0.0e+00;
	v2 =	vadd.f32 v2, v7  }
0x75: {  	v4 =	vld [tilespmem:s15+$0x48C0];
	[tilespmem:s11+$0x8C0] =	vst v8;
	v7 =	vmax.f32 v3, $0.0e+00;
	v1 =	vadd.f32 v1, v11  }
0x76: {  	v3 =	vld [tilespmem:s15+$0x48D0];
	[tilespmem:s11+$0x8D0] =	vst v7;
	v7 =	vmax.f32 v2, $0.0e+00  }
0x77: {  	v2 =	vld [tilespmem:s15+$0x48E0];
	[tilespmem:s11+$0x8E0] =	vst v7;
	v7 =	vmax.f32 v1, $0.0e+00  }
0x78: {  	v1 =	vld [tilespmem:s15+$0x48F0];
	[tilespmem:s11+$0x8F0] =	vst v7;
	s11 =	smov.u32 s15  }
0x79: {  	v7 =	vld [tilespmem:s11+$0x880]  }
0x7a: {  	v12 =	vld [tilespmem:s11+$0x890]  }
.Ltmp1:
0x7b: {  	v11 =	vld [tilespmem:s11+$0x8A0];
	(pc) =	sbr.rel @p0 .LBB2_6-.Ltmp1, $4  }
0x7c: {  	v10 =	vld [tilespmem:s11+$0x8B0]  }
0x7d: {  	v9 =	vld [tilespmem:s11+$0x8C0]  }
0x7e: {  	v13 =	vadd.f32 v14, v7;
	v8 =	vld [tilespmem:s11+$0x8D0]  }
0x7f: {  	s13 =	sadd.s32 $0x200, s13;
	v12 =	vadd.f32 v15, v12;
	v7 =	vld [tilespmem:s11+$0x8E0]  }
0x80: {  	v13 =	vmax.f32 v13, $0.0e+00;
	v6 =	vadd.f32 v6, v11;
	v11 =	vld [tilespmem:s11+$0x8F0]  }
0x81: {  	[tilespmem:s11+$0x880] =	vst v13;
	v12 =	vmax.f32 v12, $0.0e+00;
	v5 =	vadd.f32 v5, v10  }
0x82: {  	[tilespmem:s11+$0x890] =	vst v12;
	v6 =	vmax.f32 v6, $0.0e+00;
	v4 =	vadd.f32 v4, v9  }
0x83: {  	[tilespmem:s11+$0x8A0] =	vst v6;
	v5 =	vmax.f32 v5, $0.0e+00;
	v3 =	vadd.f32 v3, v8  }
0x84: {  	[tilespmem:s11+$0x8B0] =	vst v5;
	v4 =	vmax.f32 v4, $0.0e+00;
	v2 =	vadd.f32 v2, v7  }
0x85: {  	[tilespmem:s11+$0x8C0] =	vst v4;
	v3 =	vmax.f32 v3, $0.0e+00;
	v1 =	vadd.f32 v1, v11  }
0x86: {  	[tilespmem:s11+$0x8D0] =	vst v3;
	v2 =	vmax.f32 v2, $0.0e+00  }
0x87: {  	[tilespmem:s11+$0x8E0] =	vst v2;
	v1 =	vmax.f32 v1, $0.0e+00  }
0x88: {  	s15 =	sadd.s32 s8, s3;
	s13 =	simm.s32 $0x0;
	[tilespmem:s11+$0x8F0] =	vst v1  }
0x89: {  	[hbm4b:s15+s13] =	stream.linear.scatter [tilespmem:s18], [sflag:$0x1], $0x4000, $0x38;
	[tilespmem:$0x1C880] =	vst v63  }
0x8a: {  	_ = 	snop  }
0x8b: {  	[spmem:s1] =	stream.indirect.scatter.add.f32 [tilespmem:s18], [sflag:$0x2], $0x80, s26, s21, $0xb8;
	[tilespmem:$0x1C880] =	vst v63  }
0x8c: {  	_ =	swait.ge [sflag:s23], $0x4000  }
0x8d: {  	[sflag:s23] =	ssyncset.done $0x0  }
0x8e: {  	[sflag:s23] =	ssyncadd.s32 $0xFFFFC000  }
0x8f: {  	_ =	swait.ge [sflag:s25], $0x4000  }
0x90: {  	[sflag:s25] =	ssyncset.done $0x0  }
0x91: {  	[sflag:s25] =	ssyncadd.s32 $0xFFFFC000  }
0x92: {  	[tilespmem:s18], [sflag:$0x3] =	stream.indirect.gather [hbm4b:s4+s21], $0x80, s12, s21, $0xb8;
	[tilespmem:$0x1C880] =	vst v63  }
0x93: {  	_ =	swait.ge [sflag:s19], $0x4000  }
0x94: {  	[sflag:s19] =	ssyncset.done $0x0  }
0x95: {  	s11 =	simm.s32 $0x0;
	[sflag:s19] =	ssyncadd.s32 $0xFFFFC000  }
0x96: {  	v7 =	vld [tilespmem:s11+$0x4880]  }
0x97: {  	v12 =	vld [tilespmem:s11+$0x4890]  }
0x98: {  	v6 =	vld [tilespmem:s11+$0x48A0]  }
0x99: {  	v5 =	vld [tilespmem:s11+$0x48B0]  }
0x9a: {  	v4 =	vld [tilespmem:s11+$0x48C0]  }
0x9b: {  	v3 =	vld [tilespmem:s11+$0x48D0]  }
0x9c: {  	v2 =	vld [tilespmem:s11+$0x48E0]  }
0x9d: {  	v1 =	vld [tilespmem:s11+$0x48F0]  }
0x9e: {  	v13 =	vld [tilespmem:s11+$0x880]  }
0x9f: {  	v14 =	vld [tilespmem:s11+$0x890]  }
0xa0: {  	v11 =	vld [tilespmem:s11+$0x8A0]  }
0xa1: {  	v10 =	vld [tilespmem:s11+$0x8B0]  }
0xa2: {  	v9 =	vld [tilespmem:s11+$0x8C0]  }
0xa3: {  	v8 =	vld [tilespmem:s11+$0x8D0];
	v13 =	vadd.f32 v7, v13  }
0xa4: {  	s12 =	simm.s32 $0x200;
	v12 =	vadd.f32 v12, v14;
	v7 =	vld [tilespmem:s11+$0x8E0]  }
.LBB2_8:
0xa5: {  	s13 =	sshra.s32 s12, $0x2;
	p0 =	sne.s32 s12, $0xFE00;
	v13 =	vmax.f32 v13, $0.0e+00;
	v6 =	vadd.f32 v6, v11;
	v11 =	vld [tilespmem:s11+$0x8F0]  }
0xa6: {  	v14 =	vld [tilespmem:s13+$0x4880];
	[tilespmem:s11+$0x880] =	vst v13;
	v12 =	vmax.f32 v12, $0.0e+00;
	v5 =	vadd.f32 v5, v10  }
0xa7: {  	v15 =	vld [tilespmem:s13+$0x4890];
	[tilespmem:s11+$0x890] =	vst v12;
	v10 =	vmax.f32 v6, $0.0e+00;
	v4 =	vadd.f32 v4, v9  }
0xa8: {  	v6 =	vld [tilespmem:s13+$0x48A0];
	[tilespmem:s11+$0x8A0] =	vst v10;
	v9 =	vmax.f32 v5, $0.0e+00;
	v3 =	vadd.f32 v3, v8  }
0xa9: {  	v5 =	vld [tilespmem:s13+$0x48B0];
	[tilespmem:s11+$0x8B0] =	vst v9;
	v8 =	vmax.f32 v4, $0.0e+00;
	v2 =	vadd.f32 v2, v7  }
0xaa: {  	v4 =	vld [tilespmem:s13+$0x48C0];
	[tilespmem:s11+$0x8C0] =	vst v8;
	v7 =	vmax.f32 v3, $0.0e+00;
	v1 =	vadd.f32 v1, v11  }
0xab: {  	v3 =	vld [tilespmem:s13+$0x48D0];
	[tilespmem:s11+$0x8D0] =	vst v7;
	v7 =	vmax.f32 v2, $0.0e+00  }
0xac: {  	v2 =	vld [tilespmem:s13+$0x48E0];
	[tilespmem:s11+$0x8E0] =	vst v7;
	v7 =	vmax.f32 v1, $0.0e+00  }
0xad: {  	v1 =	vld [tilespmem:s13+$0x48F0];
	[tilespmem:s11+$0x8F0] =	vst v7;
	s11 =	smov.u32 s13  }
0xae: {  	v7 =	vld [tilespmem:s11+$0x880]  }
0xaf: {  	v12 =	vld [tilespmem:s11+$0x890]  }
.Ltmp2:
0xb0: {  	v11 =	vld [tilespmem:s11+$0x8A0];
	(pc) =	sbr.rel @p0 .LBB2_8-.Ltmp2, $4  }
0xb1: {  	v10 =	vld [tilespmem:s11+$0x8B0]  }
0xb2: {  	v9 =	vld [tilespmem:s11+$0x8C0]  }
0xb3: {  	v13 =	vadd.f32 v14, v7;
	v8 =	vld [tilespmem:s11+$0x8D0]  }
0xb4: {  	s12 =	sadd.s32 $0x200, s12;
	v12 =	vadd.f32 v15, v12;
	v7 =	vld [tilespmem:s11+$0x8E0]  }
0xb5: {  	v13 =	vmax.f32 v13, $0.0e+00;
	v6 =	vadd.f32 v6, v11;
	v63 =	vld [tilespmem:s11+$0x8F0]  }
0xb6: {  	[tilespmem:s11+$0x880] =	vst v13;
	v12 =	vmax.f32 v12, $0.0e+00;
	v5 =	vadd.f32 v5, v10  }
0xb7: {  	[tilespmem:s11+$0x890] =	vst v12;
	v6 =	vmax.f32 v6, $0.0e+00;
	v4 =	vadd.f32 v4, v9  }
0xb8: {  	[tilespmem:s11+$0x8A0] =	vst v6;
	v5 =	vmax.f32 v5, $0.0e+00;
	v3 =	vadd.f32 v3, v8  }
0xb9: {  	[tilespmem:s11+$0x8B0] =	vst v5;
	v4 =	vmax.f32 v4, $0.0e+00;
	v2 =	vadd.f32 v2, v7  }
0xba: {  	[tilespmem:s11+$0x8C0] =	vst v4;
	v3 =	vmax.f32 v3, $0.0e+00;
	v1 =	vadd.f32 v1, v63  }
0xbb: {  	s0 =	sadd.s32 $0x1, s0;
	[tilespmem:s11+$0x8D0] =	vst v3;
	v2 =	vmax.f32 v2, $0.0e+00  }
0xbc: {  	p0 =	sne.s32 s0, $0x8;
	[tilespmem:s11+$0x8E0] =	vst v2;
	v1 =	vmax.f32 v1, $0.0e+00  }
.Ltmp3:
0xbd: {  	s3 =	sadd.s32 s9, s3;
	[tilespmem:s11+$0x8F0] =	vst v1;
	(pc) =	sbr.rel @p0 .LBB2_5-.Ltmp3, $4  }
0xbe: {  	[hbm4b:s3+s2] =	stream.linear.scatter [tilespmem:s18], [sflag:$0x3], $0x4000, $0x38;
	[tilespmem:$0x1C880] =	vst v63  }
0xbf: {  	_ =	swait.ge [sflag:s19], $0x4000  }
0xc0: {  	[sflag:s19] =	ssyncset.done $0x0  }
0xc1: {  	[sflag:s19] =	ssyncadd.s32 $0xFFFFC000  }
0xc2: {  	s30 =	sadd.s32 $0x1, s30  }
0xc3: {  	p0 =	sne.s32 s30, $0xA  }
.Ltmp4:
0xc4: {  	_ = 	snop;
	(pc) =	sbr.rel @p0 .LBB2_4-.Ltmp4, $1  }
0xc5: {  	_ =	sdelay $0x3  }
0xc6: {  	s0 =	stileid.u32;
	s28 =	sadd.s32 $0x1, s28  }
0xc7: {  	[bflag:$0x0] =	sbarrier.arrive $0xFFFF;
	s0 =	sshll.u32 s0, $0x6;
	p0 =	sne.s32 s28, s17  }
.Ltmp5:
0xc8: {  	s3 =	sshrl.u32 s10, $0x3;
	s0 =	sor.u32 $0x1C03, s0;
	(pc) =	sbr.rel @p0 .LBB2_1-.Ltmp5, $4  }
0xc9: {  	[hbm:s24], [sflag:s0] =	dma.local [spmem:s3], $0x2800  }
0xca: {  	_ =	swait.ge [sflag:s19], $0x2800  }
0xcb: {  	[sflag:s19] =	ssyncset.done $0x0  }
0xcc: {  	[sflag:s19] =	ssyncadd.s32 $0xFFFFD800  }
0xcd: {  	_ =	sfence.sel $0x180000  }
0xce: {  	[bflag:$0x0] =	sbarrier.arrive $0xFFFF  }
0xcf: {  	_ =	strace $0x9000004D  }
0xd0: {  	s0 =	stileid.u32;
	[bflag:$0x2] =	sbarrier.arrive $0xFFFF  }
0xd1: {  	p0 =	sne.s32 s0, $0x0;
	s0 =	rddreg [dreg:$0x2]  }
0xd2: {  	s0 =	sadd.s32 @!p0 $0x100000, s0  }
0xd3: {  	[sflag:s0] =	ssyncadd.tile.s32 @!p0 $0x1;
	_ =	shalt  }
.Lfunc_end2:
_tile_overlayer_lowered:
.L_overlay_start_2:
0xd4: {  	(tag) =	ssettag $0x2  }
0xd5: {  	s0 =	rddreg [dreg:$0x0];
	s2 =	stileid.u32  }
0xd6: {  	s1 =	rddreg [dreg:$0x1];
	p0 =	sne.s32 s2, $0x0  }
0xd7: {  	s3 =	rddreg [dreg:$0x2];
	[bflag:$0x3] =	sbarrier.arrive $0xFFFF;
	s2 =	simm.s32 @!p0 $0x1C03  }
0xd8: {  	[timem:s3], [sflag:s2] =	dma.local @!p0 [hbm:s0], s1  }
0xd9: {  	s0 =	simm.s32 @!p0 $0x3  }
0xda: {  	_ =	swait.ge @!p0 [sflag:s0], s1  }
0xdb: {  	s1 =	ssub.s32 @!p0 $0x0, s1;
	[sflag:s0] =	ssyncset.done @!p0 $0x0  }
0xdc: {  	[sflag:s0] =	ssyncadd.s32 @!p0 s1  }
0xdd: {  	[bflag:$0x3] =	sbarrier.arrive $0xFFFF  }
0xde: {  	_ =	shalt  }

// kernel: kernel.27.cloned.1.call-start
scs
__scs_entry_jumppad:
0x0: {  	(pc) =	sbr.rel $0x88, $3  }
0x1: {  	(tag) =	ssettag $0x0;
	lr =	simm.s32 $0x1  }
0x2: {  	[smem:$0x3F92] =	sst lr;
	_ =	strace $0xD0000000  }
0x3: {  	_ = 	snop  }
0x4: {  	_ = 	snop  }
0x5: {  	_ = 	snop  }
0x6: {  	_ = 	snop  }
0x7: {  	_ = 	snop  }
__scs_overlays_trampoline_lowered:
0x8: {  	[smem:$0x3FA1] =	sst s0  }
0x9: {  	[smem:$0x3FA2] =	sst s1  }
0xa: {  	[smem:$0x3FA3] =	sst s2  }
0xb: {  	[smem:$0x3FA4] =	sst s3  }
0xc: {  	[smem:$0x3FA5] =	sst s4  }
0xd: {  	[smem:$0x3FA6] =	sst s5  }
0xe: {  	[smem:$0x3FA7] =	sst s6  }
0xf: {  	[smem:$0x3FA8] =	sst s7  }
0x10: {  	[smem:$0x3FA9] =	sst s8  }
0x11: {  	[smem:$0x3FAA] =	sst s9;
	s0 =	simm.s32 @!p0 $0x0  }
0x12: {  	s1 =	sld [smem:$0x3F90];
	s0 =	simm.s32 @p0 $0x1  }
0x13: {  	[smem:$0x3FAB] =	sst s0;
	s0 =	simm.s32 @!p1 $0x0  }
0x14: {  	s2 =	sld [smem:$0x3F8F];
	s0 =	simm.s32 @p1 $0x1  }
0x15: {  	[smem:$0x3FAC] =	sst s0;
	s0 =	simm.s32 @!p2 $0x0  }
0x16: {  	s3 =	sld [smem:$0x3FDB];
	s0 =	simm.s32 @p2 $0x1  }
0x17: {  	s4 =	simm.s32 $0x1BF5;
	[smem:$0x3FAE] =	sst s0  }
0x18: {  	s0 =	sld [smem:$0x3F91];
	_ =	swait.ge [sflag:s4], $0x0  }
0x19: {  	s7 =	sld [smem:$0x3F92]  }
0x1a: {  	s8 =	sadd.s32 $0xFFFFE003, lr  }
0x1b: {  	s9 =	sadd.s32 $0xFFFFFEF7, lr;
	s5 =	simm.s32 $0xFFFFFFFF;
	p2 =	slt.u32 s8, $0xFFFFF086  }
0x1c: {  	p1 =	slt.u32 s9, $0xF7A;
	s5 =	simm.s32 @!p2 $0x0  }
0x1d: {  	s5 =	simm.s32 @p1 $0x1;
	p0 =	seq.s32 s7, s2  }
0x1e: {  	s7 =	smul.u32 @!p0 $0xF7A, s2;
	p2 =	seq.s32 @!p0 s5, $0x0  }
0x1f: {  	s9 =	smul.u32 $0xF7A, s1;
	s8 =	simm.s32 @!p0 $0x1BF5;
	p2 =	por !p2, p0  }
0x20: {  	[sflag:s8] =	ssyncset.s32 @!p0 $0xFFFFF086;
	s6 =	sadd.s32 @!p0 s3, s7;
	s7 =	simm.s32 @!p0 $0x108  }
0x21: {  	s3 =	sadd.s32 s3, s9;
	s6 =	sadd.s32 @!p0 $0x88, s6;
	s7 =	simm.s32 @p2 $0x1082  }
0x22: {  	[simem:s7], [sflag:s8] =	dma.local @!p0 [hbm:s6], $0xF7A  }
0x23: {  	s9 =	sor.u32 $0xD0000000, s2;
	s6 =	simm.s32 $0x108;
	_ =	swait.ge @!p0 [sflag:s8], $0x0  }
0x24: {  	s3 =	sadd.s32 $0x88, s3;
	s6 =	simm.s32 @!p1 $0x1082;
	[sflag:s4] =	ssyncset.s32 $0xFFFFF086  }
0x25: {  	[simem:s6], [sflag:s4] =	dma.local [hbm:s3], $0xF7A  }
0x26: {  	[smem:$0x3F92] =	sst s1;
	(tag) =	ssettag s2;
	_ =	strace s9  }
0x27: {  	s1 =	sld [smem:$0x3FA2]  }
0x28: {  	s2 =	sld [smem:$0x3FA3]  }
0x29: {  	s4 =	sld [smem:$0x3FA5]  }
0x2a: {  	p0 =	seq.s32 s5, $0x0;
	s5 =	sld [smem:$0x3FA6]  }
0x2b: {  	s6 =	sld [smem:$0x3FA7]  }
0x2c: {  	s7 =	sld [smem:$0x3FA8]  }
0x2d: {  	s3 =	simm.s32 $0x108;
	s8 =	sld [smem:$0x3FA9]  }
0x2e: {  	s3 =	simm.s32 @!p0 $0x1082;
	s9 =	sld [smem:$0x3FAA]  }
0x2f: {  	lr =	sadd.s32 s0, s3;
	s0 =	sld [smem:$0x3FA1]  }
0x30: {  	s3 =	sld [smem:$0x3FA4]  }
0x31: {  	[smem:$0x3FAD] =	sst s10  }
0x32: {  	s10 =	sld [smem:$0x3FAB];
	_ =	sdelay $0x3  }
0x33: {  	p0 =	seq.s32 s10, $0x1;
	s10 =	sld [smem:$0x3FAD];
	_ =	sdelay $0x3  }
0x34: {  	[smem:$0x3FAD] =	sst s10  }
0x35: {  	s10 =	sld [smem:$0x3FAC];
	_ =	sdelay $0x3  }
0x36: {  	p1 =	seq.s32 s10, $0x1;
	s10 =	sld [smem:$0x3FAD];
	_ =	sdelay $0x3  }
0x37: {  	[smem:$0x3FAD] =	sst s10  }
0x38: {  	s10 =	sld [smem:$0x3FAE]  }
0x39: {  	_ = 	snop;
	(pc) =	sbr.ind lr, $3  }
0x3a: {  	_ = 	snop  }
0x3b: {  	_ = 	snop  }
0x3c: {  	p2 =	seq.s32 s10, $0x1;
	s10 =	sld [smem:$0x3FAD]  }
0x3d: {  	_ =	shalt  }
0x3e: {  	_ =	shalt  }
0x3f: {  	_ =	shalt  }
0x40: {  	_ =	shalt  }
0x41: {  	_ =	shalt  }
0x42: {  	_ =	shalt  }
0x43: {  	_ =	shalt  }
0x44: {  	_ =	shalt  }
0x45: {  	_ =	shalt  }
0x46: {  	_ =	shalt  }
0x47: {  	_ =	shalt  }
0x48: {  	_ =	shalt  }
0x49: {  	_ =	shalt  }
0x4a: {  	_ =	shalt  }
0x4b: {  	_ =	shalt  }
0x4c: {  	_ =	shalt  }
0x4d: {  	_ =	shalt  }
0x4e: {  	_ =	shalt  }
0x4f: {  	_ =	shalt  }
0x50: {  	_ =	shalt  }
0x51: {  	_ =	shalt  }
0x52: {  	_ =	shalt  }
0x53: {  	_ =	shalt  }
0x54: {  	_ =	shalt  }
0x55: {  	_ =	shalt  }
0x56: {  	_ =	shalt  }
0x57: {  	_ =	shalt  }
0x58: {  	_ =	shalt  }
0x59: {  	_ =	shalt  }
0x5a: {  	_ =	shalt  }
0x5b: {  	_ =	shalt  }
0x5c: {  	_ =	shalt  }
0x5d: {  	_ =	shalt  }
0x5e: {  	_ =	shalt  }
0x5f: {  	_ =	shalt  }
0x60: {  	_ =	shalt  }
0x61: {  	_ =	shalt  }
0x62: {  	_ =	shalt  }
0x63: {  	_ =	shalt  }
0x64: {  	_ =	shalt  }
0x65: {  	_ =	shalt  }
0x66: {  	_ =	shalt  }
0x67: {  	_ =	shalt  }
0x68: {  	_ =	shalt  }
0x69: {  	_ =	shalt  }
0x6a: {  	_ =	shalt  }
0x6b: {  	_ =	shalt  }
0x6c: {  	_ =	shalt  }
0x6d: {  	_ =	shalt  }
0x6e: {  	_ =	shalt  }
0x6f: {  	_ =	shalt  }
0x70: {  	_ =	shalt  }
0x71: {  	_ =	shalt  }
0x72: {  	_ =	shalt  }
0x73: {  	_ =	shalt  }
0x74: {  	_ =	shalt  }
0x75: {  	_ =	shalt  }
0x76: {  	_ =	shalt  }
0x77: {  	_ =	shalt  }
0x78: {  	_ =	shalt  }
0x79: {  	_ =	shalt  }
0x7a: {  	_ =	shalt  }
0x7b: {  	_ =	shalt  }
0x7c: {  	_ =	shalt  }
0x7d: {  	_ =	shalt  }
0x7e: {  	_ =	shalt  }
0x7f: {  	_ =	shalt  }
0x80: {  	_ =	shalt  }
0x81: {  	_ =	shalt  }
0x82: {  	_ =	shalt  }
0x83: {  	_ =	shalt  }
0x84: {  	_ =	shalt  }
0x85: {  	_ =	shalt  }
0x86: {  	_ =	shalt  }
0x87: {  	_ =	shalt  }
.Lfunc_end0:
.L_simem_size_0:
called_computation.4_lowered:
.L_overlay_start_0:
0x88: {  	s2 =	sld [smem:$0x3FD9]  }
0x89: {  	s3 =	sld [smem:$0x3FFE];
	_ =	sdelay $0x1  }
0x8a: {  	s1 =	srdreg.scid  }
0x8b: {  	s0 =	sand.u32 $0x1, s1  }
0x8c: {  	s17 =	sshll.u32 s0, $0xA;
	s2 =	sadd.s32 s3, s2  }
0x8d: {  	s2 =	sadd.s32 s2, s17  }
0x8e: {  	[smem:$0x3FB9] =	sst s2  }
0x8f: {  	_ = 	snop  }
0x90: {  	(tm) =	ssettm $0x1  }
0x91: {  	s18 =	sld [smem:$0x3FFB];
	_ =	sdelay $0x3  }
0x92: {  	_ =	strace s18  }
0x93: {  	s2 =	sld [smem:$0x3FFC];
	_ =	sdelay $0x3  }
0x94: {  	_ =	strace s2  }
0x95: {  	s2 =	sld [smem:$0x3FFD];
	_ =	sdelay $0x3  }
0x96: {  	_ =	strace s2  }
0x97: {  	_ =	strace $0x8FFFFFFF  }
0x98: {  	s19 =	sld [smem:$0x3FDB];
	_ =	sdelay $0x1  }
0x99: {  	s20 =	simm.s32 $_scs_section_size  }
0x9a: {  	s4 =	simm.s32 $_size__tile_overlayer_lowered;
	s5 =	simm.s32 $_tile_overlayer_lowered  }
0x9b: {  	s6 =	simm.s32 $0x1BFF;
	s21 =	sshll.u32 s5, $0x1;
	s3 =	sadd.s32 s20, s19  }
0x9c: {  	s22 =	simm.s32 $0x0;
	s4 =	sshll.u32 s4, $0x1;
	s5 =	sadd.s32 s21, s3  }
0x9d: {  	[timem:s22], [sflag:s6] =	dma.local [hbm:s5], s4  }
0x9e: {  	_ =	swait.ge [sflag:s6], s4  }
0x9f: {  	s4 =	ssub.s32 $0x0, s4;
	[sflag:s6] =	ssyncset.done $0x0  }
0xa0: {  	[sflag:s6] =	ssyncadd.s32 s4;
	_ =	sdelay $0x1  }
0xa1: {  	s23 =	simm.s32 $0x1B8B  }
0xa2: {  	_ =	swait.ge [sflag:s23], $0x1  }
0xa3: {  	[sflag:s23] =	ssyncset.done $0x0  }
0xa4: {  	[sflag:s23] =	ssyncadd.s32 $0xFFFFFFFF  }
0xa5: {  	s4 =	sld [smem:$0x0]  }
0xa6: {  	s5 =	sand.u32 $0xFFFFFFFE, s1  }
0xa7: {  	p0 =	sne.s32 s1, s5  }
0xa8: {  	s5 =	sshll.u32 @p0 s5, $0xE  }
0xa9: {  	s5 =	sadd.s32 @p0 $0x11B8D, s5;
	s6 =	sshll.u32 @p0 s4, $0x11  }
0xaa: {  	s5 =	sor.u32 @p0 s6, s5  }
0xab: {  	[sflag:s5] =	ssyncadd.remote.s32 @p0 $0x1;
	_ =	sdelay $0x1  }
0xac: {  	s5 =	simm.s32 @p0 $0x1B8D  }
0xad: {  	_ =	swait.eq @p0 [sflag:s5], $0x1  }
0xae: {  	[sflag:s5] =	ssyncadd.s32 @p0 $0xFFFFFFFF  }
0xaf: {  	s6 =	sshll.u32 @!p0 s1, $0xE  }
0xb0: {  	s6 =	sor.u32 @!p0 $0x4000, s6;
	s5 =	simm.s32 @!p0 $0x1B8D  }
0xb1: {  	s4 =	sshll.u32 @!p0 s4, $0x11;
	s6 =	sadd.s32 @!p0 $0x11B8D, s6;
	_ =	swait.eq @!p0 [sflag:s5], $0x1  }
0xb2: {  	s4 =	sor.u32 @!p0 s4, s6;
	[sflag:s5] =	ssyncadd.s32 @!p0 $0xFFFFFFFF  }
0xb3: {  	s25 =	simm.s32 $0x1B8E;
	s24 =	sld [smem:$0x3FFE];
	[sflag:s4] =	ssyncadd.remote.s32 @!p0 $0x1  }
0xb4: {  	s26 =	simm.s32 $execute0_lowered;
	[smem:$0x3FD2] =	sst s25  }
0xb5: {  	s5 =	sshll.u32 s26, $0x1;
	_ =	strace $0x80000055;
	[dreg:$0x1] =	wrdreg $0xFFFFFFFF  }
0xb6: {  	s28 =	simm.s32 $_size_execute0_lowered;
	s3 =	sadd.s32 s3, s5;
	[dreg:$0x0] =	wrdreg $0x0  }
0xb7: {  	s5 =	sshll.u32 s28, $0x1;
	[dreg:$0x2] =	wrdreg s3  }
0xb8: {  	[dreg:$0x3] =	wrdreg s5  }
0xb9: {  	[dreg:$0x4] =	wrdreg $0xC0  }
0xba: {  	_ =	task [dreg:s22], $0x5FFFF  }
0xbb: {  	[dreg:$0x1] =	wrdreg $0xFFFFFFFF  }
0xbc: {  	[dreg:$0x0] =	wrdreg $0x60  }
0xbd: {  	[dreg:$0x2] =	wrdreg s24  }
0xbe: {  	[dreg:$0x3] =	wrdreg $0x84800  }
0xbf: {  	[dreg:$0x4] =	wrdreg $0xA  }
0xc0: {  	_ =	task.clear_ibuf [dreg:s22], $0x5FFFF;
	_ =	strace $0x90000055  }
0xc1: {  	s29 =	simm.s32 $0xA;
	_ =	strace $0x80000057  }
0xc2: {  	_ =	swait.ge [sflag:s29], $0x1  }
0xc3: {  	[sflag:s29] =	ssyncadd.s32 $0xFFFFFFFF  }
0xc4: {  	_ =	strace $0x90000057  }
0xc5: {  	_ =	sfence  }
0xc6: {  	s30 =	sld [smem:$0x0];
	_ =	sdelay $0x2  }
0xc7: {  	s31 =	sshll.u32 s1, $0xD;
	s1 =	sshrl.u32 s1, $0x2  }
0xc8: {  	s4 =	sand.u32 $0x4000, s31;
	s1 =	sadd.s32 s1, s30  }
0xc9: {  	s0 =	sor.u32 s4, s0;
	s1 =	sshll.u32 s1, $0x11  }
0xca: {  	s0 =	sor.u32 s1, s0  }
0xcb: {  	s0 =	sadd.s32 $0x8F2B, s0  }
0xcc: {  	[sflag:s0] =	ssyncadd.remote.s32 $0x1  }
0xcd: {  	_ =	sfence.sel $0xFFFF  }
0xce: {  	[dreg:$0x0] =	wrdreg $0xFFFFFFFF;
	(pc) =	sbr.abs _section_cstart, $3  }
0xcf: {  	[dreg:$0x1] =	wrdreg $0xFFFFFFFF  }
0xd0: {  	_ =	task.clear_ibuf [dreg:s22], $0x2FFFF;
	_ =	strace $0x9FFFFFFF  }
0xd1: {  	(tm) =	ssettm $0x7FFFFFFF  }
tec
execute0_lowered:
.L_overlay_start_1:
0x0: {  	(tag) =	ssettag $0x1  }
0x1: {  	s7 =	rddreg [dreg:$0x0]  }
0x2: {  	s1 =	rddreg [dreg:$0x1]  }
0x3: {  	s0 =	rddreg [dreg:$0x2]  }
0x4: {  	s2 =	simm.s32 $0x0;
	s3 =	srdreg.scid;
	s16 =	simm.s32 $0x3  }
0x5: {  	s17 =	simm.s32 $0x80;
	s18 =	simm.s32 $0x4480;
	s19 =	simm.s32 $0x1  }
0x6: {  	s20 =	simm.s32 $0x2;
	s21 =	simm.s32 $0x400;
	[smem:$0x7FF] =	sst s2  }
0x7: {  	s8 =	sand.u32 $0x1, s3;
	s3 =	stileid.u32;
	s4 =	sadd.s32 $0x1487A00, s7  }
0x8: {  	s5 =	sadd.s32 $0x2E000, s7;
	s6 =	sadd.s32 $0x23A00, s7;
	s9 =	smul.u32 $0x28000, s8  }
0x9: {  	_ =	strace $0x80000056;
	s10 =	smul.u32 $0x50000, s3;
	s29 =	sshll.u32 s8, $0x4  }
0xa: {  	s28 =	ssub.s32 $0x2, s8;
	s23 =	smul.u32 $0x2800, s3;
	s12 =	sor.u32 s3, s29  }
0xb: {  	s31 =	sshrl.u32 s28, $0x1;
	s14 =	sadd.s32 s9, s7;
	s9 =	smul.u32 $0x50, s12  }
0xc: {  	s30 =	sshrl.u32 s10, $0x2;
	s15 =	ssub.s32 s28, s31;
	s12 =	smul.u32 $0x140000, s12  }
0xd: {  	s7 =	sadd.s32 s30, s1;
	s22 =	sadd.s32 $0xA6000, s14;
	s14 =	smax.u32 s15, $0x1  }
0xe: {  	s15 =	simm.s32 $0x480;
	s8 =	sadd.s32 $0x4000, s7;
	s10 =	sadd.s32 $0x8000, s7  }
0xf: {  	v0 =	vimm.f32 $0.0e+00;
	s11 =	sadd.s32 $0xC000, s7;
	s13 =	sadd.s32 $0x10000, s7;
	s22 =	sadd.s32 s23, s22  }
.LBB2_1:
0x10: {  	s23 =	simm.s32 $0x0;
	s24 =	simm.s32 $0x200  }
.LBB2_2:
0x11: {  	p0 =	sne.s32 s24, $0xFE00;
	[tilespmem:s23+$0x4F0] =	vst v0  }
0x12: {  	[tilespmem:s23+$0x480] =	vst v0  }
0x13: {  	[tilespmem:s23+$0x490] =	vst v0  }
.Ltmp0:
0x14: {  	[tilespmem:s23+$0x4A0] =	vst v0;
	(pc) =	sbr.rel @p0 .LBB2_2-.Ltmp0, $4  }
0x15: {  	[tilespmem:s23+$0x4B0] =	vst v0  }
0x16: {  	[tilespmem:s23+$0x4C0] =	vst v0  }
0x17: {  	[tilespmem:s23+$0x4D0] =	vst v0  }
0x18: {  	[tilespmem:s23+$0x4E0] =	vst v0;
	s23 =	sshra.s32 s24, $0x2;
	s24 =	sadd.s32 $0x200, s24  }
0x19: {  	[tilespmem:s23+$0x4F0] =	vst v0  }
0x1a: {  	[tilespmem:s23+$0x480] =	vst v0  }
0x1b: {  	[tilespmem:s23+$0x490] =	vst v0  }
0x1c: {  	[tilespmem:s23+$0x4A0] =	vst v0  }
0x1d: {  	[tilespmem:s23+$0x4B0] =	vst v0  }
0x1e: {  	[tilespmem:s23+$0x4C0] =	vst v0  }
0x1f: {  	[tilespmem:s23+$0x4D0] =	vst v0  }
0x20: {  	[tilespmem:s23+$0x4E0] =	vst v0  }
0x21: {  	[spmem:s7] =	stream.linear.scatter [tilespmem:s15], [sflag:$0x3], $0x4000, $0x38;
	[tilespmem:$0x1C480] =	vst v63  }
0x22: {  	_ =	swait.ge [sflag:s16], $0x4000  }
0x23: {  	[sflag:s16] =	ssyncset.done $0x0  }
0x24: {  	[sflag:s16] =	ssyncadd.s32 $0xFFFFC000  }
0x25: {  	[spmem:s8] =	stream.linear.scatter [tilespmem:s15], [sflag:$0x3], $0x4000, $0x38;
	[tilespmem:$0x1C480] =	vst v63  }
0x26: {  	_ =	swait.ge [sflag:s16], $0x4000  }
0x27: {  	[sflag:s16] =	ssyncset.done $0x0  }
0x28: {  	[sflag:s16] =	ssyncadd.s32 $0xFFFFC000  }
0x29: {  	[spmem:s10] =	stream.linear.scatter [tilespmem:s15], [sflag:$0x3], $0x4000, $0x38;
	[tilespmem:$0x1C480] =	vst v63  }
0x2a: {  	_ =	swait.ge [sflag:s16], $0x4000  }
0x2b: {  	[sflag:s16] =	ssyncset.done $0x0  }
0x2c: {  	[sflag:s16] =	ssyncadd.s32 $0xFFFFC000  }
0x2d: {  	[spmem:s11] =	stream.linear.scatter [tilespmem:s15], [sflag:$0x3], $0x4000, $0x38;
	[tilespmem:$0x1C480] =	vst v63  }
0x2e: {  	_ =	swait.ge [sflag:s16], $0x4000  }
0x2f: {  	[sflag:s16] =	ssyncset.done $0x0  }
0x30: {  	[sflag:s16] =	ssyncadd.s32 $0xFFFFC000  }
0x31: {  	[spmem:s13] =	stream.linear.scatter [tilespmem:s15], [sflag:$0x3], $0x4000, $0x38;
	[tilespmem:$0x1C480] =	vst v63  }
0x32: {  	_ =	swait.ge [sflag:s16], $0x4000  }
0x33: {  	[sflag:s16] =	ssyncset.done $0x0  }
0x34: {  	[sflag:s16] =	ssyncadd.s32 $0xFFFFC000  }
0x35: {  	s23 =	simm.s32 $0x0;
	s24 =	simm.s32 $0x0;
	[bflag:$0x0] =	sbarrier.arrive $0xFFFF  }
.LBB2_4:
0x36: {  	s25 =	sshll.u32 s24, $0x3  }
0x37: {  	s26 =	sadd.s32 s9, s25  }
0x38: {  	s26 =	sshll.u32 s26, $0x4  }
0x39: {  	s26 =	sadd.s32 s6, s26  }
0x3a: {  	[tilespmem:s23], [sflag:$0x3] =	stream.linear.gather [hbm4b:s26+s23], $0x400, $0x38;
	[tilespmem:$0x1C480] =	vst v63  }
0x3b: {  	_ =	swait.ge [sflag:s16], $0x400  }
0x3c: {  	[sflag:s16] =	ssyncset.done $0x0  }
0x3d: {  	s26 =	simm.s32 $0x0;
	[sflag:s16] =	ssyncadd.s32 $0xFFFFFC00  }
.LBB2_5:
0x3e: {  	s28 =	sshll.u32 s26, $0x7  }
0x3f: {  	s28 =	sand.u32 $0x3FFFFF80, s28  }
0x40: {  	v1 =	vld [tilespmem:s28+$0x0];
	_ =	sdelay $0x4  }
0x41: {  	[tilespmem:$0x400] =	vst v1  }
0x42: {  	v1 =	vld [tilespmem:s28+$0x10];
	_ =	sdelay $0x4  }
0x43: {  	[tilespmem:$0x410] =	vst v1  }
0x44: {  	v1 =	vld [tilespmem:s28+$0x20];
	_ =	sdelay $0x4  }
0x45: {  	[tilespmem:$0x420] =	vst v1  }
0x46: {  	v1 =	vld [tilespmem:s28+$0x30];
	_ =	sdelay $0x4  }
0x47: {  	[tilespmem:$0x430] =	vst v1  }
0x48: {  	v1 =	vld [tilespmem:s28+$0x40];
	_ =	sdelay $0x4  }
0x49: {  	[tilespmem:$0x440] =	vst v1  }
0x4a: {  	v1 =	vld [tilespmem:s28+$0x50];
	_ =	sdelay $0x4  }
0x4b: {  	[tilespmem:$0x450] =	vst v1  }
0x4c: {  	v1 =	vld [tilespmem:s28+$0x60];
	_ =	sdelay $0x4  }
0x4d: {  	[tilespmem:$0x460] =	vst v1  }
0x4e: {  	v1 =	vld [tilespmem:s28+$0x70];
	_ =	sdelay $0x4  }
0x4f: {  	[tilespmem:$0x470] =	vst v1  }
0x50: {  	[tilespmem:s15], [sflag:$0x1] =	stream.indirect.gather [hbm4b:s5+s17], $0x80, s28, s17, $0xb8;
	[tilespmem:$0x1C480] =	vst v63  }
0x51: {  	s28 =	sadd.s32 s25, s26  }
0x52: {  	s28 =	sshll.u32 s28, $0xE  }
0x53: {  	s28 =	sadd.s32 s12, s28  }
0x54: {  	s28 =	sshrl.u32 s28, $0x3  }
0x55: {  	s29 =	simm.s32 $0x0;
	s28 =	sadd.s32 s4, s28  }
0x56: {  	[tilespmem:s18], [sflag:$0x2] =	stream.linear.gather [hbm4b:s28+s29], $0x4000, $0x38;
	[tilespmem:$0x1C480] =	vst v63  }
0x57: {  	_ =	swait.ge [sflag:s19], $0x4000  }
0x58: {  	[sflag:s19] =	ssyncset.done $0x0  }
0x59: {  	[sflag:s19] =	ssyncadd.s32 $0xFFFFC000  }
0x5a: {  	_ =	swait.ge [sflag:s20], $0x4000  }
0x5b: {  	[sflag:s20] =	ssyncset.done $0x0  }
0x5c: {  	s28 =	simm.s32 $0x0;
	[sflag:s20] =	ssyncadd.s32 $0xFFFFC000  }
0x5d: {  	v7 =	vld [tilespmem:s28+$0x4480]  }
0x5e: {  	v12 =	vld [tilespmem:s28+$0x4490]  }
0x5f: {  	v6 =	vld [tilespmem:s28+$0x44A0]  }
0x60: {  	v5 =	vld [tilespmem:s28+$0x44B0]  }
0x61: {  	v4 =	vld [tilespmem:s28+$0x44C0]  }
0x62: {  	v3 =	vld [tilespmem:s28+$0x44D0]  }
0x63: {  	v2 =	vld [tilespmem:s28+$0x44E0]  }
0x64: {  	v1 =	vld [tilespmem:s28+$0x44F0]  }
0x65: {  	v13 =	vld [tilespmem:s28+$0x480]  }
0x66: {  	v14 =	vld [tilespmem:s28+$0x490]  }
0x67: {  	v11 =	vld [tilespmem:s28+$0x4A0]  }
0x68: {  	v10 =	vld [tilespmem:s28+$0x4B0]  }
0x69: {  	v9 =	vld [tilespmem:s28+$0x4C0]  }
0x6a: {  	v8 =	vld [tilespmem:s28+$0x4D0];
	v13 =	vadd.f32 v7, v13  }
0x6b: {  	s29 =	simm.s32 $0x200;
	v12 =	vadd.f32 v12, v14;
	v7 =	vld [tilespmem:s28+$0x4E0]  }
.LBB2_6:
0x6c: {  	s30 =	sshra.s32 s29, $0x2;
	p0 =	sne.s32 s29, $0xFE00;
	v13 =	vmax.f32 v13, $0.0e+00;
	v6 =	vadd.f32 v6, v11;
	v11 =	vld [tilespmem:s28+$0x4F0]  }
0x6d: {  	v14 =	vld [tilespmem:s30+$0x4480];
	[tilespmem:s28+$0x480] =	vst v13;
	v12 =	vmax.f32 v12, $0.0e+00;
	v5 =	vadd.f32 v5, v10  }
0x6e: {  	v15 =	vld [tilespmem:s30+$0x4490];
	[tilespmem:s28+$0x490] =	vst v12;
	v10 =	vmax.f32 v6, $0.0e+00;
	v4 =	vadd.f32 v4, v9  }
0x6f: {  	v6 =	vld [tilespmem:s30+$0x44A0];
	[tilespmem:s28+$0x4A0] =	vst v10;
	v9 =	vmax.f32 v5, $0.0e+00;
	v3 =	vadd.f32 v3, v8  }
0x70: {  	v5 =	vld [tilespmem:s30+$0x44B0];
	[tilespmem:s28+$0x4B0] =	vst v9;
	v8 =	vmax.f32 v4, $0.0e+00;
	v2 =	vadd.f32 v2, v7  }
0x71: {  	v4 =	vld [tilespmem:s30+$0x44C0];
	[tilespmem:s28+$0x4C0] =	vst v8;
	v7 =	vmax.f32 v3, $0.0e+00;
	v1 =	vadd.f32 v1, v11  }
0x72: {  	v3 =	vld [tilespmem:s30+$0x44D0];
	[tilespmem:s28+$0x4D0] =	vst v7;
	v7 =	vmax.f32 v2, $0.0e+00  }
0x73: {  	v2 =	vld [tilespmem:s30+$0x44E0];
	[tilespmem:s28+$0x4E0] =	vst v7;
	v7 =	vmax.f32 v1, $0.0e+00  }
0x74: {  	v1 =	vld [tilespmem:s30+$0x44F0];
	[tilespmem:s28+$0x4F0] =	vst v7;
	s28 =	smov.u32 s30  }
0x75: {  	v7 =	vld [tilespmem:s28+$0x480]  }
0x76: {  	v12 =	vld [tilespmem:s28+$0x490]  }
.Ltmp1:
0x77: {  	v11 =	vld [tilespmem:s28+$0x4A0];
	(pc) =	sbr.rel @p0 .LBB2_6-.Ltmp1, $4  }
0x78: {  	v10 =	vld [tilespmem:s28+$0x4B0]  }
0x79: {  	v9 =	vld [tilespmem:s28+$0x4C0]  }
0x7a: {  	v13 =	vadd.f32 v14, v7;
	v8 =	vld [tilespmem:s28+$0x4D0]  }
0x7b: {  	s29 =	sadd.s32 $0x200, s29;
	v12 =	vadd.f32 v15, v12;
	v7 =	vld [tilespmem:s28+$0x4E0]  }
0x7c: {  	v13 =	vmax.f32 v13, $0.0e+00;
	v6 =	vadd.f32 v6, v11;
	v63 =	vld [tilespmem:s28+$0x4F0]  }
0x7d: {  	[tilespmem:s28+$0x480] =	vst v13;
	v12 =	vmax.f32 v12, $0.0e+00;
	v5 =	vadd.f32 v5, v10  }
0x7e: {  	[tilespmem:s28+$0x490] =	vst v12;
	v6 =	vmax.f32 v6, $0.0e+00;
	v4 =	vadd.f32 v4, v9  }
0x7f: {  	[tilespmem:s28+$0x4A0] =	vst v6;
	v5 =	vmax.f32 v5, $0.0e+00;
	v3 =	vadd.f32 v3, v8  }
0x80: {  	[tilespmem:s28+$0x4B0] =	vst v5;
	v4 =	vmax.f32 v4, $0.0e+00;
	v2 =	vadd.f32 v2, v7  }
0x81: {  	[tilespmem:s28+$0x4C0] =	vst v4;
	v3 =	vmax.f32 v3, $0.0e+00;
	v1 =	vadd.f32 v1, v63  }
0x82: {  	s26 =	sadd.s32 $0x1, s26;
	[tilespmem:s28+$0x4D0] =	vst v3;
	v2 =	vmax.f32 v2, $0.0e+00  }
0x83: {  	p0 =	sne.s32 s26, $0x8;
	[tilespmem:s28+$0x4E0] =	vst v2;
	v1 =	vmax.f32 v1, $0.0e+00  }
.Ltmp2:
0x84: {  	[tilespmem:s28+$0x4F0] =	vst v1;
	(pc) =	sbr.rel @p0 .LBB2_5-.Ltmp2, $4  }
0x85: {  	[spmem:s1] =	stream.indirect.scatter.add.f32 [tilespmem:s15], [sflag:$0x3], $0x80, s21, s17, $0xb8;
	[tilespmem:$0x1C480] =	vst v63  }
0x86: {  	_ =	swait.ge [sflag:s16], $0x4000  }
0x87: {  	[sflag:s16] =	ssyncset.done $0x0  }
0x88: {  	[sflag:s16] =	ssyncadd.s32 $0xFFFFC000  }
0x89: {  	s24 =	sadd.s32 $0x1, s24  }
0x8a: {  	p0 =	sne.s32 s24, $0xA  }
.Ltmp3:
0x8b: {  	_ = 	snop;
	(pc) =	sbr.rel @p0 .LBB2_4-.Ltmp3, $1  }
0x8c: {  	_ =	sdelay $0x3  }
0x8d: {  	s2 =	sadd.s32 $0x1, s2  }
0x8e: {  	s23 =	sshll.u32 s3, $0x6;
	[bflag:$0x0] =	sbarrier.arrive $0xFFFF;
	p0 =	sne.s32 s2, s14  }
.Ltmp4:
0x8f: {  	s24 =	sshrl.u32 s7, $0x3;
	s23 =	sor.u32 $0x1C03, s23;
	(pc) =	sbr.rel @p0 .LBB2_1-.Ltmp4, $4  }
0x90: {  	[hbm:s22], [sflag:s23] =	dma.local [spmem:s24], $0x2800  }
0x91: {  	_ =	swait.ge [sflag:s16], $0x2800  }
0x92: {  	[sflag:s16] =	ssyncset.done $0x0  }
0x93: {  	[sflag:s16] =	ssyncadd.s32 $0xFFFFD800  }
0x94: {  	_ =	sfence.sel $0x180000  }
0x95: {  	[bflag:$0x0] =	sbarrier.arrive $0xFFFF  }
0x96: {  	p0 =	sne.s32 s3, $0x0;
	_ =	strace $0x90000056  }
0x97: {  	s0 =	sadd.s32 @!p0 $0x100000, s0;
	[bflag:$0x2] =	sbarrier.arrive $0xFFFF  }
0x98: {  	[sflag:s0] =	ssyncadd.tile.s32 @!p0 $0x1;
	_ =	shalt  }
.Lfunc_end2:
_tile_overlayer_lowered:
.L_overlay_start_2:
0x99: {  	(tag) =	ssettag $0x2  }
0x9a: {  	s0 =	rddreg [dreg:$0x0];
	s2 =	stileid.u32  }
0x9b: {  	s1 =	rddreg [dreg:$0x1];
	p0 =	sne.s32 s2, $0x0  }
0x9c: {  	s3 =	rddreg [dreg:$0x2];
	[bflag:$0x3] =	sbarrier.arrive $0xFFFF;
	s2 =	simm.s32 @!p0 $0x1C03  }
0x9d: {  	[timem:s3], [sflag:s2] =	dma.local @!p0 [hbm:s0], s1  }
0x9e: {  	s0 =	simm.s32 @!p0 $0x3  }
0x9f: {  	_ =	swait.ge @!p0 [sflag:s0], s1  }
0xa0: {  	s1 =	ssub.s32 @!p0 $0x0, s1;
	[sflag:s0] =	ssyncset.done @!p0 $0x0  }
0xa1: {  	[sflag:s0] =	ssyncadd.s32 @!p0 s1  }
0xa2: {  	[bflag:$0x3] =	sbarrier.arrive $0xFFFF  }
0xa3: {  	_ =	shalt  }

// kernel: kernel.30.cloned.1.call-start
scs
__scs_entry_jumppad:
0x0: {  	(pc) =	sbr.rel $0x88, $3  }
0x1: {  	(tag) =	ssettag $0x0;
	lr =	simm.s32 $0x1  }
0x2: {  	[smem:$0x3F92] =	sst lr;
	_ =	strace $0xD0000000  }
0x3: {  	_ = 	snop  }
0x4: {  	_ = 	snop  }
0x5: {  	_ = 	snop  }
0x6: {  	_ = 	snop  }
0x7: {  	_ = 	snop  }
__scs_overlays_trampoline_lowered:
0x8: {  	[smem:$0x3FA1] =	sst s0  }
0x9: {  	[smem:$0x3FA2] =	sst s1  }
0xa: {  	[smem:$0x3FA3] =	sst s2  }
0xb: {  	[smem:$0x3FA4] =	sst s3  }
0xc: {  	[smem:$0x3FA5] =	sst s4  }
0xd: {  	[smem:$0x3FA6] =	sst s5  }
0xe: {  	[smem:$0x3FA7] =	sst s6  }
0xf: {  	[smem:$0x3FA8] =	sst s7  }
0x10: {  	[smem:$0x3FA9] =	sst s8  }
0x11: {  	[smem:$0x3FAA] =	sst s9;
	s0 =	simm.s32 @!p0 $0x0  }
0x12: {  	s1 =	sld [smem:$0x3F90];
	s0 =	simm.s32 @p0 $0x1  }
0x13: {  	[smem:$0x3FAB] =	sst s0;
	s0 =	simm.s32 @!p1 $0x0  }
0x14: {  	s2 =	sld [smem:$0x3F8F];
	s0 =	simm.s32 @p1 $0x1  }
0x15: {  	[smem:$0x3FAC] =	sst s0;
	s0 =	simm.s32 @!p2 $0x0  }
0x16: {  	s3 =	sld [smem:$0x3FDB];
	s0 =	simm.s32 @p2 $0x1  }
0x17: {  	s4 =	simm.s32 $0x1BF5;
	[smem:$0x3FAE] =	sst s0  }
0x18: {  	s0 =	sld [smem:$0x3F91];
	_ =	swait.ge [sflag:s4], $0x0  }
0x19: {  	s7 =	sld [smem:$0x3F92]  }
0x1a: {  	s8 =	sadd.s32 $0xFFFFE003, lr  }
0x1b: {  	s9 =	sadd.s32 $0xFFFFFEF7, lr;
	s5 =	simm.s32 $0xFFFFFFFF;
	p2 =	slt.u32 s8, $0xFFFFF086  }
0x1c: {  	p1 =	slt.u32 s9, $0xF7A;
	s5 =	simm.s32 @!p2 $0x0  }
0x1d: {  	s5 =	simm.s32 @p1 $0x1;
	p0 =	seq.s32 s7, s2  }
0x1e: {  	s7 =	smul.u32 @!p0 $0xF7A, s2;
	p2 =	seq.s32 @!p0 s5, $0x0  }
0x1f: {  	s9 =	smul.u32 $0xF7A, s1;
	s8 =	simm.s32 @!p0 $0x1BF5;
	p2 =	por !p2, p0  }
0x20: {  	[sflag:s8] =	ssyncset.s32 @!p0 $0xFFFFF086;
	s6 =	sadd.s32 @!p0 s3, s7;
	s7 =	simm.s32 @!p0 $0x108  }
0x21: {  	s3 =	sadd.s32 s3, s9;
	s6 =	sadd.s32 @!p0 $0x88, s6;
	s7 =	simm.s32 @p2 $0x1082  }
0x22: {  	[simem:s7], [sflag:s8] =	dma.local @!p0 [hbm:s6], $0xF7A  }
0x23: {  	s9 =	sor.u32 $0xD0000000, s2;
	s6 =	simm.s32 $0x108;
	_ =	swait.ge @!p0 [sflag:s8], $0x0  }
0x24: {  	s3 =	sadd.s32 $0x88, s3;
	s6 =	simm.s32 @!p1 $0x1082;
	[sflag:s4] =	ssyncset.s32 $0xFFFFF086  }
0x25: {  	[simem:s6], [sflag:s4] =	dma.local [hbm:s3], $0xF7A  }
0x26: {  	[smem:$0x3F92] =	sst s1;
	(tag) =	ssettag s2;
	_ =	strace s9  }
0x27: {  	s1 =	sld [smem:$0x3FA2]  }
0x28: {  	s2 =	sld [smem:$0x3FA3]  }
0x29: {  	s4 =	sld [smem:$0x3FA5]  }
0x2a: {  	p0 =	seq.s32 s5, $0x0;
	s5 =	sld [smem:$0x3FA6]  }
0x2b: {  	s6 =	sld [smem:$0x3FA7]  }
0x2c: {  	s7 =	sld [smem:$0x3FA8]  }
0x2d: {  	s3 =	simm.s32 $0x108;
	s8 =	sld [smem:$0x3FA9]  }
0x2e: {  	s3 =	simm.s32 @!p0 $0x1082;
	s9 =	sld [smem:$0x3FAA]  }
0x2f: {  	lr =	sadd.s32 s0, s3;
	s0 =	sld [smem:$0x3FA1]  }
0x30: {  	s3 =	sld [smem:$0x3FA4]  }
0x31: {  	[smem:$0x3FAD] =	sst s10  }
0x32: {  	s10 =	sld [smem:$0x3FAB];
	_ =	sdelay $0x3  }
0x33: {  	p0 =	seq.s32 s10, $0x1;
	s10 =	sld [smem:$0x3FAD];
	_ =	sdelay $0x3  }
0x34: {  	[smem:$0x3FAD] =	sst s10  }
0x35: {  	s10 =	sld [smem:$0x3FAC];
	_ =	sdelay $0x3  }
0x36: {  	p1 =	seq.s32 s10, $0x1;
	s10 =	sld [smem:$0x3FAD];
	_ =	sdelay $0x3  }
0x37: {  	[smem:$0x3FAD] =	sst s10  }
0x38: {  	s10 =	sld [smem:$0x3FAE]  }
0x39: {  	_ = 	snop;
	(pc) =	sbr.ind lr, $3  }
0x3a: {  	_ = 	snop  }
0x3b: {  	_ = 	snop  }
0x3c: {  	p2 =	seq.s32 s10, $0x1;
	s10 =	sld [smem:$0x3FAD]  }
0x3d: {  	_ =	shalt  }
0x3e: {  	_ =	shalt  }
0x3f: {  	_ =	shalt  }
0x40: {  	_ =	shalt  }
0x41: {  	_ =	shalt  }
0x42: {  	_ =	shalt  }
0x43: {  	_ =	shalt  }
0x44: {  	_ =	shalt  }
0x45: {  	_ =	shalt  }
0x46: {  	_ =	shalt  }
0x47: {  	_ =	shalt  }
0x48: {  	_ =	shalt  }
0x49: {  	_ =	shalt  }
0x4a: {  	_ =	shalt  }
0x4b: {  	_ =	shalt  }
0x4c: {  	_ =	shalt  }
0x4d: {  	_ =	shalt  }
0x4e: {  	_ =	shalt  }
0x4f: {  	_ =	shalt  }
0x50: {  	_ =	shalt  }
0x51: {  	_ =	shalt  }
0x52: {  	_ =	shalt  }
0x53: {  	_ =	shalt  }
0x54: {  	_ =	shalt  }
0x55: {  	_ =	shalt  }
0x56: {  	_ =	shalt  }
0x57: {  	_ =	shalt  }
0x58: {  	_ =	shalt  }
0x59: {  	_ =	shalt  }
0x5a: {  	_ =	shalt  }
0x5b: {  	_ =	shalt  }
0x5c: {  	_ =	shalt  }
0x5d: {  	_ =	shalt  }
0x5e: {  	_ =	shalt  }
0x5f: {  	_ =	shalt  }
0x60: {  	_ =	shalt  }
0x61: {  	_ =	shalt  }
0x62: {  	_ =	shalt  }
0x63: {  	_ =	shalt  }
0x64: {  	_ =	shalt  }
0x65: {  	_ =	shalt  }
0x66: {  	_ =	shalt  }
0x67: {  	_ =	shalt  }
0x68: {  	_ =	shalt  }
0x69: {  	_ =	shalt  }
0x6a: {  	_ =	shalt  }
0x6b: {  	_ =	shalt  }
0x6c: {  	_ =	shalt  }
0x6d: {  	_ =	shalt  }
0x6e: {  	_ =	shalt  }
0x6f: {  	_ =	shalt  }
0x70: {  	_ =	shalt  }
0x71: {  	_ =	shalt  }
0x72: {  	_ =	shalt  }
0x73: {  	_ =	shalt  }
0x74: {  	_ =	shalt  }
0x75: {  	_ =	shalt  }
0x76: {  	_ =	shalt  }
0x77: {  	_ =	shalt  }
0x78: {  	_ =	shalt  }
0x79: {  	_ =	shalt  }
0x7a: {  	_ =	shalt  }
0x7b: {  	_ =	shalt  }
0x7c: {  	_ =	shalt  }
0x7d: {  	_ =	shalt  }
0x7e: {  	_ =	shalt  }
0x7f: {  	_ =	shalt  }
0x80: {  	_ =	shalt  }
0x81: {  	_ =	shalt  }
0x82: {  	_ =	shalt  }
0x83: {  	_ =	shalt  }
0x84: {  	_ =	shalt  }
0x85: {  	_ =	shalt  }
0x86: {  	_ =	shalt  }
0x87: {  	_ =	shalt  }
.Lfunc_end0:
.L_simem_size_0:
called_computation.5_lowered:
.L_overlay_start_0:
0x88: {  	s2 =	sld [smem:$0x3FD9]  }
0x89: {  	s3 =	sld [smem:$0x3FFE];
	_ =	sdelay $0x1  }
0x8a: {  	s1 =	srdreg.scid  }
0x8b: {  	s0 =	sand.u32 $0x1, s1  }
0x8c: {  	s17 =	sshll.u32 s0, $0xA;
	s2 =	sadd.s32 s3, s2  }
0x8d: {  	s2 =	sadd.s32 s2, s17  }
0x8e: {  	[smem:$0x3FB9] =	sst s2  }
0x8f: {  	_ = 	snop  }
0x90: {  	(tm) =	ssettm $0x1  }
0x91: {  	s18 =	sld [smem:$0x3FFB];
	_ =	sdelay $0x3  }
0x92: {  	_ =	strace s18  }
0x93: {  	s2 =	sld [smem:$0x3FFC];
	_ =	sdelay $0x3  }
0x94: {  	_ =	strace s2  }
0x95: {  	s2 =	sld [smem:$0x3FFD];
	_ =	sdelay $0x3  }
0x96: {  	_ =	strace s2  }
0x97: {  	_ =	strace $0x8FFFFFFF  }
0x98: {  	s19 =	sld [smem:$0x3FDB];
	_ =	sdelay $0x1  }
0x99: {  	s20 =	simm.s32 $_scs_section_size  }
0x9a: {  	s4 =	simm.s32 $_size__tile_overlayer_lowered;
	s5 =	simm.s32 $_tile_overlayer_lowered  }
0x9b: {  	s6 =	simm.s32 $0x1BFF;
	s21 =	sshll.u32 s5, $0x1;
	s3 =	sadd.s32 s20, s19  }
0x9c: {  	s22 =	simm.s32 $0x0;
	s4 =	sshll.u32 s4, $0x1;
	s5 =	sadd.s32 s21, s3  }
0x9d: {  	[timem:s22], [sflag:s6] =	dma.local [hbm:s5], s4  }
0x9e: {  	_ =	swait.ge [sflag:s6], s4  }
0x9f: {  	s4 =	ssub.s32 $0x0, s4;
	[sflag:s6] =	ssyncset.done $0x0  }
0xa0: {  	[sflag:s6] =	ssyncadd.s32 s4;
	_ =	sdelay $0x1  }
0xa1: {  	s23 =	simm.s32 $0x1B8B  }
0xa2: {  	_ =	swait.ge [sflag:s23], $0x1  }
0xa3: {  	[sflag:s23] =	ssyncset.done $0x0  }
0xa4: {  	[sflag:s23] =	ssyncadd.s32 $0xFFFFFFFF  }
0xa5: {  	s4 =	sld [smem:$0x0]  }
0xa6: {  	s5 =	sand.u32 $0xFFFFFFFE, s1  }
0xa7: {  	p0 =	sne.s32 s1, s5  }
0xa8: {  	s5 =	sshll.u32 @p0 s5, $0xE  }
0xa9: {  	s5 =	sadd.s32 @p0 $0x11B8D, s5;
	s6 =	sshll.u32 @p0 s4, $0x11  }
0xaa: {  	s5 =	sor.u32 @p0 s6, s5  }
0xab: {  	[sflag:s5] =	ssyncadd.remote.s32 @p0 $0x1;
	_ =	sdelay $0x1  }
0xac: {  	s5 =	simm.s32 @p0 $0x1B8D  }
0xad: {  	_ =	swait.eq @p0 [sflag:s5], $0x1  }
0xae: {  	[sflag:s5] =	ssyncadd.s32 @p0 $0xFFFFFFFF  }
0xaf: {  	s6 =	sshll.u32 @!p0 s1, $0xE  }
0xb0: {  	s6 =	sor.u32 @!p0 $0x4000, s6;
	s5 =	simm.s32 @!p0 $0x1B8D  }
0xb1: {  	s4 =	sshll.u32 @!p0 s4, $0x11;
	s6 =	sadd.s32 @!p0 $0x11B8D, s6;
	_ =	swait.eq @!p0 [sflag:s5], $0x1  }
0xb2: {  	s4 =	sor.u32 @!p0 s4, s6;
	[sflag:s5] =	ssyncadd.s32 @!p0 $0xFFFFFFFF  }
0xb3: {  	s25 =	simm.s32 $0x1B8E;
	s24 =	sld [smem:$0x3FFE];
	[sflag:s4] =	ssyncadd.remote.s32 @!p0 $0x1  }
0xb4: {  	s26 =	simm.s32 $execute0_lowered;
	[smem:$0x3FD2] =	sst s25  }
0xb5: {  	s5 =	sshll.u32 s26, $0x1;
	_ =	strace $0x80000052;
	[dreg:$0x1] =	wrdreg $0xFFFFFFFF  }
0xb6: {  	s28 =	simm.s32 $_size_execute0_lowered;
	s3 =	sadd.s32 s3, s5;
	[dreg:$0x0] =	wrdreg $0x0  }
0xb7: {  	s5 =	sshll.u32 s28, $0x1;
	[dreg:$0x2] =	wrdreg s3  }
0xb8: {  	[dreg:$0x3] =	wrdreg s5  }
0xb9: {  	[dreg:$0x4] =	wrdreg $0xC0  }
0xba: {  	_ =	task [dreg:s22], $0x5FFFF  }
0xbb: {  	[dreg:$0x1] =	wrdreg $0xFFFFFFFF  }
0xbc: {  	[dreg:$0x0] =	wrdreg $0x60  }
0xbd: {  	[dreg:$0x2] =	wrdreg s24  }
0xbe: {  	[dreg:$0x3] =	wrdreg $0x84800  }
0xbf: {  	[dreg:$0x4] =	wrdreg $0xB  }
0xc0: {  	_ =	task.clear_ibuf [dreg:s22], $0x5FFFF;
	_ =	strace $0x90000052  }
0xc1: {  	s29 =	simm.s32 $0xB;
	_ =	strace $0x80000054  }
0xc2: {  	_ =	swait.ge [sflag:s29], $0x1  }
0xc3: {  	[sflag:s29] =	ssyncadd.s32 $0xFFFFFFFF  }
0xc4: {  	_ =	strace $0x90000054  }
0xc5: {  	_ =	sfence  }
0xc6: {  	s30 =	sld [smem:$0x0];
	_ =	sdelay $0x2  }
0xc7: {  	s31 =	sshll.u32 s1, $0xD;
	s1 =	sshrl.u32 s1, $0x2  }
0xc8: {  	s4 =	sand.u32 $0x4000, s31;
	s1 =	sadd.s32 s1, s30  }
0xc9: {  	s0 =	sor.u32 s4, s0;
	s1 =	sshll.u32 s1, $0x11  }
0xca: {  	s0 =	sor.u32 s1, s0  }
0xcb: {  	s0 =	sadd.s32 $0x8F2B, s0  }
0xcc: {  	[sflag:s0] =	ssyncadd.remote.s32 $0x1  }
0xcd: {  	_ =	sfence.sel $0xFFFF  }
0xce: {  	[dreg:$0x0] =	wrdreg $0xFFFFFFFF;
	(pc) =	sbr.abs _section_cstart, $3  }
0xcf: {  	[dreg:$0x1] =	wrdreg $0xFFFFFFFF  }
0xd0: {  	_ =	task.clear_ibuf [dreg:s22], $0x2FFFF;
	_ =	strace $0x9FFFFFFF  }
0xd1: {  	(tm) =	ssettm $0x7FFFFFFF  }
tec
execute0_lowered:
.L_overlay_start_1:
0x0: {  	(tag) =	ssettag $0x1  }
0x1: {  	s7 =	rddreg [dreg:$0x0]  }
0x2: {  	s1 =	rddreg [dreg:$0x1]  }
0x3: {  	s0 =	rddreg [dreg:$0x2]  }
0x4: {  	s2 =	simm.s32 $0x0;
	s3 =	srdreg.scid;
	s16 =	simm.s32 $0x3  }
0x5: {  	s17 =	simm.s32 $0x80;
	s18 =	simm.s32 $0x4480;
	s19 =	simm.s32 $0x1  }
0x6: {  	s20 =	simm.s32 $0x2;
	s21 =	simm.s32 $0x400;
	[smem:$0x7FF] =	sst s2  }
0x7: {  	s8 =	sand.u32 $0x1, s3;
	s3 =	stileid.u32;
	s4 =	sadd.s32 $0x5F6000, s7  }
0x8: {  	s5 =	sadd.s32 $0x2E000, s7;
	s6 =	sadd.s32 $0x19A00, s7;
	s9 =	smul.u32 $0x28000, s8  }
0x9: {  	_ =	strace $0x80000053;
	s10 =	smul.u32 $0x50000, s3;
	s29 =	sshll.u32 s8, $0x4  }
0xa: {  	s28 =	ssub.s32 $0x2, s8;
	s23 =	smul.u32 $0x2800, s3;
	s12 =	sor.u32 s3, s29  }
0xb: {  	s31 =	sshrl.u32 s28, $0x1;
	s14 =	sadd.s32 s9, s7;
	s9 =	smul.u32 $0x50, s12  }
0xc: {  	s30 =	sshrl.u32 s10, $0x2;
	s15 =	ssub.s32 s28, s31;
	s12 =	smul.u32 $0x140000, s12  }
0xd: {  	s7 =	sadd.s32 s30, s1;
	s22 =	sadd.s32 $0x56000, s14;
	s14 =	smax.u32 s15, $0x1  }
0xe: {  	s15 =	simm.s32 $0x480;
	s8 =	sadd.s32 $0x4000, s7;
	s10 =	sadd.s32 $0x8000, s7  }
0xf: {  	v0 =	vimm.f32 $0.0e+00;
	s11 =	sadd.s32 $0xC000, s7;
	s13 =	sadd.s32 $0x10000, s7;
	s22 =	sadd.s32 s23, s22  }
.LBB2_1:
0x10: {  	s23 =	simm.s32 $0x0;
	s24 =	simm.s32 $0x200  }
.LBB2_2:
0x11: {  	p0 =	sne.s32 s24, $0xFE00;
	[tilespmem:s23+$0x4F0] =	vst v0  }
0x12: {  	[tilespmem:s23+$0x480] =	vst v0  }
0x13: {  	[tilespmem:s23+$0x490] =	vst v0  }
.Ltmp0:
0x14: {  	[tilespmem:s23+$0x4A0] =	vst v0;
	(pc) =	sbr.rel @p0 .LBB2_2-.Ltmp0, $4  }
0x15: {  	[tilespmem:s23+$0x4B0] =	vst v0  }
0x16: {  	[tilespmem:s23+$0x4C0] =	vst v0  }
0x17: {  	[tilespmem:s23+$0x4D0] =	vst v0  }
0x18: {  	[tilespmem:s23+$0x4E0] =	vst v0;
	s23 =	sshra.s32 s24, $0x2;
	s24 =	sadd.s32 $0x200, s24  }
0x19: {  	[tilespmem:s23+$0x4F0] =	vst v0  }
0x1a: {  	[tilespmem:s23+$0x480] =	vst v0  }
0x1b: {  	[tilespmem:s23+$0x490] =	vst v0  }
0x1c: {  	[tilespmem:s23+$0x4A0] =	vst v0  }
0x1d: {  	[tilespmem:s23+$0x4B0] =	vst v0  }
0x1e: {  	[tilespmem:s23+$0x4C0] =	vst v0  }
0x1f: {  	[tilespmem:s23+$0x4D0] =	vst v0  }
0x20: {  	[tilespmem:s23+$0x4E0] =	vst v0  }
0x21: {  	[spmem:s7] =	stream.linear.scatter [tilespmem:s15], [sflag:$0x3], $0x4000, $0x38;
	[tilespmem:$0x1C480] =	vst v63  }
0x22: {  	_ =	swait.ge [sflag:s16], $0x4000  }
0x23: {  	[sflag:s16] =	ssyncset.done $0x0  }
0x24: {  	[sflag:s16] =	ssyncadd.s32 $0xFFFFC000  }
0x25: {  	[spmem:s8] =	stream.linear.scatter [tilespmem:s15], [sflag:$0x3], $0x4000, $0x38;
	[tilespmem:$0x1C480] =	vst v63  }
0x26: {  	_ =	swait.ge [sflag:s16], $0x4000  }
0x27: {  	[sflag:s16] =	ssyncset.done $0x0  }
0x28: {  	[sflag:s16] =	ssyncadd.s32 $0xFFFFC000  }
0x29: {  	[spmem:s10] =	stream.linear.scatter [tilespmem:s15], [sflag:$0x3], $0x4000, $0x38;
	[tilespmem:$0x1C480] =	vst v63  }
0x2a: {  	_ =	swait.ge [sflag:s16], $0x4000  }
0x2b: {  	[sflag:s16] =	ssyncset.done $0x0  }
0x2c: {  	[sflag:s16] =	ssyncadd.s32 $0xFFFFC000  }
0x2d: {  	[spmem:s11] =	stream.linear.scatter [tilespmem:s15], [sflag:$0x3], $0x4000, $0x38;
	[tilespmem:$0x1C480] =	vst v63  }
0x2e: {  	_ =	swait.ge [sflag:s16], $0x4000  }
0x2f: {  	[sflag:s16] =	ssyncset.done $0x0  }
0x30: {  	[sflag:s16] =	ssyncadd.s32 $0xFFFFC000  }
0x31: {  	[spmem:s13] =	stream.linear.scatter [tilespmem:s15], [sflag:$0x3], $0x4000, $0x38;
	[tilespmem:$0x1C480] =	vst v63  }
0x32: {  	_ =	swait.ge [sflag:s16], $0x4000  }
0x33: {  	[sflag:s16] =	ssyncset.done $0x0  }
0x34: {  	[sflag:s16] =	ssyncadd.s32 $0xFFFFC000  }
0x35: {  	s23 =	simm.s32 $0x0;
	s24 =	simm.s32 $0x0;
	[bflag:$0x0] =	sbarrier.arrive $0xFFFF  }
.LBB2_4:
0x36: {  	s25 =	sshll.u32 s24, $0x3  }
0x37: {  	s26 =	sadd.s32 s9, s25  }
0x38: {  	s26 =	sshll.u32 s26, $0x4  }
0x39: {  	s26 =	sadd.s32 s6, s26  }
0x3a: {  	[tilespmem:s23], [sflag:$0x3] =	stream.linear.gather [hbm4b:s26+s23], $0x400, $0x38;
	[tilespmem:$0x1C480] =	vst v63  }
0x3b: {  	_ =	swait.ge [sflag:s16], $0x400  }
0x3c: {  	[sflag:s16] =	ssyncset.done $0x0  }
0x3d: {  	s26 =	simm.s32 $0x0;
	[sflag:s16] =	ssyncadd.s32 $0xFFFFFC00  }
.LBB2_5:
0x3e: {  	s28 =	sshll.u32 s26, $0x7  }
0x3f: {  	s28 =	sand.u32 $0x3FFFFF80, s28  }
0x40: {  	v1 =	vld [tilespmem:s28+$0x0];
	_ =	sdelay $0x4  }
0x41: {  	[tilespmem:$0x400] =	vst v1  }
0x42: {  	v1 =	vld [tilespmem:s28+$0x10];
	_ =	sdelay $0x4  }
0x43: {  	[tilespmem:$0x410] =	vst v1  }
0x44: {  	v1 =	vld [tilespmem:s28+$0x20];
	_ =	sdelay $0x4  }
0x45: {  	[tilespmem:$0x420] =	vst v1  }
0x46: {  	v1 =	vld [tilespmem:s28+$0x30];
	_ =	sdelay $0x4  }
0x47: {  	[tilespmem:$0x430] =	vst v1  }
0x48: {  	v1 =	vld [tilespmem:s28+$0x40];
	_ =	sdelay $0x4  }
0x49: {  	[tilespmem:$0x440] =	vst v1  }
0x4a: {  	v1 =	vld [tilespmem:s28+$0x50];
	_ =	sdelay $0x4  }
0x4b: {  	[tilespmem:$0x450] =	vst v1  }
0x4c: {  	v1 =	vld [tilespmem:s28+$0x60];
	_ =	sdelay $0x4  }
0x4d: {  	[tilespmem:$0x460] =	vst v1  }
0x4e: {  	v1 =	vld [tilespmem:s28+$0x70];
	_ =	sdelay $0x4  }
0x4f: {  	[tilespmem:$0x470] =	vst v1  }
0x50: {  	[tilespmem:s15], [sflag:$0x1] =	stream.indirect.gather [hbm4b:s5+s17], $0x80, s28, s17, $0xb8;
	[tilespmem:$0x1C480] =	vst v63  }
0x51: {  	s28 =	sadd.s32 s25, s26  }
0x52: {  	s28 =	sshll.u32 s28, $0xE  }
0x53: {  	s28 =	sadd.s32 s12, s28  }
0x54: {  	s28 =	sshrl.u32 s28, $0x3  }
0x55: {  	s29 =	simm.s32 $0x0;
	s28 =	sadd.s32 s4, s28  }
0x56: {  	[tilespmem:s18], [sflag:$0x2] =	stream.linear.gather [hbm4b:s28+s29], $0x4000, $0x38;
	[tilespmem:$0x1C480] =	vst v63  }
0x57: {  	_ =	swait.ge [sflag:s19], $0x4000  }
0x58: {  	[sflag:s19] =	ssyncset.done $0x0  }
0x59: {  	[sflag:s19] =	ssyncadd.s32 $0xFFFFC000  }
0x5a: {  	_ =	swait.ge [sflag:s20], $0x4000  }
0x5b: {  	[sflag:s20] =	ssyncset.done $0x0  }
0x5c: {  	s28 =	simm.s32 $0x0;
	[sflag:s20] =	ssyncadd.s32 $0xFFFFC000  }
0x5d: {  	v7 =	vld [tilespmem:s28+$0x4480]  }
0x5e: {  	v12 =	vld [tilespmem:s28+$0x4490]  }
0x5f: {  	v6 =	vld [tilespmem:s28+$0x44A0]  }
0x60: {  	v5 =	vld [tilespmem:s28+$0x44B0]  }
0x61: {  	v4 =	vld [tilespmem:s28+$0x44C0]  }
0x62: {  	v3 =	vld [tilespmem:s28+$0x44D0]  }
0x63: {  	v2 =	vld [tilespmem:s28+$0x44E0]  }
0x64: {  	v1 =	vld [tilespmem:s28+$0x44F0]  }
0x65: {  	v13 =	vld [tilespmem:s28+$0x480]  }
0x66: {  	v14 =	vld [tilespmem:s28+$0x490]  }
0x67: {  	v11 =	vld [tilespmem:s28+$0x4A0]  }
0x68: {  	v10 =	vld [tilespmem:s28+$0x4B0]  }
0x69: {  	v9 =	vld [tilespmem:s28+$0x4C0]  }
0x6a: {  	v8 =	vld [tilespmem:s28+$0x4D0];
	v13 =	vadd.f32 v7, v13  }
0x6b: {  	s29 =	simm.s32 $0x200;
	v12 =	vadd.f32 v12, v14;
	v7 =	vld [tilespmem:s28+$0x4E0]  }
.LBB2_6:
0x6c: {  	s30 =	sshra.s32 s29, $0x2;
	p0 =	sne.s32 s29, $0xFE00;
	v13 =	vmax.f32 v13, $0.0e+00;
	v6 =	vadd.f32 v6, v11;
	v11 =	vld [tilespmem:s28+$0x4F0]  }
0x6d: {  	v14 =	vld [tilespmem:s30+$0x4480];
	[tilespmem:s28+$0x480] =	vst v13;
	v12 =	vmax.f32 v12, $0.0e+00;
	v5 =	vadd.f32 v5, v10  }
0x6e: {  	v15 =	vld [tilespmem:s30+$0x4490];
	[tilespmem:s28+$0x490] =	vst v12;
	v10 =	vmax.f32 v6, $0.0e+00;
	v4 =	vadd.f32 v4, v9  }
0x6f: {  	v6 =	vld [tilespmem:s30+$0x44A0];
	[tilespmem:s28+$0x4A0] =	vst v10;
	v9 =	vmax.f32 v5, $0.0e+00;
	v3 =	vadd.f32 v3, v8  }
0x70: {  	v5 =	vld [tilespmem:s30+$0x44B0];
	[tilespmem:s28+$0x4B0] =	vst v9;
	v8 =	vmax.f32 v4, $0.0e+00;
	v2 =	vadd.f32 v2, v7  }
0x71: {  	v4 =	vld [tilespmem:s30+$0x44C0];
	[tilespmem:s28+$0x4C0] =	vst v8;
	v7 =	vmax.f32 v3, $0.0e+00;
	v1 =	vadd.f32 v1, v11  }
0x72: {  	v3 =	vld [tilespmem:s30+$0x44D0];
	[tilespmem:s28+$0x4D0] =	vst v7;
	v7 =	vmax.f32 v2, $0.0e+00  }
0x73: {  	v2 =	vld [tilespmem:s30+$0x44E0];
	[tilespmem:s28+$0x4E0] =	vst v7;
	v7 =	vmax.f32 v1, $0.0e+00  }
0x74: {  	v1 =	vld [tilespmem:s30+$0x44F0];
	[tilespmem:s28+$0x4F0] =	vst v7;
	s28 =	smov.u32 s30  }
0x75: {  	v7 =	vld [tilespmem:s28+$0x480]  }
0x76: {  	v12 =	vld [tilespmem:s28+$0x490]  }
.Ltmp1:
0x77: {  	v11 =	vld [tilespmem:s28+$0x4A0];
	(pc) =	sbr.rel @p0 .LBB2_6-.Ltmp1, $4  }
0x78: {  	v10 =	vld [tilespmem:s28+$0x4B0]  }
0x79: {  	v9 =	vld [tilespmem:s28+$0x4C0]  }
0x7a: {  	v13 =	vadd.f32 v14, v7;
	v8 =	vld [tilespmem:s28+$0x4D0]  }
0x7b: {  	s29 =	sadd.s32 $0x200, s29;
	v12 =	vadd.f32 v15, v12;
	v7 =	vld [tilespmem:s28+$0x4E0]  }
0x7c: {  	v13 =	vmax.f32 v13, $0.0e+00;
	v6 =	vadd.f32 v6, v11;
	v63 =	vld [tilespmem:s28+$0x4F0]  }
0x7d: {  	[tilespmem:s28+$0x480] =	vst v13;
	v12 =	vmax.f32 v12, $0.0e+00;
	v5 =	vadd.f32 v5, v10  }
0x7e: {  	[tilespmem:s28+$0x490] =	vst v12;
	v6 =	vmax.f32 v6, $0.0e+00;
	v4 =	vadd.f32 v4, v9  }
0x7f: {  	[tilespmem:s28+$0x4A0] =	vst v6;
	v5 =	vmax.f32 v5, $0.0e+00;
	v3 =	vadd.f32 v3, v8  }
0x80: {  	[tilespmem:s28+$0x4B0] =	vst v5;
	v4 =	vmax.f32 v4, $0.0e+00;
	v2 =	vadd.f32 v2, v7  }
0x81: {  	[tilespmem:s28+$0x4C0] =	vst v4;
	v3 =	vmax.f32 v3, $0.0e+00;
	v1 =	vadd.f32 v1, v63  }
0x82: {  	s26 =	sadd.s32 $0x1, s26;
	[tilespmem:s28+$0x4D0] =	vst v3;
	v2 =	vmax.f32 v2, $0.0e+00  }
0x83: {  	p0 =	sne.s32 s26, $0x8;
	[tilespmem:s28+$0x4E0] =	vst v2;
	v1 =	vmax.f32 v1, $0.0e+00  }
.Ltmp2:
0x84: {  	[tilespmem:s28+$0x4F0] =	vst v1;
	(pc) =	sbr.rel @p0 .LBB2_5-.Ltmp2, $4  }
0x85: {  	[spmem:s1] =	stream.indirect.scatter.add.f32 [tilespmem:s15], [sflag:$0x3], $0x80, s21, s17, $0xb8;
	[tilespmem:$0x1C480] =	vst v63  }
0x86: {  	_ =	swait.ge [sflag:s16], $0x4000  }
0x87: {  	[sflag:s16] =	ssyncset.done $0x0  }
0x88: {  	[sflag:s16] =	ssyncadd.s32 $0xFFFFC000  }
0x89: {  	s24 =	sadd.s32 $0x1, s24  }
0x8a: {  	p0 =	sne.s32 s24, $0xA  }
.Ltmp3:
0x8b: {  	_ = 	snop;
	(pc) =	sbr.rel @p0 .LBB2_4-.Ltmp3, $1  }
0x8c: {  	_ =	sdelay $0x3  }
0x8d: {  	s2 =	sadd.s32 $0x1, s2  }
0x8e: {  	s23 =	sshll.u32 s3, $0x6;
	[bflag:$0x0] =	sbarrier.arrive $0xFFFF;
	p0 =	sne.s32 s2, s14  }
.Ltmp4:
0x8f: {  	s24 =	sshrl.u32 s7, $0x3;
	s23 =	sor.u32 $0x1C03, s23;
	(pc) =	sbr.rel @p0 .LBB2_1-.Ltmp4, $4  }
0x90: {  	[hbm:s22], [sflag:s23] =	dma.local [spmem:s24], $0x2800  }
0x91: {  	_ =	swait.ge [sflag:s16], $0x2800  }
0x92: {  	[sflag:s16] =	ssyncset.done $0x0  }
0x93: {  	[sflag:s16] =	ssyncadd.s32 $0xFFFFD800  }
0x94: {  	_ =	sfence.sel $0x180000  }
0x95: {  	[bflag:$0x0] =	sbarrier.arrive $0xFFFF  }
0x96: {  	p0 =	sne.s32 s3, $0x0;
	_ =	strace $0x90000053  }
0x97: {  	s0 =	sadd.s32 @!p0 $0x100000, s0;
	[bflag:$0x2] =	sbarrier.arrive $0xFFFF  }
0x98: {  	[sflag:s0] =	ssyncadd.tile.s32 @!p0 $0x1;
	_ =	shalt  }
.Lfunc_end2:
_tile_overlayer_lowered:
.L_overlay_start_2:
0x99: {  	(tag) =	ssettag $0x2  }
0x9a: {  	s0 =	rddreg [dreg:$0x0];
	s2 =	stileid.u32  }
0x9b: {  	s1 =	rddreg [dreg:$0x1];
	p0 =	sne.s32 s2, $0x0  }
0x9c: {  	s3 =	rddreg [dreg:$0x2];
	[bflag:$0x3] =	sbarrier.arrive $0xFFFF;
	s2 =	simm.s32 @!p0 $0x1C03  }
0x9d: {  	[timem:s3], [sflag:s2] =	dma.local @!p0 [hbm:s0], s1  }
0x9e: {  	s0 =	simm.s32 @!p0 $0x3  }
0x9f: {  	_ =	swait.ge @!p0 [sflag:s0], s1  }
0xa0: {  	s1 =	ssub.s32 @!p0 $0x0, s1;
	[sflag:s0] =	ssyncset.done @!p0 $0x0  }
0xa1: {  	[sflag:s0] =	ssyncadd.s32 @!p0 s1  }
0xa2: {  	[bflag:$0x3] =	sbarrier.arrive $0xFFFF  }
0xa3: {  	_ =	shalt  }

// kernel: kernel.33.cloned.1.call-start
scs
__scs_entry_jumppad:
0x0: {  	(pc) =	sbr.rel $0x88, $3  }
0x1: {  	(tag) =	ssettag $0x0;
	lr =	simm.s32 $0x1  }
0x2: {  	[smem:$0x3F92] =	sst lr;
	_ =	strace $0xD0000000  }
0x3: {  	_ = 	snop  }
0x4: {  	_ = 	snop  }
0x5: {  	_ = 	snop  }
0x6: {  	_ = 	snop  }
0x7: {  	_ = 	snop  }
__scs_overlays_trampoline_lowered:
0x8: {  	[smem:$0x3FA1] =	sst s0  }
0x9: {  	[smem:$0x3FA2] =	sst s1  }
0xa: {  	[smem:$0x3FA3] =	sst s2  }
0xb: {  	[smem:$0x3FA4] =	sst s3  }
0xc: {  	[smem:$0x3FA5] =	sst s4  }
0xd: {  	[smem:$0x3FA6] =	sst s5  }
0xe: {  	[smem:$0x3FA7] =	sst s6  }
0xf: {  	[smem:$0x3FA8] =	sst s7  }
0x10: {  	[smem:$0x3FA9] =	sst s8  }
0x11: {  	[smem:$0x3FAA] =	sst s9;
	s0 =	simm.s32 @!p0 $0x0  }
0x12: {  	s1 =	sld [smem:$0x3F90];
	s0 =	simm.s32 @p0 $0x1  }
0x13: {  	[smem:$0x3FAB] =	sst s0;
	s0 =	simm.s32 @!p1 $0x0  }
0x14: {  	s2 =	sld [smem:$0x3F8F];
	s0 =	simm.s32 @p1 $0x1  }
0x15: {  	[smem:$0x3FAC] =	sst s0;
	s0 =	simm.s32 @!p2 $0x0  }
0x16: {  	s3 =	sld [smem:$0x3FDB];
	s0 =	simm.s32 @p2 $0x1  }
0x17: {  	s4 =	simm.s32 $0x1BF5;
	[smem:$0x3FAE] =	sst s0  }
0x18: {  	s0 =	sld [smem:$0x3F91];
	_ =	swait.ge [sflag:s4], $0x0  }
0x19: {  	s7 =	sld [smem:$0x3F92]  }
0x1a: {  	s8 =	sadd.s32 $0xFFFFE003, lr  }
0x1b: {  	s9 =	sadd.s32 $0xFFFFFEF7, lr;
	s5 =	simm.s32 $0xFFFFFFFF;
	p2 =	slt.u32 s8, $0xFFFFF086  }
0x1c: {  	p1 =	slt.u32 s9, $0xF7A;
	s5 =	simm.s32 @!p2 $0x0  }
0x1d: {  	s5 =	simm.s32 @p1 $0x1;
	p0 =	seq.s32 s7, s2  }
0x1e: {  	s7 =	smul.u32 @!p0 $0xF7A, s2;
	p2 =	seq.s32 @!p0 s5, $0x0  }
0x1f: {  	s9 =	smul.u32 $0xF7A, s1;
	s8 =	simm.s32 @!p0 $0x1BF5;
	p2 =	por !p2, p0  }
0x20: {  	[sflag:s8] =	ssyncset.s32 @!p0 $0xFFFFF086;
	s6 =	sadd.s32 @!p0 s3, s7;
	s7 =	simm.s32 @!p0 $0x108  }
0x21: {  	s3 =	sadd.s32 s3, s9;
	s6 =	sadd.s32 @!p0 $0x88, s6;
	s7 =	simm.s32 @p2 $0x1082  }
0x22: {  	[simem:s7], [sflag:s8] =	dma.local @!p0 [hbm:s6], $0xF7A  }
0x23: {  	s9 =	sor.u32 $0xD0000000, s2;
	s6 =	simm.s32 $0x108;
	_ =	swait.ge @!p0 [sflag:s8], $0x0  }
0x24: {  	s3 =	sadd.s32 $0x88, s3;
	s6 =	simm.s32 @!p1 $0x1082;
	[sflag:s4] =	ssyncset.s32 $0xFFFFF086  }
0x25: {  	[simem:s6], [sflag:s4] =	dma.local [hbm:s3], $0xF7A  }
0x26: {  	[smem:$0x3F92] =	sst s1;
	(tag) =	ssettag s2;
	_ =	strace s9  }
0x27: {  	s1 =	sld [smem:$0x3FA2]  }
0x28: {  	s2 =	sld [smem:$0x3FA3]  }
0x29: {  	s4 =	sld [smem:$0x3FA5]  }
0x2a: {  	p0 =	seq.s32 s5, $0x0;
	s5 =	sld [smem:$0x3FA6]  }
0x2b: {  	s6 =	sld [smem:$0x3FA7]  }
0x2c: {  	s7 =	sld [smem:$0x3FA8]  }
0x2d: {  	s3 =	simm.s32 $0x108;
	s8 =	sld [smem:$0x3FA9]  }
0x2e: {  	s3 =	simm.s32 @!p0 $0x1082;
	s9 =	sld [smem:$0x3FAA]  }
0x2f: {  	lr =	sadd.s32 s0, s3;
	s0 =	sld [smem:$0x3FA1]  }
0x30: {  	s3 =	sld [smem:$0x3FA4]  }
0x31: {  	[smem:$0x3FAD] =	sst s10  }
0x32: {  	s10 =	sld [smem:$0x3FAB];
	_ =	sdelay $0x3  }
0x33: {  	p0 =	seq.s32 s10, $0x1;
	s10 =	sld [smem:$0x3FAD];
	_ =	sdelay $0x3  }
0x34: {  	[smem:$0x3FAD] =	sst s10  }
0x35: {  	s10 =	sld [smem:$0x3FAC];
	_ =	sdelay $0x3  }
0x36: {  	p1 =	seq.s32 s10, $0x1;
	s10 =	sld [smem:$0x3FAD];
	_ =	sdelay $0x3  }
0x37: {  	[smem:$0x3FAD] =	sst s10  }
0x38: {  	s10 =	sld [smem:$0x3FAE]  }
0x39: {  	_ = 	snop;
	(pc) =	sbr.ind lr, $3  }
0x3a: {  	_ = 	snop  }
0x3b: {  	_ = 	snop  }
0x3c: {  	p2 =	seq.s32 s10, $0x1;
	s10 =	sld [smem:$0x3FAD]  }
0x3d: {  	_ =	shalt  }
0x3e: {  	_ =	shalt  }
0x3f: {  	_ =	shalt  }
0x40: {  	_ =	shalt  }
0x41: {  	_ =	shalt  }
0x42: {  	_ =	shalt  }
0x43: {  	_ =	shalt  }
0x44: {  	_ =	shalt  }
0x45: {  	_ =	shalt  }
0x46: {  	_ =	shalt  }
0x47: {  	_ =	shalt  }
0x48: {  	_ =	shalt  }
0x49: {  	_ =	shalt  }
0x4a: {  	_ =	shalt  }
0x4b: {  	_ =	shalt  }
0x4c: {  	_ =	shalt  }
0x4d: {  	_ =	shalt  }
0x4e: {  	_ =	shalt  }
0x4f: {  	_ =	shalt  }
0x50: {  	_ =	shalt  }
0x51: {  	_ =	shalt  }
0x52: {  	_ =	shalt  }
0x53: {  	_ =	shalt  }
0x54: {  	_ =	shalt  }
0x55: {  	_ =	shalt  }
0x56: {  	_ =	shalt  }
0x57: {  	_ =	shalt  }
0x58: {  	_ =	shalt  }
0x59: {  	_ =	shalt  }
0x5a: {  	_ =	shalt  }
0x5b: {  	_ =	shalt  }
0x5c: {  	_ =	shalt  }
0x5d: {  	_ =	shalt  }
0x5e: {  	_ =	shalt  }
0x5f: {  	_ =	shalt  }
0x60: {  	_ =	shalt  }
0x61: {  	_ =	shalt  }
0x62: {  	_ =	shalt  }
0x63: {  	_ =	shalt  }
0x64: {  	_ =	shalt  }
0x65: {  	_ =	shalt  }
0x66: {  	_ =	shalt  }
0x67: {  	_ =	shalt  }
0x68: {  	_ =	shalt  }
0x69: {  	_ =	shalt  }
0x6a: {  	_ =	shalt  }
0x6b: {  	_ =	shalt  }
0x6c: {  	_ =	shalt  }
0x6d: {  	_ =	shalt  }
0x6e: {  	_ =	shalt  }
0x6f: {  	_ =	shalt  }
0x70: {  	_ =	shalt  }
0x71: {  	_ =	shalt  }
0x72: {  	_ =	shalt  }
0x73: {  	_ =	shalt  }
0x74: {  	_ =	shalt  }
0x75: {  	_ =	shalt  }
0x76: {  	_ =	shalt  }
0x77: {  	_ =	shalt  }
0x78: {  	_ =	shalt  }
0x79: {  	_ =	shalt  }
0x7a: {  	_ =	shalt  }
0x7b: {  	_ =	shalt  }
0x7c: {  	_ =	shalt  }
0x7d: {  	_ =	shalt  }
0x7e: {  	_ =	shalt  }
0x7f: {  	_ =	shalt  }
0x80: {  	_ =	shalt  }
0x81: {  	_ =	shalt  }
0x82: {  	_ =	shalt  }
0x83: {  	_ =	shalt  }
0x84: {  	_ =	shalt  }
0x85: {  	_ =	shalt  }
0x86: {  	_ =	shalt  }
0x87: {  	_ =	shalt  }
.Lfunc_end0:
.L_simem_size_0:
called_computation.6_lowered:
.L_overlay_start_0:
0x88: {  	s2 =	sld [smem:$0x3FD9]  }
0x89: {  	s3 =	sld [smem:$0x3FFE];
	_ =	sdelay $0x1  }
0x8a: {  	s1 =	srdreg.scid  }
0x8b: {  	s0 =	sand.u32 $0x1, s1  }
0x8c: {  	s17 =	sshll.u32 s0, $0xA;
	s2 =	sadd.s32 s3, s2  }
0x8d: {  	s2 =	sadd.s32 s2, s17  }
0x8e: {  	[smem:$0x3FB9] =	sst s2  }
0x8f: {  	_ = 	snop  }
0x90: {  	s2 =	sld [smem:$0x3FC7]  }
0x91: {  	s18 =	sld [smem:$0x3FBC]  }
0x92: {  	s4 =	sld [smem:$0x3FBB];
	(tm) =	ssettm $0x1  }
0x93: {  	s5 =	sld [smem:$0x3FFB];
	_ =	sdelay $0x3  }
0x94: {  	_ =	strace s5  }
0x95: {  	s5 =	sld [smem:$0x3FFC];
	_ =	sdelay $0x3  }
0x96: {  	_ =	strace s5  }
0x97: {  	s5 =	sld [smem:$0x3FFD];
	_ =	sdelay $0x3  }
0x98: {  	_ =	strace s5  }
0x99: {  	_ =	strace $0x8FFFFFFF  }
0x9a: {  	s19 =	sld [smem:$0x3FDB];
	_ =	sdelay $0x1  }
0x9b: {  	s6 =	simm.s32 $_scs_section_size  }
0x9c: {  	s7 =	simm.s32 $_size__tile_overlayer_lowered;
	s8 =	simm.s32 $_tile_overlayer_lowered  }
0x9d: {  	s22 =	simm.s32 $0x1BFF;
	s21 =	sshll.u32 s8, $0x1;
	s5 =	sadd.s32 s6, s19  }
0x9e: {  	s9 =	simm.s32 $0x0;
	s20 =	sshll.u32 s7, $0x1;
	s7 =	sadd.s32 s21, s5  }
0x9f: {  	[timem:s9], [sflag:s22] =	dma.local [hbm:s7], s20  }
0xa0: {  	_ =	swait.ge [sflag:s22], s20  }
0xa1: {  	s6 =	ssub.s32 $0x0, s20;
	[sflag:s22] =	ssyncset.done $0x0  }
0xa2: {  	[sflag:s22] =	ssyncadd.s32 s6;
	_ =	sdelay $0x1  }
0xa3: {  	s23 =	simm.s32 $0x1B8B  }
0xa4: {  	_ =	swait.ge [sflag:s23], $0x1  }
0xa5: {  	[sflag:s23] =	ssyncset.done $0x0  }
0xa6: {  	s25 =	simm.s32 $0x1B8E;
	s24 =	sld [smem:$0x3FFE];
	[sflag:s23] =	ssyncadd.s32 $0xFFFFFFFF  }
0xa7: {  	s26 =	simm.s32 $execute0_lowered;
	[smem:$0x3FD2] =	sst s25  }
0xa8: {  	s7 =	sshll.u32 s26, $0x1;
	_ =	strace $0x80000058;
	[dreg:$0x1] =	wrdreg $0xFFFFFFFF  }
0xa9: {  	s28 =	simm.s32 $_size_execute0_lowered;
	s5 =	sadd.s32 s5, s7;
	[dreg:$0x0] =	wrdreg $0x0  }
0xaa: {  	s7 =	sshll.u32 s28, $0x1;
	[dreg:$0x2] =	wrdreg s5  }
0xab: {  	[dreg:$0x3] =	wrdreg s7  }
0xac: {  	[dreg:$0x4] =	wrdreg $0xC0  }
0xad: {  	_ =	task [dreg:s9], $0x5FFFF  }
0xae: {  	[dreg:$0x1] =	wrdreg $0xFFFFFFFF  }
0xaf: {  	[dreg:$0x0] =	wrdreg $0x60  }
0xb0: {  	[dreg:$0x2] =	wrdreg s24  }
0xb1: {  	[dreg:$0x3] =	wrdreg s2  }
0xb2: {  	[dreg:$0x4] =	wrdreg s18  }
0xb3: {  	[dreg:$0x5] =	wrdreg s4  }
0xb4: {  	[dreg:$0x6] =	wrdreg $0x9  }
0xb5: {  	_ =	task.clear_ibuf [dreg:s9], $0x7FFFF;
	_ =	strace $0x90000058  }
0xb6: {  	s29 =	simm.s32 $0x9;
	_ =	strace $0x8000005A  }
0xb7: {  	_ =	swait.ge [sflag:s29], $0x1  }
0xb8: {  	[sflag:s29] =	ssyncadd.s32 $0xFFFFFFFF  }
0xb9: {  	_ =	strace $0x9000005A  }
0xba: {  	_ =	sfence  }
0xbb: {  	s30 =	sld [smem:$0x0];
	_ =	sdelay $0x2  }
0xbc: {  	s31 =	sshll.u32 s1, $0xD;
	s1 =	sshrl.u32 s1, $0x2  }
0xbd: {  	s3 =	sand.u32 $0x4000, s31;
	s1 =	sadd.s32 s1, s30  }
0xbe: {  	s0 =	sor.u32 s3, s0;
	s1 =	sshll.u32 s1, $0x11  }
0xbf: {  	s0 =	sor.u32 s1, s0  }
0xc0: {  	s0 =	sadd.s32 $0x8F2B, s0  }
0xc1: {  	[sflag:s0] =	ssyncadd.remote.s32 $0x1  }
0xc2: {  	_ =	sfence.sel $0xFFFF  }
0xc3: {  	[dreg:$0x0] =	wrdreg $0xFFFFFFFF;
	(pc) =	sbr.abs _section_cstart, $3  }
0xc4: {  	[dreg:$0x1] =	wrdreg $0xFFFFFFFF  }
0xc5: {  	_ =	task.clear_ibuf [dreg:s9], $0x2FFFF;
	_ =	strace $0x9FFFFFFF  }
0xc6: {  	(tm) =	ssettm $0x7FFFFFFF  }
0xc7: {  	_ =	shalt  }
tec
execute0_lowered:
.L_overlay_start_1:
0x0: {  	(tag) =	ssettag $0x1  }
0x1: {  	s25 =	rddreg [dreg:$0x0]  }
0x2: {  	s2 =	rddreg [dreg:$0x1];
	s0 =	srdreg.scid  }
0x3: {  	s4 =	rddreg [dreg:$0x2];
	s24 =	sand.u32 $0x1, s0  }
0x4: {  	s6 =	rddreg [dreg:$0x3];
	s1 =	stileid.u32;
	s5 =	sshll.u32 s24, $0x4  }
0x5: {  	s3 =	simm.s32 $0x0;
	s0 =	rddreg [dreg:$0x4];
	s7 =	sor.u32 s1, s5  }
0x6: {  	[smem:$0x7FF] =	sst s3;
	s22 =	sshll.u32 s7, $0x2  }
0x7: {  	_ =	strace $0x80000059;
	s5 =	sadd.s32 s4, s22;
	s4 =	simm.s32 $0x1  }
0x8: {  	[tilespmem:s3], [sflag:$0x1] =	stream.linear.gather [hbm4b:s5+s3], $0x20, $0x38;
	[tilespmem:$0x500] =	vst v63  }
0x9: {  	s26 =	smul.u32 $0x14, s7;
	_ =	swait.ge [sflag:s4], $0x20  }
0xa: {  	[sflag:s4] =	ssyncset.done $0x0  }
0xb: {  	s7 =	simm.s32 $0x300;
	s6 =	sadd.s32 s6, s26;
	[sflag:s4] =	ssyncadd.s32 $0xFFFFFFE0  }
0xc: {  	[tilespmem:s7], [sflag:$0x1] =	stream.linear.gather [hbm4b:s6+s3], $0xA0, $0x38;
	[tilespmem:$0x500] =	vst v63  }
0xd: {  	_ =	swait.ge [sflag:s4], $0xA0  }
0xe: {  	s9 =	simm.s32 $0x20;
	[sflag:s4] =	ssyncset.done $0x0  }
0xf: {  	s10 =	simm.s32 $0x80;
	s8 =	sadd.s32 $0x5E00, s25;
	[sflag:s4] =	ssyncadd.s32 $0xFFFFFF60  }
0x10: {  	[tilespmem:s10], [sflag:$0x1] =	stream.indirect.gather [hbm4b:s8+s9], $0x1, s3, s9, $0xb8;
	[tilespmem:$0x500] =	vst v63  }
0x11: {  	_ =	swait.ge [sflag:s4], $0x20  }
0x12: {  	[sflag:s4] =	ssyncset.done $0x0  }
0x13: {  	s12 =	simm.s32 $0x100;
	s11 =	sadd.s32 $0xFC00, s25;
	[sflag:s4] =	ssyncadd.s32 $0xFFFFFFE0  }
0x14: {  	[tilespmem:s12], [sflag:$0x1] =	stream.indirect.gather [hbm4b:s11+s9], $0x1, s3, s9, $0xb8;
	[tilespmem:$0x500] =	vst v63  }
0x15: {  	_ =	swait.ge [sflag:s4], $0x20  }
0x16: {  	[sflag:s4] =	ssyncset.done $0x0  }
0x17: {  	s13 =	simm.s32 $0x280;
	[sflag:s4] =	ssyncadd.s32 $0xFFFFFFE0  }
0x18: {  	[tilespmem:s13], [sflag:$0x1] =	stream.indirect.gather [hbm4b:s2+s9], $0x1, s3, s9, $0xb8;
	[tilespmem:$0x500] =	vst v63  }
0x19: {  	_ =	swait.ge [sflag:s4], $0x20  }
0x1a: {  	[sflag:s4] =	ssyncset.done $0x0  }
0x1b: {  	s15 =	simm.s32 $0x180;
	s14 =	sadd.s32 $0x19A00, s25;
	[sflag:s4] =	ssyncadd.s32 $0xFFFFFFE0  }
0x1c: {  	[tilespmem:s15], [sflag:$0x1] =	stream.indirect.gather [hbm4b:s14+s9], $0x1, s10, s9, $0xb8;
	[tilespmem:$0x500] =	vst v63  }
0x1d: {  	_ =	swait.ge [sflag:s4], $0x20  }
0x1e: {  	[sflag:s4] =	ssyncset.done $0x0  }
0x1f: {  	s17 =	simm.s32 $0x200;
	s16 =	sadd.s32 $0x1A000, s25;
	[sflag:s4] =	ssyncadd.s32 $0xFFFFFFE0  }
0x20: {  	[tilespmem:s17], [sflag:$0x1] =	stream.indirect.gather [hbm4b:s16+s9], $0x1, s12, s9, $0xb8;
	[tilespmem:$0x500] =	vst v63  }
0x21: {  	_ =	swait.ge [sflag:s4], $0x20  }
0x22: {  	[sflag:s4] =	ssyncset.done $0x0  }
0x23: {  	s18 =	simm.s32 $0x50;
	s19 =	simm.s32 $0x400;
	[sflag:s4] =	ssyncadd.s32 $0xFFFFFFE0  }
0x24: {  	[tilespmem:s19], [sflag:$0x1] =	stream.indirect.gather [hbm4b:s16+s18], $0x1, s7, s18, $0xb8;
	[tilespmem:$0x500] =	vst v63  }
0x25: {  	_ =	swait.ge [sflag:s4], $0x50  }
0x26: {  	[sflag:s4] =	ssyncset.done $0x0  }
0x27: {  	s20 =	simm.s32 $0x350;
	s21 =	simm.s32 $0x450;
	[sflag:s4] =	ssyncadd.s32 $0xFFFFFFB0  }
0x28: {  	[tilespmem:s21], [sflag:$0x1] =	stream.indirect.gather [hbm4b:s16+s18], $0x1, s20, s18, $0xb8;
	[tilespmem:$0x500] =	vst v63  }
0x29: {  	_ =	swait.ge [sflag:s4], $0x50  }
0x2a: {  	s28 =	sadd.s32 s22, s25;
	[sflag:s4] =	ssyncset.done $0x0  }
0x2b: {  	s22 =	sadd.s32 $0x1AA00, s28;
	[sflag:s4] =	ssyncadd.s32 $0xFFFFFFB0  }
0x2c: {  	[hbm4b:s22+s3] =	stream.linear.scatter [tilespmem:s15], [sflag:$0x1], $0x20, $0x38;
	[tilespmem:$0x500] =	vst v63  }
0x2d: {  	_ =	swait.ge [sflag:s4], $0x20  }
0x2e: {  	[sflag:s4] =	ssyncset.done $0x0  }
0x2f: {  	s29 =	ssub.s32 $0x2, s24;
	s23 =	sadd.s32 $0x1AC00, s28;
	[sflag:s4] =	ssyncadd.s32 $0xFFFFFFE0  }
0x30: {  	[hbm4b:s23+s3] =	stream.linear.scatter [tilespmem:s17], [sflag:$0x1], $0x20, $0x38;
	[tilespmem:$0x500] =	vst v63  }
0x31: {  	s30 =	sshrl.u32 s29, $0x1;
	_ =	swait.ge [sflag:s4], $0x20  }
0x32: {  	s31 =	ssub.s32 s29, s30;
	s24 =	sadd.s32 $0x1AE00, s28;
	[sflag:s4] =	ssyncset.done $0x0  }
0x33: {  	s25 =	sadd.s32 s26, s25;
	s26 =	smax.u32 s31, $0x1;
	[sflag:s4] =	ssyncadd.s32 $0xFFFFFFE0  }
0x34: {  	[hbm4b:s24+s3] =	stream.linear.scatter [tilespmem:s13], [sflag:$0x1], $0x20, $0x38;
	[tilespmem:$0x500] =	vst v63  }
0x35: {  	p0 =	sne.s32 s26, $0x1;
	_ =	swait.ge [sflag:s4], $0x20  }
.Ltmp0:
0x36: {  	[sflag:s4] =	ssyncset.done $0x0;
	(pc) =	sbr.rel @!p0 .LBB2_2-.Ltmp0, $4  }
0x37: {  	s25 =	sadd.s32 $0x1A600, s25;
	[sflag:s4] =	ssyncadd.s32 $0xFFFFFFE0  }
0x38: {  	[hbm4b:s25+s3] =	stream.linear.scatter [tilespmem:s19], [sflag:$0x1], $0xA0, $0x38;
	[tilespmem:$0x500] =	vst v63  }
0x39: {  	_ =	swait.ge [sflag:s4], $0xA0  }
0x3a: {  	s26 =	sadd.s32 $0xFFFFFFFF, s26;
	[sflag:s4] =	ssyncset.done $0x0  }
.LBB2_1:
0x3b: {  	p0 =	sne.s32 s26, $0x1;
	s26 =	sadd.s32 $0xFFFFFFFF, s26;
	[sflag:s4] =	ssyncadd.s32 $0xFFFFFF60  }
0x3c: {  	[tilespmem:s3], [sflag:$0x1] =	stream.linear.gather [hbm4b:s5+s3], $0x20, $0x38;
	[tilespmem:$0x500] =	vst v63  }
0x3d: {  	_ =	swait.ge [sflag:s4], $0x20  }
0x3e: {  	[sflag:s4] =	ssyncset.done $0x0  }
0x3f: {  	[sflag:s4] =	ssyncadd.s32 $0xFFFFFFE0  }
0x40: {  	[tilespmem:s7], [sflag:$0x1] =	stream.linear.gather [hbm4b:s6+s3], $0xA0, $0x38;
	[tilespmem:$0x500] =	vst v63  }
0x41: {  	_ =	swait.ge [sflag:s4], $0xA0  }
0x42: {  	[sflag:s4] =	ssyncset.done $0x0  }
0x43: {  	[sflag:s4] =	ssyncadd.s32 $0xFFFFFF60  }
0x44: {  	[tilespmem:s10], [sflag:$0x1] =	stream.indirect.gather [hbm4b:s8+s9], $0x1, s3, s9, $0xb8;
	[tilespmem:$0x500] =	vst v63  }
0x45: {  	_ =	swait.ge [sflag:s4], $0x20  }
0x46: {  	[sflag:s4] =	ssyncset.done $0x0  }
0x47: {  	[sflag:s4] =	ssyncadd.s32 $0xFFFFFFE0  }
0x48: {  	[tilespmem:s12], [sflag:$0x1] =	stream.indirect.gather [hbm4b:s11+s9], $0x1, s3, s9, $0xb8;
	[tilespmem:$0x500] =	vst v63  }
0x49: {  	_ =	swait.ge [sflag:s4], $0x20  }
0x4a: {  	[sflag:s4] =	ssyncset.done $0x0  }
0x4b: {  	[sflag:s4] =	ssyncadd.s32 $0xFFFFFFE0  }
0x4c: {  	[tilespmem:s13], [sflag:$0x1] =	stream.indirect.gather [hbm4b:s2+s9], $0x1, s3, s9, $0xb8;
	[tilespmem:$0x500] =	vst v63  }
0x4d: {  	_ =	swait.ge [sflag:s4], $0x20  }
0x4e: {  	[sflag:s4] =	ssyncset.done $0x0  }
0x4f: {  	[sflag:s4] =	ssyncadd.s32 $0xFFFFFFE0  }
0x50: {  	[tilespmem:s15], [sflag:$0x1] =	stream.indirect.gather [hbm4b:s14+s9], $0x1, s10, s9, $0xb8;
	[tilespmem:$0x500] =	vst v63  }
0x51: {  	_ =	swait.ge [sflag:s4], $0x20  }
0x52: {  	[sflag:s4] =	ssyncset.done $0x0  }
0x53: {  	[sflag:s4] =	ssyncadd.s32 $0xFFFFFFE0  }
0x54: {  	[tilespmem:s17], [sflag:$0x1] =	stream.indirect.gather [hbm4b:s16+s9], $0x1, s12, s9, $0xb8;
	[tilespmem:$0x500] =	vst v63  }
0x55: {  	_ =	swait.ge [sflag:s4], $0x20  }
0x56: {  	[sflag:s4] =	ssyncset.done $0x0  }
0x57: {  	[sflag:s4] =	ssyncadd.s32 $0xFFFFFFE0  }
0x58: {  	[tilespmem:s19], [sflag:$0x1] =	stream.indirect.gather [hbm4b:s16+s18], $0x1, s7, s18, $0xb8;
	[tilespmem:$0x500] =	vst v63  }
0x59: {  	_ =	swait.ge [sflag:s4], $0x50  }
0x5a: {  	[sflag:s4] =	ssyncset.done $0x0  }
0x5b: {  	[sflag:s4] =	ssyncadd.s32 $0xFFFFFFB0  }
0x5c: {  	[tilespmem:s21], [sflag:$0x1] =	stream.indirect.gather [hbm4b:s16+s18], $0x1, s20, s18, $0xb8;
	[tilespmem:$0x500] =	vst v63  }
0x5d: {  	_ =	swait.ge [sflag:s4], $0x50  }
0x5e: {  	[sflag:s4] =	ssyncset.done $0x0  }
0x5f: {  	[sflag:s4] =	ssyncadd.s32 $0xFFFFFFB0  }
0x60: {  	[hbm4b:s22+s3] =	stream.linear.scatter [tilespmem:s15], [sflag:$0x1], $0x20, $0x38;
	[tilespmem:$0x500] =	vst v63  }
0x61: {  	_ =	swait.ge [sflag:s4], $0x20  }
0x62: {  	[sflag:s4] =	ssyncset.done $0x0  }
0x63: {  	[sflag:s4] =	ssyncadd.s32 $0xFFFFFFE0  }
0x64: {  	[hbm4b:s23+s3] =	stream.linear.scatter [tilespmem:s17], [sflag:$0x1], $0x20, $0x38;
	[tilespmem:$0x500] =	vst v63  }
0x65: {  	_ =	swait.ge [sflag:s4], $0x20  }
0x66: {  	[sflag:s4] =	ssyncset.done $0x0  }
0x67: {  	[sflag:s4] =	ssyncadd.s32 $0xFFFFFFE0  }
0x68: {  	[hbm4b:s24+s3] =	stream.linear.scatter [tilespmem:s13], [sflag:$0x1], $0x20, $0x38;
	[tilespmem:$0x500] =	vst v63  }
0x69: {  	_ =	swait.ge [sflag:s4], $0x20  }
.Ltmp1:
0x6a: {  	[sflag:s4] =	ssyncset.done $0x0;
	(pc) =	sbr.rel @p0 .LBB2_1-.Ltmp1, $4  }
0x6b: {  	[sflag:s4] =	ssyncadd.s32 $0xFFFFFFE0  }
0x6c: {  	[hbm4b:s25+s3] =	stream.linear.scatter [tilespmem:s19], [sflag:$0x1], $0xA0, $0x38;
	[tilespmem:$0x500] =	vst v63  }
0x6d: {  	_ =	swait.ge [sflag:s4], $0xA0  }
0x6e: {  	[sflag:s4] =	ssyncset.done $0x0  }
.LBB2_2:
0x6f: {  	[sflag:s4] =	ssyncadd.s32 $0xFFFFFF60  }
0x70: {  	_ =	sfence.sel $0x180000  }
0x71: {  	[bflag:$0x0] =	sbarrier.arrive $0xFFFF  }
0x72: {  	p0 =	sne.s32 s1, $0x0;
	_ =	strace $0x90000059  }
0x73: {  	s0 =	sadd.s32 @!p0 $0x100000, s0;
	[bflag:$0x2] =	sbarrier.arrive $0xFFFF  }
0x74: {  	[sflag:s0] =	ssyncadd.tile.s32 @!p0 $0x1;
	_ =	shalt  }
.Lfunc_end2:
_tile_overlayer_lowered:
.L_overlay_start_2:
0x75: {  	(tag) =	ssettag $0x2  }
0x76: {  	s0 =	rddreg [dreg:$0x0];
	s2 =	stileid.u32  }
0x77: {  	s1 =	rddreg [dreg:$0x1];
	p0 =	sne.s32 s2, $0x0  }
0x78: {  	s3 =	rddreg [dreg:$0x2];
	[bflag:$0x3] =	sbarrier.arrive $0xFFFF;
	s2 =	simm.s32 @!p0 $0x1C01  }
0x79: {  	[timem:s3], [sflag:s2] =	dma.local @!p0 [hbm:s0], s1  }
0x7a: {  	s0 =	simm.s32 @!p0 $0x1  }
0x7b: {  	_ =	swait.ge @!p0 [sflag:s0], s1  }
0x7c: {  	s1 =	ssub.s32 @!p0 $0x0, s1;
	[sflag:s0] =	ssyncset.done @!p0 $0x0  }
0x7d: {  	[sflag:s0] =	ssyncadd.s32 @!p0 s1  }
0x7e: {  	[bflag:$0x3] =	sbarrier.arrive $0xFFFF  }
0x7f: {  	_ =	shalt  }

</sc_bundles>
